<compile_context>
chip_gen: v7x
topology: tpu7x:2x2x1
jax: 0.10.2.dev20260603
libtpu: 0.0.44.dev20260713+nightly
codegen_flags: <defaults>
</compile_context>

<pallas_src>
import functools

import jax
import jax.numpy as jnp
from jax import lax
from jax.experimental import pallas as pl
from jax.experimental.pallas import tpu as pltpu
from jax.experimental.pallas import tpu_sc as plsc

NU = 50000
NT = 50000
EF = 400000
D_NUM, D_CAT, D_DES, D_TW = 5, 3, 768, 768
DIN = D_NUM + D_CAT + D_DES + D_TW
EMB = 128

NCORE = 2
NSUB = 16
BB = 128
GRP = 7
GB = 28
TPB = GRP * GB
EPAD = NSUB * TPB * BB
RPT = 3136
ACC_ROWS = NSUB * RPT
CHUNKS = 4
CW = 32
CNTW = 16

_f32 = jnp.float32



ZR = 392


def _segsum_body(table, idxc, zrows, out_f, out_p,
                 acc, idx, buf0, buf1, zbuf, sem0, sem1):
  c = lax.axis_index("c")
  s = lax.axis_index("s")
  bufs = (buf0, buf1)
  sems = (sem0, sem1)
  pltpu.sync_copy(zrows, zbuf)
  for ch in range(CHUNKS):
    for z in range(RPT // ZR):
      pltpu.sync_copy(zbuf, acc.at[pl.ds(s * RPT + z * ZR, ZR)])
    plsc.subcore_barrier()

    def grp(g, carry):
      pltpu.sync_copy(idxc.at[c, ch, s, g], idx)
      pltpu.async_copy(table.at[idx.at[0, 0]], buf0, sem0)
      pltpu.async_copy(table.at[idx.at[0, 1]], buf1, sem1)

      def bat(i, carry2):
        for k in range(2):
          b = i * 2 + k
          pltpu.make_async_copy(table.at[idx.at[0, 0]], bufs[k],
                                sems[k]).wait()
          pltpu.sync_copy(bufs[k], acc.at[idx.at[1, b]], add=True)

          @pl.when(b + 2 < GB)
          def _():
            pltpu.async_copy(table.at[idx.at[0, b + 2]], bufs[k], sems[k])
        return carry2

      lax.fori_loop(0, GB // 2, bat, 0)
      return carry

    lax.fori_loop(0, GRP, grp, 0)
    plsc.subcore_barrier()

    @pl.when(c == 0)
    def _():
      pltpu.sync_copy(acc.at[pl.ds(s * RPT, RPT)],
                      out_f.at[ch, pl.ds(s * RPT, RPT)])

    @pl.when(c == 1)
    def _():
      pltpu.sync_copy(acc.at[pl.ds(s * RPT, RPT)],
                      out_p.at[ch, pl.ds(s * RPT, RPT)])

    plsc.subcore_barrier()


def _count_body(dst, ones_h, zrows, out_f, out_p, acc, didx, onesb):
  c = lax.axis_index("c")
  s = lax.axis_index("s")
  pltpu.sync_copy(dst.at[c, s], didx)
  pltpu.sync_copy(ones_h, onesb)
  pltpu.sync_copy(zrows, acc.at[pl.ds(s * RPT, RPT)])
  plsc.subcore_barrier()

  def bat(b, carry):
    pltpu.sync_copy(onesb, acc.at[didx.at[b]], add=True)
    return carry

  lax.fori_loop(0, TPB, bat, 0)
  plsc.subcore_barrier()

  @pl.when(c == 0)
  def _():
    pltpu.sync_copy(acc.at[pl.ds(s * RPT, RPT)], out_f.at[pl.ds(s * RPT, RPT)])

  @pl.when(c == 1)
  def _():
    pltpu.sync_copy(acc.at[pl.ds(s * RPT, RPT)], out_p.at[pl.ds(s * RPT, RPT)])


@functools.lru_cache(maxsize=None)
def _build_segsum():
  return pl.kernel(
      _segsum_body,
      out_type=(jax.ShapeDtypeStruct((CHUNKS, ACC_ROWS, CW), _f32),
                jax.ShapeDtypeStruct((CHUNKS, ACC_ROWS, CW), _f32)),
      mesh=plsc.VectorSubcoreMesh(core_axis_name="c", subcore_axis_name="s"),
      compiler_params=pltpu.CompilerParams(use_tc_tiling_on_sc=False),
      scratch_types=(
          [pltpu.VMEM_SHARED((ACC_ROWS, CW), _f32)]
          + [pltpu.VMEM((2, GB, BB), jnp.int32)]
          + [pltpu.VMEM((BB, CW), _f32) for _ in range(2)]
          + [pltpu.VMEM((ZR, CW), _f32)]
          + [pltpu.SemaphoreType.DMA for _ in range(2)]
      ),
  )


@functools.lru_cache(maxsize=None)
def _build_counts():
  return pl.kernel(
      _count_body,
      out_type=(jax.ShapeDtypeStruct((ACC_ROWS, CNTW), _f32),
                jax.ShapeDtypeStruct((ACC_ROWS, CNTW), _f32)),
      mesh=plsc.VectorSubcoreMesh(core_axis_name="c", subcore_axis_name="s"),
      compiler_params=pltpu.CompilerParams(use_tc_tiling_on_sc=False),
      scratch_types=[
          pltpu.VMEM_SHARED((ACC_ROWS, CNTW), _f32),
          pltpu.VMEM((TPB, BB), jnp.int32),
          pltpu.VMEM((BB, CNTW), _f32),
      ],
  )



def _leaky(x):
  return jnp.where(x >= 0, x, 0.01 * x)


def _pre_user_body(x_ref, wb_ref, bb_ref, w2_ref, b2_ref, feat_ref, emb_ref):
  f = jnp.dot(x_ref[...], wb_ref[...], preferred_element_type=_f32)
  f = _leaky(f + bb_ref[...])
  e = jnp.dot(f, w2_ref[...], preferred_element_type=_f32)
  e = _leaky(e + b2_ref[...])
  feat_ref[...] = f
  emb_ref[...] = e


def _pre_tweet_body(x_ref, w_ref, b_ref, emb_ref):
  e = jnp.dot(x_ref[...], w_ref[...], preferred_element_type=_f32)
  emb_ref[...] = _leaky(e + b_ref[...])


def _layer_body(cnt_ref, sums_ref, emb_ref, wl_ref, wr_ref, bl_ref,
                out_ref, st_ref):
  i = pl.program_id(0)
  cnt = cnt_ref[...][:, 0:1]
  inv = 1.0 / jnp.maximum(cnt, 1.0)
  sfull = jnp.concatenate([sums_ref[k] for k in range(CHUNKS)], axis=1)
  o = jnp.dot(sfull * inv, wl_ref[...], preferred_element_type=_f32)
  o = o + jnp.dot(emb_ref[...], wr_ref[...], preferred_element_type=_f32)
  o = o + bl_ref[...]
  out_ref[...] = o

  @pl.when(i == 0)
  def _():
    st_ref[...] = jnp.zeros_like(st_ref)

  st_ref[0:1, :] += jnp.sum(o, axis=0, keepdims=True)
  st_ref[1:2, :] += jnp.sum(o * o, axis=0, keepdims=True)


def _bn_scale_shift(st_ref, g_ref, b_ref, n):
  s1 = st_ref[0:1, :]
  s2 = st_ref[1:2, :]
  m = s1 / n
  v = s2 / n - m * m
  scale = g_ref[...] / jnp.sqrt(v + 1e-5)
  shift = b_ref[...] - m * scale
  return scale, shift


def _bn_body(x_ref, st_ref, g_ref, b_ref, o_ref, *, n):
  scale, shift = _bn_scale_shift(st_ref, g_ref, b_ref, n)
  o_ref[...] = x_ref[...] * scale + shift


def _copy128_body(src_ref, o_ref):
  o_ref[...] = src_ref[...]


def _bn_into_body(x_ref, st_ref, g_ref, b_ref, buf_ref, o_ref, *, n):
  del buf_ref
  scale, shift = _bn_scale_shift(st_ref, g_ref, b_ref, n)
  o_ref[...] = x_ref[...] * scale + shift


_BU = 2000


def _pre_user(user_x, wb, bb, w2, b2):
  return pl.pallas_call(
      _pre_user_body,
      grid=(NU // _BU,),
      in_specs=[
          pl.BlockSpec((_BU, DIN), lambda i: (i, 0)),
          pl.BlockSpec((DIN, EMB), lambda i: (0, 0)),
          pl.BlockSpec((1, EMB), lambda i: (0, 0)),
          pl.BlockSpec((EMB, EMB), lambda i: (0, 0)),
          pl.BlockSpec((1, EMB), lambda i: (0, 0)),
      ],
      out_specs=[
          pl.BlockSpec((_BU, EMB), lambda i: (i, 0)),
          pl.BlockSpec((_BU, EMB), lambda i: (i, 0)),
      ],
      out_shape=[
          jax.ShapeDtypeStruct((NU, EMB), _f32),
          jax.ShapeDtypeStruct((NU, EMB), _f32),
      ],
  )(user_x, wb, bb, w2, b2)


def _pre_tweet(tweet_x, w, b):
  return pl.pallas_call(
      _pre_tweet_body,
      grid=(NT // _BU,),
      in_specs=[
          pl.BlockSpec((_BU, D_TW), lambda i: (i, 0)),
          pl.BlockSpec((D_TW, EMB), lambda i: (0, 0)),
          pl.BlockSpec((1, EMB), lambda i: (0, 0)),
      ],
      out_specs=pl.BlockSpec((_BU, EMB), lambda i: (i, 0)),
      out_shape=jax.ShapeDtypeStruct((NT, EMB), _f32),
  )(tweet_x, w, b)


def _layer(cnt, sums, emb, wl, wr, bl, n):
  return pl.pallas_call(
      _layer_body,
      grid=(n // _BU,),
      in_specs=[
          pl.BlockSpec((_BU, CNTW), lambda i: (i, 0)),
          pl.BlockSpec((CHUNKS, _BU, CW), lambda i: (0, i, 0)),
          pl.BlockSpec((_BU, EMB), lambda i: (i, 0)),
          pl.BlockSpec((EMB, EMB), lambda i: (0, 0)),
          pl.BlockSpec((EMB, EMB), lambda i: (0, 0)),
          pl.BlockSpec((1, EMB), lambda i: (0, 0)),
      ],
      out_specs=[
          pl.BlockSpec((_BU, EMB), lambda i: (i, 0)),
          pl.BlockSpec((8, EMB), lambda i: (0, 0)),
      ],
      out_shape=[
          jax.ShapeDtypeStruct((n, EMB), _f32),
          jax.ShapeDtypeStruct((8, EMB), _f32),
      ],
  )(cnt, sums, emb, wl, wr, bl)


def _bn_apply(x, st, g, b, n):
  return pl.pallas_call(
      functools.partial(_bn_body, n=float(n)),
      grid=(n // _BU,),
      in_specs=[
          pl.BlockSpec((_BU, EMB), lambda i: (i, 0)),
          pl.BlockSpec((8, EMB), lambda i: (0, 0)),
          pl.BlockSpec((1, EMB), lambda i: (0, 0)),
          pl.BlockSpec((1, EMB), lambda i: (0, 0)),
      ],
      out_specs=pl.BlockSpec((_BU, EMB), lambda i: (i, 0)),
      out_shape=jax.ShapeDtypeStruct((n, EMB), _f32),
  )(x, st, g, b)


def _prefill_tail(feat, n, dout):
  d = feat.shape[1]
  return pl.pallas_call(
      _copy128_body,
      grid=(n // _BU, d // EMB),
      in_specs=[pl.BlockSpec((_BU, EMB), lambda i, j: (i, j))],
      out_specs=pl.BlockSpec((_BU, EMB), lambda i, j: (i, j + 1)),
      out_shape=jax.ShapeDtypeStruct((n, dout), _f32),
  )(feat)


def _bn_into(x, st, g, b, buf, n):
  dout = buf.shape[1]
  return pl.pallas_call(
      functools.partial(_bn_into_body, n=float(n)),
      grid=(n // _BU,),
      in_specs=[
          pl.BlockSpec((_BU, EMB), lambda i: (i, 0)),
          pl.BlockSpec((8, EMB), lambda i: (0, 0)),
          pl.BlockSpec((1, EMB), lambda i: (0, 0)),
          pl.BlockSpec((1, EMB), lambda i: (0, 0)),
          pl.BlockSpec(memory_space=pl.ANY),
      ],
      out_specs=pl.BlockSpec((_BU, EMB), lambda i: (i, 0)),
      out_shape=jax.ShapeDtypeStruct((n, dout), _f32),
      input_output_aliases={4: 0},
  )(x, st, g, b, buf)



def _prep_edges(e, npad):
  src = jnp.concatenate([e[0], jnp.zeros((npad,), jnp.int32)])
  dst = jnp.concatenate([e[1], jnp.full((npad,), NU, jnp.int32)])
  src4c = (src * 4)[None, :] + jnp.arange(CHUNKS, dtype=jnp.int32)[:, None]
  src4c = src4c.reshape(CHUNKS, NSUB, GRP, 1, GB, BB)
  dstg = jnp.broadcast_to(dst.reshape(1, NSUB, GRP, 1, GB, BB),
                          src4c.shape)
  comb = jnp.concatenate([src4c, dstg], axis=3)
  return comb, dst.reshape(NSUB, TPB, BB)


def kernel(user_x, tweet_x, edge_follow, edge_post, params):
  p = params
  wb = jnp.zeros((DIN, EMB), _f32)
  wb = wb.at[0:D_NUM, 0:32].set(p['W_num'])
  wb = wb.at[D_NUM:D_NUM + D_CAT, 32:64].set(p['W_cat'])
  wb = wb.at[D_NUM + D_CAT:D_NUM + D_CAT + D_DES, 64:96].set(p['W_des'])
  wb = wb.at[D_NUM + D_CAT + D_DES:DIN, 96:128].set(p['W_tw'])
  bb = jnp.concatenate(
      [p['b_num'], p['b_cat'], p['b_des'], p['b_tw']])[None, :]

  feat, emb_u = _pre_user(user_x, wb, bb,
                          p['W_lin_user'], p['b_lin_user'][None, :])
  emb_t = _pre_tweet(tweet_x, p['W_lin_tweet'], p['b_lin_tweet'][None, :])
  ubuf = _prefill_tail(feat, NU, 2 * EMB)
  tbuf = _prefill_tail(tweet_x, NT, EMB + D_TW)

  sf4, df = _prep_edges(edge_follow, EPAD - edge_follow.shape[1])
  sp4, dp = _prep_edges(edge_post, EPAD - edge_post.shape[1])
  idxc = jnp.stack([sf4, sp4])
  dstst = jnp.stack([df, dp])
  zrows = jnp.zeros((ZR, CW), _f32)
  zcnt = jnp.zeros((RPT, CNTW), _f32)
  ones = jnp.ones((BB, CNTW), _f32)

  cnt_f, cnt_p = _build_counts()(dstst, ones, zcnt)

  out_user = out_tweet = None
  for l in range(2):
    table = emb_u.reshape(CHUNKS * NU, CW)
    sum_f, sum_p = _build_segsum()(table, idxc, zrows)
    out_u, st_u = _layer(cnt_f, sum_f, emb_u, p['Wl_follow_%d' % l],
                         p['Wr_follow_%d' % l], p['bl_follow_%d' % l][None, :],
                         NU)
    out_t, st_t = _layer(cnt_p, sum_p, emb_t, p['Wl_post_%d' % l],
                         p['Wr_post_%d' % l], p['bl_post_%d' % l][None, :],
                         NT)
    g = p['bn_g_%d' % l][None, :]
    b = p['bn_b_%d' % l][None, :]
    if l == 0:
      emb_u = _bn_apply(out_u, st_u, g, b, NU)
      emb_t = _bn_apply(out_t, st_t, g, b, NT)
    else:
      out_user = _bn_into(out_u, st_u, g, b, ubuf, NU)
      out_tweet = _bn_into(out_t, st_t, g, b, tbuf, NT)
  return out_user, out_tweet

# --- scband reference (transcript-rebuilt; emitter-appended) ---
"""Pipeline reference for scband-hetero-graph-conv-model-48223892800090 (READ-ONLY COPY).

The authoritative reference and input builder live on the scoring server;
editing this copy changes nothing except your own understanding.
"""

import jax, jax.numpy as jnp
import numpy as np

NU = 50000
NT = 50000
EF = 400000
EP = 400000
D_NUM, D_CAT, D_DES, D_TW = 5, 3, 768, 768
EMB = 128
HID = 128
OUT = 128

def _lin(key, din, dout):
    return jax.random.normal(key, (din, dout), jnp.float32) * (2.0 / din) ** 0.5

def setup_inputs(seed: int = 0):
    key = jax.random.key(seed)
    ks = jax.random.split(key, 24)
    user_x = jax.random.normal(ks[0], (NU, D_NUM + D_CAT + D_DES + D_TW), jnp.float32)
    tweet_x = jax.random.normal(ks[1], (NT, D_TW), jnp.float32)
    edge_follow = jax.random.randint(ks[2], (2, EF), 0, NU, jnp.int32)
    edge_post = jax.random.randint(ks[3], (2, EP), 0, NT, jnp.int32)
    p = {}
    q = EMB // 4
    p['W_num'] = _lin(ks[4], D_NUM, q); p['b_num'] = jnp.zeros((q,), jnp.float32)
    p['W_cat'] = _lin(ks[5], D_CAT, q); p['b_cat'] = jnp.zeros((q,), jnp.float32)
    p['W_des'] = _lin(ks[6], D_DES, q); p['b_des'] = jnp.zeros((q,), jnp.float32)
    p['W_tw'] = _lin(ks[7], D_TW, q); p['b_tw'] = jnp.zeros((q,), jnp.float32)
    p['W_lin_user'] = _lin(ks[8], EMB, HID); p['b_lin_user'] = jnp.zeros((HID,), jnp.float32)
    p['W_lin_tweet'] = _lin(ks[9], D_TW, HID); p['b_lin_tweet'] = jnp.zeros((HID,), jnp.float32)
    i = 10
    for l, dout in enumerate([HID, OUT]):
        for et in ['follow', 'post']:
            p['Wl_%s_%d' % (et, l)] = _lin(ks[i], HID, dout); i += 1
            p['bl_%s_%d' % (et, l)] = jnp.zeros((dout,), jnp.float32)
            p['Wr_%s_%d' % (et, l)] = _lin(ks[i], HID, dout); i += 1
        p['bn_g_%d' % l] = jnp.ones((dout,), jnp.float32)
        p['bn_b_%d' % l] = jnp.zeros((dout,), jnp.float32)
    return {'user_x': user_x, 'tweet_x': tweet_x, 'edge_follow': edge_follow, 'edge_post': edge_post, 'params': p}

def _leaky(x):
    return jnp.where(x >= 0, x, 0.01 * x)

def _seg_mean(msg, dst, n):
    s = jax.ops.segment_sum(msg, dst, num_segments=n)
    c = jax.ops.segment_sum(jnp.ones((msg.shape[0], 1), msg.dtype), dst, num_segments=n)
    return s / jnp.maximum(c, 1.0)

def _bn(x, g, b):
    m = jnp.mean(x, axis=0, keepdims=True)
    v = jnp.var(x, axis=0, keepdims=True)
    return (x - m) / jnp.sqrt(v + 1e-5) * g + b

def _forward(user_x, tweet_x, edge_follow, edge_post, p):
    num_prop = user_x[:, :D_NUM]
    cat_prop = user_x[:, D_NUM:D_NUM + D_CAT]
    des = user_x[:, D_NUM + D_CAT:D_NUM + D_CAT + D_DES]
    tw = user_x[:, D_NUM + D_CAT + D_DES:]
    f_des = _leaky(des @ p['W_des'] + p['b_des'])
    f_tw = _leaky(tw @ p['W_tw'] + p['b_tw'])
    f_num = _leaky(num_prop @ p['W_num'] + p['b_num'])
    f_cat = _leaky(cat_prop @ p['W_cat'] + p['b_cat'])
    user_feat = jnp.concatenate([f_num, f_cat, f_des, f_tw], axis=1)
    feat = {'user': user_feat, 'tweet': tweet_x}
    emb = {'user': _leaky(user_feat @ p['W_lin_user'] + p['b_lin_user']),
           'tweet': _leaky(tweet_x @ p['W_lin_tweet'] + p['b_lin_tweet'])}
    for l in range(2):
        mf = _seg_mean(jnp.take(emb['user'], edge_follow[0], axis=0), edge_follow[1], NU)
        out_u = mf @ p['Wl_follow_%d' % l] + p['bl_follow_%d' % l] + emb['user'] @ p['Wr_follow_%d' % l]
        mp = _seg_mean(jnp.take(emb['user'], edge_post[0], axis=0), edge_post[1], NT)
        out_t = mp @ p['Wl_post_%d' % l] + p['bl_post_%d' % l] + emb['tweet'] @ p['Wr_post_%d' % l]
        emb = {'user': _bn(out_u, p['bn_g_%d' % l], p['bn_b_%d' % l]),
               'tweet': _bn(out_t, p['bn_g_%d' % l], p['bn_b_%d' % l])}
    return (jnp.concatenate([emb['user'], feat['user']], axis=1),
            jnp.concatenate([emb['tweet'], feat['tweet']], axis=1))

def reference(user_x, tweet_x, edge_follow, edge_post, params):
    return _forward(user_x, tweet_x, edge_follow, edge_post, params)

if __name__ == "__main__":
    import jax
    _d = setup_inputs()
    print(jax.jit(kernel)(*tuple(_d.values())))

</pallas_src>

<mosaic_0001>
#map = affine_map<(d0, d1) -> (0, 0)>
#map1 = affine_map<(d0, d1) -> (0, 0, 0, 0, 0, 0, 0)>
#map2 = affine_map<(d0, d1) -> (0, 0, 0)>
module attributes {stable_mosaic.version = 14 : i64} {
  func.func @_segsum_body(%arg0: i32, %arg1: i32, %arg2: memref<200000x32xf32, #tpu.memory_space<hbm>>, %arg3: memref<2x4x16x7x2x28x128xi32, #tpu.memory_space<hbm>>, %arg4: memref<392x32xf32, #tpu.memory_space<hbm>>, %arg5: memref<4x50176x32xf32, #tpu.memory_space<hbm>>, %arg6: memref<4x50176x32xf32, #tpu.memory_space<hbm>>, %arg7: memref<50176x32xf32, #tpu.memory_space<vmem_shared>>, %arg8: memref<2x28x128xi32, #tpu.memory_space<vmem>>, %arg9: memref<128x32xf32, #tpu.memory_space<vmem>>, %arg10: memref<128x32xf32, #tpu.memory_space<vmem>>, %arg11: memref<392x32xf32, #tpu.memory_space<vmem>>, %arg12: memref<!tpu.dma_semaphore, #tpu.memory_space<semaphore_mem>>, %arg13: memref<!tpu.dma_semaphore, #tpu.memory_space<semaphore_mem>>) attributes {dimension_semantics = [#tpu.dimension_semantics<core_parallel>, #tpu.dimension_semantics<subcore_parallel>], iteration_bounds = array<i64: 2, 16>, scalar_prefetch = 0 : i64, scratch_operands = 7 : i64, tpu.core_type = #tpu.core_type<sc_vector_subcore>, window_params = [{transform_indices = #map}, {transform_indices = #map1}, {transform_indices = #map}, {transform_indices = #map2}, {transform_indices = #map2}]} {
    "tpu.region"() ({
      %run_scoped3A = tpu.sem_alloc : memref<!tpu.dma_semaphore, #tpu.memory_space<semaphore_mem>>
      tpu.enqueue_dma source(%arg4 : memref<392x32xf32, #tpu.memory_space<hbm>>) target(%arg11 : memref<392x32xf32, #tpu.memory_space<vmem>>) target_semaphore(%run_scoped3A : memref<!tpu.dma_semaphore, #tpu.memory_space<semaphore_mem>>)
      tpu.wait_dma2 semaphore(%run_scoped3A : memref<!tpu.dma_semaphore, #tpu.memory_space<semaphore_mem>>) src(%arg4 : memref<392x32xf32, #tpu.memory_space<hbm>>) dst(%arg11 : memref<392x32xf32, #tpu.memory_space<vmem>>)
      tpu.yield
    }) : () -> ()
    %mul3A = arith.constant 3136 : i32
    %mul3A_0 = arith.muli %arg1, %mul3A : i32
    %add3A = arith.constant 0 : i32
    %add3A_1 = arith.addi %mul3A_0, %add3A : i32
    "tpu.region"() ({
      %run_scoped3A = tpu.sem_alloc : memref<!tpu.dma_semaphore, #tpu.memory_space<semaphore_mem>>
      %dma_start3A = arith.constant 0 : i32
      %dma_start3A_197 = tpu.memref_slice %arg7[%add3A_1, %dma_start3A] : memref<50176x32xf32, #tpu.memory_space<vmem_shared>> -> memref<392x32xf32, #tpu.memory_space<vmem_shared>>
      %dma_start3A_198 = arith.constant 0 : i32
      %dma_start3A_199 = tpu.memref_slice %arg7[%add3A_1, %dma_start3A_198] : memref<50176x32xf32, #tpu.memory_space<vmem_shared>> -> memref<392x32xf32, #tpu.memory_space<vmem_shared>>
      tpu.enqueue_dma source(%arg11 : memref<392x32xf32, #tpu.memory_space<vmem>>) target(%dma_start3A_199 : memref<392x32xf32, #tpu.memory_space<vmem_shared>>) target_semaphore(%run_scoped3A : memref<!tpu.dma_semaphore, #tpu.memory_space<semaphore_mem>>)
      %dma_wait3A = arith.constant 0 : i32
      %dma_wait3A_200 = tpu.memref_slice %arg7[%add3A_1, %dma_wait3A] : memref<50176x32xf32, #tpu.memory_space<vmem_shared>> -> memref<392x32xf32, #tpu.memory_space<vmem_shared>>
      %dma_wait3A_201 = arith.constant 0 : i32
      %dma_wait3A_202 = tpu.memref_slice %arg7[%add3A_1, %dma_wait3A_201] : memref<50176x32xf32, #tpu.memory_space<vmem_shared>> -> memref<392x32xf32, #tpu.memory_space<vmem_shared>>
      tpu.wait_dma2 semaphore(%run_scoped3A : memref<!tpu.dma_semaphore, #tpu.memory_space<semaphore_mem>>) src(%arg11 : memref<392x32xf32, #tpu.memory_space<vmem>>) dst(%dma_wait3A_202 : memref<392x32xf32, #tpu.memory_space<vmem_shared>>)
      tpu.yield
    }) : () -> ()
    %mul3A_2 = arith.constant 3136 : i32
    %mul3A_3 = arith.muli %arg1, %mul3A_2 : i32
    %add3A_4 = arith.constant 392 : i32
    %add3A_5 = arith.addi %mul3A_3, %add3A_4 : i32
    "tpu.region"() ({
      %run_scoped3A = tpu.sem_alloc : memref<!tpu.dma_semaphore, #tpu.memory_space<semaphore_mem>>
      %dma_start3A = arith.constant 0 : i32
      %dma_start3A_197 = tpu.memref_slice %arg7[%add3A_5, %dma_start3A] : memref<50176x32xf32, #tpu.memory_space<vmem_shared>> -> memref<392x32xf32, #tpu.memory_space<vmem_shared>>
      %dma_start3A_198 = arith.constant 0 : i32
      %dma_start3A_199 = tpu.memref_slice %arg7[%add3A_5, %dma_start3A_198] : memref<50176x32xf32, #tpu.memory_space<vmem_shared>> -> memref<392x32xf32, #tpu.memory_space<vmem_shared>>
      tpu.enqueue_dma source(%arg11 : memref<392x32xf32, #tpu.memory_space<vmem>>) target(%dma_start3A_199 : memref<392x32xf32, #tpu.memory_space<vmem_shared>>) target_semaphore(%run_scoped3A : memref<!tpu.dma_semaphore, #tpu.memory_space<semaphore_mem>>)
      %dma_wait3A = arith.constant 0 : i32
      %dma_wait3A_200 = tpu.memref_slice %arg7[%add3A_5, %dma_wait3A] : memref<50176x32xf32, #tpu.memory_space<vmem_shared>> -> memref<392x32xf32, #tpu.memory_space<vmem_shared>>
      %dma_wait3A_201 = arith.constant 0 : i32
      %dma_wait3A_202 = tpu.memref_slice %arg7[%add3A_5, %dma_wait3A_201] : memref<50176x32xf32, #tpu.memory_space<vmem_shared>> -> memref<392x32xf32, #tpu.memory_space<vmem_shared>>
      tpu.wait_dma2 semaphore(%run_scoped3A : memref<!tpu.dma_semaphore, #tpu.memory_space<semaphore_mem>>) src(%arg11 : memref<392x32xf32, #tpu.memory_space<vmem>>) dst(%dma_wait3A_202 : memref<392x32xf32, #tpu.memory_space<vmem_shared>>)
      tpu.yield
    }) : () -> ()
    %mul3A_6 = arith.constant 3136 : i32
    %mul3A_7 = arith.muli %arg1, %mul3A_6 : i32
    %add3A_8 = arith.constant 784 : i32
    %add3A_9 = arith.addi %mul3A_7, %add3A_8 : i32
    "tpu.region"() ({
      %run_scoped3A = tpu.sem_alloc : memref<!tpu.dma_semaphore, #tpu.memory_space<semaphore_mem>>
      %dma_start3A = arith.constant 0 : i32
      %dma_start3A_197 = tpu.memref_slice %arg7[%add3A_9, %dma_start3A] : memref<50176x32xf32, #tpu.memory_space<vmem_shared>> -> memref<392x32xf32, #tpu.memory_space<vmem_shared>>
      %dma_start3A_198 = arith.constant 0 : i32
      %dma_start3A_199 = tpu.memref_slice %arg7[%add3A_9, %dma_start3A_198] : memref<50176x32xf32, #tpu.memory_space<vmem_shared>> -> memref<392x32xf32, #tpu.memory_space<vmem_shared>>
      tpu.enqueue_dma source(%arg11 : memref<392x32xf32, #tpu.memory_space<vmem>>) target(%dma_start3A_199 : memref<392x32xf32, #tpu.memory_space<vmem_shared>>) target_semaphore(%run_scoped3A : memref<!tpu.dma_semaphore, #tpu.memory_space<semaphore_mem>>)
      %dma_wait3A = arith.constant 0 : i32
      %dma_wait3A_200 = tpu.memref_slice %arg7[%add3A_9, %dma_wait3A] : memref<50176x32xf32, #tpu.memory_space<vmem_shared>> -> memref<392x32xf32, #tpu.memory_space<vmem_shared>>
      %dma_wait3A_201 = arith.constant 0 : i32
      %dma_wait3A_202 = tpu.memref_slice %arg7[%add3A_9, %dma_wait3A_201] : memref<50176x32xf32, #tpu.memory_space<vmem_shared>> -> memref<392x32xf32, #tpu.memory_space<vmem_shared>>
      tpu.wait_dma2 semaphore(%run_scoped3A : memref<!tpu.dma_semaphore, #tpu.memory_space<semaphore_mem>>) src(%arg11 : memref<392x32xf32, #tpu.memory_space<vmem>>) dst(%dma_wait3A_202 : memref<392x32xf32, #tpu.memory_space<vmem_shared>>)
      tpu.yield
    }) : () -> ()
    %mul3A_10 = arith.constant 3136 : i32
    %mul3A_11 = arith.muli %arg1, %mul3A_10 : i32
    %add3A_12 = arith.constant 1176 : i32
    %add3A_13 = arith.addi %mul3A_11, %add3A_12 : i32
    "tpu.region"() ({
      %run_scoped3A = tpu.sem_alloc : memref<!tpu.dma_semaphore, #tpu.memory_space<semaphore_mem>>
      %dma_start3A = arith.constant 0 : i32
      %dma_start3A_197 = tpu.memref_slice %arg7[%add3A_13, %dma_start3A] : memref<50176x32xf32, #tpu.memory_space<vmem_shared>> -> memref<392x32xf32, #tpu.memory_space<vmem_shared>>
      %dma_start3A_198 = arith.constant 0 : i32
      %dma_start3A_199 = tpu.memref_slice %arg7[%add3A_13, %dma_start3A_198] : memref<50176x32xf32, #tpu.memory_space<vmem_shared>> -> memref<392x32xf32, #tpu.memory_space<vmem_shared>>
      tpu.enqueue_dma source(%arg11 : memref<392x32xf32, #tpu.memory_space<vmem>>) target(%dma_start3A_199 : memref<392x32xf32, #tpu.memory_space<vmem_shared>>) target_semaphore(%run_scoped3A : memref<!tpu.dma_semaphore, #tpu.memory_space<semaphore_mem>>)
      %dma_wait3A = arith.constant 0 : i32
      %dma_wait3A_200 = tpu.memref_slice %arg7[%add3A_13, %dma_wait3A] : memref<50176x32xf32, #tpu.memory_space<vmem_shared>> -> memref<392x32xf32, #tpu.memory_space<vmem_shared>>
      %dma_wait3A_201 = arith.constant 0 : i32
      %dma_wait3A_202 = tpu.memref_slice %arg7[%add3A_13, %dma_wait3A_201] : memref<50176x32xf32, #tpu.memory_space<vmem_shared>> -> memref<392x32xf32, #tpu.memory_space<vmem_shared>>
      tpu.wait_dma2 semaphore(%run_scoped3A : memref<!tpu.dma_semaphore, #tpu.memory_space<semaphore_mem>>) src(%arg11 : memref<392x32xf32, #tpu.memory_space<vmem>>) dst(%dma_wait3A_202 : memref<392x32xf32, #tpu.memory_space<vmem_shared>>)
      tpu.yield
    }) : () -> ()
    %mul3A_14 = arith.constant 3136 : i32
    %mul3A_15 = arith.muli %arg1, %mul3A_14 : i32
    %add3A_16 = arith.constant 1568 : i32
    %add3A_17 = arith.addi %mul3A_15, %add3A_16 : i32
    "tpu.region"() ({
      %run_scoped3A = tpu.sem_alloc : memref<!tpu.dma_semaphore, #tpu.memory_space<semaphore_mem>>
      %dma_start3A = arith.constant 0 : i32
      %dma_start3A_197 = tpu.memref_slice %arg7[%add3A_17, %dma_start3A] : memref<50176x32xf32, #tpu.memory_space<vmem_shared>> -> memref<392x32xf32, #tpu.memory_space<vmem_shared>>
      %dma_start3A_198 = arith.constant 0 : i32
      %dma_start3A_199 = tpu.memref_slice %arg7[%add3A_17, %dma_start3A_198] : memref<50176x32xf32, #tpu.memory_space<vmem_shared>> -> memref<392x32xf32, #tpu.memory_space<vmem_shared>>
      tpu.enqueue_dma source(%arg11 : memref<392x32xf32, #tpu.memory_space<vmem>>) target(%dma_start3A_199 : memref<392x32xf32, #tpu.memory_space<vmem_shared>>) target_semaphore(%run_scoped3A : memref<!tpu.dma_semaphore, #tpu.memory_space<semaphore_mem>>)
      %dma_wait3A = arith.constant 0 : i32
      %dma_wait3A_200 = tpu.memref_slice %arg7[%add3A_17, %dma_wait3A] : memref<50176x32xf32, #tpu.memory_space<vmem_shared>> -> memref<392x32xf32, #tpu.memory_space<vmem_shared>>
      %dma_wait3A_201 = arith.constant 0 : i32
      %dma_wait3A_202 = tpu.memref_slice %arg7[%add3A_17, %dma_wait3A_201] : memref<50176x32xf32, #tpu.memory_space<vmem_shared>> -> memref<392x32xf32, #tpu.memory_space<vmem_shared>>
      tpu.wait_dma2 semaphore(%run_scoped3A : memref<!tpu.dma_semaphore, #tpu.memory_space<semaphore_mem>>) src(%arg11 : memref<392x32xf32, #tpu.memory_space<vmem>>) dst(%dma_wait3A_202 : memref<392x32xf32, #tpu.memory_space<vmem_shared>>)
      tpu.yield
    }) : () -> ()
    %mul3A_18 = arith.constant 3136 : i32
    %mul3A_19 = arith.muli %arg1, %mul3A_18 : i32
    %add3A_20 = arith.constant 1960 : i32
    %add3A_21 = arith.addi %mul3A_19, %add3A_20 : i32
    "tpu.region"() ({
      %run_scoped3A = tpu.sem_alloc : memref<!tpu.dma_semaphore, #tpu.memory_space<semaphore_mem>>
      %dma_start3A = arith.constant 0 : i32
      %dma_start3A_197 = tpu.memref_slice %arg7[%add3A_21, %dma_start3A] : memref<50176x32xf32, #tpu.memory_space<vmem_shared>> -> memref<392x32xf32, #tpu.memory_space<vmem_shared>>
      %dma_start3A_198 = arith.constant 0 : i32
      %dma_start3A_199 = tpu.memref_slice %arg7[%add3A_21, %dma_start3A_198] : memref<50176x32xf32, #tpu.memory_space<vmem_shared>> -> memref<392x32xf32, #tpu.memory_space<vmem_shared>>
      tpu.enqueue_dma source(%arg11 : memref<392x32xf32, #tpu.memory_space<vmem>>) target(%dma_start3A_199 : memref<392x32xf32, #tpu.memory_space<vmem_shared>>) target_semaphore(%run_scoped3A : memref<!tpu.dma_semaphore, #tpu.memory_space<semaphore_mem>>)
      %dma_wait3A = arith.constant 0 : i32
      %dma_wait3A_200 = tpu.memref_slice %arg7[%add3A_21, %dma_wait3A] : memref<50176x32xf32, #tpu.memory_space<vmem_shared>> -> memref<392x32xf32, #tpu.memory_space<vmem_shared>>
      %dma_wait3A_201 = arith.constant 0 : i32
      %dma_wait3A_202 = tpu.memref_slice %arg7[%add3A_21, %dma_wait3A_201] : memref<50176x32xf32, #tpu.memory_space<vmem_shared>> -> memref<392x32xf32, #tpu.memory_space<vmem_shared>>
      tpu.wait_dma2 semaphore(%run_scoped3A : memref<!tpu.dma_semaphore, #tpu.memory_space<semaphore_mem>>) src(%arg11 : memref<392x32xf32, #tpu.memory_space<vmem>>) dst(%dma_wait3A_202 : memref<392x32xf32, #tpu.memory_space<vmem_shared>>)
      tpu.yield
    }) : () -> ()
    %mul3A_22 = arith.constant 3136 : i32
    %mul3A_23 = arith.muli %arg1, %mul3A_22 : i32
    %add3A_24 = arith.constant 2352 : i32
    %add3A_25 = arith.addi %mul3A_23, %add3A_24 : i32
    "tpu.region"() ({
      %run_scoped3A = tpu.sem_alloc : memref<!tpu.dma_semaphore, #tpu.memory_space<semaphore_mem>>
      %dma_start3A = arith.constant 0 : i32
      %dma_start3A_197 = tpu.memref_slice %arg7[%add3A_25, %dma_start3A] : memref<50176x32xf32, #tpu.memory_space<vmem_shared>> -> memref<392x32xf32, #tpu.memory_space<vmem_shared>>
      %dma_start3A_198 = arith.constant 0 : i32
      %dma_start3A_199 = tpu.memref_slice %arg7[%add3A_25, %dma_start3A_198] : memref<50176x32xf32, #tpu.memory_space<vmem_shared>> -> memref<392x32xf32, #tpu.memory_space<vmem_shared>>
      tpu.enqueue_dma source(%arg11 : memref<392x32xf32, #tpu.memory_space<vmem>>) target(%dma_start3A_199 : memref<392x32xf32, #tpu.memory_space<vmem_shared>>) target_semaphore(%run_scoped3A : memref<!tpu.dma_semaphore, #tpu.memory_space<semaphore_mem>>)
      %dma_wait3A = arith.constant 0 : i32
      %dma_wait3A_200 = tpu.memref_slice %arg7[%add3A_25, %dma_wait3A] : memref<50176x32xf32, #tpu.memory_space<vmem_shared>> -> memref<392x32xf32, #tpu.memory_space<vmem_shared>>
      %dma_wait3A_201 = arith.constant 0 : i32
      %dma_wait3A_202 = tpu.memref_slice %arg7[%add3A_25, %dma_wait3A_201] : memref<50176x32xf32, #tpu.memory_space<vmem_shared>> -> memref<392x32xf32, #tpu.memory_space<vmem_shared>>
      tpu.wait_dma2 semaphore(%run_scoped3A : memref<!tpu.dma_semaphore, #tpu.memory_space<semaphore_mem>>) src(%arg11 : memref<392x32xf32, #tpu.memory_space<vmem>>) dst(%dma_wait3A_202 : memref<392x32xf32, #tpu.memory_space<vmem_shared>>)
      tpu.yield
    }) : () -> ()
    %mul3A_26 = arith.constant 3136 : i32
    %mul3A_27 = arith.muli %arg1, %mul3A_26 : i32
    %add3A_28 = arith.constant 2744 : i32
    %add3A_29 = arith.addi %mul3A_27, %add3A_28 : i32
    "tpu.region"() ({
      %run_scoped3A = tpu.sem_alloc : memref<!tpu.dma_semaphore, #tpu.memory_space<semaphore_mem>>
      %dma_start3A = arith.constant 0 : i32
      %dma_start3A_197 = tpu.memref_slice %arg7[%add3A_29, %dma_start3A] : memref<50176x32xf32, #tpu.memory_space<vmem_shared>> -> memref<392x32xf32, #tpu.memory_space<vmem_shared>>
      %dma_start3A_198 = arith.constant 0 : i32
      %dma_start3A_199 = tpu.memref_slice %arg7[%add3A_29, %dma_start3A_198] : memref<50176x32xf32, #tpu.memory_space<vmem_shared>> -> memref<392x32xf32, #tpu.memory_space<vmem_shared>>
      tpu.enqueue_dma source(%arg11 : memref<392x32xf32, #tpu.memory_space<vmem>>) target(%dma_start3A_199 : memref<392x32xf32, #tpu.memory_space<vmem_shared>>) target_semaphore(%run_scoped3A : memref<!tpu.dma_semaphore, #tpu.memory_space<semaphore_mem>>)
      %dma_wait3A = arith.constant 0 : i32
      %dma_wait3A_200 = tpu.memref_slice %arg7[%add3A_29, %dma_wait3A] : memref<50176x32xf32, #tpu.memory_space<vmem_shared>> -> memref<392x32xf32, #tpu.memory_space<vmem_shared>>
      %dma_wait3A_201 = arith.constant 0 : i32
      %dma_wait3A_202 = tpu.memref_slice %arg7[%add3A_29, %dma_wait3A_201] : memref<50176x32xf32, #tpu.memory_space<vmem_shared>> -> memref<392x32xf32, #tpu.memory_space<vmem_shared>>
      tpu.wait_dma2 semaphore(%run_scoped3A : memref<!tpu.dma_semaphore, #tpu.memory_space<semaphore_mem>>) src(%arg11 : memref<392x32xf32, #tpu.memory_space<vmem>>) dst(%dma_wait3A_202 : memref<392x32xf32, #tpu.memory_space<vmem_shared>>)
      tpu.yield
    }) : () -> ()
    %barrier3A = arith.constant 0 : index
    tpu.barrier barrier_id(%barrier3A)
    %scan3A = arith.constant 0 : i32
    %scan3A_30 = arith.constant 0 : i32
    %scan3A_31 = arith.constant 7 : i32
    %scan3A_32 = arith.addi %scan3A_30, %scan3A_31 : i32
    %scan3A_33 = arith.constant 1 : i32
    scf.for %scan3A_197 = %scan3A_30 to %scan3A_32 step %scan3A_33  : i32 {
      %run_scoped3A = arith.constant 0 : i32
      "tpu.region"() ({
        %run_scoped3A_219 = tpu.sem_alloc : memref<!tpu.dma_semaphore, #tpu.memory_space<semaphore_mem>>
        %dma_start3A_220 = arith.constant 0 : i32
        %dma_start3A_221 = arith.constant 0 : i32
        %dma_start3A_222 = arith.constant 0 : i32
        %dma_start3A_223 = tpu.memref_slice %arg3[%arg0, %run_scoped3A, %arg1, %scan3A_197, %dma_start3A_220, %dma_start3A_221, %dma_start3A_222] : memref<2x4x16x7x2x28x128xi32, #tpu.memory_space<hbm>> -> memref<1x1x1x1x2x28x128xi32, #tpu.memory_space<hbm>>
        %dma_start3A_224 = tpu.memref_squeeze %dma_start3A_223 : memref<1x1x1x1x2x28x128xi32, #tpu.memory_space<hbm>> -> memref<2x28x128xi32, #tpu.memory_space<hbm>>
        %dma_start3A_225 = arith.constant 0 : i32
        %dma_start3A_226 = arith.constant 0 : i32
        %dma_start3A_227 = arith.constant 0 : i32
        %dma_start3A_228 = tpu.memref_slice %arg3[%arg0, %run_scoped3A, %arg1, %scan3A_197, %dma_start3A_225, %dma_start3A_226, %dma_start3A_227] : memref<2x4x16x7x2x28x128xi32, #tpu.memory_space<hbm>> -> memref<1x1x1x1x2x28x128xi32, #tpu.memory_space<hbm>>
        %dma_start3A_229 = tpu.memref_squeeze %dma_start3A_228 : memref<1x1x1x1x2x28x128xi32, #tpu.memory_space<hbm>> -> memref<2x28x128xi32, #tpu.memory_space<hbm>>
        tpu.enqueue_dma source(%dma_start3A_229 : memref<2x28x128xi32, #tpu.memory_space<hbm>>) target(%arg8 : memref<2x28x128xi32, #tpu.memory_space<vmem>>) target_semaphore(%run_scoped3A_219 : memref<!tpu.dma_semaphore, #tpu.memory_space<semaphore_mem>>)
        %dma_wait3A = arith.constant 0 : i32
        %dma_wait3A_230 = arith.constant 0 : i32
        %dma_wait3A_231 = arith.constant 0 : i32
        %dma_wait3A_232 = tpu.memref_slice %arg3[%arg0, %run_scoped3A, %arg1, %scan3A_197, %dma_wait3A, %dma_wait3A_230, %dma_wait3A_231] : memref<2x4x16x7x2x28x128xi32, #tpu.memory_space<hbm>> -> memref<1x1x1x1x2x28x128xi32, #tpu.memory_space<hbm>>
        %dma_wait3A_233 = tpu.memref_squeeze %dma_wait3A_232 : memref<1x1x1x1x2x28x128xi32, #tpu.memory_space<hbm>> -> memref<2x28x128xi32, #tpu.memory_space<hbm>>
        %dma_wait3A_234 = arith.constant 0 : i32
        %dma_wait3A_235 = arith.constant 0 : i32
        %dma_wait3A_236 = arith.constant 0 : i32
        %dma_wait3A_237 = tpu.memref_slice %arg3[%arg0, %run_scoped3A, %arg1, %scan3A_197, %dma_wait3A_234, %dma_wait3A_235, %dma_wait3A_236] : memref<2x4x16x7x2x28x128xi32, #tpu.memory_space<hbm>> -> memref<1x1x1x1x2x28x128xi32, #tpu.memory_space<hbm>>
        %dma_wait3A_238 = tpu.memref_squeeze %dma_wait3A_237 : memref<1x1x1x1x2x28x128xi32, #tpu.memory_space<hbm>> -> memref<2x28x128xi32, #tpu.memory_space<hbm>>
        tpu.wait_dma2 semaphore(%run_scoped3A_219 : memref<!tpu.dma_semaphore, #tpu.memory_space<semaphore_mem>>) src(%dma_wait3A_238 : memref<2x28x128xi32, #tpu.memory_space<hbm>>) dst(%arg8 : memref<2x28x128xi32, #tpu.memory_space<vmem>>)
        tpu.yield
      }) : () -> ()
      %dma_start3A = arith.constant 0 : i32
      %dma_start3A_198 = arith.constant 0 : i32
      %dma_start3A_199 = arith.constant 0 : i32
      %dma_start3A_200 = tpu.memref_slice %arg8[%dma_start3A, %dma_start3A_198, %dma_start3A_199] : memref<2x28x128xi32, #tpu.memory_space<vmem>> -> memref<1x1x128xi32, #tpu.memory_space<vmem>>
      %dma_start3A_201 = tpu.memref_squeeze %dma_start3A_200 : memref<1x1x128xi32, #tpu.memory_space<vmem>> -> memref<128xi32, #tpu.memory_space<vmem>>
      %dma_start3A_202 = arith.constant 0 : i32
      %dma_start3A_203 = arith.constant 0 : i32
      %dma_start3A_204 = tpu.memref_slice %arg2[%dma_start3A_202, %dma_start3A_203] : memref<200000x32xf32, #tpu.memory_space<hbm>> -> memref<200000x32xf32, #tpu.memory_space<hbm>>
      tpu.enqueue_indirect_dma source(%dma_start3A_204 : memref<200000x32xf32, #tpu.memory_space<hbm>>) target(%arg9 : memref<128x32xf32, #tpu.memory_space<vmem>>) offsets(%dma_start3A_201 : memref<128xi32, #tpu.memory_space<vmem>>) semaphore(%arg12 : memref<!tpu.dma_semaphore, #tpu.memory_space<semaphore_mem>>)
      %dma_start3A_205 = arith.constant 0 : i32
      %dma_start3A_206 = arith.constant 1 : i32
      %dma_start3A_207 = arith.constant 0 : i32
      %dma_start3A_208 = tpu.memref_slice %arg8[%dma_start3A_205, %dma_start3A_206, %dma_start3A_207] : memref<2x28x128xi32, #tpu.memory_space<vmem>> -> memref<1x1x128xi32, #tpu.memory_space<vmem>>
      %dma_start3A_209 = tpu.memref_squeeze %dma_start3A_208 : memref<1x1x128xi32, #tpu.memory_space<vmem>> -> memref<128xi32, #tpu.memory_space<vmem>>
      %dma_start3A_210 = arith.constant 0 : i32
      %dma_start3A_211 = arith.constant 0 : i32
      %dma_start3A_212 = tpu.memref_slice %arg2[%dma_start3A_210, %dma_start3A_211] : memref<200000x32xf32, #tpu.memory_space<hbm>> -> memref<200000x32xf32, #tpu.memory_space<hbm>>
      tpu.enqueue_indirect_dma source(%dma_start3A_212 : memref<200000x32xf32, #tpu.memory_space<hbm>>) target(%arg10 : memref<128x32xf32, #tpu.memory_space<vmem>>) offsets(%dma_start3A_209 : memref<128xi32, #tpu.memory_space<vmem>>) semaphore(%arg13 : memref<!tpu.dma_semaphore, #tpu.memory_space<semaphore_mem>>)
      %scan3A_213 = arith.constant 0 : i32
      %scan3A_214 = arith.constant 0 : i32
      %scan3A_215 = arith.constant 14 : i32
      %scan3A_216 = arith.addi %scan3A_214, %scan3A_215 : i32
      %scan3A_217 = arith.constant 1 : i32
      scf.for %scan3A_219 = %scan3A_214 to %scan3A_216 step %scan3A_217  : i32 {
        %mul3A_220 = arith.constant 2 : i32
        %mul3A_221 = arith.muli %scan3A_219, %mul3A_220 : i32
        %add3A_222 = arith.constant 0 : i32
        %add3A_223 = arith.addi %mul3A_221, %add3A_222 : i32
        %dma_wait3A = arith.constant 0 : i32
        %dma_wait3A_224 = arith.constant 0 : i32
        %dma_wait3A_225 = arith.constant 0 : i32
        %dma_wait3A_226 = tpu.memref_slice %arg8[%dma_wait3A, %dma_wait3A_224, %dma_wait3A_225] : memref<2x28x128xi32, #tpu.memory_space<vmem>> -> memref<1x1x128xi32, #tpu.memory_space<vmem>>
        %dma_wait3A_227 = tpu.memref_squeeze %dma_wait3A_226 : memref<1x1x128xi32, #tpu.memory_space<vmem>> -> memref<128xi32, #tpu.memory_space<vmem>>
        %dma_wait3A_228 = arith.constant 0 : i32
        %dma_wait3A_229 = arith.constant 0 : i32
        %dma_wait3A_230 = tpu.memref_slice %arg2[%dma_wait3A_228, %dma_wait3A_229] : memref<200000x32xf32, #tpu.memory_space<hbm>> -> memref<200000x32xf32, #tpu.memory_space<hbm>>
        tpu.wait_indirect_dma semaphore(%arg12 : memref<!tpu.dma_semaphore, #tpu.memory_space<semaphore_mem>>) src(%dma_wait3A_230 : memref<200000x32xf32, #tpu.memory_space<hbm>>) dst(%arg9 : memref<128x32xf32, #tpu.memory_space<vmem>>)
        %run_scoped3A_231 = arith.constant 1 : i32
        "tpu.region"() ({
          %run_scoped3A_258 = tpu.sem_alloc : memref<!tpu.dma_semaphore, #tpu.memory_space<semaphore_mem>>
          %dma_start3A_259 = arith.constant 0 : i32
          %dma_start3A_260 = tpu.memref_slice %arg8[%run_scoped3A_231, %add3A_223, %dma_start3A_259] : memref<2x28x128xi32, #tpu.memory_space<vmem>> -> memref<1x1x128xi32, #tpu.memory_space<vmem>>
          %dma_start3A_261 = tpu.memref_squeeze %dma_start3A_260 : memref<1x1x128xi32, #tpu.memory_space<vmem>> -> memref<128xi32, #tpu.memory_space<vmem>>
          %dma_start3A_262 = arith.constant 0 : i32
          %dma_start3A_263 = arith.constant 0 : i32
          %dma_start3A_264 = tpu.memref_slice %arg7[%dma_start3A_262, %dma_start3A_263] : memref<50176x32xf32, #tpu.memory_space<vmem_shared>> -> memref<50176x32xf32, #tpu.memory_space<vmem_shared>>
          tpu.enqueue_indirect_dma source(%arg9 : memref<128x32xf32, #tpu.memory_space<vmem>>) target(%dma_start3A_264 : memref<50176x32xf32, #tpu.memory_space<vmem_shared>>) offsets(%dma_start3A_261 : memref<128xi32, #tpu.memory_space<vmem>>) semaphore(%run_scoped3A_258 : memref<!tpu.dma_semaphore, #tpu.memory_space<semaphore_mem>>) {add = true}
          %dma_wait3A_265 = arith.constant 0 : i32
          %dma_wait3A_266 = tpu.memref_slice %arg8[%run_scoped3A_231, %add3A_223, %dma_wait3A_265] : memref<2x28x128xi32, #tpu.memory_space<vmem>> -> memref<1x1x128xi32, #tpu.memory_space<vmem>>
          %dma_wait3A_267 = tpu.memref_squeeze %dma_wait3A_266 : memref<1x1x128xi32, #tpu.memory_space<vmem>> -> memref<128xi32, #tpu.memory_space<vmem>>
          %dma_wait3A_268 = arith.constant 0 : i32
          %dma_wait3A_269 = arith.constant 0 : i32
          %dma_wait3A_270 = tpu.memref_slice %arg7[%dma_wait3A_268, %dma_wait3A_269] : memref<50176x32xf32, #tpu.memory_space<vmem_shared>> -> memref<50176x32xf32, #tpu.memory_space<vmem_shared>>
          tpu.wait_indirect_dma semaphore(%run_scoped3A_258 : memref<!tpu.dma_semaphore, #tpu.memory_space<semaphore_mem>>) src(%arg9 : memref<128x32xf32, #tpu.memory_space<vmem>>) dst(%dma_wait3A_270 : memref<50176x32xf32, #tpu.memory_space<vmem_shared>>)
          tpu.yield
        }) : () -> ()
        %add3A_232 = arith.constant 2 : i32
        %add3A_233 = arith.addi %add3A_223, %add3A_232 : i32
        %lt3A = arith.constant 28 : i32
        %lt3A_234 = arith.cmpi slt, %add3A_233, %lt3A : i32
        %convert_element_type3A_235 = arith.extui %lt3A_234 : i1 to i32
        %cond3A_236 = arith.constant 0 : i32
        %cond3A_237 = arith.cmpi ne, %convert_element_type3A_235, %cond3A_236 : i32
        scf.if %cond3A_237 {
          %add3A_258 = arith.constant 2 : i32
          %add3A_259 = arith.addi %add3A_223, %add3A_258 : i32
          %dma_start3A_260 = arith.constant 0 : i32
          %dma_start3A_261 = arith.constant 0 : i32
          %dma_start3A_262 = tpu.memref_slice %arg8[%dma_start3A_260, %add3A_259, %dma_start3A_261] : memref<2x28x128xi32, #tpu.memory_space<vmem>> -> memref<1x1x128xi32, #tpu.memory_space<vmem>>
          %dma_start3A_263 = tpu.memref_squeeze %dma_start3A_262 : memref<1x1x128xi32, #tpu.memory_space<vmem>> -> memref<128xi32, #tpu.memory_space<vmem>>
          %dma_start3A_264 = arith.constant 0 : i32
          %dma_start3A_265 = arith.constant 0 : i32
          %dma_start3A_266 = tpu.memref_slice %arg2[%dma_start3A_264, %dma_start3A_265] : memref<200000x32xf32, #tpu.memory_space<hbm>> -> memref<200000x32xf32, #tpu.memory_space<hbm>>
          tpu.enqueue_indirect_dma source(%dma_start3A_266 : memref<200000x32xf32, #tpu.memory_space<hbm>>) target(%arg9 : memref<128x32xf32, #tpu.memory_space<vmem>>) offsets(%dma_start3A_263 : memref<128xi32, #tpu.memory_space<vmem>>) semaphore(%arg12 : memref<!tpu.dma_semaphore, #tpu.memory_space<semaphore_mem>>)
        } else {
        }
        %mul3A_238 = arith.constant 2 : i32
        %mul3A_239 = arith.muli %scan3A_219, %mul3A_238 : i32
        %add3A_240 = arith.constant 1 : i32
        %add3A_241 = arith.addi %mul3A_239, %add3A_240 : i32
        %dma_wait3A_242 = arith.constant 0 : i32
        %dma_wait3A_243 = arith.constant 0 : i32
        %dma_wait3A_244 = arith.constant 0 : i32
        %dma_wait3A_245 = tpu.memref_slice %arg8[%dma_wait3A_242, %dma_wait3A_243, %dma_wait3A_244] : memref<2x28x128xi32, #tpu.memory_space<vmem>> -> memref<1x1x128xi32, #tpu.memory_space<vmem>>
        %dma_wait3A_246 = tpu.memref_squeeze %dma_wait3A_245 : memref<1x1x128xi32, #tpu.memory_space<vmem>> -> memref<128xi32, #tpu.memory_space<vmem>>
        %dma_wait3A_247 = arith.constant 0 : i32
        %dma_wait3A_248 = arith.constant 0 : i32
        %dma_wait3A_249 = tpu.memref_slice %arg2[%dma_wait3A_247, %dma_wait3A_248] : memref<200000x32xf32, #tpu.memory_space<hbm>> -> memref<200000x32xf32, #tpu.memory_space<hbm>>
        tpu.wait_indirect_dma semaphore(%arg13 : memref<!tpu.dma_semaphore, #tpu.memory_space<semaphore_mem>>) src(%dma_wait3A_249 : memref<200000x32xf32, #tpu.memory_space<hbm>>) dst(%arg10 : memref<128x32xf32, #tpu.memory_space<vmem>>)
        %run_scoped3A_250 = arith.constant 1 : i32
        "tpu.region"() ({
          %run_scoped3A_258 = tpu.sem_alloc : memref<!tpu.dma_semaphore, #tpu.memory_space<semaphore_mem>>
          %dma_start3A_259 = arith.constant 0 : i32
          %dma_start3A_260 = tpu.memref_slice %arg8[%run_scoped3A_250, %add3A_241, %dma_start3A_259] : memref<2x28x128xi32, #tpu.memory_space<vmem>> -> memref<1x1x128xi32, #tpu.memory_space<vmem>>
          %dma_start3A_261 = tpu.memref_squeeze %dma_start3A_260 : memref<1x1x128xi32, #tpu.memory_space<vmem>> -> memref<128xi32, #tpu.memory_space<vmem>>
          %dma_start3A_262 = arith.constant 0 : i32
          %dma_start3A_263 = arith.constant 0 : i32
          %dma_start3A_264 = tpu.memref_slice %arg7[%dma_start3A_262, %dma_start3A_263] : memref<50176x32xf32, #tpu.memory_space<vmem_shared>> -> memref<50176x32xf32, #tpu.memory_space<vmem_shared>>
          tpu.enqueue_indirect_dma source(%arg10 : memref<128x32xf32, #tpu.memory_space<vmem>>) target(%dma_start3A_264 : memref<50176x32xf32, #tpu.memory_space<vmem_shared>>) offsets(%dma_start3A_261 : memref<128xi32, #tpu.memory_space<vmem>>) semaphore(%run_scoped3A_258 : memref<!tpu.dma_semaphore, #tpu.memory_space<semaphore_mem>>) {add = true}
          %dma_wait3A_265 = arith.constant 0 : i32
          %dma_wait3A_266 = tpu.memref_slice %arg8[%run_scoped3A_250, %add3A_241, %dma_wait3A_265] : memref<2x28x128xi32, #tpu.memory_space<vmem>> -> memref<1x1x128xi32, #tpu.memory_space<vmem>>
          %dma_wait3A_267 = tpu.memref_squeeze %dma_wait3A_266 : memref<1x1x128xi32, #tpu.memory_space<vmem>> -> memref<128xi32, #tpu.memory_space<vmem>>
          %dma_wait3A_268 = arith.constant 0 : i32
          %dma_wait3A_269 = arith.constant 0 : i32
          %dma_wait3A_270 = tpu.memref_slice %arg7[%dma_wait3A_268, %dma_wait3A_269] : memref<50176x32xf32, #tpu.memory_space<vmem_shared>> -> memref<50176x32xf32, #tpu.memory_space<vmem_shared>>
          tpu.wait_indirect_dma semaphore(%run_scoped3A_258 : memref<!tpu.dma_semaphore, #tpu.memory_space<semaphore_mem>>) src(%arg10 : memref<128x32xf32, #tpu.memory_space<vmem>>) dst(%dma_wait3A_270 : memref<50176x32xf32, #tpu.memory_space<vmem_shared>>)
          tpu.yield
        }) : () -> ()
        %add3A_251 = arith.constant 2 : i32
        %add3A_252 = arith.addi %add3A_241, %add3A_251 : i32
        %lt3A_253 = arith.constant 28 : i32
        %lt3A_254 = arith.cmpi slt, %add3A_252, %lt3A_253 : i32
        %convert_element_type3A_255 = arith.extui %lt3A_254 : i1 to i32
        %cond3A_256 = arith.constant 0 : i32
        %cond3A_257 = arith.cmpi ne, %convert_element_type3A_255, %cond3A_256 : i32
        scf.if %cond3A_257 {
          %add3A_258 = arith.constant 2 : i32
          %add3A_259 = arith.addi %add3A_241, %add3A_258 : i32
          %dma_start3A_260 = arith.constant 0 : i32
          %dma_start3A_261 = arith.constant 0 : i32
          %dma_start3A_262 = tpu.memref_slice %arg8[%dma_start3A_260, %add3A_259, %dma_start3A_261] : memref<2x28x128xi32, #tpu.memory_space<vmem>> -> memref<1x1x128xi32, #tpu.memory_space<vmem>>
          %dma_start3A_263 = tpu.memref_squeeze %dma_start3A_262 : memref<1x1x128xi32, #tpu.memory_space<vmem>> -> memref<128xi32, #tpu.memory_space<vmem>>
          %dma_start3A_264 = arith.constant 0 : i32
          %dma_start3A_265 = arith.constant 0 : i32
          %dma_start3A_266 = tpu.memref_slice %arg2[%dma_start3A_264, %dma_start3A_265] : memref<200000x32xf32, #tpu.memory_space<hbm>> -> memref<200000x32xf32, #tpu.memory_space<hbm>>
          tpu.enqueue_indirect_dma source(%dma_start3A_266 : memref<200000x32xf32, #tpu.memory_space<hbm>>) target(%arg10 : memref<128x32xf32, #tpu.memory_space<vmem>>) offsets(%dma_start3A_263 : memref<128xi32, #tpu.memory_space<vmem>>) semaphore(%arg13 : memref<!tpu.dma_semaphore, #tpu.memory_space<semaphore_mem>>)
        } else {
        }
      }
      %scan3A_218 = arith.constant 14 : i32
    }
    %scan3A_34 = arith.constant 7 : i32
    %barrier3A_35 = arith.constant 0 : index
    tpu.barrier barrier_id(%barrier3A_35)
    %eq3A = arith.constant 0 : i32
    %eq3A_36 = arith.cmpi eq, %arg0, %eq3A : i32
    %convert_element_type3A = arith.extui %eq3A_36 : i1 to i32
    %cond3A = arith.constant 0 : i32
    %cond3A_37 = arith.cmpi ne, %convert_element_type3A, %cond3A : i32
    scf.if %cond3A_37 {
      %mul3A_197 = arith.constant 3136 : i32
      %mul3A_198 = arith.muli %arg1, %mul3A_197 : i32
      %mul3A_199 = arith.constant 3136 : i32
      %mul3A_200 = arith.muli %arg1, %mul3A_199 : i32
      %run_scoped3A = arith.constant 0 : i32
      "tpu.region"() ({
        %run_scoped3A_201 = tpu.sem_alloc : memref<!tpu.dma_semaphore, #tpu.memory_space<semaphore_mem>>
        %dma_start3A = arith.constant 0 : i32
        %dma_start3A_202 = tpu.memref_slice %arg5[%run_scoped3A, %mul3A_200, %dma_start3A] : memref<4x50176x32xf32, #tpu.memory_space<hbm>> -> memref<1x3136x32xf32, #tpu.memory_space<hbm>>
        %dma_start3A_203 = tpu.memref_squeeze %dma_start3A_202 : memref<1x3136x32xf32, #tpu.memory_space<hbm>> -> memref<3136x32xf32, #tpu.memory_space<hbm>>
        %dma_start3A_204 = arith.constant 0 : i32
        %dma_start3A_205 = tpu.memref_slice %arg7[%mul3A_198, %dma_start3A_204] : memref<50176x32xf32, #tpu.memory_space<vmem_shared>> -> memref<3136x32xf32, #tpu.memory_space<vmem_shared>>
        tpu.enqueue_dma source(%dma_start3A_205 : memref<3136x32xf32, #tpu.memory_space<vmem_shared>>) target(%dma_start3A_203 : memref<3136x32xf32, #tpu.memory_space<hbm>>) target_semaphore(%run_scoped3A_201 : memref<!tpu.dma_semaphore, #tpu.memory_space<semaphore_mem>>)
        %dma_wait3A = arith.constant 0 : i32
        %dma_wait3A_206 = tpu.memref_slice %arg5[%run_scoped3A, %mul3A_200, %dma_wait3A] : memref<4x50176x32xf32, #tpu.memory_space<hbm>> -> memref<1x3136x32xf32, #tpu.memory_space<hbm>>
        %dma_wait3A_207 = tpu.memref_squeeze %dma_wait3A_206 : memref<1x3136x32xf32, #tpu.memory_space<hbm>> -> memref<3136x32xf32, #tpu.memory_space<hbm>>
        %dma_wait3A_208 = arith.constant 0 : i32
        %dma_wait3A_209 = tpu.memref_slice %arg7[%mul3A_198, %dma_wait3A_208] : memref<50176x32xf32, #tpu.memory_space<vmem_shared>> -> memref<3136x32xf32, #tpu.memory_space<vmem_shared>>
        tpu.wait_dma2 semaphore(%run_scoped3A_201 : memref<!tpu.dma_semaphore, #tpu.memory_space<semaphore_mem>>) src(%dma_wait3A_209 : memref<3136x32xf32, #tpu.memory_space<vmem_shared>>) dst(%dma_wait3A_207 : memref<3136x32xf32, #tpu.memory_space<hbm>>)
        tpu.yield
      }) : () -> ()
    } else {
    }
    %eq3A_38 = arith.constant 1 : i32
    %eq3A_39 = arith.cmpi eq, %arg0, %eq3A_38 : i32
    %convert_element_type3A_40 = arith.extui %eq3A_39 : i1 to i32
    %cond3A_41 = arith.constant 0 : i32
    %cond3A_42 = arith.cmpi ne, %convert_element_type3A_40, %cond3A_41 : i32
    scf.if %cond3A_42 {
      %mul3A_197 = arith.constant 3136 : i32
      %mul3A_198 = arith.muli %arg1, %mul3A_197 : i32
      %mul3A_199 = arith.constant 3136 : i32
      %mul3A_200 = arith.muli %arg1, %mul3A_199 : i32
      %run_scoped3A = arith.constant 0 : i32
      "tpu.region"() ({
        %run_scoped3A_201 = tpu.sem_alloc : memref<!tpu.dma_semaphore, #tpu.memory_space<semaphore_mem>>
        %dma_start3A = arith.constant 0 : i32
        %dma_start3A_202 = tpu.memref_slice %arg6[%run_scoped3A, %mul3A_200, %dma_start3A] : memref<4x50176x32xf32, #tpu.memory_space<hbm>> -> memref<1x3136x32xf32, #tpu.memory_space<hbm>>
        %dma_start3A_203 = tpu.memref_squeeze %dma_start3A_202 : memref<1x3136x32xf32, #tpu.memory_space<hbm>> -> memref<3136x32xf32, #tpu.memory_space<hbm>>
        %dma_start3A_204 = arith.constant 0 : i32
        %dma_start3A_205 = tpu.memref_slice %arg7[%mul3A_198, %dma_start3A_204] : memref<50176x32xf32, #tpu.memory_space<vmem_shared>> -> memref<3136x32xf32, #tpu.memory_space<vmem_shared>>
        tpu.enqueue_dma source(%dma_start3A_205 : memref<3136x32xf32, #tpu.memory_space<vmem_shared>>) target(%dma_start3A_203 : memref<3136x32xf32, #tpu.memory_space<hbm>>) target_semaphore(%run_scoped3A_201 : memref<!tpu.dma_semaphore, #tpu.memory_space<semaphore_mem>>)
        %dma_wait3A = arith.constant 0 : i32
        %dma_wait3A_206 = tpu.memref_slice %arg6[%run_scoped3A, %mul3A_200, %dma_wait3A] : memref<4x50176x32xf32, #tpu.memory_space<hbm>> -> memref<1x3136x32xf32, #tpu.memory_space<hbm>>
        %dma_wait3A_207 = tpu.memref_squeeze %dma_wait3A_206 : memref<1x3136x32xf32, #tpu.memory_space<hbm>> -> memref<3136x32xf32, #tpu.memory_space<hbm>>
        %dma_wait3A_208 = arith.constant 0 : i32
        %dma_wait3A_209 = tpu.memref_slice %arg7[%mul3A_198, %dma_wait3A_208] : memref<50176x32xf32, #tpu.memory_space<vmem_shared>> -> memref<3136x32xf32, #tpu.memory_space<vmem_shared>>
        tpu.wait_dma2 semaphore(%run_scoped3A_201 : memref<!tpu.dma_semaphore, #tpu.memory_space<semaphore_mem>>) src(%dma_wait3A_209 : memref<3136x32xf32, #tpu.memory_space<vmem_shared>>) dst(%dma_wait3A_207 : memref<3136x32xf32, #tpu.memory_space<hbm>>)
        tpu.yield
      }) : () -> ()
    } else {
    }
    %barrier3A_43 = arith.constant 0 : index
    tpu.barrier barrier_id(%barrier3A_43)
    %mul3A_44 = arith.constant 3136 : i32
    %mul3A_45 = arith.muli %arg1, %mul3A_44 : i32
    %add3A_46 = arith.constant 0 : i32
    %add3A_47 = arith.addi %mul3A_45, %add3A_46 : i32
    "tpu.region"() ({
      %run_scoped3A = tpu.sem_alloc : memref<!tpu.dma_semaphore, #tpu.memory_space<semaphore_mem>>
      %dma_start3A = arith.constant 0 : i32
      %dma_start3A_197 = tpu.memref_slice %arg7[%add3A_47, %dma_start3A] : memref<50176x32xf32, #tpu.memory_space<vmem_shared>> -> memref<392x32xf32, #tpu.memory_space<vmem_shared>>
      %dma_start3A_198 = arith.constant 0 : i32
      %dma_start3A_199 = tpu.memref_slice %arg7[%add3A_47, %dma_start3A_198] : memref<50176x32xf32, #tpu.memory_space<vmem_shared>> -> memref<392x32xf32, #tpu.memory_space<vmem_shared>>
      tpu.enqueue_dma source(%arg11 : memref<392x32xf32, #tpu.memory_space<vmem>>) target(%dma_start3A_199 : memref<392x32xf32, #tpu.memory_space<vmem_shared>>) target_semaphore(%run_scoped3A : memref<!tpu.dma_semaphore, #tpu.memory_space<semaphore_mem>>)
      %dma_wait3A = arith.constant 0 : i32
      %dma_wait3A_200 = tpu.memref_slice %arg7[%add3A_47, %dma_wait3A] : memref<50176x32xf32, #tpu.memory_space<vmem_shared>> -> memref<392x32xf32, #tpu.memory_space<vmem_shared>>
      %dma_wait3A_201 = arith.constant 0 : i32
      %dma_wait3A_202 = tpu.memref_slice %arg7[%add3A_47, %dma_wait3A_201] : memref<50176x32xf32, #tpu.memory_space<vmem_shared>> -> memref<392x32xf32, #tpu.memory_space<vmem_shared>>
      tpu.wait_dma2 semaphore(%run_scoped3A : memref<!tpu.dma_semaphore, #tpu.memory_space<semaphore_mem>>) src(%arg11 : memref<392x32xf32, #tpu.memory_space<vmem>>) dst(%dma_wait3A_202 : memref<392x32xf32, #tpu.memory_space<vmem_shared>>)
      tpu.yield
    }) : () -> ()
    %mul3A_48 = arith.constant 3136 : i32
    %mul3A_49 = arith.muli %arg1, %mul3A_48 : i32
    %add3A_50 = arith.constant 392 : i32
    %add3A_51 = arith.addi %mul3A_49, %add3A_50 : i32
    "tpu.region"() ({
      %run_scoped3A = tpu.sem_alloc : memref<!tpu.dma_semaphore, #tpu.memory_space<semaphore_mem>>
      %dma_start3A = arith.constant 0 : i32
      %dma_start3A_197 = tpu.memref_slice %arg7[%add3A_51, %dma_start3A] : memref<50176x32xf32, #tpu.memory_space<vmem_shared>> -> memref<392x32xf32, #tpu.memory_space<vmem_shared>>
      %dma_start3A_198 = arith.constant 0 : i32
      %dma_start3A_199 = tpu.memref_slice %arg7[%add3A_51, %dma_start3A_198] : memref<50176x32xf32, #tpu.memory_space<vmem_shared>> -> memref<392x32xf32, #tpu.memory_space<vmem_shared>>
      tpu.enqueue_dma source(%arg11 : memref<392x32xf32, #tpu.memory_space<vmem>>) target(%dma_start3A_199 : memref<392x32xf32, #tpu.memory_space<vmem_shared>>) target_semaphore(%run_scoped3A : memref<!tpu.dma_semaphore, #tpu.memory_space<semaphore_mem>>)
      %dma_wait3A = arith.constant 0 : i32
      %dma_wait3A_200 = tpu.memref_slice %arg7[%add3A_51, %dma_wait3A] : memref<50176x32xf32, #tpu.memory_space<vmem_shared>> -> memref<392x32xf32, #tpu.memory_space<vmem_shared>>
      %dma_wait3A_201 = arith.constant 0 : i32
      %dma_wait3A_202 = tpu.memref_slice %arg7[%add3A_51, %dma_wait3A_201] : memref<50176x32xf32, #tpu.memory_space<vmem_shared>> -> memref<392x32xf32, #tpu.memory_space<vmem_shared>>
      tpu.wait_dma2 semaphore(%run_scoped3A : memref<!tpu.dma_semaphore, #tpu.memory_space<semaphore_mem>>) src(%arg11 : memref<392x32xf32, #tpu.memory_space<vmem>>) dst(%dma_wait3A_202 : memref<392x32xf32, #tpu.memory_space<vmem_shared>>)
      tpu.yield
    }) : () -> ()
    %mul3A_52 = arith.constant 3136 : i32
    %mul3A_53 = arith.muli %arg1, %mul3A_52 : i32
    %add3A_54 = arith.constant 784 : i32
    %add3A_55 = arith.addi %mul3A_53, %add3A_54 : i32
    "tpu.region"() ({
      %run_scoped3A = tpu.sem_alloc : memref<!tpu.dma_semaphore, #tpu.memory_space<semaphore_mem>>
      %dma_start3A = arith.constant 0 : i32
      %dma_start3A_197 = tpu.memref_slice %arg7[%add3A_55, %dma_start3A] : memref<50176x32xf32, #tpu.memory_space<vmem_shared>> -> memref<392x32xf32, #tpu.memory_space<vmem_shared>>
      %dma_start3A_198 = arith.constant 0 : i32
      %dma_start3A_199 = tpu.memref_slice %arg7[%add3A_55, %dma_start3A_198] : memref<50176x32xf32, #tpu.memory_space<vmem_shared>> -> memref<392x32xf32, #tpu.memory_space<vmem_shared>>
      tpu.enqueue_dma source(%arg11 : memref<392x32xf32, #tpu.memory_space<vmem>>) target(%dma_start3A_199 : memref<392x32xf32, #tpu.memory_space<vmem_shared>>) target_semaphore(%run_scoped3A : memref<!tpu.dma_semaphore, #tpu.memory_space<semaphore_mem>>)
      %dma_wait3A = arith.constant 0 : i32
      %dma_wait3A_200 = tpu.memref_slice %arg7[%add3A_55, %dma_wait3A] : memref<50176x32xf32, #tpu.memory_space<vmem_shared>> -> memref<392x32xf32, #tpu.memory_space<vmem_shared>>
      %dma_wait3A_201 = arith.constant 0 : i32
      %dma_wait3A_202 = tpu.memref_slice %arg7[%add3A_55, %dma_wait3A_201] : memref<50176x32xf32, #tpu.memory_space<vmem_shared>> -> memref<392x32xf32, #tpu.memory_space<vmem_shared>>
      tpu.wait_dma2 semaphore(%run_scoped3A : memref<!tpu.dma_semaphore, #tpu.memory_space<semaphore_mem>>) src(%arg11 : memref<392x32xf32, #tpu.memory_space<vmem>>) dst(%dma_wait3A_202 : memref<392x32xf32, #tpu.memory_space<vmem_shared>>)
      tpu.yield
    }) : () -> ()
    %mul3A_56 = arith.constant 3136 : i32
    %mul3A_57 = arith.muli %arg1, %mul3A_56 : i32
    %add3A_58 = arith.constant 1176 : i32
    %add3A_59 = arith.addi %mul3A_57, %add3A_58 : i32
    "tpu.region"() ({
      %run_scoped3A = tpu.sem_alloc : memref<!tpu.dma_semaphore, #tpu.memory_space<semaphore_mem>>
      %dma_start3A = arith.constant 0 : i32
      %dma_start3A_197 = tpu.memref_slice %arg7[%add3A_59, %dma_start3A] : memref<50176x32xf32, #tpu.memory_space<vmem_shared>> -> memref<392x32xf32, #tpu.memory_space<vmem_shared>>
      %dma_start3A_198 = arith.constant 0 : i32
      %dma_start3A_199 = tpu.memref_slice %arg7[%add3A_59, %dma_start3A_198] : memref<50176x32xf32, #tpu.memory_space<vmem_shared>> -> memref<392x32xf32, #tpu.memory_space<vmem_shared>>
      tpu.enqueue_dma source(%arg11 : memref<392x32xf32, #tpu.memory_space<vmem>>) target(%dma_start3A_199 : memref<392x32xf32, #tpu.memory_space<vmem_shared>>) target_semaphore(%run_scoped3A : memref<!tpu.dma_semaphore, #tpu.memory_space<semaphore_mem>>)
      %dma_wait3A = arith.constant 0 : i32
      %dma_wait3A_200 = tpu.memref_slice %arg7[%add3A_59, %dma_wait3A] : memref<50176x32xf32, #tpu.memory_space<vmem_shared>> -> memref<392x32xf32, #tpu.memory_space<vmem_shared>>
      %dma_wait3A_201 = arith.constant 0 : i32
      %dma_wait3A_202 = tpu.memref_slice %arg7[%add3A_59, %dma_wait3A_201] : memref<50176x32xf32, #tpu.memory_space<vmem_shared>> -> memref<392x32xf32, #tpu.memory_space<vmem_shared>>
      tpu.wait_dma2 semaphore(%run_scoped3A : memref<!tpu.dma_semaphore, #tpu.memory_space<semaphore_mem>>) src(%arg11 : memref<392x32xf32, #tpu.memory_space<vmem>>) dst(%dma_wait3A_202 : memref<392x32xf32, #tpu.memory_space<vmem_shared>>)
      tpu.yield
    }) : () -> ()
    %mul3A_60 = arith.constant 3136 : i32
    %mul3A_61 = arith.muli %arg1, %mul3A_60 : i32
    %add3A_62 = arith.constant 1568 : i32
    %add3A_63 = arith.addi %mul3A_61, %add3A_62 : i32
    "tpu.region"() ({
      %run_scoped3A = tpu.sem_alloc : memref<!tpu.dma_semaphore, #tpu.memory_space<semaphore_mem>>
      %dma_start3A = arith.constant 0 : i32
      %dma_start3A_197 = tpu.memref_slice %arg7[%add3A_63, %dma_start3A] : memref<50176x32xf32, #tpu.memory_space<vmem_shared>> -> memref<392x32xf32, #tpu.memory_space<vmem_shared>>
      %dma_start3A_198 = arith.constant 0 : i32
      %dma_start3A_199 = tpu.memref_slice %arg7[%add3A_63, %dma_start3A_198] : memref<50176x32xf32, #tpu.memory_space<vmem_shared>> -> memref<392x32xf32, #tpu.memory_space<vmem_shared>>
      tpu.enqueue_dma source(%arg11 : memref<392x32xf32, #tpu.memory_space<vmem>>) target(%dma_start3A_199 : memref<392x32xf32, #tpu.memory_space<vmem_shared>>) target_semaphore(%run_scoped3A : memref<!tpu.dma_semaphore, #tpu.memory_space<semaphore_mem>>)
      %dma_wait3A = arith.constant 0 : i32
      %dma_wait3A_200 = tpu.memref_slice %arg7[%add3A_63, %dma_wait3A] : memref<50176x32xf32, #tpu.memory_space<vmem_shared>> -> memref<392x32xf32, #tpu.memory_space<vmem_shared>>
      %dma_wait3A_201 = arith.constant 0 : i32
      %dma_wait3A_202 = tpu.memref_slice %arg7[%add3A_63, %dma_wait3A_201] : memref<50176x32xf32, #tpu.memory_space<vmem_shared>> -> memref<392x32xf32, #tpu.memory_space<vmem_shared>>
      tpu.wait_dma2 semaphore(%run_scoped3A : memref<!tpu.dma_semaphore, #tpu.memory_space<semaphore_mem>>) src(%arg11 : memref<392x32xf32, #tpu.memory_space<vmem>>) dst(%dma_wait3A_202 : memref<392x32xf32, #tpu.memory_space<vmem_shared>>)
      tpu.yield
    }) : () -> ()
    %mul3A_64 = arith.constant 3136 : i32
    %mul3A_65 = arith.muli %arg1, %mul3A_64 : i32
    %add3A_66 = arith.constant 1960 : i32
    %add3A_67 = arith.addi %mul3A_65, %add3A_66 : i32
    "tpu.region"() ({
      %run_scoped3A = tpu.sem_alloc : memref<!tpu.dma_semaphore, #tpu.memory_space<semaphore_mem>>
      %dma_start3A = arith.constant 0 : i32
      %dma_start3A_197 = tpu.memref_slice %arg7[%add3A_67, %dma_start3A] : memref<50176x32xf32, #tpu.memory_space<vmem_shared>> -> memref<392x32xf32, #tpu.memory_space<vmem_shared>>
      %dma_start3A_198 = arith.constant 0 : i32
      %dma_start3A_199 = tpu.memref_slice %arg7[%add3A_67, %dma_start3A_198] : memref<50176x32xf32, #tpu.memory_space<vmem_shared>> -> memref<392x32xf32, #tpu.memory_space<vmem_shared>>
      tpu.enqueue_dma source(%arg11 : memref<392x32xf32, #tpu.memory_space<vmem>>) target(%dma_start3A_199 : memref<392x32xf32, #tpu.memory_space<vmem_shared>>) target_semaphore(%run_scoped3A : memref<!tpu.dma_semaphore, #tpu.memory_space<semaphore_mem>>)
      %dma_wait3A = arith.constant 0 : i32
      %dma_wait3A_200 = tpu.memref_slice %arg7[%add3A_67, %dma_wait3A] : memref<50176x32xf32, #tpu.memory_space<vmem_shared>> -> memref<392x32xf32, #tpu.memory_space<vmem_shared>>
      %dma_wait3A_201 = arith.constant 0 : i32
      %dma_wait3A_202 = tpu.memref_slice %arg7[%add3A_67, %dma_wait3A_201] : memref<50176x32xf32, #tpu.memory_space<vmem_shared>> -> memref<392x32xf32, #tpu.memory_space<vmem_shared>>
      tpu.wait_dma2 semaphore(%run_scoped3A : memref<!tpu.dma_semaphore, #tpu.memory_space<semaphore_mem>>) src(%arg11 : memref<392x32xf32, #tpu.memory_space<vmem>>) dst(%dma_wait3A_202 : memref<392x32xf32, #tpu.memory_space<vmem_shared>>)
      tpu.yield
    }) : () -> ()
    %mul3A_68 = arith.constant 3136 : i32
    %mul3A_69 = arith.muli %arg1, %mul3A_68 : i32
    %add3A_70 = arith.constant 2352 : i32
    %add3A_71 = arith.addi %mul3A_69, %add3A_70 : i32
    "tpu.region"() ({
      %run_scoped3A = tpu.sem_alloc : memref<!tpu.dma_semaphore, #tpu.memory_space<semaphore_mem>>
      %dma_start3A = arith.constant 0 : i32
      %dma_start3A_197 = tpu.memref_slice %arg7[%add3A_71, %dma_start3A] : memref<50176x32xf32, #tpu.memory_space<vmem_shared>> -> memref<392x32xf32, #tpu.memory_space<vmem_shared>>
      %dma_start3A_198 = arith.constant 0 : i32
      %dma_start3A_199 = tpu.memref_slice %arg7[%add3A_71, %dma_start3A_198] : memref<50176x32xf32, #tpu.memory_space<vmem_shared>> -> memref<392x32xf32, #tpu.memory_space<vmem_shared>>
      tpu.enqueue_dma source(%arg11 : memref<392x32xf32, #tpu.memory_space<vmem>>) target(%dma_start3A_199 : memref<392x32xf32, #tpu.memory_space<vmem_shared>>) target_semaphore(%run_scoped3A : memref<!tpu.dma_semaphore, #tpu.memory_space<semaphore_mem>>)
      %dma_wait3A = arith.constant 0 : i32
      %dma_wait3A_200 = tpu.memref_slice %arg7[%add3A_71, %dma_wait3A] : memref<50176x32xf32, #tpu.memory_space<vmem_shared>> -> memref<392x32xf32, #tpu.memory_space<vmem_shared>>
      %dma_wait3A_201 = arith.constant 0 : i32
      %dma_wait3A_202 = tpu.memref_slice %arg7[%add3A_71, %dma_wait3A_201] : memref<50176x32xf32, #tpu.memory_space<vmem_shared>> -> memref<392x32xf32, #tpu.memory_space<vmem_shared>>
      tpu.wait_dma2 semaphore(%run_scoped3A : memref<!tpu.dma_semaphore, #tpu.memory_space<semaphore_mem>>) src(%arg11 : memref<392x32xf32, #tpu.memory_space<vmem>>) dst(%dma_wait3A_202 : memref<392x32xf32, #tpu.memory_space<vmem_shared>>)
      tpu.yield
    }) : () -> ()
    %mul3A_72 = arith.constant 3136 : i32
    %mul3A_73 = arith.muli %arg1, %mul3A_72 : i32
    %add3A_74 = arith.constant 2744 : i32
    %add3A_75 = arith.addi %mul3A_73, %add3A_74 : i32
    "tpu.region"() ({
      %run_scoped3A = tpu.sem_alloc : memref<!tpu.dma_semaphore, #tpu.memory_space<semaphore_mem>>
      %dma_start3A = arith.constant 0 : i32
      %dma_start3A_197 = tpu.memref_slice %arg7[%add3A_75, %dma_start3A] : memref<50176x32xf32, #tpu.memory_space<vmem_shared>> -> memref<392x32xf32, #tpu.memory_space<vmem_shared>>
      %dma_start3A_198 = arith.constant 0 : i32
      %dma_start3A_199 = tpu.memref_slice %arg7[%add3A_75, %dma_start3A_198] : memref<50176x32xf32, #tpu.memory_space<vmem_shared>> -> memref<392x32xf32, #tpu.memory_space<vmem_shared>>
      tpu.enqueue_dma source(%arg11 : memref<392x32xf32, #tpu.memory_space<vmem>>) target(%dma_start3A_199 : memref<392x32xf32, #tpu.memory_space<vmem_shared>>) target_semaphore(%run_scoped3A : memref<!tpu.dma_semaphore, #tpu.memory_space<semaphore_mem>>)
      %dma_wait3A = arith.constant 0 : i32
      %dma_wait3A_200 = tpu.memref_slice %arg7[%add3A_75, %dma_wait3A] : memref<50176x32xf32, #tpu.memory_space<vmem_shared>> -> memref<392x32xf32, #tpu.memory_space<vmem_shared>>
      %dma_wait3A_201 = arith.constant 0 : i32
      %dma_wait3A_202 = tpu.memref_slice %arg7[%add3A_75, %dma_wait3A_201] : memref<50176x32xf32, #tpu.memory_space<vmem_shared>> -> memref<392x32xf32, #tpu.memory_space<vmem_shared>>
      tpu.wait_dma2 semaphore(%run_scoped3A : memref<!tpu.dma_semaphore, #tpu.memory_space<semaphore_mem>>) src(%arg11 : memref<392x32xf32, #tpu.memory_space<vmem>>) dst(%dma_wait3A_202 : memref<392x32xf32, #tpu.memory_space<vmem_shared>>)
      tpu.yield
    }) : () -> ()
    %barrier3A_76 = arith.constant 0 : index
    tpu.barrier barrier_id(%barrier3A_76)
    %scan3A_77 = arith.constant 0 : i32
    %scan3A_78 = arith.constant 0 : i32
    %scan3A_79 = arith.constant 7 : i32
    %scan3A_80 = arith.addi %scan3A_78, %scan3A_79 : i32
    %scan3A_81 = arith.constant 1 : i32
    scf.for %scan3A_197 = %scan3A_78 to %scan3A_80 step %scan3A_81  : i32 {
      %run_scoped3A = arith.constant 1 : i32
      "tpu.region"() ({
        %run_scoped3A_219 = tpu.sem_alloc : memref<!tpu.dma_semaphore, #tpu.memory_space<semaphore_mem>>
        %dma_start3A_220 = arith.constant 0 : i32
        %dma_start3A_221 = arith.constant 0 : i32
        %dma_start3A_222 = arith.constant 0 : i32
        %dma_start3A_223 = tpu.memref_slice %arg3[%arg0, %run_scoped3A, %arg1, %scan3A_197, %dma_start3A_220, %dma_start3A_221, %dma_start3A_222] : memref<2x4x16x7x2x28x128xi32, #tpu.memory_space<hbm>> -> memref<1x1x1x1x2x28x128xi32, #tpu.memory_space<hbm>>
        %dma_start3A_224 = tpu.memref_squeeze %dma_start3A_223 : memref<1x1x1x1x2x28x128xi32, #tpu.memory_space<hbm>> -> memref<2x28x128xi32, #tpu.memory_space<hbm>>
        %dma_start3A_225 = arith.constant 0 : i32
        %dma_start3A_226 = arith.constant 0 : i32
        %dma_start3A_227 = arith.constant 0 : i32
        %dma_start3A_228 = tpu.memref_slice %arg3[%arg0, %run_scoped3A, %arg1, %scan3A_197, %dma_start3A_225, %dma_start3A_226, %dma_start3A_227] : memref<2x4x16x7x2x28x128xi32, #tpu.memory_space<hbm>> -> memref<1x1x1x1x2x28x128xi32, #tpu.memory_space<hbm>>
        %dma_start3A_229 = tpu.memref_squeeze %dma_start3A_228 : memref<1x1x1x1x2x28x128xi32, #tpu.memory_space<hbm>> -> memref<2x28x128xi32, #tpu.memory_space<hbm>>
        tpu.enqueue_dma source(%dma_start3A_229 : memref<2x28x128xi32, #tpu.memory_space<hbm>>) target(%arg8 : memref<2x28x128xi32, #tpu.memory_space<vmem>>) target_semaphore(%run_scoped3A_219 : memref<!tpu.dma_semaphore, #tpu.memory_space<semaphore_mem>>)
        %dma_wait3A = arith.constant 0 : i32
        %dma_wait3A_230 = arith.constant 0 : i32
        %dma_wait3A_231 = arith.constant 0 : i32
        %dma_wait3A_232 = tpu.memref_slice %arg3[%arg0, %run_scoped3A, %arg1, %scan3A_197, %dma_wait3A, %dma_wait3A_230, %dma_wait3A_231] : memref<2x4x16x7x2x28x128xi32, #tpu.memory_space<hbm>> -> memref<1x1x1x1x2x28x128xi32, #tpu.memory_space<hbm>>
        %dma_wait3A_233 = tpu.memref_squeeze %dma_wait3A_232 : memref<1x1x1x1x2x28x128xi32, #tpu.memory_space<hbm>> -> memref<2x28x128xi32, #tpu.memory_space<hbm>>
        %dma_wait3A_234 = arith.constant 0 : i32
        %dma_wait3A_235 = arith.constant 0 : i32
        %dma_wait3A_236 = arith.constant 0 : i32
        %dma_wait3A_237 = tpu.memref_slice %arg3[%arg0, %run_scoped3A, %arg1, %scan3A_197, %dma_wait3A_234, %dma_wait3A_235, %dma_wait3A_236] : memref<2x4x16x7x2x28x128xi32, #tpu.memory_space<hbm>> -> memref<1x1x1x1x2x28x128xi32, #tpu.memory_space<hbm>>
        %dma_wait3A_238 = tpu.memref_squeeze %dma_wait3A_237 : memref<1x1x1x1x2x28x128xi32, #tpu.memory_space<hbm>> -> memref<2x28x128xi32, #tpu.memory_space<hbm>>
        tpu.wait_dma2 semaphore(%run_scoped3A_219 : memref<!tpu.dma_semaphore, #tpu.memory_space<semaphore_mem>>) src(%dma_wait3A_238 : memref<2x28x128xi32, #tpu.memory_space<hbm>>) dst(%arg8 : memref<2x28x128xi32, #tpu.memory_space<vmem>>)
        tpu.yield
      }) : () -> ()
      %dma_start3A = arith.constant 0 : i32
      %dma_start3A_198 = arith.constant 0 : i32
      %dma_start3A_199 = arith.constant 0 : i32
      %dma_start3A_200 = tpu.memref_slice %arg8[%dma_start3A, %dma_start3A_198, %dma_start3A_199] : memref<2x28x128xi32, #tpu.memory_space<vmem>> -> memref<1x1x128xi32, #tpu.memory_space<vmem>>
      %dma_start3A_201 = tpu.memref_squeeze %dma_start3A_200 : memref<1x1x128xi32, #tpu.memory_space<vmem>> -> memref<128xi32, #tpu.memory_space<vmem>>
      %dma_start3A_202 = arith.constant 0 : i32
      %dma_start3A_203 = arith.constant 0 : i32
      %dma_start3A_204 = tpu.memref_slice %arg2[%dma_start3A_202, %dma_start3A_203] : memref<200000x32xf32, #tpu.memory_space<hbm>> -> memref<200000x32xf32, #tpu.memory_space<hbm>>
      tpu.enqueue_indirect_dma source(%dma_start3A_204 : memref<200000x32xf32, #tpu.memory_space<hbm>>) target(%arg9 : memref<128x32xf32, #tpu.memory_space<vmem>>) offsets(%dma_start3A_201 : memref<128xi32, #tpu.memory_space<vmem>>) semaphore(%arg12 : memref<!tpu.dma_semaphore, #tpu.memory_space<semaphore_mem>>)
      %dma_start3A_205 = arith.constant 0 : i32
      %dma_start3A_206 = arith.constant 1 : i32
      %dma_start3A_207 = arith.constant 0 : i32
      %dma_start3A_208 = tpu.memref_slice %arg8[%dma_start3A_205, %dma_start3A_206, %dma_start3A_207] : memref<2x28x128xi32, #tpu.memory_space<vmem>> -> memref<1x1x128xi32, #tpu.memory_space<vmem>>
      %dma_start3A_209 = tpu.memref_squeeze %dma_start3A_208 : memref<1x1x128xi32, #tpu.memory_space<vmem>> -> memref<128xi32, #tpu.memory_space<vmem>>
      %dma_start3A_210 = arith.constant 0 : i32
      %dma_start3A_211 = arith.constant 0 : i32
      %dma_start3A_212 = tpu.memref_slice %arg2[%dma_start3A_210, %dma_start3A_211] : memref<200000x32xf32, #tpu.memory_space<hbm>> -> memref<200000x32xf32, #tpu.memory_space<hbm>>
      tpu.enqueue_indirect_dma source(%dma_start3A_212 : memref<200000x32xf32, #tpu.memory_space<hbm>>) target(%arg10 : memref<128x32xf32, #tpu.memory_space<vmem>>) offsets(%dma_start3A_209 : memref<128xi32, #tpu.memory_space<vmem>>) semaphore(%arg13 : memref<!tpu.dma_semaphore, #tpu.memory_space<semaphore_mem>>)
      %scan3A_213 = arith.constant 0 : i32
      %scan3A_214 = arith.constant 0 : i32
      %scan3A_215 = arith.constant 14 : i32
      %scan3A_216 = arith.addi %scan3A_214, %scan3A_215 : i32
      %scan3A_217 = arith.constant 1 : i32
      scf.for %scan3A_219 = %scan3A_214 to %scan3A_216 step %scan3A_217  : i32 {
        %mul3A_220 = arith.constant 2 : i32
        %mul3A_221 = arith.muli %scan3A_219, %mul3A_220 : i32
        %add3A_222 = arith.constant 0 : i32
        %add3A_223 = arith.addi %mul3A_221, %add3A_222 : i32
        %dma_wait3A = arith.constant 0 : i32
        %dma_wait3A_224 = arith.constant 0 : i32
        %dma_wait3A_225 = arith.constant 0 : i32
        %dma_wait3A_226 = tpu.memref_slice %arg8[%dma_wait3A, %dma_wait3A_224, %dma_wait3A_225] : memref<2x28x128xi32, #tpu.memory_space<vmem>> -> memref<1x1x128xi32, #tpu.memory_space<vmem>>
        %dma_wait3A_227 = tpu.memref_squeeze %dma_wait3A_226 : memref<1x1x128xi32, #tpu.memory_space<vmem>> -> memref<128xi32, #tpu.memory_space<vmem>>
        %dma_wait3A_228 = arith.constant 0 : i32
        %dma_wait3A_229 = arith.constant 0 : i32
        %dma_wait3A_230 = tpu.memref_slice %arg2[%dma_wait3A_228, %dma_wait3A_229] : memref<200000x32xf32, #tpu.memory_space<hbm>> -> memref<200000x32xf32, #tpu.memory_space<hbm>>
        tpu.wait_indirect_dma semaphore(%arg12 : memref<!tpu.dma_semaphore, #tpu.memory_space<semaphore_mem>>) src(%dma_wait3A_230 : memref<200000x32xf32, #tpu.memory_space<hbm>>) dst(%arg9 : memref<128x32xf32, #tpu.memory_space<vmem>>)
        %run_scoped3A_231 = arith.constant 1 : i32
        "tpu.region"() ({
          %run_scoped3A_258 = tpu.sem_alloc : memref<!tpu.dma_semaphore, #tpu.memory_space<semaphore_mem>>
          %dma_start3A_259 = arith.constant 0 : i32
          %dma_start3A_260 = tpu.memref_slice %arg8[%run_scoped3A_231, %add3A_223, %dma_start3A_259] : memref<2x28x128xi32, #tpu.memory_space<vmem>> -> memref<1x1x128xi32, #tpu.memory_space<vmem>>
          %dma_start3A_261 = tpu.memref_squeeze %dma_start3A_260 : memref<1x1x128xi32, #tpu.memory_space<vmem>> -> memref<128xi32, #tpu.memory_space<vmem>>
          %dma_start3A_262 = arith.constant 0 : i32
          %dma_start3A_263 = arith.constant 0 : i32
          %dma_start3A_264 = tpu.memref_slice %arg7[%dma_start3A_262, %dma_start3A_263] : memref<50176x32xf32, #tpu.memory_space<vmem_shared>> -> memref<50176x32xf32, #tpu.memory_space<vmem_shared>>
          tpu.enqueue_indirect_dma source(%arg9 : memref<128x32xf32, #tpu.memory_space<vmem>>) target(%dma_start3A_264 : memref<50176x32xf32, #tpu.memory_space<vmem_shared>>) offsets(%dma_start3A_261 : memref<128xi32, #tpu.memory_space<vmem>>) semaphore(%run_scoped3A_258 : memref<!tpu.dma_semaphore, #tpu.memory_space<semaphore_mem>>) {add = true}
          %dma_wait3A_265 = arith.constant 0 : i32
          %dma_wait3A_266 = tpu.memref_slice %arg8[%run_scoped3A_231, %add3A_223, %dma_wait3A_265] : memref<2x28x128xi32, #tpu.memory_space<vmem>> -> memref<1x1x128xi32, #tpu.memory_space<vmem>>
          %dma_wait3A_267 = tpu.memref_squeeze %dma_wait3A_266 : memref<1x1x128xi32, #tpu.memory_space<vmem>> -> memref<128xi32, #tpu.memory_space<vmem>>
          %dma_wait3A_268 = arith.constant 0 : i32
          %dma_wait3A_269 = arith.constant 0 : i32
          %dma_wait3A_270 = tpu.memref_slice %arg7[%dma_wait3A_268, %dma_wait3A_269] : memref<50176x32xf32, #tpu.memory_space<vmem_shared>> -> memref<50176x32xf32, #tpu.memory_space<vmem_shared>>
          tpu.wait_indirect_dma semaphore(%run_scoped3A_258 : memref<!tpu.dma_semaphore, #tpu.memory_space<semaphore_mem>>) src(%arg9 : memref<128x32xf32, #tpu.memory_space<vmem>>) dst(%dma_wait3A_270 : memref<50176x32xf32, #tpu.memory_space<vmem_shared>>)
          tpu.yield
        }) : () -> ()
        %add3A_232 = arith.constant 2 : i32
        %add3A_233 = arith.addi %add3A_223, %add3A_232 : i32
        %lt3A = arith.constant 28 : i32
        %lt3A_234 = arith.cmpi slt, %add3A_233, %lt3A : i32
        %convert_element_type3A_235 = arith.extui %lt3A_234 : i1 to i32
        %cond3A_236 = arith.constant 0 : i32
        %cond3A_237 = arith.cmpi ne, %convert_element_type3A_235, %cond3A_236 : i32
        scf.if %cond3A_237 {
          %add3A_258 = arith.constant 2 : i32
          %add3A_259 = arith.addi %add3A_223, %add3A_258 : i32
          %dma_start3A_260 = arith.constant 0 : i32
          %dma_start3A_261 = arith.constant 0 : i32
          %dma_start3A_262 = tpu.memref_slice %arg8[%dma_start3A_260, %add3A_259, %dma_start3A_261] : memref<2x28x128xi32, #tpu.memory_space<vmem>> -> memref<1x1x128xi32, #tpu.memory_space<vmem>>
          %dma_start3A_263 = tpu.memref_squeeze %dma_start3A_262 : memref<1x1x128xi32, #tpu.memory_space<vmem>> -> memref<128xi32, #tpu.memory_space<vmem>>
          %dma_start3A_264 = arith.constant 0 : i32
          %dma_start3A_265 = arith.constant 0 : i32
          %dma_start3A_266 = tpu.memref_slice %arg2[%dma_start3A_264, %dma_start3A_265] : memref<200000x32xf32, #tpu.memory_space<hbm>> -> memref<200000x32xf32, #tpu.memory_space<hbm>>
          tpu.enqueue_indirect_dma source(%dma_start3A_266 : memref<200000x32xf32, #tpu.memory_space<hbm>>) target(%arg9 : memref<128x32xf32, #tpu.memory_space<vmem>>) offsets(%dma_start3A_263 : memref<128xi32, #tpu.memory_space<vmem>>) semaphore(%arg12 : memref<!tpu.dma_semaphore, #tpu.memory_space<semaphore_mem>>)
        } else {
        }
        %mul3A_238 = arith.constant 2 : i32
        %mul3A_239 = arith.muli %scan3A_219, %mul3A_238 : i32
        %add3A_240 = arith.constant 1 : i32
        %add3A_241 = arith.addi %mul3A_239, %add3A_240 : i32
        %dma_wait3A_242 = arith.constant 0 : i32
        %dma_wait3A_243 = arith.constant 0 : i32
        %dma_wait3A_244 = arith.constant 0 : i32
        %dma_wait3A_245 = tpu.memref_slice %arg8[%dma_wait3A_242, %dma_wait3A_243, %dma_wait3A_244] : memref<2x28x128xi32, #tpu.memory_space<vmem>> -> memref<1x1x128xi32, #tpu.memory_space<vmem>>
        %dma_wait3A_246 = tpu.memref_squeeze %dma_wait3A_245 : memref<1x1x128xi32, #tpu.memory_space<vmem>> -> memref<128xi32, #tpu.memory_space<vmem>>
        %dma_wait3A_247 = arith.constant 0 : i32
        %dma_wait3A_248 = arith.constant 0 : i32
        %dma_wait3A_249 = tpu.memref_slice %arg2[%dma_wait3A_247, %dma_wait3A_248] : memref<200000x32xf32, #tpu.memory_space<hbm>> -> memref<200000x32xf32, #tpu.memory_space<hbm>>
        tpu.wait_indirect_dma semaphore(%arg13 : memref<!tpu.dma_semaphore, #tpu.memory_space<semaphore_mem>>) src(%dma_wait3A_249 : memref<200000x32xf32, #tpu.memory_space<hbm>>) dst(%arg10 : memref<128x32xf32, #tpu.memory_space<vmem>>)
        %run_scoped3A_250 = arith.constant 1 : i32
        "tpu.region"() ({
          %run_scoped3A_258 = tpu.sem_alloc : memref<!tpu.dma_semaphore, #tpu.memory_space<semaphore_mem>>
          %dma_start3A_259 = arith.constant 0 : i32
          %dma_start3A_260 = tpu.memref_slice %arg8[%run_scoped3A_250, %add3A_241, %dma_start3A_259] : memref<2x28x128xi32, #tpu.memory_space<vmem>> -> memref<1x1x128xi32, #tpu.memory_space<vmem>>
          %dma_start3A_261 = tpu.memref_squeeze %dma_start3A_260 : memref<1x1x128xi32, #tpu.memory_space<vmem>> -> memref<128xi32, #tpu.memory_space<vmem>>
          %dma_start3A_262 = arith.constant 0 : i32
          %dma_start3A_263 = arith.constant 0 : i32
          %dma_start3A_264 = tpu.memref_slice %arg7[%dma_start3A_262, %dma_start3A_263] : memref<50176x32xf32, #tpu.memory_space<vmem_shared>> -> memref<50176x32xf32, #tpu.memory_space<vmem_shared>>
          tpu.enqueue_indirect_dma source(%arg10 : memref<128x32xf32, #tpu.memory_space<vmem>>) target(%dma_start3A_264 : memref<50176x32xf32, #tpu.memory_space<vmem_shared>>) offsets(%dma_start3A_261 : memref<128xi32, #tpu.memory_space<vmem>>) semaphore(%run_scoped3A_258 : memref<!tpu.dma_semaphore, #tpu.memory_space<semaphore_mem>>) {add = true}
          %dma_wait3A_265 = arith.constant 0 : i32
          %dma_wait3A_266 = tpu.memref_slice %arg8[%run_scoped3A_250, %add3A_241, %dma_wait3A_265] : memref<2x28x128xi32, #tpu.memory_space<vmem>> -> memref<1x1x128xi32, #tpu.memory_space<vmem>>
          %dma_wait3A_267 = tpu.memref_squeeze %dma_wait3A_266 : memref<1x1x128xi32, #tpu.memory_space<vmem>> -> memref<128xi32, #tpu.memory_space<vmem>>
          %dma_wait3A_268 = arith.constant 0 : i32
          %dma_wait3A_269 = arith.constant 0 : i32
          %dma_wait3A_270 = tpu.memref_slice %arg7[%dma_wait3A_268, %dma_wait3A_269] : memref<50176x32xf32, #tpu.memory_space<vmem_shared>> -> memref<50176x32xf32, #tpu.memory_space<vmem_shared>>
          tpu.wait_indirect_dma semaphore(%run_scoped3A_258 : memref<!tpu.dma_semaphore, #tpu.memory_space<semaphore_mem>>) src(%arg10 : memref<128x32xf32, #tpu.memory_space<vmem>>) dst(%dma_wait3A_270 : memref<50176x32xf32, #tpu.memory_space<vmem_shared>>)
          tpu.yield
        }) : () -> ()
        %add3A_251 = arith.constant 2 : i32
        %add3A_252 = arith.addi %add3A_241, %add3A_251 : i32
        %lt3A_253 = arith.constant 28 : i32
        %lt3A_254 = arith.cmpi slt, %add3A_252, %lt3A_253 : i32
        %convert_element_type3A_255 = arith.extui %lt3A_254 : i1 to i32
        %cond3A_256 = arith.constant 0 : i32
        %cond3A_257 = arith.cmpi ne, %convert_element_type3A_255, %cond3A_256 : i32
        scf.if %cond3A_257 {
          %add3A_258 = arith.constant 2 : i32
          %add3A_259 = arith.addi %add3A_241, %add3A_258 : i32
          %dma_start3A_260 = arith.constant 0 : i32
          %dma_start3A_261 = arith.constant 0 : i32
          %dma_start3A_262 = tpu.memref_slice %arg8[%dma_start3A_260, %add3A_259, %dma_start3A_261] : memref<2x28x128xi32, #tpu.memory_space<vmem>> -> memref<1x1x128xi32, #tpu.memory_space<vmem>>
          %dma_start3A_263 = tpu.memref_squeeze %dma_start3A_262 : memref<1x1x128xi32, #tpu.memory_space<vmem>> -> memref<128xi32, #tpu.memory_space<vmem>>
          %dma_start3A_264 = arith.constant 0 : i32
          %dma_start3A_265 = arith.constant 0 : i32
          %dma_start3A_266 = tpu.memref_slice %arg2[%dma_start3A_264, %dma_start3A_265] : memref<200000x32xf32, #tpu.memory_space<hbm>> -> memref<200000x32xf32, #tpu.memory_space<hbm>>
          tpu.enqueue_indirect_dma source(%dma_start3A_266 : memref<200000x32xf32, #tpu.memory_space<hbm>>) target(%arg10 : memref<128x32xf32, #tpu.memory_space<vmem>>) offsets(%dma_start3A_263 : memref<128xi32, #tpu.memory_space<vmem>>) semaphore(%arg13 : memref<!tpu.dma_semaphore, #tpu.memory_space<semaphore_mem>>)
        } else {
        }
      }
      %scan3A_218 = arith.constant 14 : i32
    }
    %scan3A_82 = arith.constant 7 : i32
    %barrier3A_83 = arith.constant 0 : index
    tpu.barrier barrier_id(%barrier3A_83)
    %eq3A_84 = arith.constant 0 : i32
    %eq3A_85 = arith.cmpi eq, %arg0, %eq3A_84 : i32
    %convert_element_type3A_86 = arith.extui %eq3A_85 : i1 to i32
    %cond3A_87 = arith.constant 0 : i32
    %cond3A_88 = arith.cmpi ne, %convert_element_type3A_86, %cond3A_87 : i32
    scf.if %cond3A_88 {
      %mul3A_197 = arith.constant 3136 : i32
      %mul3A_198 = arith.muli %arg1, %mul3A_197 : i32
      %mul3A_199 = arith.constant 3136 : i32
      %mul3A_200 = arith.muli %arg1, %mul3A_199 : i32
      %run_scoped3A = arith.constant 1 : i32
      "tpu.region"() ({
        %run_scoped3A_201 = tpu.sem_alloc : memref<!tpu.dma_semaphore, #tpu.memory_space<semaphore_mem>>
        %dma_start3A = arith.constant 0 : i32
        %dma_start3A_202 = tpu.memref_slice %arg5[%run_scoped3A, %mul3A_200, %dma_start3A] : memref<4x50176x32xf32, #tpu.memory_space<hbm>> -> memref<1x3136x32xf32, #tpu.memory_space<hbm>>
        %dma_start3A_203 = tpu.memref_squeeze %dma_start3A_202 : memref<1x3136x32xf32, #tpu.memory_space<hbm>> -> memref<3136x32xf32, #tpu.memory_space<hbm>>
        %dma_start3A_204 = arith.constant 0 : i32
        %dma_start3A_205 = tpu.memref_slice %arg7[%mul3A_198, %dma_start3A_204] : memref<50176x32xf32, #tpu.memory_space<vmem_shared>> -> memref<3136x32xf32, #tpu.memory_space<vmem_shared>>
        tpu.enqueue_dma source(%dma_start3A_205 : memref<3136x32xf32, #tpu.memory_space<vmem_shared>>) target(%dma_start3A_203 : memref<3136x32xf32, #tpu.memory_space<hbm>>) target_semaphore(%run_scoped3A_201 : memref<!tpu.dma_semaphore, #tpu.memory_space<semaphore_mem>>)
        %dma_wait3A = arith.constant 0 : i32
        %dma_wait3A_206 = tpu.memref_slice %arg5[%run_scoped3A, %mul3A_200, %dma_wait3A] : memref<4x50176x32xf32, #tpu.memory_space<hbm>> -> memref<1x3136x32xf32, #tpu.memory_space<hbm>>
        %dma_wait3A_207 = tpu.memref_squeeze %dma_wait3A_206 : memref<1x3136x32xf32, #tpu.memory_space<hbm>> -> memref<3136x32xf32, #tpu.memory_space<hbm>>
        %dma_wait3A_208 = arith.constant 0 : i32
        %dma_wait3A_209 = tpu.memref_slice %arg7[%mul3A_198, %dma_wait3A_208] : memref<50176x32xf32, #tpu.memory_space<vmem_shared>> -> memref<3136x32xf32, #tpu.memory_space<vmem_shared>>
        tpu.wait_dma2 semaphore(%run_scoped3A_201 : memref<!tpu.dma_semaphore, #tpu.memory_space<semaphore_mem>>) src(%dma_wait3A_209 : memref<3136x32xf32, #tpu.memory_space<vmem_shared>>) dst(%dma_wait3A_207 : memref<3136x32xf32, #tpu.memory_space<hbm>>)
        tpu.yield
      }) : () -> ()
    } else {
    }
    %eq3A_89 = arith.constant 1 : i32
    %eq3A_90 = arith.cmpi eq, %arg0, %eq3A_89 : i32
    %convert_element_type3A_91 = arith.extui %eq3A_90 : i1 to i32
    %cond3A_92 = arith.constant 0 : i32
    %cond3A_93 = arith.cmpi ne, %convert_element_type3A_91, %cond3A_92 : i32
    scf.if %cond3A_93 {
      %mul3A_197 = arith.constant 3136 : i32
      %mul3A_198 = arith.muli %arg1, %mul3A_197 : i32
      %mul3A_199 = arith.constant 3136 : i32
      %mul3A_200 = arith.muli %arg1, %mul3A_199 : i32
      %run_scoped3A = arith.constant 1 : i32
      "tpu.region"() ({
        %run_scoped3A_201 = tpu.sem_alloc : memref<!tpu.dma_semaphore, #tpu.memory_space<semaphore_mem>>
        %dma_start3A = arith.constant 0 : i32
        %dma_start3A_202 = tpu.memref_slice %arg6[%run_scoped3A, %mul3A_200, %dma_start3A] : memref<4x50176x32xf32, #tpu.memory_space<hbm>> -> memref<1x3136x32xf32, #tpu.memory_space<hbm>>
        %dma_start3A_203 = tpu.memref_squeeze %dma_start3A_202 : memref<1x3136x32xf32, #tpu.memory_space<hbm>> -> memref<3136x32xf32, #tpu.memory_space<hbm>>
        %dma_start3A_204 = arith.constant 0 : i32
        %dma_start3A_205 = tpu.memref_slice %arg7[%mul3A_198, %dma_start3A_204] : memref<50176x32xf32, #tpu.memory_space<vmem_shared>> -> memref<3136x32xf32, #tpu.memory_space<vmem_shared>>
        tpu.enqueue_dma source(%dma_start3A_205 : memref<3136x32xf32, #tpu.memory_space<vmem_shared>>) target(%dma_start3A_203 : memref<3136x32xf32, #tpu.memory_space<hbm>>) target_semaphore(%run_scoped3A_201 : memref<!tpu.dma_semaphore, #tpu.memory_space<semaphore_mem>>)
        %dma_wait3A = arith.constant 0 : i32
        %dma_wait3A_206 = tpu.memref_slice %arg6[%run_scoped3A, %mul3A_200, %dma_wait3A] : memref<4x50176x32xf32, #tpu.memory_space<hbm>> -> memref<1x3136x32xf32, #tpu.memory_space<hbm>>
        %dma_wait3A_207 = tpu.memref_squeeze %dma_wait3A_206 : memref<1x3136x32xf32, #tpu.memory_space<hbm>> -> memref<3136x32xf32, #tpu.memory_space<hbm>>
        %dma_wait3A_208 = arith.constant 0 : i32
        %dma_wait3A_209 = tpu.memref_slice %arg7[%mul3A_198, %dma_wait3A_208] : memref<50176x32xf32, #tpu.memory_space<vmem_shared>> -> memref<3136x32xf32, #tpu.memory_space<vmem_shared>>
        tpu.wait_dma2 semaphore(%run_scoped3A_201 : memref<!tpu.dma_semaphore, #tpu.memory_space<semaphore_mem>>) src(%dma_wait3A_209 : memref<3136x32xf32, #tpu.memory_space<vmem_shared>>) dst(%dma_wait3A_207 : memref<3136x32xf32, #tpu.memory_space<hbm>>)
        tpu.yield
      }) : () -> ()
    } else {
    }
    %barrier3A_94 = arith.constant 0 : index
    tpu.barrier barrier_id(%barrier3A_94)
    %mul3A_95 = arith.constant 3136 : i32
    %mul3A_96 = arith.muli %arg1, %mul3A_95 : i32
    %add3A_97 = arith.constant 0 : i32
    %add3A_98 = arith.addi %mul3A_96, %add3A_97 : i32
    "tpu.region"() ({
      %run_scoped3A = tpu.sem_alloc : memref<!tpu.dma_semaphore, #tpu.memory_space<semaphore_mem>>
      %dma_start3A = arith.constant 0 : i32
      %dma_start3A_197 = tpu.memref_slice %arg7[%add3A_98, %dma_start3A] : memref<50176x32xf32, #tpu.memory_space<vmem_shared>> -> memref<392x32xf32, #tpu.memory_space<vmem_shared>>
      %dma_start3A_198 = arith.constant 0 : i32
      %dma_start3A_199 = tpu.memref_slice %arg7[%add3A_98, %dma_start3A_198] : memref<50176x32xf32, #tpu.memory_space<vmem_shared>> -> memref<392x32xf32, #tpu.memory_space<vmem_shared>>
      tpu.enqueue_dma source(%arg11 : memref<392x32xf32, #tpu.memory_space<vmem>>) target(%dma_start3A_199 : memref<392x32xf32, #tpu.memory_space<vmem_shared>>) target_semaphore(%run_scoped3A : memref<!tpu.dma_semaphore, #tpu.memory_space<semaphore_mem>>)
      %dma_wait3A = arith.constant 0 : i32
      %dma_wait3A_200 = tpu.memref_slice %arg7[%add3A_98, %dma_wait3A] : memref<50176x32xf32, #tpu.memory_space<vmem_shared>> -> memref<392x32xf32, #tpu.memory_space<vmem_shared>>
      %dma_wait3A_201 = arith.constant 0 : i32
      %dma_wait3A_202 = tpu.memref_slice %arg7[%add3A_98, %dma_wait3A_201] : memref<50176x32xf32, #tpu.memory_space<vmem_shared>> -> memref<392x32xf32, #tpu.memory_space<vmem_shared>>
      tpu.wait_dma2 semaphore(%run_scoped3A : memref<!tpu.dma_semaphore, #tpu.memory_space<semaphore_mem>>) src(%arg11 : memref<392x32xf32, #tpu.memory_space<vmem>>) dst(%dma_wait3A_202 : memref<392x32xf32, #tpu.memory_space<vmem_shared>>)
      tpu.yield
    }) : () -> ()
    %mul3A_99 = arith.constant 3136 : i32
    %mul3A_100 = arith.muli %arg1, %mul3A_99 : i32
    %add3A_101 = arith.constant 392 : i32
    %add3A_102 = arith.addi %mul3A_100, %add3A_101 : i32
    "tpu.region"() ({
      %run_scoped3A = tpu.sem_alloc : memref<!tpu.dma_semaphore, #tpu.memory_space<semaphore_mem>>
      %dma_start3A = arith.constant 0 : i32
      %dma_start3A_197 = tpu.memref_slice %arg7[%add3A_102, %dma_start3A] : memref<50176x32xf32, #tpu.memory_space<vmem_shared>> -> memref<392x32xf32, #tpu.memory_space<vmem_shared>>
      %dma_start3A_198 = arith.constant 0 : i32
      %dma_start3A_199 = tpu.memref_slice %arg7[%add3A_102, %dma_start3A_198] : memref<50176x32xf32, #tpu.memory_space<vmem_shared>> -> memref<392x32xf32, #tpu.memory_space<vmem_shared>>
      tpu.enqueue_dma source(%arg11 : memref<392x32xf32, #tpu.memory_space<vmem>>) target(%dma_start3A_199 : memref<392x32xf32, #tpu.memory_space<vmem_shared>>) target_semaphore(%run_scoped3A : memref<!tpu.dma_semaphore, #tpu.memory_space<semaphore_mem>>)
      %dma_wait3A = arith.constant 0 : i32
      %dma_wait3A_200 = tpu.memref_slice %arg7[%add3A_102, %dma_wait3A] : memref<50176x32xf32, #tpu.memory_space<vmem_shared>> -> memref<392x32xf32, #tpu.memory_space<vmem_shared>>
      %dma_wait3A_201 = arith.constant 0 : i32
      %dma_wait3A_202 = tpu.memref_slice %arg7[%add3A_102, %dma_wait3A_201] : memref<50176x32xf32, #tpu.memory_space<vmem_shared>> -> memref<392x32xf32, #tpu.memory_space<vmem_shared>>
      tpu.wait_dma2 semaphore(%run_scoped3A : memref<!tpu.dma_semaphore, #tpu.memory_space<semaphore_mem>>) src(%arg11 : memref<392x32xf32, #tpu.memory_space<vmem>>) dst(%dma_wait3A_202 : memref<392x32xf32, #tpu.memory_space<vmem_shared>>)
      tpu.yield
    }) : () -> ()
    %mul3A_103 = arith.constant 3136 : i32
    %mul3A_104 = arith.muli %arg1, %mul3A_103 : i32
    %add3A_105 = arith.constant 784 : i32
    %add3A_106 = arith.addi %mul3A_104, %add3A_105 : i32
    "tpu.region"() ({
      %run_scoped3A = tpu.sem_alloc : memref<!tpu.dma_semaphore, #tpu.memory_space<semaphore_mem>>
      %dma_start3A = arith.constant 0 : i32
      %dma_start3A_197 = tpu.memref_slice %arg7[%add3A_106, %dma_start3A] : memref<50176x32xf32, #tpu.memory_space<vmem_shared>> -> memref<392x32xf32, #tpu.memory_space<vmem_shared>>
      %dma_start3A_198 = arith.constant 0 : i32
      %dma_start3A_199 = tpu.memref_slice %arg7[%add3A_106, %dma_start3A_198] : memref<50176x32xf32, #tpu.memory_space<vmem_shared>> -> memref<392x32xf32, #tpu.memory_space<vmem_shared>>
      tpu.enqueue_dma source(%arg11 : memref<392x32xf32, #tpu.memory_space<vmem>>) target(%dma_start3A_199 : memref<392x32xf32, #tpu.memory_space<vmem_shared>>) target_semaphore(%run_scoped3A : memref<!tpu.dma_semaphore, #tpu.memory_space<semaphore_mem>>)
      %dma_wait3A = arith.constant 0 : i32
      %dma_wait3A_200 = tpu.memref_slice %arg7[%add3A_106, %dma_wait3A] : memref<50176x32xf32, #tpu.memory_space<vmem_shared>> -> memref<392x32xf32, #tpu.memory_space<vmem_shared>>
      %dma_wait3A_201 = arith.constant 0 : i32
      %dma_wait3A_202 = tpu.memref_slice %arg7[%add3A_106, %dma_wait3A_201] : memref<50176x32xf32, #tpu.memory_space<vmem_shared>> -> memref<392x32xf32, #tpu.memory_space<vmem_shared>>
      tpu.wait_dma2 semaphore(%run_scoped3A : memref<!tpu.dma_semaphore, #tpu.memory_space<semaphore_mem>>) src(%arg11 : memref<392x32xf32, #tpu.memory_space<vmem>>) dst(%dma_wait3A_202 : memref<392x32xf32, #tpu.memory_space<vmem_shared>>)
      tpu.yield
    }) : () -> ()
    %mul3A_107 = arith.constant 3136 : i32
    %mul3A_108 = arith.muli %arg1, %mul3A_107 : i32
    %add3A_109 = arith.constant 1176 : i32
    %add3A_110 = arith.addi %mul3A_108, %add3A_109 : i32
    "tpu.region"() ({
      %run_scoped3A = tpu.sem_alloc : memref<!tpu.dma_semaphore, #tpu.memory_space<semaphore_mem>>
      %dma_start3A = arith.constant 0 : i32
      %dma_start3A_197 = tpu.memref_slice %arg7[%add3A_110, %dma_start3A] : memref<50176x32xf32, #tpu.memory_space<vmem_shared>> -> memref<392x32xf32, #tpu.memory_space<vmem_shared>>
      %dma_start3A_198 = arith.constant 0 : i32
      %dma_start3A_199 = tpu.memref_slice %arg7[%add3A_110, %dma_start3A_198] : memref<50176x32xf32, #tpu.memory_space<vmem_shared>> -> memref<392x32xf32, #tpu.memory_space<vmem_shared>>
      tpu.enqueue_dma source(%arg11 : memref<392x32xf32, #tpu.memory_space<vmem>>) target(%dma_start3A_199 : memref<392x32xf32, #tpu.memory_space<vmem_shared>>) target_semaphore(%run_scoped3A : memref<!tpu.dma_semaphore, #tpu.memory_space<semaphore_mem>>)
      %dma_wait3A = arith.constant 0 : i32
      %dma_wait3A_200 = tpu.memref_slice %arg7[%add3A_110, %dma_wait3A] : memref<50176x32xf32, #tpu.memory_space<vmem_shared>> -> memref<392x32xf32, #tpu.memory_space<vmem_shared>>
      %dma_wait3A_201 = arith.constant 0 : i32
      %dma_wait3A_202 = tpu.memref_slice %arg7[%add3A_110, %dma_wait3A_201] : memref<50176x32xf32, #tpu.memory_space<vmem_shared>> -> memref<392x32xf32, #tpu.memory_space<vmem_shared>>
      tpu.wait_dma2 semaphore(%run_scoped3A : memref<!tpu.dma_semaphore, #tpu.memory_space<semaphore_mem>>) src(%arg11 : memref<392x32xf32, #tpu.memory_space<vmem>>) dst(%dma_wait3A_202 : memref<392x32xf32, #tpu.memory_space<vmem_shared>>)
      tpu.yield
    }) : () -> ()
    %mul3A_111 = arith.constant 3136 : i32
    %mul3A_112 = arith.muli %arg1, %mul3A_111 : i32
    %add3A_113 = arith.constant 1568 : i32
    %add3A_114 = arith.addi %mul3A_112, %add3A_113 : i32
    "tpu.region"() ({
      %run_scoped3A = tpu.sem_alloc : memref<!tpu.dma_semaphore, #tpu.memory_space<semaphore_mem>>
      %dma_start3A = arith.constant 0 : i32
      %dma_start3A_197 = tpu.memref_slice %arg7[%add3A_114, %dma_start3A] : memref<50176x32xf32, #tpu.memory_space<vmem_shared>> -> memref<392x32xf32, #tpu.memory_space<vmem_shared>>
      %dma_start3A_198 = arith.constant 0 : i32
      %dma_start3A_199 = tpu.memref_slice %arg7[%add3A_114, %dma_start3A_198] : memref<50176x32xf32, #tpu.memory_space<vmem_shared>> -> memref<392x32xf32, #tpu.memory_space<vmem_shared>>
      tpu.enqueue_dma source(%arg11 : memref<392x32xf32, #tpu.memory_space<vmem>>) target(%dma_start3A_199 : memref<392x32xf32, #tpu.memory_space<vmem_shared>>) target_semaphore(%run_scoped3A : memref<!tpu.dma_semaphore, #tpu.memory_space<semaphore_mem>>)
      %dma_wait3A = arith.constant 0 : i32
      %dma_wait3A_200 = tpu.memref_slice %arg7[%add3A_114, %dma_wait3A] : memref<50176x32xf32, #tpu.memory_space<vmem_shared>> -> memref<392x32xf32, #tpu.memory_space<vmem_shared>>
      %dma_wait3A_201 = arith.constant 0 : i32
      %dma_wait3A_202 = tpu.memref_slice %arg7[%add3A_114, %dma_wait3A_201] : memref<50176x32xf32, #tpu.memory_space<vmem_shared>> -> memref<392x32xf32, #tpu.memory_space<vmem_shared>>
      tpu.wait_dma2 semaphore(%run_scoped3A : memref<!tpu.dma_semaphore, #tpu.memory_space<semaphore_mem>>) src(%arg11 : memref<392x32xf32, #tpu.memory_space<vmem>>) dst(%dma_wait3A_202 : memref<392x32xf32, #tpu.memory_space<vmem_shared>>)
      tpu.yield
    }) : () -> ()
    %mul3A_115 = arith.constant 3136 : i32
    %mul3A_116 = arith.muli %arg1, %mul3A_115 : i32
    %add3A_117 = arith.constant 1960 : i32
    %add3A_118 = arith.addi %mul3A_116, %add3A_117 : i32
    "tpu.region"() ({
      %run_scoped3A = tpu.sem_alloc : memref<!tpu.dma_semaphore, #tpu.memory_space<semaphore_mem>>
      %dma_start3A = arith.constant 0 : i32
      %dma_start3A_197 = tpu.memref_slice %arg7[%add3A_118, %dma_start3A] : memref<50176x32xf32, #tpu.memory_space<vmem_shared>> -> memref<392x32xf32, #tpu.memory_space<vmem_shared>>
      %dma_start3A_198 = arith.constant 0 : i32
      %dma_start3A_199 = tpu.memref_slice %arg7[%add3A_118, %dma_start3A_198] : memref<50176x32xf32, #tpu.memory_space<vmem_shared>> -> memref<392x32xf32, #tpu.memory_space<vmem_shared>>
      tpu.enqueue_dma source(%arg11 : memref<392x32xf32, #tpu.memory_space<vmem>>) target(%dma_start3A_199 : memref<392x32xf32, #tpu.memory_space<vmem_shared>>) target_semaphore(%run_scoped3A : memref<!tpu.dma_semaphore, #tpu.memory_space<semaphore_mem>>)
      %dma_wait3A = arith.constant 0 : i32
      %dma_wait3A_200 = tpu.memref_slice %arg7[%add3A_118, %dma_wait3A] : memref<50176x32xf32, #tpu.memory_space<vmem_shared>> -> memref<392x32xf32, #tpu.memory_space<vmem_shared>>
      %dma_wait3A_201 = arith.constant 0 : i32
      %dma_wait3A_202 = tpu.memref_slice %arg7[%add3A_118, %dma_wait3A_201] : memref<50176x32xf32, #tpu.memory_space<vmem_shared>> -> memref<392x32xf32, #tpu.memory_space<vmem_shared>>
      tpu.wait_dma2 semaphore(%run_scoped3A : memref<!tpu.dma_semaphore, #tpu.memory_space<semaphore_mem>>) src(%arg11 : memref<392x32xf32, #tpu.memory_space<vmem>>) dst(%dma_wait3A_202 : memref<392x32xf32, #tpu.memory_space<vmem_shared>>)
      tpu.yield
    }) : () -> ()
    %mul3A_119 = arith.constant 3136 : i32
    %mul3A_120 = arith.muli %arg1, %mul3A_119 : i32
    %add3A_121 = arith.constant 2352 : i32
    %add3A_122 = arith.addi %mul3A_120, %add3A_121 : i32
    "tpu.region"() ({
      %run_scoped3A = tpu.sem_alloc : memref<!tpu.dma_semaphore, #tpu.memory_space<semaphore_mem>>
      %dma_start3A = arith.constant 0 : i32
      %dma_start3A_197 = tpu.memref_slice %arg7[%add3A_122, %dma_start3A] : memref<50176x32xf32, #tpu.memory_space<vmem_shared>> -> memref<392x32xf32, #tpu.memory_space<vmem_shared>>
      %dma_start3A_198 = arith.constant 0 : i32
      %dma_start3A_199 = tpu.memref_slice %arg7[%add3A_122, %dma_start3A_198] : memref<50176x32xf32, #tpu.memory_space<vmem_shared>> -> memref<392x32xf32, #tpu.memory_space<vmem_shared>>
      tpu.enqueue_dma source(%arg11 : memref<392x32xf32, #tpu.memory_space<vmem>>) target(%dma_start3A_199 : memref<392x32xf32, #tpu.memory_space<vmem_shared>>) target_semaphore(%run_scoped3A : memref<!tpu.dma_semaphore, #tpu.memory_space<semaphore_mem>>)
      %dma_wait3A = arith.constant 0 : i32
      %dma_wait3A_200 = tpu.memref_slice %arg7[%add3A_122, %dma_wait3A] : memref<50176x32xf32, #tpu.memory_space<vmem_shared>> -> memref<392x32xf32, #tpu.memory_space<vmem_shared>>
      %dma_wait3A_201 = arith.constant 0 : i32
      %dma_wait3A_202 = tpu.memref_slice %arg7[%add3A_122, %dma_wait3A_201] : memref<50176x32xf32, #tpu.memory_space<vmem_shared>> -> memref<392x32xf32, #tpu.memory_space<vmem_shared>>
      tpu.wait_dma2 semaphore(%run_scoped3A : memref<!tpu.dma_semaphore, #tpu.memory_space<semaphore_mem>>) src(%arg11 : memref<392x32xf32, #tpu.memory_space<vmem>>) dst(%dma_wait3A_202 : memref<392x32xf32, #tpu.memory_space<vmem_shared>>)
      tpu.yield
    }) : () -> ()
    %mul3A_123 = arith.constant 3136 : i32
    %mul3A_124 = arith.muli %arg1, %mul3A_123 : i32
    %add3A_125 = arith.constant 2744 : i32
    %add3A_126 = arith.addi %mul3A_124, %add3A_125 : i32
    "tpu.region"() ({
      %run_scoped3A = tpu.sem_alloc : memref<!tpu.dma_semaphore, #tpu.memory_space<semaphore_mem>>
      %dma_start3A = arith.constant 0 : i32
      %dma_start3A_197 = tpu.memref_slice %arg7[%add3A_126, %dma_start3A] : memref<50176x32xf32, #tpu.memory_space<vmem_shared>> -> memref<392x32xf32, #tpu.memory_space<vmem_shared>>
      %dma_start3A_198 = arith.constant 0 : i32
      %dma_start3A_199 = tpu.memref_slice %arg7[%add3A_126, %dma_start3A_198] : memref<50176x32xf32, #tpu.memory_space<vmem_shared>> -> memref<392x32xf32, #tpu.memory_space<vmem_shared>>
      tpu.enqueue_dma source(%arg11 : memref<392x32xf32, #tpu.memory_space<vmem>>) target(%dma_start3A_199 : memref<392x32xf32, #tpu.memory_space<vmem_shared>>) target_semaphore(%run_scoped3A : memref<!tpu.dma_semaphore, #tpu.memory_space<semaphore_mem>>)
      %dma_wait3A = arith.constant 0 : i32
      %dma_wait3A_200 = tpu.memref_slice %arg7[%add3A_126, %dma_wait3A] : memref<50176x32xf32, #tpu.memory_space<vmem_shared>> -> memref<392x32xf32, #tpu.memory_space<vmem_shared>>
      %dma_wait3A_201 = arith.constant 0 : i32
      %dma_wait3A_202 = tpu.memref_slice %arg7[%add3A_126, %dma_wait3A_201] : memref<50176x32xf32, #tpu.memory_space<vmem_shared>> -> memref<392x32xf32, #tpu.memory_space<vmem_shared>>
      tpu.wait_dma2 semaphore(%run_scoped3A : memref<!tpu.dma_semaphore, #tpu.memory_space<semaphore_mem>>) src(%arg11 : memref<392x32xf32, #tpu.memory_space<vmem>>) dst(%dma_wait3A_202 : memref<392x32xf32, #tpu.memory_space<vmem_shared>>)
      tpu.yield
    }) : () -> ()
    %barrier3A_127 = arith.constant 0 : index
    tpu.barrier barrier_id(%barrier3A_127)
    %scan3A_128 = arith.constant 0 : i32
    %scan3A_129 = arith.constant 0 : i32
    %scan3A_130 = arith.constant 7 : i32
    %scan3A_131 = arith.addi %scan3A_129, %scan3A_130 : i32
    %scan3A_132 = arith.constant 1 : i32
    scf.for %scan3A_197 = %scan3A_129 to %scan3A_131 step %scan3A_132  : i32 {
      %run_scoped3A = arith.constant 2 : i32
      "tpu.region"() ({
        %run_scoped3A_219 = tpu.sem_alloc : memref<!tpu.dma_semaphore, #tpu.memory_space<semaphore_mem>>
        %dma_start3A_220 = arith.constant 0 : i32
        %dma_start3A_221 = arith.constant 0 : i32
        %dma_start3A_222 = arith.constant 0 : i32
        %dma_start3A_223 = tpu.memref_slice %arg3[%arg0, %run_scoped3A, %arg1, %scan3A_197, %dma_start3A_220, %dma_start3A_221, %dma_start3A_222] : memref<2x4x16x7x2x28x128xi32, #tpu.memory_space<hbm>> -> memref<1x1x1x1x2x28x128xi32, #tpu.memory_space<hbm>>
        %dma_start3A_224 = tpu.memref_squeeze %dma_start3A_223 : memref<1x1x1x1x2x28x128xi32, #tpu.memory_space<hbm>> -> memref<2x28x128xi32, #tpu.memory_space<hbm>>
        %dma_start3A_225 = arith.constant 0 : i32
        %dma_start3A_226 = arith.constant 0 : i32
        %dma_start3A_227 = arith.constant 0 : i32
        %dma_start3A_228 = tpu.memref_slice %arg3[%arg0, %run_scoped3A, %arg1, %scan3A_197, %dma_start3A_225, %dma_start3A_226, %dma_start3A_227] : memref<2x4x16x7x2x28x128xi32, #tpu.memory_space<hbm>> -> memref<1x1x1x1x2x28x128xi32, #tpu.memory_space<hbm>>
        %dma_start3A_229 = tpu.memref_squeeze %dma_start3A_228 : memref<1x1x1x1x2x28x128xi32, #tpu.memory_space<hbm>> -> memref<2x28x128xi32, #tpu.memory_space<hbm>>
        tpu.enqueue_dma source(%dma_start3A_229 : memref<2x28x128xi32, #tpu.memory_space<hbm>>) target(%arg8 : memref<2x28x128xi32, #tpu.memory_space<vmem>>) target_semaphore(%run_scoped3A_219 : memref<!tpu.dma_semaphore, #tpu.memory_space<semaphore_mem>>)
        %dma_wait3A = arith.constant 0 : i32
        %dma_wait3A_230 = arith.constant 0 : i32
        %dma_wait3A_231 = arith.constant 0 : i32
        %dma_wait3A_232 = tpu.memref_slice %arg3[%arg0, %run_scoped3A, %arg1, %scan3A_197, %dma_wait3A, %dma_wait3A_230, %dma_wait3A_231] : memref<2x4x16x7x2x28x128xi32, #tpu.memory_space<hbm>> -> memref<1x1x1x1x2x28x128xi32, #tpu.memory_space<hbm>>
        %dma_wait3A_233 = tpu.memref_squeeze %dma_wait3A_232 : memref<1x1x1x1x2x28x128xi32, #tpu.memory_space<hbm>> -> memref<2x28x128xi32, #tpu.memory_space<hbm>>
        %dma_wait3A_234 = arith.constant 0 : i32
        %dma_wait3A_235 = arith.constant 0 : i32
        %dma_wait3A_236 = arith.constant 0 : i32
        %dma_wait3A_237 = tpu.memref_slice %arg3[%arg0, %run_scoped3A, %arg1, %scan3A_197, %dma_wait3A_234, %dma_wait3A_235, %dma_wait3A_236] : memref<2x4x16x7x2x28x128xi32, #tpu.memory_space<hbm>> -> memref<1x1x1x1x2x28x128xi32, #tpu.memory_space<hbm>>
        %dma_wait3A_238 = tpu.memref_squeeze %dma_wait3A_237 : memref<1x1x1x1x2x28x128xi32, #tpu.memory_space<hbm>> -> memref<2x28x128xi32, #tpu.memory_space<hbm>>
        tpu.wait_dma2 semaphore(%run_scoped3A_219 : memref<!tpu.dma_semaphore, #tpu.memory_space<semaphore_mem>>) src(%dma_wait3A_238 : memref<2x28x128xi32, #tpu.memory_space<hbm>>) dst(%arg8 : memref<2x28x128xi32, #tpu.memory_space<vmem>>)
        tpu.yield
      }) : () -> ()
      %dma_start3A = arith.constant 0 : i32
      %dma_start3A_198 = arith.constant 0 : i32
      %dma_start3A_199 = arith.constant 0 : i32
      %dma_start3A_200 = tpu.memref_slice %arg8[%dma_start3A, %dma_start3A_198, %dma_start3A_199] : memref<2x28x128xi32, #tpu.memory_space<vmem>> -> memref<1x1x128xi32, #tpu.memory_space<vmem>>
      %dma_start3A_201 = tpu.memref_squeeze %dma_start3A_200 : memref<1x1x128xi32, #tpu.memory_space<vmem>> -> memref<128xi32, #tpu.memory_space<vmem>>
      %dma_start3A_202 = arith.constant 0 : i32
      %dma_start3A_203 = arith.constant 0 : i32
      %dma_start3A_204 = tpu.memref_slice %arg2[%dma_start3A_202, %dma_start3A_203] : memref<200000x32xf32, #tpu.memory_space<hbm>> -> memref<200000x32xf32, #tpu.memory_space<hbm>>
      tpu.enqueue_indirect_dma source(%dma_start3A_204 : memref<200000x32xf32, #tpu.memory_space<hbm>>) target(%arg9 : memref<128x32xf32, #tpu.memory_space<vmem>>) offsets(%dma_start3A_201 : memref<128xi32, #tpu.memory_space<vmem>>) semaphore(%arg12 : memref<!tpu.dma_semaphore, #tpu.memory_space<semaphore_mem>>)
      %dma_start3A_205 = arith.constant 0 : i32
      %dma_start3A_206 = arith.constant 1 : i32
      %dma_start3A_207 = arith.constant 0 : i32
      %dma_start3A_208 = tpu.memref_slice %arg8[%dma_start3A_205, %dma_start3A_206, %dma_start3A_207] : memref<2x28x128xi32, #tpu.memory_space<vmem>> -> memref<1x1x128xi32, #tpu.memory_space<vmem>>
      %dma_start3A_209 = tpu.memref_squeeze %dma_start3A_208 : memref<1x1x128xi32, #tpu.memory_space<vmem>> -> memref<128xi32, #tpu.memory_space<vmem>>
      %dma_start3A_210 = arith.constant 0 : i32
      %dma_start3A_211 = arith.constant 0 : i32
      %dma_start3A_212 = tpu.memref_slice %arg2[%dma_start3A_210, %dma_start3A_211] : memref<200000x32xf32, #tpu.memory_space<hbm>> -> memref<200000x32xf32, #tpu.memory_space<hbm>>
      tpu.enqueue_indirect_dma source(%dma_start3A_212 : memref<200000x32xf32, #tpu.memory_space<hbm>>) target(%arg10 : memref<128x32xf32, #tpu.memory_space<vmem>>) offsets(%dma_start3A_209 : memref<128xi32, #tpu.memory_space<vmem>>) semaphore(%arg13 : memref<!tpu.dma_semaphore, #tpu.memory_space<semaphore_mem>>)
      %scan3A_213 = arith.constant 0 : i32
      %scan3A_214 = arith.constant 0 : i32
      %scan3A_215 = arith.constant 14 : i32
      %scan3A_216 = arith.addi %scan3A_214, %scan3A_215 : i32
      %scan3A_217 = arith.constant 1 : i32
      scf.for %scan3A_219 = %scan3A_214 to %scan3A_216 step %scan3A_217  : i32 {
        %mul3A_220 = arith.constant 2 : i32
        %mul3A_221 = arith.muli %scan3A_219, %mul3A_220 : i32
        %add3A_222 = arith.constant 0 : i32
        %add3A_223 = arith.addi %mul3A_221, %add3A_222 : i32
        %dma_wait3A = arith.constant 0 : i32
        %dma_wait3A_224 = arith.constant 0 : i32
        %dma_wait3A_225 = arith.constant 0 : i32
        %dma_wait3A_226 = tpu.memref_slice %arg8[%dma_wait3A, %dma_wait3A_224, %dma_wait3A_225] : memref<2x28x128xi32, #tpu.memory_space<vmem>> -> memref<1x1x128xi32, #tpu.memory_space<vmem>>
        %dma_wait3A_227 = tpu.memref_squeeze %dma_wait3A_226 : memref<1x1x128xi32, #tpu.memory_space<vmem>> -> memref<128xi32, #tpu.memory_space<vmem>>
        %dma_wait3A_228 = arith.constant 0 : i32
        %dma_wait3A_229 = arith.constant 0 : i32
        %dma_wait3A_230 = tpu.memref_slice %arg2[%dma_wait3A_228, %dma_wait3A_229] : memref<200000x32xf32, #tpu.memory_space<hbm>> -> memref<200000x32xf32, #tpu.memory_space<hbm>>
        tpu.wait_indirect_dma semaphore(%arg12 : memref<!tpu.dma_semaphore, #tpu.memory_space<semaphore_mem>>) src(%dma_wait3A_230 : memref<200000x32xf32, #tpu.memory_space<hbm>>) dst(%arg9 : memref<128x32xf32, #tpu.memory_space<vmem>>)
        %run_scoped3A_231 = arith.constant 1 : i32
        "tpu.region"() ({
          %run_scoped3A_258 = tpu.sem_alloc : memref<!tpu.dma_semaphore, #tpu.memory_space<semaphore_mem>>
          %dma_start3A_259 = arith.constant 0 : i32
          %dma_start3A_260 = tpu.memref_slice %arg8[%run_scoped3A_231, %add3A_223, %dma_start3A_259] : memref<2x28x128xi32, #tpu.memory_space<vmem>> -> memref<1x1x128xi32, #tpu.memory_space<vmem>>
          %dma_start3A_261 = tpu.memref_squeeze %dma_start3A_260 : memref<1x1x128xi32, #tpu.memory_space<vmem>> -> memref<128xi32, #tpu.memory_space<vmem>>
          %dma_start3A_262 = arith.constant 0 : i32
          %dma_start3A_263 = arith.constant 0 : i32
          %dma_start3A_264 = tpu.memref_slice %arg7[%dma_start3A_262, %dma_start3A_263] : memref<50176x32xf32, #tpu.memory_space<vmem_shared>> -> memref<50176x32xf32, #tpu.memory_space<vmem_shared>>
          tpu.enqueue_indirect_dma source(%arg9 : memref<128x32xf32, #tpu.memory_space<vmem>>) target(%dma_start3A_264 : memref<50176x32xf32, #tpu.memory_space<vmem_shared>>) offsets(%dma_start3A_261 : memref<128xi32, #tpu.memory_space<vmem>>) semaphore(%run_scoped3A_258 : memref<!tpu.dma_semaphore, #tpu.memory_space<semaphore_mem>>) {add = true}
          %dma_wait3A_265 = arith.constant 0 : i32
          %dma_wait3A_266 = tpu.memref_slice %arg8[%run_scoped3A_231, %add3A_223, %dma_wait3A_265] : memref<2x28x128xi32, #tpu.memory_space<vmem>> -> memref<1x1x128xi32, #tpu.memory_space<vmem>>
          %dma_wait3A_267 = tpu.memref_squeeze %dma_wait3A_266 : memref<1x1x128xi32, #tpu.memory_space<vmem>> -> memref<128xi32, #tpu.memory_space<vmem>>
          %dma_wait3A_268 = arith.constant 0 : i32
          %dma_wait3A_269 = arith.constant 0 : i32
          %dma_wait3A_270 = tpu.memref_slice %arg7[%dma_wait3A_268, %dma_wait3A_269] : memref<50176x32xf32, #tpu.memory_space<vmem_shared>> -> memref<50176x32xf32, #tpu.memory_space<vmem_shared>>
          tpu.wait_indirect_dma semaphore(%run_scoped3A_258 : memref<!tpu.dma_semaphore, #tpu.memory_space<semaphore_mem>>) src(%arg9 : memref<128x32xf32, #tpu.memory_space<vmem>>) dst(%dma_wait3A_270 : memref<50176x32xf32, #tpu.memory_space<vmem_shared>>)
          tpu.yield
        }) : () -> ()
        %add3A_232 = arith.constant 2 : i32
        %add3A_233 = arith.addi %add3A_223, %add3A_232 : i32
        %lt3A = arith.constant 28 : i32
        %lt3A_234 = arith.cmpi slt, %add3A_233, %lt3A : i32
        %convert_element_type3A_235 = arith.extui %lt3A_234 : i1 to i32
        %cond3A_236 = arith.constant 0 : i32
        %cond3A_237 = arith.cmpi ne, %convert_element_type3A_235, %cond3A_236 : i32
        scf.if %cond3A_237 {
          %add3A_258 = arith.constant 2 : i32
          %add3A_259 = arith.addi %add3A_223, %add3A_258 : i32
          %dma_start3A_260 = arith.constant 0 : i32
          %dma_start3A_261 = arith.constant 0 : i32
          %dma_start3A_262 = tpu.memref_slice %arg8[%dma_start3A_260, %add3A_259, %dma_start3A_261] : memref<2x28x128xi32, #tpu.memory_space<vmem>> -> memref<1x1x128xi32, #tpu.memory_space<vmem>>
          %dma_start3A_263 = tpu.memref_squeeze %dma_start3A_262 : memref<1x1x128xi32, #tpu.memory_space<vmem>> -> memref<128xi32, #tpu.memory_space<vmem>>
          %dma_start3A_264 = arith.constant 0 : i32
          %dma_start3A_265 = arith.constant 0 : i32
          %dma_start3A_266 = tpu.memref_slice %arg2[%dma_start3A_264, %dma_start3A_265] : memref<200000x32xf32, #tpu.memory_space<hbm>> -> memref<200000x32xf32, #tpu.memory_space<hbm>>
          tpu.enqueue_indirect_dma source(%dma_start3A_266 : memref<200000x32xf32, #tpu.memory_space<hbm>>) target(%arg9 : memref<128x32xf32, #tpu.memory_space<vmem>>) offsets(%dma_start3A_263 : memref<128xi32, #tpu.memory_space<vmem>>) semaphore(%arg12 : memref<!tpu.dma_semaphore, #tpu.memory_space<semaphore_mem>>)
        } else {
        }
        %mul3A_238 = arith.constant 2 : i32
        %mul3A_239 = arith.muli %scan3A_219, %mul3A_238 : i32
        %add3A_240 = arith.constant 1 : i32
        %add3A_241 = arith.addi %mul3A_239, %add3A_240 : i32
        %dma_wait3A_242 = arith.constant 0 : i32
        %dma_wait3A_243 = arith.constant 0 : i32
        %dma_wait3A_244 = arith.constant 0 : i32
        %dma_wait3A_245 = tpu.memref_slice %arg8[%dma_wait3A_242, %dma_wait3A_243, %dma_wait3A_244] : memref<2x28x128xi32, #tpu.memory_space<vmem>> -> memref<1x1x128xi32, #tpu.memory_space<vmem>>
        %dma_wait3A_246 = tpu.memref_squeeze %dma_wait3A_245 : memref<1x1x128xi32, #tpu.memory_space<vmem>> -> memref<128xi32, #tpu.memory_space<vmem>>
        %dma_wait3A_247 = arith.constant 0 : i32
        %dma_wait3A_248 = arith.constant 0 : i32
        %dma_wait3A_249 = tpu.memref_slice %arg2[%dma_wait3A_247, %dma_wait3A_248] : memref<200000x32xf32, #tpu.memory_space<hbm>> -> memref<200000x32xf32, #tpu.memory_space<hbm>>
        tpu.wait_indirect_dma semaphore(%arg13 : memref<!tpu.dma_semaphore, #tpu.memory_space<semaphore_mem>>) src(%dma_wait3A_249 : memref<200000x32xf32, #tpu.memory_space<hbm>>) dst(%arg10 : memref<128x32xf32, #tpu.memory_space<vmem>>)
        %run_scoped3A_250 = arith.constant 1 : i32
        "tpu.region"() ({
          %run_scoped3A_258 = tpu.sem_alloc : memref<!tpu.dma_semaphore, #tpu.memory_space<semaphore_mem>>
          %dma_start3A_259 = arith.constant 0 : i32
          %dma_start3A_260 = tpu.memref_slice %arg8[%run_scoped3A_250, %add3A_241, %dma_start3A_259] : memref<2x28x128xi32, #tpu.memory_space<vmem>> -> memref<1x1x128xi32, #tpu.memory_space<vmem>>
          %dma_start3A_261 = tpu.memref_squeeze %dma_start3A_260 : memref<1x1x128xi32, #tpu.memory_space<vmem>> -> memref<128xi32, #tpu.memory_space<vmem>>
          %dma_start3A_262 = arith.constant 0 : i32
          %dma_start3A_263 = arith.constant 0 : i32
          %dma_start3A_264 = tpu.memref_slice %arg7[%dma_start3A_262, %dma_start3A_263] : memref<50176x32xf32, #tpu.memory_space<vmem_shared>> -> memref<50176x32xf32, #tpu.memory_space<vmem_shared>>
          tpu.enqueue_indirect_dma source(%arg10 : memref<128x32xf32, #tpu.memory_space<vmem>>) target(%dma_start3A_264 : memref<50176x32xf32, #tpu.memory_space<vmem_shared>>) offsets(%dma_start3A_261 : memref<128xi32, #tpu.memory_space<vmem>>) semaphore(%run_scoped3A_258 : memref<!tpu.dma_semaphore, #tpu.memory_space<semaphore_mem>>) {add = true}
          %dma_wait3A_265 = arith.constant 0 : i32
          %dma_wait3A_266 = tpu.memref_slice %arg8[%run_scoped3A_250, %add3A_241, %dma_wait3A_265] : memref<2x28x128xi32, #tpu.memory_space<vmem>> -> memref<1x1x128xi32, #tpu.memory_space<vmem>>
          %dma_wait3A_267 = tpu.memref_squeeze %dma_wait3A_266 : memref<1x1x128xi32, #tpu.memory_space<vmem>> -> memref<128xi32, #tpu.memory_space<vmem>>
          %dma_wait3A_268 = arith.constant 0 : i32
          %dma_wait3A_269 = arith.constant 0 : i32
          %dma_wait3A_270 = tpu.memref_slice %arg7[%dma_wait3A_268, %dma_wait3A_269] : memref<50176x32xf32, #tpu.memory_space<vmem_shared>> -> memref<50176x32xf32, #tpu.memory_space<vmem_shared>>
          tpu.wait_indirect_dma semaphore(%run_scoped3A_258 : memref<!tpu.dma_semaphore, #tpu.memory_space<semaphore_mem>>) src(%arg10 : memref<128x32xf32, #tpu.memory_space<vmem>>) dst(%dma_wait3A_270 : memref<50176x32xf32, #tpu.memory_space<vmem_shared>>)
          tpu.yield
        }) : () -> ()
        %add3A_251 = arith.constant 2 : i32
        %add3A_252 = arith.addi %add3A_241, %add3A_251 : i32
        %lt3A_253 = arith.constant 28 : i32
        %lt3A_254 = arith.cmpi slt, %add3A_252, %lt3A_253 : i32
        %convert_element_type3A_255 = arith.extui %lt3A_254 : i1 to i32
        %cond3A_256 = arith.constant 0 : i32
        %cond3A_257 = arith.cmpi ne, %convert_element_type3A_255, %cond3A_256 : i32
        scf.if %cond3A_257 {
          %add3A_258 = arith.constant 2 : i32
          %add3A_259 = arith.addi %add3A_241, %add3A_258 : i32
          %dma_start3A_260 = arith.constant 0 : i32
          %dma_start3A_261 = arith.constant 0 : i32
          %dma_start3A_262 = tpu.memref_slice %arg8[%dma_start3A_260, %add3A_259, %dma_start3A_261] : memref<2x28x128xi32, #tpu.memory_space<vmem>> -> memref<1x1x128xi32, #tpu.memory_space<vmem>>
          %dma_start3A_263 = tpu.memref_squeeze %dma_start3A_262 : memref<1x1x128xi32, #tpu.memory_space<vmem>> -> memref<128xi32, #tpu.memory_space<vmem>>
          %dma_start3A_264 = arith.constant 0 : i32
          %dma_start3A_265 = arith.constant 0 : i32
          %dma_start3A_266 = tpu.memref_slice %arg2[%dma_start3A_264, %dma_start3A_265] : memref<200000x32xf32, #tpu.memory_space<hbm>> -> memref<200000x32xf32, #tpu.memory_space<hbm>>
          tpu.enqueue_indirect_dma source(%dma_start3A_266 : memref<200000x32xf32, #tpu.memory_space<hbm>>) target(%arg10 : memref<128x32xf32, #tpu.memory_space<vmem>>) offsets(%dma_start3A_263 : memref<128xi32, #tpu.memory_space<vmem>>) semaphore(%arg13 : memref<!tpu.dma_semaphore, #tpu.memory_space<semaphore_mem>>)
        } else {
        }
      }
      %scan3A_218 = arith.constant 14 : i32
    }
    %scan3A_133 = arith.constant 7 : i32
    %barrier3A_134 = arith.constant 0 : index
    tpu.barrier barrier_id(%barrier3A_134)
    %eq3A_135 = arith.constant 0 : i32
    %eq3A_136 = arith.cmpi eq, %arg0, %eq3A_135 : i32
    %convert_element_type3A_137 = arith.extui %eq3A_136 : i1 to i32
    %cond3A_138 = arith.constant 0 : i32
    %cond3A_139 = arith.cmpi ne, %convert_element_type3A_137, %cond3A_138 : i32
    scf.if %cond3A_139 {
      %mul3A_197 = arith.constant 3136 : i32
      %mul3A_198 = arith.muli %arg1, %mul3A_197 : i32
      %mul3A_199 = arith.constant 3136 : i32
      %mul3A_200 = arith.muli %arg1, %mul3A_199 : i32
      %run_scoped3A = arith.constant 2 : i32
      "tpu.region"() ({
        %run_scoped3A_201 = tpu.sem_alloc : memref<!tpu.dma_semaphore, #tpu.memory_space<semaphore_mem>>
        %dma_start3A = arith.constant 0 : i32
        %dma_start3A_202 = tpu.memref_slice %arg5[%run_scoped3A, %mul3A_200, %dma_start3A] : memref<4x50176x32xf32, #tpu.memory_space<hbm>> -> memref<1x3136x32xf32, #tpu.memory_space<hbm>>
        %dma_start3A_203 = tpu.memref_squeeze %dma_start3A_202 : memref<1x3136x32xf32, #tpu.memory_space<hbm>> -> memref<3136x32xf32, #tpu.memory_space<hbm>>
        %dma_start3A_204 = arith.constant 0 : i32
        %dma_start3A_205 = tpu.memref_slice %arg7[%mul3A_198, %dma_start3A_204] : memref<50176x32xf32, #tpu.memory_space<vmem_shared>> -> memref<3136x32xf32, #tpu.memory_space<vmem_shared>>
        tpu.enqueue_dma source(%dma_start3A_205 : memref<3136x32xf32, #tpu.memory_space<vmem_shared>>) target(%dma_start3A_203 : memref<3136x32xf32, #tpu.memory_space<hbm>>) target_semaphore(%run_scoped3A_201 : memref<!tpu.dma_semaphore, #tpu.memory_space<semaphore_mem>>)
        %dma_wait3A = arith.constant 0 : i32
        %dma_wait3A_206 = tpu.memref_slice %arg5[%run_scoped3A, %mul3A_200, %dma_wait3A] : memref<4x50176x32xf32, #tpu.memory_space<hbm>> -> memref<1x3136x32xf32, #tpu.memory_space<hbm>>
        %dma_wait3A_207 = tpu.memref_squeeze %dma_wait3A_206 : memref<1x3136x32xf32, #tpu.memory_space<hbm>> -> memref<3136x32xf32, #tpu.memory_space<hbm>>
        %dma_wait3A_208 = arith.constant 0 : i32
        %dma_wait3A_209 = tpu.memref_slice %arg7[%mul3A_198, %dma_wait3A_208] : memref<50176x32xf32, #tpu.memory_space<vmem_shared>> -> memref<3136x32xf32, #tpu.memory_space<vmem_shared>>
        tpu.wait_dma2 semaphore(%run_scoped3A_201 : memref<!tpu.dma_semaphore, #tpu.memory_space<semaphore_mem>>) src(%dma_wait3A_209 : memref<3136x32xf32, #tpu.memory_space<vmem_shared>>) dst(%dma_wait3A_207 : memref<3136x32xf32, #tpu.memory_space<hbm>>)
        tpu.yield
      }) : () -> ()
    } else {
    }
    %eq3A_140 = arith.constant 1 : i32
    %eq3A_141 = arith.cmpi eq, %arg0, %eq3A_140 : i32
    %convert_element_type3A_142 = arith.extui %eq3A_141 : i1 to i32
    %cond3A_143 = arith.constant 0 : i32
    %cond3A_144 = arith.cmpi ne, %convert_element_type3A_142, %cond3A_143 : i32
    scf.if %cond3A_144 {
      %mul3A_197 = arith.constant 3136 : i32
      %mul3A_198 = arith.muli %arg1, %mul3A_197 : i32
      %mul3A_199 = arith.constant 3136 : i32
      %mul3A_200 = arith.muli %arg1, %mul3A_199 : i32
      %run_scoped3A = arith.constant 2 : i32
      "tpu.region"() ({
        %run_scoped3A_201 = tpu.sem_alloc : memref<!tpu.dma_semaphore, #tpu.memory_space<semaphore_mem>>
        %dma_start3A = arith.constant 0 : i32
        %dma_start3A_202 = tpu.memref_slice %arg6[%run_scoped3A, %mul3A_200, %dma_start3A] : memref<4x50176x32xf32, #tpu.memory_space<hbm>> -> memref<1x3136x32xf32, #tpu.memory_space<hbm>>
        %dma_start3A_203 = tpu.memref_squeeze %dma_start3A_202 : memref<1x3136x32xf32, #tpu.memory_space<hbm>> -> memref<3136x32xf32, #tpu.memory_space<hbm>>
        %dma_start3A_204 = arith.constant 0 : i32
        %dma_start3A_205 = tpu.memref_slice %arg7[%mul3A_198, %dma_start3A_204] : memref<50176x32xf32, #tpu.memory_space<vmem_shared>> -> memref<3136x32xf32, #tpu.memory_space<vmem_shared>>
        tpu.enqueue_dma source(%dma_start3A_205 : memref<3136x32xf32, #tpu.memory_space<vmem_shared>>) target(%dma_start3A_203 : memref<3136x32xf32, #tpu.memory_space<hbm>>) target_semaphore(%run_scoped3A_201 : memref<!tpu.dma_semaphore, #tpu.memory_space<semaphore_mem>>)
        %dma_wait3A = arith.constant 0 : i32
        %dma_wait3A_206 = tpu.memref_slice %arg6[%run_scoped3A, %mul3A_200, %dma_wait3A] : memref<4x50176x32xf32, #tpu.memory_space<hbm>> -> memref<1x3136x32xf32, #tpu.memory_space<hbm>>
        %dma_wait3A_207 = tpu.memref_squeeze %dma_wait3A_206 : memref<1x3136x32xf32, #tpu.memory_space<hbm>> -> memref<3136x32xf32, #tpu.memory_space<hbm>>
        %dma_wait3A_208 = arith.constant 0 : i32
        %dma_wait3A_209 = tpu.memref_slice %arg7[%mul3A_198, %dma_wait3A_208] : memref<50176x32xf32, #tpu.memory_space<vmem_shared>> -> memref<3136x32xf32, #tpu.memory_space<vmem_shared>>
        tpu.wait_dma2 semaphore(%run_scoped3A_201 : memref<!tpu.dma_semaphore, #tpu.memory_space<semaphore_mem>>) src(%dma_wait3A_209 : memref<3136x32xf32, #tpu.memory_space<vmem_shared>>) dst(%dma_wait3A_207 : memref<3136x32xf32, #tpu.memory_space<hbm>>)
        tpu.yield
      }) : () -> ()
    } else {
    }
    %barrier3A_145 = arith.constant 0 : index
    tpu.barrier barrier_id(%barrier3A_145)
    %mul3A_146 = arith.constant 3136 : i32
    %mul3A_147 = arith.muli %arg1, %mul3A_146 : i32
    %add3A_148 = arith.constant 0 : i32
    %add3A_149 = arith.addi %mul3A_147, %add3A_148 : i32
    "tpu.region"() ({
      %run_scoped3A = tpu.sem_alloc : memref<!tpu.dma_semaphore, #tpu.memory_space<semaphore_mem>>
      %dma_start3A = arith.constant 0 : i32
      %dma_start3A_197 = tpu.memref_slice %arg7[%add3A_149, %dma_start3A] : memref<50176x32xf32, #tpu.memory_space<vmem_shared>> -> memref<392x32xf32, #tpu.memory_space<vmem_shared>>
      %dma_start3A_198 = arith.constant 0 : i32
      %dma_start3A_199 = tpu.memref_slice %arg7[%add3A_149, %dma_start3A_198] : memref<50176x32xf32, #tpu.memory_space<vmem_shared>> -> memref<392x32xf32, #tpu.memory_space<vmem_shared>>
      tpu.enqueue_dma source(%arg11 : memref<392x32xf32, #tpu.memory_space<vmem>>) target(%dma_start3A_199 : memref<392x32xf32, #tpu.memory_space<vmem_shared>>) target_semaphore(%run_scoped3A : memref<!tpu.dma_semaphore, #tpu.memory_space<semaphore_mem>>)
      %dma_wait3A = arith.constant 0 : i32
      %dma_wait3A_200 = tpu.memref_slice %arg7[%add3A_149, %dma_wait3A] : memref<50176x32xf32, #tpu.memory_space<vmem_shared>> -> memref<392x32xf32, #tpu.memory_space<vmem_shared>>
      %dma_wait3A_201 = arith.constant 0 : i32
      %dma_wait3A_202 = tpu.memref_slice %arg7[%add3A_149, %dma_wait3A_201] : memref<50176x32xf32, #tpu.memory_space<vmem_shared>> -> memref<392x32xf32, #tpu.memory_space<vmem_shared>>
      tpu.wait_dma2 semaphore(%run_scoped3A : memref<!tpu.dma_semaphore, #tpu.memory_space<semaphore_mem>>) src(%arg11 : memref<392x32xf32, #tpu.memory_space<vmem>>) dst(%dma_wait3A_202 : memref<392x32xf32, #tpu.memory_space<vmem_shared>>)
      tpu.yield
    }) : () -> ()
    %mul3A_150 = arith.constant 3136 : i32
    %mul3A_151 = arith.muli %arg1, %mul3A_150 : i32
    %add3A_152 = arith.constant 392 : i32
    %add3A_153 = arith.addi %mul3A_151, %add3A_152 : i32
    "tpu.region"() ({
      %run_scoped3A = tpu.sem_alloc : memref<!tpu.dma_semaphore, #tpu.memory_space<semaphore_mem>>
      %dma_start3A = arith.constant 0 : i32
      %dma_start3A_197 = tpu.memref_slice %arg7[%add3A_153, %dma_start3A] : memref<50176x32xf32, #tpu.memory_space<vmem_shared>> -> memref<392x32xf32, #tpu.memory_space<vmem_shared>>
      %dma_start3A_198 = arith.constant 0 : i32
      %dma_start3A_199 = tpu.memref_slice %arg7[%add3A_153, %dma_start3A_198] : memref<50176x32xf32, #tpu.memory_space<vmem_shared>> -> memref<392x32xf32, #tpu.memory_space<vmem_shared>>
      tpu.enqueue_dma source(%arg11 : memref<392x32xf32, #tpu.memory_space<vmem>>) target(%dma_start3A_199 : memref<392x32xf32, #tpu.memory_space<vmem_shared>>) target_semaphore(%run_scoped3A : memref<!tpu.dma_semaphore, #tpu.memory_space<semaphore_mem>>)
      %dma_wait3A = arith.constant 0 : i32
      %dma_wait3A_200 = tpu.memref_slice %arg7[%add3A_153, %dma_wait3A] : memref<50176x32xf32, #tpu.memory_space<vmem_shared>> -> memref<392x32xf32, #tpu.memory_space<vmem_shared>>
      %dma_wait3A_201 = arith.constant 0 : i32
      %dma_wait3A_202 = tpu.memref_slice %arg7[%add3A_153, %dma_wait3A_201] : memref<50176x32xf32, #tpu.memory_space<vmem_shared>> -> memref<392x32xf32, #tpu.memory_space<vmem_shared>>
      tpu.wait_dma2 semaphore(%run_scoped3A : memref<!tpu.dma_semaphore, #tpu.memory_space<semaphore_mem>>) src(%arg11 : memref<392x32xf32, #tpu.memory_space<vmem>>) dst(%dma_wait3A_202 : memref<392x32xf32, #tpu.memory_space<vmem_shared>>)
      tpu.yield
    }) : () -> ()
    %mul3A_154 = arith.constant 3136 : i32
    %mul3A_155 = arith.muli %arg1, %mul3A_154 : i32
    %add3A_156 = arith.constant 784 : i32
    %add3A_157 = arith.addi %mul3A_155, %add3A_156 : i32
    "tpu.region"() ({
      %run_scoped3A = tpu.sem_alloc : memref<!tpu.dma_semaphore, #tpu.memory_space<semaphore_mem>>
      %dma_start3A = arith.constant 0 : i32
      %dma_start3A_197 = tpu.memref_slice %arg7[%add3A_157, %dma_start3A] : memref<50176x32xf32, #tpu.memory_space<vmem_shared>> -> memref<392x32xf32, #tpu.memory_space<vmem_shared>>
      %dma_start3A_198 = arith.constant 0 : i32
      %dma_start3A_199 = tpu.memref_slice %arg7[%add3A_157, %dma_start3A_198] : memref<50176x32xf32, #tpu.memory_space<vmem_shared>> -> memref<392x32xf32, #tpu.memory_space<vmem_shared>>
      tpu.enqueue_dma source(%arg11 : memref<392x32xf32, #tpu.memory_space<vmem>>) target(%dma_start3A_199 : memref<392x32xf32, #tpu.memory_space<vmem_shared>>) target_semaphore(%run_scoped3A : memref<!tpu.dma_semaphore, #tpu.memory_space<semaphore_mem>>)
      %dma_wait3A = arith.constant 0 : i32
      %dma_wait3A_200 = tpu.memref_slice %arg7[%add3A_157, %dma_wait3A] : memref<50176x32xf32, #tpu.memory_space<vmem_shared>> -> memref<392x32xf32, #tpu.memory_space<vmem_shared>>
      %dma_wait3A_201 = arith.constant 0 : i32
      %dma_wait3A_202 = tpu.memref_slice %arg7[%add3A_157, %dma_wait3A_201] : memref<50176x32xf32, #tpu.memory_space<vmem_shared>> -> memref<392x32xf32, #tpu.memory_space<vmem_shared>>
      tpu.wait_dma2 semaphore(%run_scoped3A : memref<!tpu.dma_semaphore, #tpu.memory_space<semaphore_mem>>) src(%arg11 : memref<392x32xf32, #tpu.memory_space<vmem>>) dst(%dma_wait3A_202 : memref<392x32xf32, #tpu.memory_space<vmem_shared>>)
      tpu.yield
    }) : () -> ()
    %mul3A_158 = arith.constant 3136 : i32
    %mul3A_159 = arith.muli %arg1, %mul3A_158 : i32
    %add3A_160 = arith.constant 1176 : i32
    %add3A_161 = arith.addi %mul3A_159, %add3A_160 : i32
    "tpu.region"() ({
      %run_scoped3A = tpu.sem_alloc : memref<!tpu.dma_semaphore, #tpu.memory_space<semaphore_mem>>
      %dma_start3A = arith.constant 0 : i32
      %dma_start3A_197 = tpu.memref_slice %arg7[%add3A_161, %dma_start3A] : memref<50176x32xf32, #tpu.memory_space<vmem_shared>> -> memref<392x32xf32, #tpu.memory_space<vmem_shared>>
      %dma_start3A_198 = arith.constant 0 : i32
      %dma_start3A_199 = tpu.memref_slice %arg7[%add3A_161, %dma_start3A_198] : memref<50176x32xf32, #tpu.memory_space<vmem_shared>> -> memref<392x32xf32, #tpu.memory_space<vmem_shared>>
      tpu.enqueue_dma source(%arg11 : memref<392x32xf32, #tpu.memory_space<vmem>>) target(%dma_start3A_199 : memref<392x32xf32, #tpu.memory_space<vmem_shared>>) target_semaphore(%run_scoped3A : memref<!tpu.dma_semaphore, #tpu.memory_space<semaphore_mem>>)
      %dma_wait3A = arith.constant 0 : i32
      %dma_wait3A_200 = tpu.memref_slice %arg7[%add3A_161, %dma_wait3A] : memref<50176x32xf32, #tpu.memory_space<vmem_shared>> -> memref<392x32xf32, #tpu.memory_space<vmem_shared>>
      %dma_wait3A_201 = arith.constant 0 : i32
      %dma_wait3A_202 = tpu.memref_slice %arg7[%add3A_161, %dma_wait3A_201] : memref<50176x32xf32, #tpu.memory_space<vmem_shared>> -> memref<392x32xf32, #tpu.memory_space<vmem_shared>>
      tpu.wait_dma2 semaphore(%run_scoped3A : memref<!tpu.dma_semaphore, #tpu.memory_space<semaphore_mem>>) src(%arg11 : memref<392x32xf32, #tpu.memory_space<vmem>>) dst(%dma_wait3A_202 : memref<392x32xf32, #tpu.memory_space<vmem_shared>>)
      tpu.yield
    }) : () -> ()
    %mul3A_162 = arith.constant 3136 : i32
    %mul3A_163 = arith.muli %arg1, %mul3A_162 : i32
    %add3A_164 = arith.constant 1568 : i32
    %add3A_165 = arith.addi %mul3A_163, %add3A_164 : i32
    "tpu.region"() ({
      %run_scoped3A = tpu.sem_alloc : memref<!tpu.dma_semaphore, #tpu.memory_space<semaphore_mem>>
      %dma_start3A = arith.constant 0 : i32
      %dma_start3A_197 = tpu.memref_slice %arg7[%add3A_165, %dma_start3A] : memref<50176x32xf32, #tpu.memory_space<vmem_shared>> -> memref<392x32xf32, #tpu.memory_space<vmem_shared>>
      %dma_start3A_198 = arith.constant 0 : i32
      %dma_start3A_199 = tpu.memref_slice %arg7[%add3A_165, %dma_start3A_198] : memref<50176x32xf32, #tpu.memory_space<vmem_shared>> -> memref<392x32xf32, #tpu.memory_space<vmem_shared>>
      tpu.enqueue_dma source(%arg11 : memref<392x32xf32, #tpu.memory_space<vmem>>) target(%dma_start3A_199 : memref<392x32xf32, #tpu.memory_space<vmem_shared>>) target_semaphore(%run_scoped3A : memref<!tpu.dma_semaphore, #tpu.memory_space<semaphore_mem>>)
      %dma_wait3A = arith.constant 0 : i32
      %dma_wait3A_200 = tpu.memref_slice %arg7[%add3A_165, %dma_wait3A] : memref<50176x32xf32, #tpu.memory_space<vmem_shared>> -> memref<392x32xf32, #tpu.memory_space<vmem_shared>>
      %dma_wait3A_201 = arith.constant 0 : i32
      %dma_wait3A_202 = tpu.memref_slice %arg7[%add3A_165, %dma_wait3A_201] : memref<50176x32xf32, #tpu.memory_space<vmem_shared>> -> memref<392x32xf32, #tpu.memory_space<vmem_shared>>
      tpu.wait_dma2 semaphore(%run_scoped3A : memref<!tpu.dma_semaphore, #tpu.memory_space<semaphore_mem>>) src(%arg11 : memref<392x32xf32, #tpu.memory_space<vmem>>) dst(%dma_wait3A_202 : memref<392x32xf32, #tpu.memory_space<vmem_shared>>)
      tpu.yield
    }) : () -> ()
    %mul3A_166 = arith.constant 3136 : i32
    %mul3A_167 = arith.muli %arg1, %mul3A_166 : i32
    %add3A_168 = arith.constant 1960 : i32
    %add3A_169 = arith.addi %mul3A_167, %add3A_168 : i32
    "tpu.region"() ({
      %run_scoped3A = tpu.sem_alloc : memref<!tpu.dma_semaphore, #tpu.memory_space<semaphore_mem>>
      %dma_start3A = arith.constant 0 : i32
      %dma_start3A_197 = tpu.memref_slice %arg7[%add3A_169, %dma_start3A] : memref<50176x32xf32, #tpu.memory_space<vmem_shared>> -> memref<392x32xf32, #tpu.memory_space<vmem_shared>>
      %dma_start3A_198 = arith.constant 0 : i32
      %dma_start3A_199 = tpu.memref_slice %arg7[%add3A_169, %dma_start3A_198] : memref<50176x32xf32, #tpu.memory_space<vmem_shared>> -> memref<392x32xf32, #tpu.memory_space<vmem_shared>>
      tpu.enqueue_dma source(%arg11 : memref<392x32xf32, #tpu.memory_space<vmem>>) target(%dma_start3A_199 : memref<392x32xf32, #tpu.memory_space<vmem_shared>>) target_semaphore(%run_scoped3A : memref<!tpu.dma_semaphore, #tpu.memory_space<semaphore_mem>>)
      %dma_wait3A = arith.constant 0 : i32
      %dma_wait3A_200 = tpu.memref_slice %arg7[%add3A_169, %dma_wait3A] : memref<50176x32xf32, #tpu.memory_space<vmem_shared>> -> memref<392x32xf32, #tpu.memory_space<vmem_shared>>
      %dma_wait3A_201 = arith.constant 0 : i32
      %dma_wait3A_202 = tpu.memref_slice %arg7[%add3A_169, %dma_wait3A_201] : memref<50176x32xf32, #tpu.memory_space<vmem_shared>> -> memref<392x32xf32, #tpu.memory_space<vmem_shared>>
      tpu.wait_dma2 semaphore(%run_scoped3A : memref<!tpu.dma_semaphore, #tpu.memory_space<semaphore_mem>>) src(%arg11 : memref<392x32xf32, #tpu.memory_space<vmem>>) dst(%dma_wait3A_202 : memref<392x32xf32, #tpu.memory_space<vmem_shared>>)
      tpu.yield
    }) : () -> ()
    %mul3A_170 = arith.constant 3136 : i32
    %mul3A_171 = arith.muli %arg1, %mul3A_170 : i32
    %add3A_172 = arith.constant 2352 : i32
    %add3A_173 = arith.addi %mul3A_171, %add3A_172 : i32
    "tpu.region"() ({
      %run_scoped3A = tpu.sem_alloc : memref<!tpu.dma_semaphore, #tpu.memory_space<semaphore_mem>>
      %dma_start3A = arith.constant 0 : i32
      %dma_start3A_197 = tpu.memref_slice %arg7[%add3A_173, %dma_start3A] : memref<50176x32xf32, #tpu.memory_space<vmem_shared>> -> memref<392x32xf32, #tpu.memory_space<vmem_shared>>
      %dma_start3A_198 = arith.constant 0 : i32
      %dma_start3A_199 = tpu.memref_slice %arg7[%add3A_173, %dma_start3A_198] : memref<50176x32xf32, #tpu.memory_space<vmem_shared>> -> memref<392x32xf32, #tpu.memory_space<vmem_shared>>
      tpu.enqueue_dma source(%arg11 : memref<392x32xf32, #tpu.memory_space<vmem>>) target(%dma_start3A_199 : memref<392x32xf32, #tpu.memory_space<vmem_shared>>) target_semaphore(%run_scoped3A : memref<!tpu.dma_semaphore, #tpu.memory_space<semaphore_mem>>)
      %dma_wait3A = arith.constant 0 : i32
      %dma_wait3A_200 = tpu.memref_slice %arg7[%add3A_173, %dma_wait3A] : memref<50176x32xf32, #tpu.memory_space<vmem_shared>> -> memref<392x32xf32, #tpu.memory_space<vmem_shared>>
      %dma_wait3A_201 = arith.constant 0 : i32
      %dma_wait3A_202 = tpu.memref_slice %arg7[%add3A_173, %dma_wait3A_201] : memref<50176x32xf32, #tpu.memory_space<vmem_shared>> -> memref<392x32xf32, #tpu.memory_space<vmem_shared>>
      tpu.wait_dma2 semaphore(%run_scoped3A : memref<!tpu.dma_semaphore, #tpu.memory_space<semaphore_mem>>) src(%arg11 : memref<392x32xf32, #tpu.memory_space<vmem>>) dst(%dma_wait3A_202 : memref<392x32xf32, #tpu.memory_space<vmem_shared>>)
      tpu.yield
    }) : () -> ()
    %mul3A_174 = arith.constant 3136 : i32
    %mul3A_175 = arith.muli %arg1, %mul3A_174 : i32
    %add3A_176 = arith.constant 2744 : i32
    %add3A_177 = arith.addi %mul3A_175, %add3A_176 : i32
    "tpu.region"() ({
      %run_scoped3A = tpu.sem_alloc : memref<!tpu.dma_semaphore, #tpu.memory_space<semaphore_mem>>
      %dma_start3A = arith.constant 0 : i32
      %dma_start3A_197 = tpu.memref_slice %arg7[%add3A_177, %dma_start3A] : memref<50176x32xf32, #tpu.memory_space<vmem_shared>> -> memref<392x32xf32, #tpu.memory_space<vmem_shared>>
      %dma_start3A_198 = arith.constant 0 : i32
      %dma_start3A_199 = tpu.memref_slice %arg7[%add3A_177, %dma_start3A_198] : memref<50176x32xf32, #tpu.memory_space<vmem_shared>> -> memref<392x32xf32, #tpu.memory_space<vmem_shared>>
      tpu.enqueue_dma source(%arg11 : memref<392x32xf32, #tpu.memory_space<vmem>>) target(%dma_start3A_199 : memref<392x32xf32, #tpu.memory_space<vmem_shared>>) target_semaphore(%run_scoped3A : memref<!tpu.dma_semaphore, #tpu.memory_space<semaphore_mem>>)
      %dma_wait3A = arith.constant 0 : i32
      %dma_wait3A_200 = tpu.memref_slice %arg7[%add3A_177, %dma_wait3A] : memref<50176x32xf32, #tpu.memory_space<vmem_shared>> -> memref<392x32xf32, #tpu.memory_space<vmem_shared>>
      %dma_wait3A_201 = arith.constant 0 : i32
      %dma_wait3A_202 = tpu.memref_slice %arg7[%add3A_177, %dma_wait3A_201] : memref<50176x32xf32, #tpu.memory_space<vmem_shared>> -> memref<392x32xf32, #tpu.memory_space<vmem_shared>>
      tpu.wait_dma2 semaphore(%run_scoped3A : memref<!tpu.dma_semaphore, #tpu.memory_space<semaphore_mem>>) src(%arg11 : memref<392x32xf32, #tpu.memory_space<vmem>>) dst(%dma_wait3A_202 : memref<392x32xf32, #tpu.memory_space<vmem_shared>>)
      tpu.yield
    }) : () -> ()
    %barrier3A_178 = arith.constant 0 : index
    tpu.barrier barrier_id(%barrier3A_178)
    %scan3A_179 = arith.constant 0 : i32
    %scan3A_180 = arith.constant 0 : i32
    %scan3A_181 = arith.constant 7 : i32
    %scan3A_182 = arith.addi %scan3A_180, %scan3A_181 : i32
    %scan3A_183 = arith.constant 1 : i32
    scf.for %scan3A_197 = %scan3A_180 to %scan3A_182 step %scan3A_183  : i32 {
      %run_scoped3A = arith.constant 3 : i32
      "tpu.region"() ({
        %run_scoped3A_219 = tpu.sem_alloc : memref<!tpu.dma_semaphore, #tpu.memory_space<semaphore_mem>>
        %dma_start3A_220 = arith.constant 0 : i32
        %dma_start3A_221 = arith.constant 0 : i32
        %dma_start3A_222 = arith.constant 0 : i32
        %dma_start3A_223 = tpu.memref_slice %arg3[%arg0, %run_scoped3A, %arg1, %scan3A_197, %dma_start3A_220, %dma_start3A_221, %dma_start3A_222] : memref<2x4x16x7x2x28x128xi32, #tpu.memory_space<hbm>> -> memref<1x1x1x1x2x28x128xi32, #tpu.memory_space<hbm>>
        %dma_start3A_224 = tpu.memref_squeeze %dma_start3A_223 : memref<1x1x1x1x2x28x128xi32, #tpu.memory_space<hbm>> -> memref<2x28x128xi32, #tpu.memory_space<hbm>>
        %dma_start3A_225 = arith.constant 0 : i32
        %dma_start3A_226 = arith.constant 0 : i32
        %dma_start3A_227 = arith.constant 0 : i32
        %dma_start3A_228 = tpu.memref_slice %arg3[%arg0, %run_scoped3A, %arg1, %scan3A_197, %dma_start3A_225, %dma_start3A_226, %dma_start3A_227] : memref<2x4x16x7x2x28x128xi32, #tpu.memory_space<hbm>> -> memref<1x1x1x1x2x28x128xi32, #tpu.memory_space<hbm>>
        %dma_start3A_229 = tpu.memref_squeeze %dma_start3A_228 : memref<1x1x1x1x2x28x128xi32, #tpu.memory_space<hbm>> -> memref<2x28x128xi32, #tpu.memory_space<hbm>>
        tpu.enqueue_dma source(%dma_start3A_229 : memref<2x28x128xi32, #tpu.memory_space<hbm>>) target(%arg8 : memref<2x28x128xi32, #tpu.memory_space<vmem>>) target_semaphore(%run_scoped3A_219 : memref<!tpu.dma_semaphore, #tpu.memory_space<semaphore_mem>>)
        %dma_wait3A = arith.constant 0 : i32
        %dma_wait3A_230 = arith.constant 0 : i32
        %dma_wait3A_231 = arith.constant 0 : i32
        %dma_wait3A_232 = tpu.memref_slice %arg3[%arg0, %run_scoped3A, %arg1, %scan3A_197, %dma_wait3A, %dma_wait3A_230, %dma_wait3A_231] : memref<2x4x16x7x2x28x128xi32, #tpu.memory_space<hbm>> -> memref<1x1x1x1x2x28x128xi32, #tpu.memory_space<hbm>>
        %dma_wait3A_233 = tpu.memref_squeeze %dma_wait3A_232 : memref<1x1x1x1x2x28x128xi32, #tpu.memory_space<hbm>> -> memref<2x28x128xi32, #tpu.memory_space<hbm>>
        %dma_wait3A_234 = arith.constant 0 : i32
        %dma_wait3A_235 = arith.constant 0 : i32
        %dma_wait3A_236 = arith.constant 0 : i32
        %dma_wait3A_237 = tpu.memref_slice %arg3[%arg0, %run_scoped3A, %arg1, %scan3A_197, %dma_wait3A_234, %dma_wait3A_235, %dma_wait3A_236] : memref<2x4x16x7x2x28x128xi32, #tpu.memory_space<hbm>> -> memref<1x1x1x1x2x28x128xi32, #tpu.memory_space<hbm>>
        %dma_wait3A_238 = tpu.memref_squeeze %dma_wait3A_237 : memref<1x1x1x1x2x28x128xi32, #tpu.memory_space<hbm>> -> memref<2x28x128xi32, #tpu.memory_space<hbm>>
        tpu.wait_dma2 semaphore(%run_scoped3A_219 : memref<!tpu.dma_semaphore, #tpu.memory_space<semaphore_mem>>) src(%dma_wait3A_238 : memref<2x28x128xi32, #tpu.memory_space<hbm>>) dst(%arg8 : memref<2x28x128xi32, #tpu.memory_space<vmem>>)
        tpu.yield
      }) : () -> ()
      %dma_start3A = arith.constant 0 : i32
      %dma_start3A_198 = arith.constant 0 : i32
      %dma_start3A_199 = arith.constant 0 : i32
      %dma_start3A_200 = tpu.memref_slice %arg8[%dma_start3A, %dma_start3A_198, %dma_start3A_199] : memref<2x28x128xi32, #tpu.memory_space<vmem>> -> memref<1x1x128xi32, #tpu.memory_space<vmem>>
      %dma_start3A_201 = tpu.memref_squeeze %dma_start3A_200 : memref<1x1x128xi32, #tpu.memory_space<vmem>> -> memref<128xi32, #tpu.memory_space<vmem>>
      %dma_start3A_202 = arith.constant 0 : i32
      %dma_start3A_203 = arith.constant 0 : i32
      %dma_start3A_204 = tpu.memref_slice %arg2[%dma_start3A_202, %dma_start3A_203] : memref<200000x32xf32, #tpu.memory_space<hbm>> -> memref<200000x32xf32, #tpu.memory_space<hbm>>
      tpu.enqueue_indirect_dma source(%dma_start3A_204 : memref<200000x32xf32, #tpu.memory_space<hbm>>) target(%arg9 : memref<128x32xf32, #tpu.memory_space<vmem>>) offsets(%dma_start3A_201 : memref<128xi32, #tpu.memory_space<vmem>>) semaphore(%arg12 : memref<!tpu.dma_semaphore, #tpu.memory_space<semaphore_mem>>)
      %dma_start3A_205 = arith.constant 0 : i32
      %dma_start3A_206 = arith.constant 1 : i32
      %dma_start3A_207 = arith.constant 0 : i32
      %dma_start3A_208 = tpu.memref_slice %arg8[%dma_start3A_205, %dma_start3A_206, %dma_start3A_207] : memref<2x28x128xi32, #tpu.memory_space<vmem>> -> memref<1x1x128xi32, #tpu.memory_space<vmem>>
      %dma_start3A_209 = tpu.memref_squeeze %dma_start3A_208 : memref<1x1x128xi32, #tpu.memory_space<vmem>> -> memref<128xi32, #tpu.memory_space<vmem>>
      %dma_start3A_210 = arith.constant 0 : i32
      %dma_start3A_211 = arith.constant 0 : i32
      %dma_start3A_212 = tpu.memref_slice %arg2[%dma_start3A_210, %dma_start3A_211] : memref<200000x32xf32, #tpu.memory_space<hbm>> -> memref<200000x32xf32, #tpu.memory_space<hbm>>
      tpu.enqueue_indirect_dma source(%dma_start3A_212 : memref<200000x32xf32, #tpu.memory_space<hbm>>) target(%arg10 : memref<128x32xf32, #tpu.memory_space<vmem>>) offsets(%dma_start3A_209 : memref<128xi32, #tpu.memory_space<vmem>>) semaphore(%arg13 : memref<!tpu.dma_semaphore, #tpu.memory_space<semaphore_mem>>)
      %scan3A_213 = arith.constant 0 : i32
      %scan3A_214 = arith.constant 0 : i32
      %scan3A_215 = arith.constant 14 : i32
      %scan3A_216 = arith.addi %scan3A_214, %scan3A_215 : i32
      %scan3A_217 = arith.constant 1 : i32
      scf.for %scan3A_219 = %scan3A_214 to %scan3A_216 step %scan3A_217  : i32 {
        %mul3A_220 = arith.constant 2 : i32
        %mul3A_221 = arith.muli %scan3A_219, %mul3A_220 : i32
        %add3A_222 = arith.constant 0 : i32
        %add3A_223 = arith.addi %mul3A_221, %add3A_222 : i32
        %dma_wait3A = arith.constant 0 : i32
        %dma_wait3A_224 = arith.constant 0 : i32
        %dma_wait3A_225 = arith.constant 0 : i32
        %dma_wait3A_226 = tpu.memref_slice %arg8[%dma_wait3A, %dma_wait3A_224, %dma_wait3A_225] : memref<2x28x128xi32, #tpu.memory_space<vmem>> -> memref<1x1x128xi32, #tpu.memory_space<vmem>>
        %dma_wait3A_227 = tpu.memref_squeeze %dma_wait3A_226 : memref<1x1x128xi32, #tpu.memory_space<vmem>> -> memref<128xi32, #tpu.memory_space<vmem>>
        %dma_wait3A_228 = arith.constant 0 : i32
        %dma_wait3A_229 = arith.constant 0 : i32
        %dma_wait3A_230 = tpu.memref_slice %arg2[%dma_wait3A_228, %dma_wait3A_229] : memref<200000x32xf32, #tpu.memory_space<hbm>> -> memref<200000x32xf32, #tpu.memory_space<hbm>>
        tpu.wait_indirect_dma semaphore(%arg12 : memref<!tpu.dma_semaphore, #tpu.memory_space<semaphore_mem>>) src(%dma_wait3A_230 : memref<200000x32xf32, #tpu.memory_space<hbm>>) dst(%arg9 : memref<128x32xf32, #tpu.memory_space<vmem>>)
        %run_scoped3A_231 = arith.constant 1 : i32
        "tpu.region"() ({
          %run_scoped3A_258 = tpu.sem_alloc : memref<!tpu.dma_semaphore, #tpu.memory_space<semaphore_mem>>
          %dma_start3A_259 = arith.constant 0 : i32
          %dma_start3A_260 = tpu.memref_slice %arg8[%run_scoped3A_231, %add3A_223, %dma_start3A_259] : memref<2x28x128xi32, #tpu.memory_space<vmem>> -> memref<1x1x128xi32, #tpu.memory_space<vmem>>
          %dma_start3A_261 = tpu.memref_squeeze %dma_start3A_260 : memref<1x1x128xi32, #tpu.memory_space<vmem>> -> memref<128xi32, #tpu.memory_space<vmem>>
          %dma_start3A_262 = arith.constant 0 : i32
          %dma_start3A_263 = arith.constant 0 : i32
          %dma_start3A_264 = tpu.memref_slice %arg7[%dma_start3A_262, %dma_start3A_263] : memref<50176x32xf32, #tpu.memory_space<vmem_shared>> -> memref<50176x32xf32, #tpu.memory_space<vmem_shared>>
          tpu.enqueue_indirect_dma source(%arg9 : memref<128x32xf32, #tpu.memory_space<vmem>>) target(%dma_start3A_264 : memref<50176x32xf32, #tpu.memory_space<vmem_shared>>) offsets(%dma_start3A_261 : memref<128xi32, #tpu.memory_space<vmem>>) semaphore(%run_scoped3A_258 : memref<!tpu.dma_semaphore, #tpu.memory_space<semaphore_mem>>) {add = true}
          %dma_wait3A_265 = arith.constant 0 : i32
          %dma_wait3A_266 = tpu.memref_slice %arg8[%run_scoped3A_231, %add3A_223, %dma_wait3A_265] : memref<2x28x128xi32, #tpu.memory_space<vmem>> -> memref<1x1x128xi32, #tpu.memory_space<vmem>>
          %dma_wait3A_267 = tpu.memref_squeeze %dma_wait3A_266 : memref<1x1x128xi32, #tpu.memory_space<vmem>> -> memref<128xi32, #tpu.memory_space<vmem>>
          %dma_wait3A_268 = arith.constant 0 : i32
          %dma_wait3A_269 = arith.constant 0 : i32
          %dma_wait3A_270 = tpu.memref_slice %arg7[%dma_wait3A_268, %dma_wait3A_269] : memref<50176x32xf32, #tpu.memory_space<vmem_shared>> -> memref<50176x32xf32, #tpu.memory_space<vmem_shared>>
          tpu.wait_indirect_dma semaphore(%run_scoped3A_258 : memref<!tpu.dma_semaphore, #tpu.memory_space<semaphore_mem>>) src(%arg9 : memref<128x32xf32, #tpu.memory_space<vmem>>) dst(%dma_wait3A_270 : memref<50176x32xf32, #tpu.memory_space<vmem_shared>>)
          tpu.yield
        }) : () -> ()
        %add3A_232 = arith.constant 2 : i32
        %add3A_233 = arith.addi %add3A_223, %add3A_232 : i32
        %lt3A = arith.constant 28 : i32
        %lt3A_234 = arith.cmpi slt, %add3A_233, %lt3A : i32
        %convert_element_type3A_235 = arith.extui %lt3A_234 : i1 to i32
        %cond3A_236 = arith.constant 0 : i32
        %cond3A_237 = arith.cmpi ne, %convert_element_type3A_235, %cond3A_236 : i32
        scf.if %cond3A_237 {
          %add3A_258 = arith.constant 2 : i32
          %add3A_259 = arith.addi %add3A_223, %add3A_258 : i32
          %dma_start3A_260 = arith.constant 0 : i32
          %dma_start3A_261 = arith.constant 0 : i32
          %dma_start3A_262 = tpu.memref_slice %arg8[%dma_start3A_260, %add3A_259, %dma_start3A_261] : memref<2x28x128xi32, #tpu.memory_space<vmem>> -> memref<1x1x128xi32, #tpu.memory_space<vmem>>
          %dma_start3A_263 = tpu.memref_squeeze %dma_start3A_262 : memref<1x1x128xi32, #tpu.memory_space<vmem>> -> memref<128xi32, #tpu.memory_space<vmem>>
          %dma_start3A_264 = arith.constant 0 : i32
          %dma_start3A_265 = arith.constant 0 : i32
          %dma_start3A_266 = tpu.memref_slice %arg2[%dma_start3A_264, %dma_start3A_265] : memref<200000x32xf32, #tpu.memory_space<hbm>> -> memref<200000x32xf32, #tpu.memory_space<hbm>>
          tpu.enqueue_indirect_dma source(%dma_start3A_266 : memref<200000x32xf32, #tpu.memory_space<hbm>>) target(%arg9 : memref<128x32xf32, #tpu.memory_space<vmem>>) offsets(%dma_start3A_263 : memref<128xi32, #tpu.memory_space<vmem>>) semaphore(%arg12 : memref<!tpu.dma_semaphore, #tpu.memory_space<semaphore_mem>>)
        } else {
        }
        %mul3A_238 = arith.constant 2 : i32
        %mul3A_239 = arith.muli %scan3A_219, %mul3A_238 : i32
        %add3A_240 = arith.constant 1 : i32
        %add3A_241 = arith.addi %mul3A_239, %add3A_240 : i32
        %dma_wait3A_242 = arith.constant 0 : i32
        %dma_wait3A_243 = arith.constant 0 : i32
        %dma_wait3A_244 = arith.constant 0 : i32
        %dma_wait3A_245 = tpu.memref_slice %arg8[%dma_wait3A_242, %dma_wait3A_243, %dma_wait3A_244] : memref<2x28x128xi32, #tpu.memory_space<vmem>> -> memref<1x1x128xi32, #tpu.memory_space<vmem>>
        %dma_wait3A_246 = tpu.memref_squeeze %dma_wait3A_245 : memref<1x1x128xi32, #tpu.memory_space<vmem>> -> memref<128xi32, #tpu.memory_space<vmem>>
        %dma_wait3A_247 = arith.constant 0 : i32
        %dma_wait3A_248 = arith.constant 0 : i32
        %dma_wait3A_249 = tpu.memref_slice %arg2[%dma_wait3A_247, %dma_wait3A_248] : memref<200000x32xf32, #tpu.memory_space<hbm>> -> memref<200000x32xf32, #tpu.memory_space<hbm>>
        tpu.wait_indirect_dma semaphore(%arg13 : memref<!tpu.dma_semaphore, #tpu.memory_space<semaphore_mem>>) src(%dma_wait3A_249 : memref<200000x32xf32, #tpu.memory_space<hbm>>) dst(%arg10 : memref<128x32xf32, #tpu.memory_space<vmem>>)
        %run_scoped3A_250 = arith.constant 1 : i32
        "tpu.region"() ({
          %run_scoped3A_258 = tpu.sem_alloc : memref<!tpu.dma_semaphore, #tpu.memory_space<semaphore_mem>>
          %dma_start3A_259 = arith.constant 0 : i32
          %dma_start3A_260 = tpu.memref_slice %arg8[%run_scoped3A_250, %add3A_241, %dma_start3A_259] : memref<2x28x128xi32, #tpu.memory_space<vmem>> -> memref<1x1x128xi32, #tpu.memory_space<vmem>>
          %dma_start3A_261 = tpu.memref_squeeze %dma_start3A_260 : memref<1x1x128xi32, #tpu.memory_space<vmem>> -> memref<128xi32, #tpu.memory_space<vmem>>
          %dma_start3A_262 = arith.constant 0 : i32
          %dma_start3A_263 = arith.constant 0 : i32
          %dma_start3A_264 = tpu.memref_slice %arg7[%dma_start3A_262, %dma_start3A_263] : memref<50176x32xf32, #tpu.memory_space<vmem_shared>> -> memref<50176x32xf32, #tpu.memory_space<vmem_shared>>
          tpu.enqueue_indirect_dma source(%arg10 : memref<128x32xf32, #tpu.memory_space<vmem>>) target(%dma_start3A_264 : memref<50176x32xf32, #tpu.memory_space<vmem_shared>>) offsets(%dma_start3A_261 : memref<128xi32, #tpu.memory_space<vmem>>) semaphore(%run_scoped3A_258 : memref<!tpu.dma_semaphore, #tpu.memory_space<semaphore_mem>>) {add = true}
          %dma_wait3A_265 = arith.constant 0 : i32
          %dma_wait3A_266 = tpu.memref_slice %arg8[%run_scoped3A_250, %add3A_241, %dma_wait3A_265] : memref<2x28x128xi32, #tpu.memory_space<vmem>> -> memref<1x1x128xi32, #tpu.memory_space<vmem>>
          %dma_wait3A_267 = tpu.memref_squeeze %dma_wait3A_266 : memref<1x1x128xi32, #tpu.memory_space<vmem>> -> memref<128xi32, #tpu.memory_space<vmem>>
          %dma_wait3A_268 = arith.constant 0 : i32
          %dma_wait3A_269 = arith.constant 0 : i32
          %dma_wait3A_270 = tpu.memref_slice %arg7[%dma_wait3A_268, %dma_wait3A_269] : memref<50176x32xf32, #tpu.memory_space<vmem_shared>> -> memref<50176x32xf32, #tpu.memory_space<vmem_shared>>
          tpu.wait_indirect_dma semaphore(%run_scoped3A_258 : memref<!tpu.dma_semaphore, #tpu.memory_space<semaphore_mem>>) src(%arg10 : memref<128x32xf32, #tpu.memory_space<vmem>>) dst(%dma_wait3A_270 : memref<50176x32xf32, #tpu.memory_space<vmem_shared>>)
          tpu.yield
        }) : () -> ()
        %add3A_251 = arith.constant 2 : i32
        %add3A_252 = arith.addi %add3A_241, %add3A_251 : i32
        %lt3A_253 = arith.constant 28 : i32
        %lt3A_254 = arith.cmpi slt, %add3A_252, %lt3A_253 : i32
        %convert_element_type3A_255 = arith.extui %lt3A_254 : i1 to i32
        %cond3A_256 = arith.constant 0 : i32
        %cond3A_257 = arith.cmpi ne, %convert_element_type3A_255, %cond3A_256 : i32
        scf.if %cond3A_257 {
          %add3A_258 = arith.constant 2 : i32
          %add3A_259 = arith.addi %add3A_241, %add3A_258 : i32
          %dma_start3A_260 = arith.constant 0 : i32
          %dma_start3A_261 = arith.constant 0 : i32
          %dma_start3A_262 = tpu.memref_slice %arg8[%dma_start3A_260, %add3A_259, %dma_start3A_261] : memref<2x28x128xi32, #tpu.memory_space<vmem>> -> memref<1x1x128xi32, #tpu.memory_space<vmem>>
          %dma_start3A_263 = tpu.memref_squeeze %dma_start3A_262 : memref<1x1x128xi32, #tpu.memory_space<vmem>> -> memref<128xi32, #tpu.memory_space<vmem>>
          %dma_start3A_264 = arith.constant 0 : i32
          %dma_start3A_265 = arith.constant 0 : i32
          %dma_start3A_266 = tpu.memref_slice %arg2[%dma_start3A_264, %dma_start3A_265] : memref<200000x32xf32, #tpu.memory_space<hbm>> -> memref<200000x32xf32, #tpu.memory_space<hbm>>
          tpu.enqueue_indirect_dma source(%dma_start3A_266 : memref<200000x32xf32, #tpu.memory_space<hbm>>) target(%arg10 : memref<128x32xf32, #tpu.memory_space<vmem>>) offsets(%dma_start3A_263 : memref<128xi32, #tpu.memory_space<vmem>>) semaphore(%arg13 : memref<!tpu.dma_semaphore, #tpu.memory_space<semaphore_mem>>)
        } else {
        }
      }
      %scan3A_218 = arith.constant 14 : i32
    }
    %scan3A_184 = arith.constant 7 : i32
    %barrier3A_185 = arith.constant 0 : index
    tpu.barrier barrier_id(%barrier3A_185)
    %eq3A_186 = arith.constant 0 : i32
    %eq3A_187 = arith.cmpi eq, %arg0, %eq3A_186 : i32
    %convert_element_type3A_188 = arith.extui %eq3A_187 : i1 to i32
    %cond3A_189 = arith.constant 0 : i32
    %cond3A_190 = arith.cmpi ne, %convert_element_type3A_188, %cond3A_189 : i32
    scf.if %cond3A_190 {
      %mul3A_197 = arith.constant 3136 : i32
      %mul3A_198 = arith.muli %arg1, %mul3A_197 : i32
      %mul3A_199 = arith.constant 3136 : i32
      %mul3A_200 = arith.muli %arg1, %mul3A_199 : i32
      %run_scoped3A = arith.constant 3 : i32
      "tpu.region"() ({
        %run_scoped3A_201 = tpu.sem_alloc : memref<!tpu.dma_semaphore, #tpu.memory_space<semaphore_mem>>
        %dma_start3A = arith.constant 0 : i32
        %dma_start3A_202 = tpu.memref_slice %arg5[%run_scoped3A, %mul3A_200, %dma_start3A] : memref<4x50176x32xf32, #tpu.memory_space<hbm>> -> memref<1x3136x32xf32, #tpu.memory_space<hbm>>
        %dma_start3A_203 = tpu.memref_squeeze %dma_start3A_202 : memref<1x3136x32xf32, #tpu.memory_space<hbm>> -> memref<3136x32xf32, #tpu.memory_space<hbm>>
        %dma_start3A_204 = arith.constant 0 : i32
        %dma_start3A_205 = tpu.memref_slice %arg7[%mul3A_198, %dma_start3A_204] : memref<50176x32xf32, #tpu.memory_space<vmem_shared>> -> memref<3136x32xf32, #tpu.memory_space<vmem_shared>>
        tpu.enqueue_dma source(%dma_start3A_205 : memref<3136x32xf32, #tpu.memory_space<vmem_shared>>) target(%dma_start3A_203 : memref<3136x32xf32, #tpu.memory_space<hbm>>) target_semaphore(%run_scoped3A_201 : memref<!tpu.dma_semaphore, #tpu.memory_space<semaphore_mem>>)
        %dma_wait3A = arith.constant 0 : i32
        %dma_wait3A_206 = tpu.memref_slice %arg5[%run_scoped3A, %mul3A_200, %dma_wait3A] : memref<4x50176x32xf32, #tpu.memory_space<hbm>> -> memref<1x3136x32xf32, #tpu.memory_space<hbm>>
        %dma_wait3A_207 = tpu.memref_squeeze %dma_wait3A_206 : memref<1x3136x32xf32, #tpu.memory_space<hbm>> -> memref<3136x32xf32, #tpu.memory_space<hbm>>
        %dma_wait3A_208 = arith.constant 0 : i32
        %dma_wait3A_209 = tpu.memref_slice %arg7[%mul3A_198, %dma_wait3A_208] : memref<50176x32xf32, #tpu.memory_space<vmem_shared>> -> memref<3136x32xf32, #tpu.memory_space<vmem_shared>>
        tpu.wait_dma2 semaphore(%run_scoped3A_201 : memref<!tpu.dma_semaphore, #tpu.memory_space<semaphore_mem>>) src(%dma_wait3A_209 : memref<3136x32xf32, #tpu.memory_space<vmem_shared>>) dst(%dma_wait3A_207 : memref<3136x32xf32, #tpu.memory_space<hbm>>)
        tpu.yield
      }) : () -> ()
    } else {
    }
    %eq3A_191 = arith.constant 1 : i32
    %eq3A_192 = arith.cmpi eq, %arg0, %eq3A_191 : i32
    %convert_element_type3A_193 = arith.extui %eq3A_192 : i1 to i32
    %cond3A_194 = arith.constant 0 : i32
    %cond3A_195 = arith.cmpi ne, %convert_element_type3A_193, %cond3A_194 : i32
    scf.if %cond3A_195 {
      %mul3A_197 = arith.constant 3136 : i32
      %mul3A_198 = arith.muli %arg1, %mul3A_197 : i32
      %mul3A_199 = arith.constant 3136 : i32
      %mul3A_200 = arith.muli %arg1, %mul3A_199 : i32
      %run_scoped3A = arith.constant 3 : i32
      "tpu.region"() ({
        %run_scoped3A_201 = tpu.sem_alloc : memref<!tpu.dma_semaphore, #tpu.memory_space<semaphore_mem>>
        %dma_start3A = arith.constant 0 : i32
        %dma_start3A_202 = tpu.memref_slice %arg6[%run_scoped3A, %mul3A_200, %dma_start3A] : memref<4x50176x32xf32, #tpu.memory_space<hbm>> -> memref<1x3136x32xf32, #tpu.memory_space<hbm>>
        %dma_start3A_203 = tpu.memref_squeeze %dma_start3A_202 : memref<1x3136x32xf32, #tpu.memory_space<hbm>> -> memref<3136x32xf32, #tpu.memory_space<hbm>>
        %dma_start3A_204 = arith.constant 0 : i32
        %dma_start3A_205 = tpu.memref_slice %arg7[%mul3A_198, %dma_start3A_204] : memref<50176x32xf32, #tpu.memory_space<vmem_shared>> -> memref<3136x32xf32, #tpu.memory_space<vmem_shared>>
        tpu.enqueue_dma source(%dma_start3A_205 : memref<3136x32xf32, #tpu.memory_space<vmem_shared>>) target(%dma_start3A_203 : memref<3136x32xf32, #tpu.memory_space<hbm>>) target_semaphore(%run_scoped3A_201 : memref<!tpu.dma_semaphore, #tpu.memory_space<semaphore_mem>>)
        %dma_wait3A = arith.constant 0 : i32
        %dma_wait3A_206 = tpu.memref_slice %arg6[%run_scoped3A, %mul3A_200, %dma_wait3A] : memref<4x50176x32xf32, #tpu.memory_space<hbm>> -> memref<1x3136x32xf32, #tpu.memory_space<hbm>>
        %dma_wait3A_207 = tpu.memref_squeeze %dma_wait3A_206 : memref<1x3136x32xf32, #tpu.memory_space<hbm>> -> memref<3136x32xf32, #tpu.memory_space<hbm>>
        %dma_wait3A_208 = arith.constant 0 : i32
        %dma_wait3A_209 = tpu.memref_slice %arg7[%mul3A_198, %dma_wait3A_208] : memref<50176x32xf32, #tpu.memory_space<vmem_shared>> -> memref<3136x32xf32, #tpu.memory_space<vmem_shared>>
        tpu.wait_dma2 semaphore(%run_scoped3A_201 : memref<!tpu.dma_semaphore, #tpu.memory_space<semaphore_mem>>) src(%dma_wait3A_209 : memref<3136x32xf32, #tpu.memory_space<vmem_shared>>) dst(%dma_wait3A_207 : memref<3136x32xf32, #tpu.memory_space<hbm>>)
        tpu.yield
      }) : () -> ()
    } else {
    }
    %barrier3A_196 = arith.constant 0 : index
    tpu.barrier barrier_id(%barrier3A_196)
    return
  }
}

#map = affine_map<(d0, d1) -> (0, 0)>
#map1 = affine_map<(d0, d1) -> (0, 0, 0, 0, 0, 0, 0)>
#map2 = affine_map<(d0, d1) -> (0, 0, 0)>
module attributes {stable_mosaic.version = 14 : i64} {
  func.func @_segsum_body(%arg0: i32, %arg1: i32, %arg2: memref<200000x32xf32, #tpu.memory_space<hbm>>, %arg3: memref<2x4x16x7x2x28x128xi32, #tpu.memory_space<hbm>>, %arg4: memref<392x32xf32, #tpu.memory_space<hbm>>, %arg5: memref<4x50176x32xf32, #tpu.memory_space<hbm>>, %arg6: memref<4x50176x32xf32, #tpu.memory_space<hbm>>, %arg7: memref<50176x32xf32, #tpu.memory_space<vmem_shared>>, %arg8: memref<2x28x128xi32, #tpu.memory_space<vmem>>, %arg9: memref<128x32xf32, #tpu.memory_space<vmem>>, %arg10: memref<128x32xf32, #tpu.memory_space<vmem>>, %arg11: memref<392x32xf32, #tpu.memory_space<vmem>>, %arg12: memref<!tpu.dma_semaphore, #tpu.memory_space<semaphore_mem>>, %arg13: memref<!tpu.dma_semaphore, #tpu.memory_space<semaphore_mem>>) attributes {dimension_semantics = [#tpu.dimension_semantics<core_parallel>, #tpu.dimension_semantics<subcore_parallel>], iteration_bounds = array<i64: 2, 16>, scalar_prefetch = 0 : i64, scratch_operands = 7 : i64, tpu.core_type = #tpu.core_type<sc_vector_subcore>, window_params = [{transform_indices = #map}, {transform_indices = #map1}, {transform_indices = #map}, {transform_indices = #map2}, {transform_indices = #map2}]} {
    "tpu.region"() ({
      %run_scoped3A = tpu.sem_alloc : memref<!tpu.dma_semaphore, #tpu.memory_space<semaphore_mem>>
      tpu.enqueue_dma source(%arg4 : memref<392x32xf32, #tpu.memory_space<hbm>>) target(%arg11 : memref<392x32xf32, #tpu.memory_space<vmem>>) target_semaphore(%run_scoped3A : memref<!tpu.dma_semaphore, #tpu.memory_space<semaphore_mem>>)
      tpu.wait_dma2 semaphore(%run_scoped3A : memref<!tpu.dma_semaphore, #tpu.memory_space<semaphore_mem>>) src(%arg4 : memref<392x32xf32, #tpu.memory_space<hbm>>) dst(%arg11 : memref<392x32xf32, #tpu.memory_space<vmem>>)
      tpu.yield
    }) : () -> ()
    %mul3A = arith.constant 3136 : i32
    %mul3A_0 = arith.muli %arg1, %mul3A : i32
    %add3A = arith.constant 0 : i32
    %add3A_1 = arith.addi %mul3A_0, %add3A : i32
    "tpu.region"() ({
      %run_scoped3A = tpu.sem_alloc : memref<!tpu.dma_semaphore, #tpu.memory_space<semaphore_mem>>
      %dma_start3A = arith.constant 0 : i32
      %dma_start3A_197 = tpu.memref_slice %arg7[%add3A_1, %dma_start3A] : memref<50176x32xf32, #tpu.memory_space<vmem_shared>> -> memref<392x32xf32, #tpu.memory_space<vmem_shared>>
      %dma_start3A_198 = arith.constant 0 : i32
      %dma_start3A_199 = tpu.memref_slice %arg7[%add3A_1, %dma_start3A_198] : memref<50176x32xf32, #tpu.memory_space<vmem_shared>> -> memref<392x32xf32, #tpu.memory_space<vmem_shared>>
      tpu.enqueue_dma source(%arg11 : memref<392x32xf32, #tpu.memory_space<vmem>>) target(%dma_start3A_199 : memref<392x32xf32, #tpu.memory_space<vmem_shared>>) target_semaphore(%run_scoped3A : memref<!tpu.dma_semaphore, #tpu.memory_space<semaphore_mem>>)
      %dma_wait3A = arith.constant 0 : i32
      %dma_wait3A_200 = tpu.memref_slice %arg7[%add3A_1, %dma_wait3A] : memref<50176x32xf32, #tpu.memory_space<vmem_shared>> -> memref<392x32xf32, #tpu.memory_space<vmem_shared>>
      %dma_wait3A_201 = arith.constant 0 : i32
      %dma_wait3A_202 = tpu.memref_slice %arg7[%add3A_1, %dma_wait3A_201] : memref<50176x32xf32, #tpu.memory_space<vmem_shared>> -> memref<392x32xf32, #tpu.memory_space<vmem_shared>>
      tpu.wait_dma2 semaphore(%run_scoped3A : memref<!tpu.dma_semaphore, #tpu.memory_space<semaphore_mem>>) src(%arg11 : memref<392x32xf32, #tpu.memory_space<vmem>>) dst(%dma_wait3A_202 : memref<392x32xf32, #tpu.memory_space<vmem_shared>>)
      tpu.yield
    }) : () -> ()
    %mul3A_2 = arith.constant 3136 : i32
    %mul3A_3 = arith.muli %arg1, %mul3A_2 : i32
    %add3A_4 = arith.constant 392 : i32
    %add3A_5 = arith.addi %mul3A_3, %add3A_4 : i32
    "tpu.region"() ({
      %run_scoped3A = tpu.sem_alloc : memref<!tpu.dma_semaphore, #tpu.memory_space<semaphore_mem>>
      %dma_start3A = arith.constant 0 : i32
      %dma_start3A_197 = tpu.memref_slice %arg7[%add3A_5, %dma_start3A] : memref<50176x32xf32, #tpu.memory_space<vmem_shared>> -> memref<392x32xf32, #tpu.memory_space<vmem_shared>>
      %dma_start3A_198 = arith.constant 0 : i32
      %dma_start3A_199 = tpu.memref_slice %arg7[%add3A_5, %dma_start3A_198] : memref<50176x32xf32, #tpu.memory_space<vmem_shared>> -> memref<392x32xf32, #tpu.memory_space<vmem_shared>>
      tpu.enqueue_dma source(%arg11 : memref<392x32xf32, #tpu.memory_space<vmem>>) target(%dma_start3A_199 : memref<392x32xf32, #tpu.memory_space<vmem_shared>>) target_semaphore(%run_scoped3A : memref<!tpu.dma_semaphore, #tpu.memory_space<semaphore_mem>>)
      %dma_wait3A = arith.constant 0 : i32
      %dma_wait3A_200 = tpu.memref_slice %arg7[%add3A_5, %dma_wait3A] : memref<50176x32xf32, #tpu.memory_space<vmem_shared>> -> memref<392x32xf32, #tpu.memory_space<vmem_shared>>
      %dma_wait3A_201 = arith.constant 0 : i32
      %dma_wait3A_202 = tpu.memref_slice %arg7[%add3A_5, %dma_wait3A_201] : memref<50176x32xf32, #tpu.memory_space<vmem_shared>> -> memref<392x32xf32, #tpu.memory_space<vmem_shared>>
      tpu.wait_dma2 semaphore(%run_scoped3A : memref<!tpu.dma_semaphore, #tpu.memory_space<semaphore_mem>>) src(%arg11 : memref<392x32xf32, #tpu.memory_space<vmem>>) dst(%dma_wait3A_202 : memref<392x32xf32, #tpu.memory_space<vmem_shared>>)
      tpu.yield
    }) : () -> ()
    %mul3A_6 = arith.constant 3136 : i32
    %mul3A_7 = arith.muli %arg1, %mul3A_6 : i32
    %add3A_8 = arith.constant 784 : i32
    %add3A_9 = arith.addi %mul3A_7, %add3A_8 : i32
    "tpu.region"() ({
      %run_scoped3A = tpu.sem_alloc : memref<!tpu.dma_semaphore, #tpu.memory_space<semaphore_mem>>
      %dma_start3A = arith.constant 0 : i32
      %dma_start3A_197 = tpu.memref_slice %arg7[%add3A_9, %dma_start3A] : memref<50176x32xf32, #tpu.memory_space<vmem_shared>> -> memref<392x32xf32, #tpu.memory_space<vmem_shared>>
      %dma_start3A_198 = arith.constant 0 : i32
      %dma_start3A_199 = tpu.memref_slice %arg7[%add3A_9, %dma_start3A_198] : memref<50176x32xf32, #tpu.memory_space<vmem_shared>> -> memref<392x32xf32, #tpu.memory_space<vmem_shared>>
      tpu.enqueue_dma source(%arg11 : memref<392x32xf32, #tpu.memory_space<vmem>>) target(%dma_start3A_199 : memref<392x32xf32, #tpu.memory_space<vmem_shared>>) target_semaphore(%run_scoped3A : memref<!tpu.dma_semaphore, #tpu.memory_space<semaphore_mem>>)
      %dma_wait3A = arith.constant 0 : i32
      %dma_wait3A_200 = tpu.memref_slice %arg7[%add3A_9, %dma_wait3A] : memref<50176x32xf32, #tpu.memory_space<vmem_shared>> -> memref<392x32xf32, #tpu.memory_space<vmem_shared>>
      %dma_wait3A_201 = arith.constant 0 : i32
      %dma_wait3A_202 = tpu.memref_slice %arg7[%add3A_9, %dma_wait3A_201] : memref<50176x32xf32, #tpu.memory_space<vmem_shared>> -> memref<392x32xf32, #tpu.memory_space<vmem_shared>>
      tpu.wait_dma2 semaphore(%run_scoped3A : memref<!tpu.dma_semaphore, #tpu.memory_space<semaphore_mem>>) src(%arg11 : memref<392x32xf32, #tpu.memory_space<vmem>>) dst(%dma_wait3A_202 : memref<392x32xf32, #tpu.memory_space<vmem_shared>>)
      tpu.yield
    }) : () -> ()
    %mul3A_10 = arith.constant 3136 : i32
    %mul3A_11 = arith.muli %arg1, %mul3A_10 : i32
    %add3A_12 = arith.constant 1176 : i32
    %add3A_13 = arith.addi %mul3A_11, %add3A_12 : i32
    "tpu.region"() ({
      %run_scoped3A = tpu.sem_alloc : memref<!tpu.dma_semaphore, #tpu.memory_space<semaphore_mem>>
      %dma_start3A = arith.constant 0 : i32
      %dma_start3A_197 = tpu.memref_slice %arg7[%add3A_13, %dma_start3A] : memref<50176x32xf32, #tpu.memory_space<vmem_shared>> -> memref<392x32xf32, #tpu.memory_space<vmem_shared>>
      %dma_start3A_198 = arith.constant 0 : i32
      %dma_start3A_199 = tpu.memref_slice %arg7[%add3A_13, %dma_start3A_198] : memref<50176x32xf32, #tpu.memory_space<vmem_shared>> -> memref<392x32xf32, #tpu.memory_space<vmem_shared>>
      tpu.enqueue_dma source(%arg11 : memref<392x32xf32, #tpu.memory_space<vmem>>) target(%dma_start3A_199 : memref<392x32xf32, #tpu.memory_space<vmem_shared>>) target_semaphore(%run_scoped3A : memref<!tpu.dma_semaphore, #tpu.memory_space<semaphore_mem>>)
      %dma_wait3A = arith.constant 0 : i32
      %dma_wait3A_200 = tpu.memref_slice %arg7[%add3A_13, %dma_wait3A] : memref<50176x32xf32, #tpu.memory_space<vmem_shared>> -> memref<392x32xf32, #tpu.memory_space<vmem_shared>>
      %dma_wait3A_201 = arith.constant 0 : i32
      %dma_wait3A_202 = tpu.memref_slice %arg7[%add3A_13, %dma_wait3A_201] : memref<50176x32xf32, #tpu.memory_space<vmem_shared>> -> memref<392x32xf32, #tpu.memory_space<vmem_shared>>
      tpu.wait_dma2 semaphore(%run_scoped3A : memref<!tpu.dma_semaphore, #tpu.memory_space<semaphore_mem>>) src(%arg11 : memref<392x32xf32, #tpu.memory_space<vmem>>) dst(%dma_wait3A_202 : memref<392x32xf32, #tpu.memory_space<vmem_shared>>)
      tpu.yield
    }) : () -> ()
    %mul3A_14 = arith.constant 3136 : i32
    %mul3A_15 = arith.muli %arg1, %mul3A_14 : i32
    %add3A_16 = arith.constant 1568 : i32
    %add3A_17 = arith.addi %mul3A_15, %add3A_16 : i32
    "tpu.region"() ({
      %run_scoped3A = tpu.sem_alloc : memref<!tpu.dma_semaphore, #tpu.memory_space<semaphore_mem>>
      %dma_start3A = arith.constant 0 : i32
      %dma_start3A_197 = tpu.memref_slice %arg7[%add3A_17, %dma_start3A] : memref<50176x32xf32, #tpu.memory_space<vmem_shared>> -> memref<392x32xf32, #tpu.memory_space<vmem_shared>>
      %dma_start3A_198 = arith.constant 0 : i32
      %dma_start3A_199 = tpu.memref_slice %arg7[%add3A_17, %dma_start3A_198] : memref<50176x32xf32, #tpu.memory_space<vmem_shared>> -> memref<392x32xf32, #tpu.memory_space<vmem_shared>>
      tpu.enqueue_dma source(%arg11 : memref<392x32xf32, #tpu.memory_space<vmem>>) target(%dma_start3A_199 : memref<392x32xf32, #tpu.memory_space<vmem_shared>>) target_semaphore(%run_scoped3A : memref<!tpu.dma_semaphore, #tpu.memory_space<semaphore_mem>>)
      %dma_wait3A = arith.constant 0 : i32
      %dma_wait3A_200 = tpu.memref_slice %arg7[%add3A_17, %dma_wait3A] : memref<50176x32xf32, #tpu.memory_space<vmem_shared>> -> memref<392x32xf32, #tpu.memory_space<vmem_shared>>
      %dma_wait3A_201 = arith.constant 0 : i32
      %dma_wait3A_202 = tpu.memref_slice %arg7[%add3A_17, %dma_wait3A_201] : memref<50176x32xf32, #tpu.memory_space<vmem_shared>> -> memref<392x32xf32, #tpu.memory_space<vmem_shared>>
      tpu.wait_dma2 semaphore(%run_scoped3A : memref<!tpu.dma_semaphore, #tpu.memory_space<semaphore_mem>>) src(%arg11 : memref<392x32xf32, #tpu.memory_space<vmem>>) dst(%dma_wait3A_202 : memref<392x32xf32, #tpu.memory_space<vmem_shared>>)
      tpu.yield
    }) : () -> ()
    %mul3A_18 = arith.constant 3136 : i32
    %mul3A_19 = arith.muli %arg1, %mul3A_18 : i32
    %add3A_20 = arith.constant 1960 : i32
    %add3A_21 = arith.addi %mul3A_19, %add3A_20 : i32
    "tpu.region"() ({
      %run_scoped3A = tpu.sem_alloc : memref<!tpu.dma_semaphore, #tpu.memory_space<semaphore_mem>>
      %dma_start3A = arith.constant 0 : i32
      %dma_start3A_197 = tpu.memref_slice %arg7[%add3A_21, %dma_start3A] : memref<50176x32xf32, #tpu.memory_space<vmem_shared>> -> memref<392x32xf32, #tpu.memory_space<vmem_shared>>
      %dma_start3A_198 = arith.constant 0 : i32
      %dma_start3A_199 = tpu.memref_slice %arg7[%add3A_21, %dma_start3A_198] : memref<50176x32xf32, #tpu.memory_space<vmem_shared>> -> memref<392x32xf32, #tpu.memory_space<vmem_shared>>
      tpu.enqueue_dma source(%arg11 : memref<392x32xf32, #tpu.memory_space<vmem>>) target(%dma_start3A_199 : memref<392x32xf32, #tpu.memory_space<vmem_shared>>) target_semaphore(%run_scoped3A : memref<!tpu.dma_semaphore, #tpu.memory_space<semaphore_mem>>)
      %dma_wait3A = arith.constant 0 : i32
      %dma_wait3A_200 = tpu.memref_slice %arg7[%add3A_21, %dma_wait3A] : memref<50176x32xf32, #tpu.memory_space<vmem_shared>> -> memref<392x32xf32, #tpu.memory_space<vmem_shared>>
      %dma_wait3A_201 = arith.constant 0 : i32
      %dma_wait3A_202 = tpu.memref_slice %arg7[%add3A_21, %dma_wait3A_201] : memref<50176x32xf32, #tpu.memory_space<vmem_shared>> -> memref<392x32xf32, #tpu.memory_space<vmem_shared>>
      tpu.wait_dma2 semaphore(%run_scoped3A : memref<!tpu.dma_semaphore, #tpu.memory_space<semaphore_mem>>) src(%arg11 : memref<392x32xf32, #tpu.memory_space<vmem>>) dst(%dma_wait3A_202 : memref<392x32xf32, #tpu.memory_space<vmem_shared>>)
      tpu.yield
    }) : () -> ()
    %mul3A_22 = arith.constant 3136 : i32
    %mul3A_23 = arith.muli %arg1, %mul3A_22 : i32
    %add3A_24 = arith.constant 2352 : i32
    %add3A_25 = arith.addi %mul3A_23, %add3A_24 : i32
    "tpu.region"() ({
      %run_scoped3A = tpu.sem_alloc : memref<!tpu.dma_semaphore, #tpu.memory_space<semaphore_mem>>
      %dma_start3A = arith.constant 0 : i32
      %dma_start3A_197 = tpu.memref_slice %arg7[%add3A_25, %dma_start3A] : memref<50176x32xf32, #tpu.memory_space<vmem_shared>> -> memref<392x32xf32, #tpu.memory_space<vmem_shared>>
      %dma_start3A_198 = arith.constant 0 : i32
      %dma_start3A_199 = tpu.memref_slice %arg7[%add3A_25, %dma_start3A_198] : memref<50176x32xf32, #tpu.memory_space<vmem_shared>> -> memref<392x32xf32, #tpu.memory_space<vmem_shared>>
      tpu.enqueue_dma source(%arg11 : memref<392x32xf32, #tpu.memory_space<vmem>>) target(%dma_start3A_199 : memref<392x32xf32, #tpu.memory_space<vmem_shared>>) target_semaphore(%run_scoped3A : memref<!tpu.dma_semaphore, #tpu.memory_space<semaphore_mem>>)
      %dma_wait3A = arith.constant 0 : i32
      %dma_wait3A_200 = tpu.memref_slice %arg7[%add3A_25, %dma_wait3A] : memref<50176x32xf32, #tpu.memory_space<vmem_shared>> -> memref<392x32xf32, #tpu.memory_space<vmem_shared>>
      %dma_wait3A_201 = arith.constant 0 : i32
      %dma_wait3A_202 = tpu.memref_slice %arg7[%add3A_25, %dma_wait3A_201] : memref<50176x32xf32, #tpu.memory_space<vmem_shared>> -> memref<392x32xf32, #tpu.memory_space<vmem_shared>>
      tpu.wait_dma2 semaphore(%run_scoped3A : memref<!tpu.dma_semaphore, #tpu.memory_space<semaphore_mem>>) src(%arg11 : memref<392x32xf32, #tpu.memory_space<vmem>>) dst(%dma_wait3A_202 : memref<392x32xf32, #tpu.memory_space<vmem_shared>>)
      tpu.yield
    }) : () -> ()
    %mul3A_26 = arith.constant 3136 : i32
    %mul3A_27 = arith.muli %arg1, %mul3A_26 : i32
    %add3A_28 = arith.constant 2744 : i32
    %add3A_29 = arith.addi %mul3A_27, %add3A_28 : i32
    "tpu.region"() ({
      %run_scoped3A = tpu.sem_alloc : memref<!tpu.dma_semaphore, #tpu.memory_space<semaphore_mem>>
      %dma_start3A = arith.constant 0 : i32
      %dma_start3A_197 = tpu.memref_slice %arg7[%add3A_29, %dma_start3A] : memref<50176x32xf32, #tpu.memory_space<vmem_shared>> -> memref<392x32xf32, #tpu.memory_space<vmem_shared>>
      %dma_start3A_198 = arith.constant 0 : i32
      %dma_start3A_199 = tpu.memref_slice %arg7[%add3A_29, %dma_start3A_198] : memref<50176x32xf32, #tpu.memory_space<vmem_shared>> -> memref<392x32xf32, #tpu.memory_space<vmem_shared>>
      tpu.enqueue_dma source(%arg11 : memref<392x32xf32, #tpu.memory_space<vmem>>) target(%dma_start3A_199 : memref<392x32xf32, #tpu.memory_space<vmem_shared>>) target_semaphore(%run_scoped3A : memref<!tpu.dma_semaphore, #tpu.memory_space<semaphore_mem>>)
      %dma_wait3A = arith.constant 0 : i32
      %dma_wait3A_200 = tpu.memref_slice %arg7[%add3A_29, %dma_wait3A] : memref<50176x32xf32, #tpu.memory_space<vmem_shared>> -> memref<392x32xf32, #tpu.memory_space<vmem_shared>>
      %dma_wait3A_201 = arith.constant 0 : i32
      %dma_wait3A_202 = tpu.memref_slice %arg7[%add3A_29, %dma_wait3A_201] : memref<50176x32xf32, #tpu.memory_space<vmem_shared>> -> memref<392x32xf32, #tpu.memory_space<vmem_shared>>
      tpu.wait_dma2 semaphore(%run_scoped3A : memref<!tpu.dma_semaphore, #tpu.memory_space<semaphore_mem>>) src(%arg11 : memref<392x32xf32, #tpu.memory_space<vmem>>) dst(%dma_wait3A_202 : memref<392x32xf32, #tpu.memory_space<vmem_shared>>)
      tpu.yield
    }) : () -> ()
    %barrier3A = arith.constant 0 : index
    tpu.barrier barrier_id(%barrier3A)
    %scan3A = arith.constant 0 : i32
    %scan3A_30 = arith.constant 0 : i32
    %scan3A_31 = arith.constant 7 : i32
    %scan3A_32 = arith.addi %scan3A_30, %scan3A_31 : i32
    %scan3A_33 = arith.constant 1 : i32
    scf.for %scan3A_197 = %scan3A_30 to %scan3A_32 step %scan3A_33  : i32 {
      %run_scoped3A = arith.constant 0 : i32
      "tpu.region"() ({
        %run_scoped3A_219 = tpu.sem_alloc : memref<!tpu.dma_semaphore, #tpu.memory_space<semaphore_mem>>
        %dma_start3A_220 = arith.constant 0 : i32
        %dma_start3A_221 = arith.constant 0 : i32
        %dma_start3A_222 = arith.constant 0 : i32
        %dma_start3A_223 = tpu.memref_slice %arg3[%arg0, %run_scoped3A, %arg1, %scan3A_197, %dma_start3A_220, %dma_start3A_221, %dma_start3A_222] : memref<2x4x16x7x2x28x128xi32, #tpu.memory_space<hbm>> -> memref<1x1x1x1x2x28x128xi32, #tpu.memory_space<hbm>>
        %dma_start3A_224 = tpu.memref_squeeze %dma_start3A_223 : memref<1x1x1x1x2x28x128xi32, #tpu.memory_space<hbm>> -> memref<2x28x128xi32, #tpu.memory_space<hbm>>
        %dma_start3A_225 = arith.constant 0 : i32
        %dma_start3A_226 = arith.constant 0 : i32
        %dma_start3A_227 = arith.constant 0 : i32
        %dma_start3A_228 = tpu.memref_slice %arg3[%arg0, %run_scoped3A, %arg1, %scan3A_197, %dma_start3A_225, %dma_start3A_226, %dma_start3A_227] : memref<2x4x16x7x2x28x128xi32, #tpu.memory_space<hbm>> -> memref<1x1x1x1x2x28x128xi32, #tpu.memory_space<hbm>>
        %dma_start3A_229 = tpu.memref_squeeze %dma_start3A_228 : memref<1x1x1x1x2x28x128xi32, #tpu.memory_space<hbm>> -> memref<2x28x128xi32, #tpu.memory_space<hbm>>
        tpu.enqueue_dma source(%dma_start3A_229 : memref<2x28x128xi32, #tpu.memory_space<hbm>>) target(%arg8 : memref<2x28x128xi32, #tpu.memory_space<vmem>>) target_semaphore(%run_scoped3A_219 : memref<!tpu.dma_semaphore, #tpu.memory_space<semaphore_mem>>)
        %dma_wait3A = arith.constant 0 : i32
        %dma_wait3A_230 = arith.constant 0 : i32
        %dma_wait3A_231 = arith.constant 0 : i32
        %dma_wait3A_232 = tpu.memref_slice %arg3[%arg0, %run_scoped3A, %arg1, %scan3A_197, %dma_wait3A, %dma_wait3A_230, %dma_wait3A_231] : memref<2x4x16x7x2x28x128xi32, #tpu.memory_space<hbm>> -> memref<1x1x1x1x2x28x128xi32, #tpu.memory_space<hbm>>
        %dma_wait3A_233 = tpu.memref_squeeze %dma_wait3A_232 : memref<1x1x1x1x2x28x128xi32, #tpu.memory_space<hbm>> -> memref<2x28x128xi32, #tpu.memory_space<hbm>>
        %dma_wait3A_234 = arith.constant 0 : i32
        %dma_wait3A_235 = arith.constant 0 : i32
        %dma_wait3A_236 = arith.constant 0 : i32
        %dma_wait3A_237 = tpu.memref_slice %arg3[%arg0, %run_scoped3A, %arg1, %scan3A_197, %dma_wait3A_234, %dma_wait3A_235, %dma_wait3A_236] : memref<2x4x16x7x2x28x128xi32, #tpu.memory_space<hbm>> -> memref<1x1x1x1x2x28x128xi32, #tpu.memory_space<hbm>>
        %dma_wait3A_238 = tpu.memref_squeeze %dma_wait3A_237 : memref<1x1x1x1x2x28x128xi32, #tpu.memory_space<hbm>> -> memref<2x28x128xi32, #tpu.memory_space<hbm>>
        tpu.wait_dma2 semaphore(%run_scoped3A_219 : memref<!tpu.dma_semaphore, #tpu.memory_space<semaphore_mem>>) src(%dma_wait3A_238 : memref<2x28x128xi32, #tpu.memory_space<hbm>>) dst(%arg8 : memref<2x28x128xi32, #tpu.memory_space<vmem>>)
        tpu.yield
      }) : () -> ()
      %dma_start3A = arith.constant 0 : i32
      %dma_start3A_198 = arith.constant 0 : i32
      %dma_start3A_199 = arith.constant 0 : i32
      %dma_start3A_200 = tpu.memref_slice %arg8[%dma_start3A, %dma_start3A_198, %dma_start3A_199] : memref<2x28x128xi32, #tpu.memory_space<vmem>> -> memref<1x1x128xi32, #tpu.memory_space<vmem>>
      %dma_start3A_201 = tpu.memref_squeeze %dma_start3A_200 : memref<1x1x128xi32, #tpu.memory_space<vmem>> -> memref<128xi32, #tpu.memory_space<vmem>>
      %dma_start3A_202 = arith.constant 0 : i32
      %dma_start3A_203 = arith.constant 0 : i32
      %dma_start3A_204 = tpu.memref_slice %arg2[%dma_start3A_202, %dma_start3A_203] : memref<200000x32xf32, #tpu.memory_space<hbm>> -> memref<200000x32xf32, #tpu.memory_space<hbm>>
      tpu.enqueue_indirect_dma source(%dma_start3A_204 : memref<200000x32xf32, #tpu.memory_space<hbm>>) target(%arg9 : memref<128x32xf32, #tpu.memory_space<vmem>>) offsets(%dma_start3A_201 : memref<128xi32, #tpu.memory_space<vmem>>) semaphore(%arg12 : memref<!tpu.dma_semaphore, #tpu.memory_space<semaphore_mem>>)
      %dma_start3A_205 = arith.constant 0 : i32
      %dma_start3A_206 = arith.constant 1 : i32
      %dma_start3A_207 = arith.constant 0 : i32
      %dma_start3A_208 = tpu.memref_slice %arg8[%dma_start3A_205, %dma_start3A_206, %dma_start3A_207] : memref<2x28x128xi32, #tpu.memory_space<vmem>> -> memref<1x1x128xi32, #tpu.memory_space<vmem>>
      %dma_start3A_209 = tpu.memref_squeeze %dma_start3A_208 : memref<1x1x128xi32, #tpu.memory_space<vmem>> -> memref<128xi32, #tpu.memory_space<vmem>>
      %dma_start3A_210 = arith.constant 0 : i32
      %dma_start3A_211 = arith.constant 0 : i32
      %dma_start3A_212 = tpu.memref_slice %arg2[%dma_start3A_210, %dma_start3A_211] : memref<200000x32xf32, #tpu.memory_space<hbm>> -> memref<200000x32xf32, #tpu.memory_space<hbm>>
      tpu.enqueue_indirect_dma source(%dma_start3A_212 : memref<200000x32xf32, #tpu.memory_space<hbm>>) target(%arg10 : memref<128x32xf32, #tpu.memory_space<vmem>>) offsets(%dma_start3A_209 : memref<128xi32, #tpu.memory_space<vmem>>) semaphore(%arg13 : memref<!tpu.dma_semaphore, #tpu.memory_space<semaphore_mem>>)
      %scan3A_213 = arith.constant 0 : i32
      %scan3A_214 = arith.constant 0 : i32
      %scan3A_215 = arith.constant 14 : i32
      %scan3A_216 = arith.addi %scan3A_214, %scan3A_215 : i32
      %scan3A_217 = arith.constant 1 : i32
      scf.for %scan3A_219 = %scan3A_214 to %scan3A_216 step %scan3A_217  : i32 {
        %mul3A_220 = arith.constant 2 : i32
        %mul3A_221 = arith.muli %scan3A_219, %mul3A_220 : i32
        %add3A_222 = arith.constant 0 : i32
        %add3A_223 = arith.addi %mul3A_221, %add3A_222 : i32
        %dma_wait3A = arith.constant 0 : i32
        %dma_wait3A_224 = arith.constant 0 : i32
        %dma_wait3A_225 = arith.constant 0 : i32
        %dma_wait3A_226 = tpu.memref_slice %arg8[%dma_wait3A, %dma_wait3A_224, %dma_wait3A_225] : memref<2x28x128xi32, #tpu.memory_space<vmem>> -> memref<1x1x128xi32, #tpu.memory_space<vmem>>
        %dma_wait3A_227 = tpu.memref_squeeze %dma_wait3A_226 : memref<1x1x128xi32, #tpu.memory_space<vmem>> -> memref<128xi32, #tpu.memory_space<vmem>>
        %dma_wait3A_228 = arith.constant 0 : i32
        %dma_wait3A_229 = arith.constant 0 : i32
        %dma_wait3A_230 = tpu.memref_slice %arg2[%dma_wait3A_228, %dma_wait3A_229] : memref<200000x32xf32, #tpu.memory_space<hbm>> -> memref<200000x32xf32, #tpu.memory_space<hbm>>
        tpu.wait_indirect_dma semaphore(%arg12 : memref<!tpu.dma_semaphore, #tpu.memory_space<semaphore_mem>>) src(%dma_wait3A_230 : memref<200000x32xf32, #tpu.memory_space<hbm>>) dst(%arg9 : memref<128x32xf32, #tpu.memory_space<vmem>>)
        %run_scoped3A_231 = arith.constant 1 : i32
        "tpu.region"() ({
          %run_scoped3A_258 = tpu.sem_alloc : memref<!tpu.dma_semaphore, #tpu.memory_space<semaphore_mem>>
          %dma_start3A_259 = arith.constant 0 : i32
          %dma_start3A_260 = tpu.memref_slice %arg8[%run_scoped3A_231, %add3A_223, %dma_start3A_259] : memref<2x28x128xi32, #tpu.memory_space<vmem>> -> memref<1x1x128xi32, #tpu.memory_space<vmem>>
          %dma_start3A_261 = tpu.memref_squeeze %dma_start3A_260 : memref<1x1x128xi32, #tpu.memory_space<vmem>> -> memref<128xi32, #tpu.memory_space<vmem>>
          %dma_start3A_262 = arith.constant 0 : i32
          %dma_start3A_263 = arith.constant 0 : i32
          %dma_start3A_264 = tpu.memref_slice %arg7[%dma_start3A_262, %dma_start3A_263] : memref<50176x32xf32, #tpu.memory_space<vmem_shared>> -> memref<50176x32xf32, #tpu.memory_space<vmem_shared>>
          tpu.enqueue_indirect_dma source(%arg9 : memref<128x32xf32, #tpu.memory_space<vmem>>) target(%dma_start3A_264 : memref<50176x32xf32, #tpu.memory_space<vmem_shared>>) offsets(%dma_start3A_261 : memref<128xi32, #tpu.memory_space<vmem>>) semaphore(%run_scoped3A_258 : memref<!tpu.dma_semaphore, #tpu.memory_space<semaphore_mem>>) {add = true}
          %dma_wait3A_265 = arith.constant 0 : i32
          %dma_wait3A_266 = tpu.memref_slice %arg8[%run_scoped3A_231, %add3A_223, %dma_wait3A_265] : memref<2x28x128xi32, #tpu.memory_space<vmem>> -> memref<1x1x128xi32, #tpu.memory_space<vmem>>
          %dma_wait3A_267 = tpu.memref_squeeze %dma_wait3A_266 : memref<1x1x128xi32, #tpu.memory_space<vmem>> -> memref<128xi32, #tpu.memory_space<vmem>>
          %dma_wait3A_268 = arith.constant 0 : i32
          %dma_wait3A_269 = arith.constant 0 : i32
          %dma_wait3A_270 = tpu.memref_slice %arg7[%dma_wait3A_268, %dma_wait3A_269] : memref<50176x32xf32, #tpu.memory_space<vmem_shared>> -> memref<50176x32xf32, #tpu.memory_space<vmem_shared>>
          tpu.wait_indirect_dma semaphore(%run_scoped3A_258 : memref<!tpu.dma_semaphore, #tpu.memory_space<semaphore_mem>>) src(%arg9 : memref<128x32xf32, #tpu.memory_space<vmem>>) dst(%dma_wait3A_270 : memref<50176x32xf32, #tpu.memory_space<vmem_shared>>)
          tpu.yield
        }) : () -> ()
        %add3A_232 = arith.constant 2 : i32
        %add3A_233 = arith.addi %add3A_223, %add3A_232 : i32
        %lt3A = arith.constant 28 : i32
        %lt3A_234 = arith.cmpi slt, %add3A_233, %lt3A : i32
        %convert_element_type3A_235 = arith.extui %lt3A_234 : i1 to i32
        %cond3A_236 = arith.constant 0 : i32
        %cond3A_237 = arith.cmpi ne, %convert_element_type3A_235, %cond3A_236 : i32
        scf.if %cond3A_237 {
          %add3A_258 = arith.constant 2 : i32
          %add3A_259 = arith.addi %add3A_223, %add3A_258 : i32
          %dma_start3A_260 = arith.constant 0 : i32
          %dma_start3A_261 = arith.constant 0 : i32
          %dma_start3A_262 = tpu.memref_slice %arg8[%dma_start3A_260, %add3A_259, %dma_start3A_261] : memref<2x28x128xi32, #tpu.memory_space<vmem>> -> memref<1x1x128xi32, #tpu.memory_space<vmem>>
          %dma_start3A_263 = tpu.memref_squeeze %dma_start3A_262 : memref<1x1x128xi32, #tpu.memory_space<vmem>> -> memref<128xi32, #tpu.memory_space<vmem>>
          %dma_start3A_264 = arith.constant 0 : i32
          %dma_start3A_265 = arith.constant 0 : i32
          %dma_start3A_266 = tpu.memref_slice %arg2[%dma_start3A_264, %dma_start3A_265] : memref<200000x32xf32, #tpu.memory_space<hbm>> -> memref<200000x32xf32, #tpu.memory_space<hbm>>
          tpu.enqueue_indirect_dma source(%dma_start3A_266 : memref<200000x32xf32, #tpu.memory_space<hbm>>) target(%arg9 : memref<128x32xf32, #tpu.memory_space<vmem>>) offsets(%dma_start3A_263 : memref<128xi32, #tpu.memory_space<vmem>>) semaphore(%arg12 : memref<!tpu.dma_semaphore, #tpu.memory_space<semaphore_mem>>)
        } else {
        }
        %mul3A_238 = arith.constant 2 : i32
        %mul3A_239 = arith.muli %scan3A_219, %mul3A_238 : i32
        %add3A_240 = arith.constant 1 : i32
        %add3A_241 = arith.addi %mul3A_239, %add3A_240 : i32
        %dma_wait3A_242 = arith.constant 0 : i32
        %dma_wait3A_243 = arith.constant 0 : i32
        %dma_wait3A_244 = arith.constant 0 : i32
        %dma_wait3A_245 = tpu.memref_slice %arg8[%dma_wait3A_242, %dma_wait3A_243, %dma_wait3A_244] : memref<2x28x128xi32, #tpu.memory_space<vmem>> -> memref<1x1x128xi32, #tpu.memory_space<vmem>>
        %dma_wait3A_246 = tpu.memref_squeeze %dma_wait3A_245 : memref<1x1x128xi32, #tpu.memory_space<vmem>> -> memref<128xi32, #tpu.memory_space<vmem>>
        %dma_wait3A_247 = arith.constant 0 : i32
        %dma_wait3A_248 = arith.constant 0 : i32
        %dma_wait3A_249 = tpu.memref_slice %arg2[%dma_wait3A_247, %dma_wait3A_248] : memref<200000x32xf32, #tpu.memory_space<hbm>> -> memref<200000x32xf32, #tpu.memory_space<hbm>>
        tpu.wait_indirect_dma semaphore(%arg13 : memref<!tpu.dma_semaphore, #tpu.memory_space<semaphore_mem>>) src(%dma_wait3A_249 : memref<200000x32xf32, #tpu.memory_space<hbm>>) dst(%arg10 : memref<128x32xf32, #tpu.memory_space<vmem>>)
        %run_scoped3A_250 = arith.constant 1 : i32
        "tpu.region"() ({
          %run_scoped3A_258 = tpu.sem_alloc : memref<!tpu.dma_semaphore, #tpu.memory_space<semaphore_mem>>
          %dma_start3A_259 = arith.constant 0 : i32
          %dma_start3A_260 = tpu.memref_slice %arg8[%run_scoped3A_250, %add3A_241, %dma_start3A_259] : memref<2x28x128xi32, #tpu.memory_space<vmem>> -> memref<1x1x128xi32, #tpu.memory_space<vmem>>
          %dma_start3A_261 = tpu.memref_squeeze %dma_start3A_260 : memref<1x1x128xi32, #tpu.memory_space<vmem>> -> memref<128xi32, #tpu.memory_space<vmem>>
          %dma_start3A_262 = arith.constant 0 : i32
          %dma_start3A_263 = arith.constant 0 : i32
          %dma_start3A_264 = tpu.memref_slice %arg7[%dma_start3A_262, %dma_start3A_263] : memref<50176x32xf32, #tpu.memory_space<vmem_shared>> -> memref<50176x32xf32, #tpu.memory_space<vmem_shared>>
          tpu.enqueue_indirect_dma source(%arg10 : memref<128x32xf32, #tpu.memory_space<vmem>>) target(%dma_start3A_264 : memref<50176x32xf32, #tpu.memory_space<vmem_shared>>) offsets(%dma_start3A_261 : memref<128xi32, #tpu.memory_space<vmem>>) semaphore(%run_scoped3A_258 : memref<!tpu.dma_semaphore, #tpu.memory_space<semaphore_mem>>) {add = true}
          %dma_wait3A_265 = arith.constant 0 : i32
          %dma_wait3A_266 = tpu.memref_slice %arg8[%run_scoped3A_250, %add3A_241, %dma_wait3A_265] : memref<2x28x128xi32, #tpu.memory_space<vmem>> -> memref<1x1x128xi32, #tpu.memory_space<vmem>>
          %dma_wait3A_267 = tpu.memref_squeeze %dma_wait3A_266 : memref<1x1x128xi32, #tpu.memory_space<vmem>> -> memref<128xi32, #tpu.memory_space<vmem>>
          %dma_wait3A_268 = arith.constant 0 : i32
          %dma_wait3A_269 = arith.constant 0 : i32
          %dma_wait3A_270 = tpu.memref_slice %arg7[%dma_wait3A_268, %dma_wait3A_269] : memref<50176x32xf32, #tpu.memory_space<vmem_shared>> -> memref<50176x32xf32, #tpu.memory_space<vmem_shared>>
          tpu.wait_indirect_dma semaphore(%run_scoped3A_258 : memref<!tpu.dma_semaphore, #tpu.memory_space<semaphore_mem>>) src(%arg10 : memref<128x32xf32, #tpu.memory_space<vmem>>) dst(%dma_wait3A_270 : memref<50176x32xf32, #tpu.memory_space<vmem_shared>>)
          tpu.yield
        }) : () -> ()
        %add3A_251 = arith.constant 2 : i32
        %add3A_252 = arith.addi %add3A_241, %add3A_251 : i32
        %lt3A_253 = arith.constant 28 : i32
        %lt3A_254 = arith.cmpi slt, %add3A_252, %lt3A_253 : i32
        %convert_element_type3A_255 = arith.extui %lt3A_254 : i1 to i32
        %cond3A_256 = arith.constant 0 : i32
        %cond3A_257 = arith.cmpi ne, %convert_element_type3A_255, %cond3A_256 : i32
        scf.if %cond3A_257 {
          %add3A_258 = arith.constant 2 : i32
          %add3A_259 = arith.addi %add3A_241, %add3A_258 : i32
          %dma_start3A_260 = arith.constant 0 : i32
          %dma_start3A_261 = arith.constant 0 : i32
          %dma_start3A_262 = tpu.memref_slice %arg8[%dma_start3A_260, %add3A_259, %dma_start3A_261] : memref<2x28x128xi32, #tpu.memory_space<vmem>> -> memref<1x1x128xi32, #tpu.memory_space<vmem>>
          %dma_start3A_263 = tpu.memref_squeeze %dma_start3A_262 : memref<1x1x128xi32, #tpu.memory_space<vmem>> -> memref<128xi32, #tpu.memory_space<vmem>>
          %dma_start3A_264 = arith.constant 0 : i32
          %dma_start3A_265 = arith.constant 0 : i32
          %dma_start3A_266 = tpu.memref_slice %arg2[%dma_start3A_264, %dma_start3A_265] : memref<200000x32xf32, #tpu.memory_space<hbm>> -> memref<200000x32xf32, #tpu.memory_space<hbm>>
          tpu.enqueue_indirect_dma source(%dma_start3A_266 : memref<200000x32xf32, #tpu.memory_space<hbm>>) target(%arg10 : memref<128x32xf32, #tpu.memory_space<vmem>>) offsets(%dma_start3A_263 : memref<128xi32, #tpu.memory_space<vmem>>) semaphore(%arg13 : memref<!tpu.dma_semaphore, #tpu.memory_space<semaphore_mem>>)
        } else {
        }
      }
      %scan3A_218 = arith.constant 14 : i32
    }
    %scan3A_34 = arith.constant 7 : i32
    %barrier3A_35 = arith.constant 0 : index
    tpu.barrier barrier_id(%barrier3A_35)
    %eq3A = arith.constant 0 : i32
    %eq3A_36 = arith.cmpi eq, %arg0, %eq3A : i32
    %convert_element_type3A = arith.extui %eq3A_36 : i1 to i32
    %cond3A = arith.constant 0 : i32
    %cond3A_37 = arith.cmpi ne, %convert_element_type3A, %cond3A : i32
    scf.if %cond3A_37 {
      %mul3A_197 = arith.constant 3136 : i32
      %mul3A_198 = arith.muli %arg1, %mul3A_197 : i32
      %mul3A_199 = arith.constant 3136 : i32
      %mul3A_200 = arith.muli %arg1, %mul3A_199 : i32
      %run_scoped3A = arith.constant 0 : i32
      "tpu.region"() ({
        %run_scoped3A_201 = tpu.sem_alloc : memref<!tpu.dma_semaphore, #tpu.memory_space<semaphore_mem>>
        %dma_start3A = arith.constant 0 : i32
        %dma_start3A_202 = tpu.memref_slice %arg5[%run_scoped3A, %mul3A_200, %dma_start3A] : memref<4x50176x32xf32, #tpu.memory_space<hbm>> -> memref<1x3136x32xf32, #tpu.memory_space<hbm>>
        %dma_start3A_203 = tpu.memref_squeeze %dma_start3A_202 : memref<1x3136x32xf32, #tpu.memory_space<hbm>> -> memref<3136x32xf32, #tpu.memory_space<hbm>>
        %dma_start3A_204 = arith.constant 0 : i32
        %dma_start3A_205 = tpu.memref_slice %arg7[%mul3A_198, %dma_start3A_204] : memref<50176x32xf32, #tpu.memory_space<vmem_shared>> -> memref<3136x32xf32, #tpu.memory_space<vmem_shared>>
        tpu.enqueue_dma source(%dma_start3A_205 : memref<3136x32xf32, #tpu.memory_space<vmem_shared>>) target(%dma_start3A_203 : memref<3136x32xf32, #tpu.memory_space<hbm>>) target_semaphore(%run_scoped3A_201 : memref<!tpu.dma_semaphore, #tpu.memory_space<semaphore_mem>>)
        %dma_wait3A = arith.constant 0 : i32
        %dma_wait3A_206 = tpu.memref_slice %arg5[%run_scoped3A, %mul3A_200, %dma_wait3A] : memref<4x50176x32xf32, #tpu.memory_space<hbm>> -> memref<1x3136x32xf32, #tpu.memory_space<hbm>>
        %dma_wait3A_207 = tpu.memref_squeeze %dma_wait3A_206 : memref<1x3136x32xf32, #tpu.memory_space<hbm>> -> memref<3136x32xf32, #tpu.memory_space<hbm>>
        %dma_wait3A_208 = arith.constant 0 : i32
        %dma_wait3A_209 = tpu.memref_slice %arg7[%mul3A_198, %dma_wait3A_208] : memref<50176x32xf32, #tpu.memory_space<vmem_shared>> -> memref<3136x32xf32, #tpu.memory_space<vmem_shared>>
        tpu.wait_dma2 semaphore(%run_scoped3A_201 : memref<!tpu.dma_semaphore, #tpu.memory_space<semaphore_mem>>) src(%dma_wait3A_209 : memref<3136x32xf32, #tpu.memory_space<vmem_shared>>) dst(%dma_wait3A_207 : memref<3136x32xf32, #tpu.memory_space<hbm>>)
        tpu.yield
      }) : () -> ()
    } else {
    }
    %eq3A_38 = arith.constant 1 : i32
    %eq3A_39 = arith.cmpi eq, %arg0, %eq3A_38 : i32
    %convert_element_type3A_40 = arith.extui %eq3A_39 : i1 to i32
    %cond3A_41 = arith.constant 0 : i32
    %cond3A_42 = arith.cmpi ne, %convert_element_type3A_40, %cond3A_41 : i32
    scf.if %cond3A_42 {
      %mul3A_197 = arith.constant 3136 : i32
      %mul3A_198 = arith.muli %arg1, %mul3A_197 : i32
      %mul3A_199 = arith.constant 3136 : i32
      %mul3A_200 = arith.muli %arg1, %mul3A_199 : i32
      %run_scoped3A = arith.constant 0 : i32
      "tpu.region"() ({
        %run_scoped3A_201 = tpu.sem_alloc : memref<!tpu.dma_semaphore, #tpu.memory_space<semaphore_mem>>
        %dma_start3A = arith.constant 0 : i32
        %dma_start3A_202 = tpu.memref_slice %arg6[%run_scoped3A, %mul3A_200, %dma_start3A] : memref<4x50176x32xf32, #tpu.memory_space<hbm>> -> memref<1x3136x32xf32, #tpu.memory_space<hbm>>
        %dma_start3A_203 = tpu.memref_squeeze %dma_start3A_202 : memref<1x3136x32xf32, #tpu.memory_space<hbm>> -> memref<3136x32xf32, #tpu.memory_space<hbm>>
        %dma_start3A_204 = arith.constant 0 : i32
        %dma_start3A_205 = tpu.memref_slice %arg7[%mul3A_198, %dma_start3A_204] : memref<50176x32xf32, #tpu.memory_space<vmem_shared>> -> memref<3136x32xf32, #tpu.memory_space<vmem_shared>>
        tpu.enqueue_dma source(%dma_start3A_205 : memref<3136x32xf32, #tpu.memory_space<vmem_shared>>) target(%dma_start3A_203 : memref<3136x32xf32, #tpu.memory_space<hbm>>) target_semaphore(%run_scoped3A_201 : memref<!tpu.dma_semaphore, #tpu.memory_space<semaphore_mem>>)
        %dma_wait3A = arith.constant 0 : i32
        %dma_wait3A_206 = tpu.memref_slice %arg6[%run_scoped3A, %mul3A_200, %dma_wait3A] : memref<4x50176x32xf32, #tpu.memory_space<hbm>> -> memref<1x3136x32xf32, #tpu.memory_space<hbm>>
        %dma_wait3A_207 = tpu.memref_squeeze %dma_wait3A_206 : memref<1x3136x32xf32, #tpu.memory_space<hbm>> -> memref<3136x32xf32, #tpu.memory_space<hbm>>
        %dma_wait3A_208 = arith.constant 0 : i32
        %dma_wait3A_209 = tpu.memref_slice %arg7[%mul3A_198, %dma_wait3A_208] : memref<50176x32xf32, #tpu.memory_space<vmem_shared>> -> memref<3136x32xf32, #tpu.memory_space<vmem_shared>>
        tpu.wait_dma2 semaphore(%run_scoped3A_201 : memref<!tpu.dma_semaphore, #tpu.memory_space<semaphore_mem>>) src(%dma_wait3A_209 : memref<3136x32xf32, #tpu.memory_space<vmem_shared>>) dst(%dma_wait3A_207 : memref<3136x32xf32, #tpu.memory_space<hbm>>)
        tpu.yield
      }) : () -> ()
    } else {
    }
    %barrier3A_43 = arith.constant 0 : index
    tpu.barrier barrier_id(%barrier3A_43)
    %mul3A_44 = arith.constant 3136 : i32
    %mul3A_45 = arith.muli %arg1, %mul3A_44 : i32
    %add3A_46 = arith.constant 0 : i32
    %add3A_47 = arith.addi %mul3A_45, %add3A_46 : i32
    "tpu.region"() ({
      %run_scoped3A = tpu.sem_alloc : memref<!tpu.dma_semaphore, #tpu.memory_space<semaphore_mem>>
      %dma_start3A = arith.constant 0 : i32
      %dma_start3A_197 = tpu.memref_slice %arg7[%add3A_47, %dma_start3A] : memref<50176x32xf32, #tpu.memory_space<vmem_shared>> -> memref<392x32xf32, #tpu.memory_space<vmem_shared>>
      %dma_start3A_198 = arith.constant 0 : i32
      %dma_start3A_199 = tpu.memref_slice %arg7[%add3A_47, %dma_start3A_198] : memref<50176x32xf32, #tpu.memory_space<vmem_shared>> -> memref<392x32xf32, #tpu.memory_space<vmem_shared>>
      tpu.enqueue_dma source(%arg11 : memref<392x32xf32, #tpu.memory_space<vmem>>) target(%dma_start3A_199 : memref<392x32xf32, #tpu.memory_space<vmem_shared>>) target_semaphore(%run_scoped3A : memref<!tpu.dma_semaphore, #tpu.memory_space<semaphore_mem>>)
      %dma_wait3A = arith.constant 0 : i32
      %dma_wait3A_200 = tpu.memref_slice %arg7[%add3A_47, %dma_wait3A] : memref<50176x32xf32, #tpu.memory_space<vmem_shared>> -> memref<392x32xf32, #tpu.memory_space<vmem_shared>>
      %dma_wait3A_201 = arith.constant 0 : i32
      %dma_wait3A_202 = tpu.memref_slice %arg7[%add3A_47, %dma_wait3A_201] : memref<50176x32xf32, #tpu.memory_space<vmem_shared>> -> memref<392x32xf32, #tpu.memory_space<vmem_shared>>
      tpu.wait_dma2 semaphore(%run_scoped3A : memref<!tpu.dma_semaphore, #tpu.memory_space<semaphore_mem>>) src(%arg11 : memref<392x32xf32, #tpu.memory_space<vmem>>) dst(%dma_wait3A_202 : memref<392x32xf32, #tpu.memory_space<vmem_shared>>)
      tpu.yield
    }) : () -> ()
    %mul3A_48 = arith.constant 3136 : i32
    %mul3A_49 = arith.muli %arg1, %mul3A_48 : i32
    %add3A_50 = arith.constant 392 : i32
    %add3A_51 = arith.addi %mul3A_49, %add3A_50 : i32
    "tpu.region"() ({
      %run_scoped3A = tpu.sem_alloc : memref<!tpu.dma_semaphore, #tpu.memory_space<semaphore_mem>>
      %dma_start3A = arith.constant 0 : i32
      %dma_start3A_197 = tpu.memref_slice %arg7[%add3A_51, %dma_start3A] : memref<50176x32xf32, #tpu.memory_space<vmem_shared>> -> memref<392x32xf32, #tpu.memory_space<vmem_shared>>
      %dma_start3A_198 = arith.constant 0 : i32
      %dma_start3A_199 = tpu.memref_slice %arg7[%add3A_51, %dma_start3A_198] : memref<50176x32xf32, #tpu.memory_space<vmem_shared>> -> memref<392x32xf32, #tpu.memory_space<vmem_shared>>
      tpu.enqueue_dma source(%arg11 : memref<392x32xf32, #tpu.memory_space<vmem>>) target(%dma_start3A_199 : memref<392x32xf32, #tpu.memory_space<vmem_shared>>) target_semaphore(%run_scoped3A : memref<!tpu.dma_semaphore, #tpu.memory_space<semaphore_mem>>)
      %dma_wait3A = arith.constant 0 : i32
      %dma_wait3A_200 = tpu.memref_slice %arg7[%add3A_51, %dma_wait3A] : memref<50176x32xf32, #tpu.memory_space<vmem_shared>> -> memref<392x32xf32, #tpu.memory_space<vmem_shared>>
      %dma_wait3A_201 = arith.constant 0 : i32
      %dma_wait3A_202 = tpu.memref_slice %arg7[%add3A_51, %dma_wait3A_201] : memref<50176x32xf32, #tpu.memory_space<vmem_shared>> -> memref<392x32xf32, #tpu.memory_space<vmem_shared>>
      tpu.wait_dma2 semaphore(%run_scoped3A : memref<!tpu.dma_semaphore, #tpu.memory_space<semaphore_mem>>) src(%arg11 : memref<392x32xf32, #tpu.memory_space<vmem>>) dst(%dma_wait3A_202 : memref<392x32xf32, #tpu.memory_space<vmem_shared>>)
      tpu.yield
    }) : () -> ()
    %mul3A_52 = arith.constant 3136 : i32
    %mul3A_53 = arith.muli %arg1, %mul3A_52 : i32
    %add3A_54 = arith.constant 784 : i32
    %add3A_55 = arith.addi %mul3A_53, %add3A_54 : i32
    "tpu.region"() ({
      %run_scoped3A = tpu.sem_alloc : memref<!tpu.dma_semaphore, #tpu.memory_space<semaphore_mem>>
      %dma_start3A = arith.constant 0 : i32
      %dma_start3A_197 = tpu.memref_slice %arg7[%add3A_55, %dma_start3A] : memref<50176x32xf32, #tpu.memory_space<vmem_shared>> -> memref<392x32xf32, #tpu.memory_space<vmem_shared>>
      %dma_start3A_198 = arith.constant 0 : i32
      %dma_start3A_199 = tpu.memref_slice %arg7[%add3A_55, %dma_start3A_198] : memref<50176x32xf32, #tpu.memory_space<vmem_shared>> -> memref<392x32xf32, #tpu.memory_space<vmem_shared>>
      tpu.enqueue_dma source(%arg11 : memref<392x32xf32, #tpu.memory_space<vmem>>) target(%dma_start3A_199 : memref<392x32xf32, #tpu.memory_space<vmem_shared>>) target_semaphore(%run_scoped3A : memref<!tpu.dma_semaphore, #tpu.memory_space<semaphore_mem>>)
      %dma_wait3A = arith.constant 0 : i32
      %dma_wait3A_200 = tpu.memref_slice %arg7[%add3A_55, %dma_wait3A] : memref<50176x32xf32, #tpu.memory_space<vmem_shared>> -> memref<392x32xf32, #tpu.memory_space<vmem_shared>>
      %dma_wait3A_201 = arith.constant 0 : i32
      %dma_wait3A_202 = tpu.memref_slice %arg7[%add3A_55, %dma_wait3A_201] : memref<50176x32xf32, #tpu.memory_space<vmem_shared>> -> memref<392x32xf32, #tpu.memory_space<vmem_shared>>
      tpu.wait_dma2 semaphore(%run_scoped3A : memref<!tpu.dma_semaphore, #tpu.memory_space<semaphore_mem>>) src(%arg11 : memref<392x32xf32, #tpu.memory_space<vmem>>) dst(%dma_wait3A_202 : memref<392x32xf32, #tpu.memory_space<vmem_shared>>)
      tpu.yield
    }) : () -> ()
    %mul3A_56 = arith.constant 3136 : i32
    %mul3A_57 = arith.muli %arg1, %mul3A_56 : i32
    %add3A_58 = arith.constant 1176 : i32
    %add3A_59 = arith.addi %mul3A_57, %add3A_58 : i32
    "tpu.region"() ({
      %run_scoped3A = tpu.sem_alloc : memref<!tpu.dma_semaphore, #tpu.memory_space<semaphore_mem>>
      %dma_start3A = arith.constant 0 : i32
      %dma_start3A_197 = tpu.memref_slice %arg7[%add3A_59, %dma_start3A] : memref<50176x32xf32, #tpu.memory_space<vmem_shared>> -> memref<392x32xf32, #tpu.memory_space<vmem_shared>>
      %dma_start3A_198 = arith.constant 0 : i32
      %dma_start3A_199 = tpu.memref_slice %arg7[%add3A_59, %dma_start3A_198] : memref<50176x32xf32, #tpu.memory_space<vmem_shared>> -> memref<392x32xf32, #tpu.memory_space<vmem_shared>>
      tpu.enqueue_dma source(%arg11 : memref<392x32xf32, #tpu.memory_space<vmem>>) target(%dma_start3A_199 : memref<392x32xf32, #tpu.memory_space<vmem_shared>>) target_semaphore(%run_scoped3A : memref<!tpu.dma_semaphore, #tpu.memory_space<semaphore_mem>>)
      %dma_wait3A = arith.constant 0 : i32
      %dma_wait3A_200 = tpu.memref_slice %arg7[%add3A_59, %dma_wait3A] : memref<50176x32xf32, #tpu.memory_space<vmem_shared>> -> memref<392x32xf32, #tpu.memory_space<vmem_shared>>
      %dma_wait3A_201 = arith.constant 0 : i32
      %dma_wait3A_202 = tpu.memref_slice %arg7[%add3A_59, %dma_wait3A_201] : memref<50176x32xf32, #tpu.memory_space<vmem_shared>> -> memref<392x32xf32, #tpu.memory_space<vmem_shared>>
      tpu.wait_dma2 semaphore(%run_scoped3A : memref<!tpu.dma_semaphore, #tpu.memory_space<semaphore_mem>>) src(%arg11 : memref<392x32xf32, #tpu.memory_space<vmem>>) dst(%dma_wait3A_202 : memref<392x32xf32, #tpu.memory_space<vmem_shared>>)
      tpu.yield
    }) : () -> ()
    %mul3A_60 = arith.constant 3136 : i32
    %mul3A_61 = arith.muli %arg1, %mul3A_60 : i32
    %add3A_62 = arith.constant 1568 : i32
    %add3A_63 = arith.addi %mul3A_61, %add3A_62 : i32
    "tpu.region"() ({
      %run_scoped3A = tpu.sem_alloc : memref<!tpu.dma_semaphore, #tpu.memory_space<semaphore_mem>>
      %dma_start3A = arith.constant 0 : i32
      %dma_start3A_197 = tpu.memref_slice %arg7[%add3A_63, %dma_start3A] : memref<50176x32xf32, #tpu.memory_space<vmem_shared>> -> memref<392x32xf32, #tpu.memory_space<vmem_shared>>
      %dma_start3A_198 = arith.constant 0 : i32
      %dma_start3A_199 = tpu.memref_slice %arg7[%add3A_63, %dma_start3A_198] : memref<50176x32xf32, #tpu.memory_space<vmem_shared>> -> memref<392x32xf32, #tpu.memory_space<vmem_shared>>
      tpu.enqueue_dma source(%arg11 : memref<392x32xf32, #tpu.memory_space<vmem>>) target(%dma_start3A_199 : memref<392x32xf32, #tpu.memory_space<vmem_shared>>) target_semaphore(%run_scoped3A : memref<!tpu.dma_semaphore, #tpu.memory_space<semaphore_mem>>)
      %dma_wait3A = arith.constant 0 : i32
      %dma_wait3A_200 = tpu.memref_slice %arg7[%add3A_63, %dma_wait3A] : memref<50176x32xf32, #tpu.memory_space<vmem_shared>> -> memref<392x32xf32, #tpu.memory_space<vmem_shared>>
      %dma_wait3A_201 = arith.constant 0 : i32
      %dma_wait3A_202 = tpu.memref_slice %arg7[%add3A_63, %dma_wait3A_201] : memref<50176x32xf32, #tpu.memory_space<vmem_shared>> -> memref<392x32xf32, #tpu.memory_space<vmem_shared>>
      tpu.wait_dma2 semaphore(%run_scoped3A : memref<!tpu.dma_semaphore, #tpu.memory_space<semaphore_mem>>) src(%arg11 : memref<392x32xf32, #tpu.memory_space<vmem>>) dst(%dma_wait3A_202 : memref<392x32xf32, #tpu.memory_space<vmem_shared>>)
      tpu.yield
    }) : () -> ()
    %mul3A_64 = arith.constant 3136 : i32
    %mul3A_65 = arith.muli %arg1, %mul3A_64 : i32
    %add3A_66 = arith.constant 1960 : i32
    %add3A_67 = arith.addi %mul3A_65, %add3A_66 : i32
    "tpu.region"() ({
      %run_scoped3A = tpu.sem_alloc : memref<!tpu.dma_semaphore, #tpu.memory_space<semaphore_mem>>
      %dma_start3A = arith.constant 0 : i32
      %dma_start3A_197 = tpu.memref_slice %arg7[%add3A_67, %dma_start3A] : memref<50176x32xf32, #tpu.memory_space<vmem_shared>> -> memref<392x32xf32, #tpu.memory_space<vmem_shared>>
      %dma_start3A_198 = arith.constant 0 : i32
      %dma_start3A_199 = tpu.memref_slice %arg7[%add3A_67, %dma_start3A_198] : memref<50176x32xf32, #tpu.memory_space<vmem_shared>> -> memref<392x32xf32, #tpu.memory_space<vmem_shared>>
      tpu.enqueue_dma source(%arg11 : memref<392x32xf32, #tpu.memory_space<vmem>>) target(%dma_start3A_199 : memref<392x32xf32, #tpu.memory_space<vmem_shared>>) target_semaphore(%run_scoped3A : memref<!tpu.dma_semaphore, #tpu.memory_space<semaphore_mem>>)
      %dma_wait3A = arith.constant 0 : i32
      %dma_wait3A_200 = tpu.memref_slice %arg7[%add3A_67, %dma_wait3A] : memref<50176x32xf32, #tpu.memory_space<vmem_shared>> -> memref<392x32xf32, #tpu.memory_space<vmem_shared>>
      %dma_wait3A_201 = arith.constant 0 : i32
      %dma_wait3A_202 = tpu.memref_slice %arg7[%add3A_67, %dma_wait3A_201] : memref<50176x32xf32, #tpu.memory_space<vmem_shared>> -> memref<392x32xf32, #tpu.memory_space<vmem_shared>>
      tpu.wait_dma2 semaphore(%run_scoped3A : memref<!tpu.dma_semaphore, #tpu.memory_space<semaphore_mem>>) src(%arg11 : memref<392x32xf32, #tpu.memory_space<vmem>>) dst(%dma_wait3A_202 : memref<392x32xf32, #tpu.memory_space<vmem_shared>>)
      tpu.yield
    }) : () -> ()
    %mul3A_68 = arith.constant 3136 : i32
    %mul3A_69 = arith.muli %arg1, %mul3A_68 : i32
    %add3A_70 = arith.constant 2352 : i32
    %add3A_71 = arith.addi %mul3A_69, %add3A_70 : i32
    "tpu.region"() ({
      %run_scoped3A = tpu.sem_alloc : memref<!tpu.dma_semaphore, #tpu.memory_space<semaphore_mem>>
      %dma_start3A = arith.constant 0 : i32
      %dma_start3A_197 = tpu.memref_slice %arg7[%add3A_71, %dma_start3A] : memref<50176x32xf32, #tpu.memory_space<vmem_shared>> -> memref<392x32xf32, #tpu.memory_space<vmem_shared>>
      %dma_start3A_198 = arith.constant 0 : i32
      %dma_start3A_199 = tpu.memref_slice %arg7[%add3A_71, %dma_start3A_198] : memref<50176x32xf32, #tpu.memory_space<vmem_shared>> -> memref<392x32xf32, #tpu.memory_space<vmem_shared>>
      tpu.enqueue_dma source(%arg11 : memref<392x32xf32, #tpu.memory_space<vmem>>) target(%dma_start3A_199 : memref<392x32xf32, #tpu.memory_space<vmem_shared>>) target_semaphore(%run_scoped3A : memref<!tpu.dma_semaphore, #tpu.memory_space<semaphore_mem>>)
      %dma_wait3A = arith.constant 0 : i32
      %dma_wait3A_200 = tpu.memref_slice %arg7[%add3A_71, %dma_wait3A] : memref<50176x32xf32, #tpu.memory_space<vmem_shared>> -> memref<392x32xf32, #tpu.memory_space<vmem_shared>>
      %dma_wait3A_201 = arith.constant 0 : i32
      %dma_wait3A_202 = tpu.memref_slice %arg7[%add3A_71, %dma_wait3A_201] : memref<50176x32xf32, #tpu.memory_space<vmem_shared>> -> memref<392x32xf32, #tpu.memory_space<vmem_shared>>
      tpu.wait_dma2 semaphore(%run_scoped3A : memref<!tpu.dma_semaphore, #tpu.memory_space<semaphore_mem>>) src(%arg11 : memref<392x32xf32, #tpu.memory_space<vmem>>) dst(%dma_wait3A_202 : memref<392x32xf32, #tpu.memory_space<vmem_shared>>)
      tpu.yield
    }) : () -> ()
    %mul3A_72 = arith.constant 3136 : i32
    %mul3A_73 = arith.muli %arg1, %mul3A_72 : i32
    %add3A_74 = arith.constant 2744 : i32
    %add3A_75 = arith.addi %mul3A_73, %add3A_74 : i32
    "tpu.region"() ({
      %run_scoped3A = tpu.sem_alloc : memref<!tpu.dma_semaphore, #tpu.memory_space<semaphore_mem>>
      %dma_start3A = arith.constant 0 : i32
      %dma_start3A_197 = tpu.memref_slice %arg7[%add3A_75, %dma_start3A] : memref<50176x32xf32, #tpu.memory_space<vmem_shared>> -> memref<392x32xf32, #tpu.memory_space<vmem_shared>>
      %dma_start3A_198 = arith.constant 0 : i32
      %dma_start3A_199 = tpu.memref_slice %arg7[%add3A_75, %dma_start3A_198] : memref<50176x32xf32, #tpu.memory_space<vmem_shared>> -> memref<392x32xf32, #tpu.memory_space<vmem_shared>>
      tpu.enqueue_dma source(%arg11 : memref<392x32xf32, #tpu.memory_space<vmem>>) target(%dma_start3A_199 : memref<392x32xf32, #tpu.memory_space<vmem_shared>>) target_semaphore(%run_scoped3A : memref<!tpu.dma_semaphore, #tpu.memory_space<semaphore_mem>>)
      %dma_wait3A = arith.constant 0 : i32
      %dma_wait3A_200 = tpu.memref_slice %arg7[%add3A_75, %dma_wait3A] : memref<50176x32xf32, #tpu.memory_space<vmem_shared>> -> memref<392x32xf32, #tpu.memory_space<vmem_shared>>
      %dma_wait3A_201 = arith.constant 0 : i32
      %dma_wait3A_202 = tpu.memref_slice %arg7[%add3A_75, %dma_wait3A_201] : memref<50176x32xf32, #tpu.memory_space<vmem_shared>> -> memref<392x32xf32, #tpu.memory_space<vmem_shared>>
      tpu.wait_dma2 semaphore(%run_scoped3A : memref<!tpu.dma_semaphore, #tpu.memory_space<semaphore_mem>>) src(%arg11 : memref<392x32xf32, #tpu.memory_space<vmem>>) dst(%dma_wait3A_202 : memref<392x32xf32, #tpu.memory_space<vmem_shared>>)
      tpu.yield
    }) : () -> ()
    %barrier3A_76 = arith.constant 0 : index
    tpu.barrier barrier_id(%barrier3A_76)
    %scan3A_77 = arith.constant 0 : i32
    %scan3A_78 = arith.constant 0 : i32
    %scan3A_79 = arith.constant 7 : i32
    %scan3A_80 = arith.addi %scan3A_78, %scan3A_79 : i32
    %scan3A_81 = arith.constant 1 : i32
    scf.for %scan3A_197 = %scan3A_78 to %scan3A_80 step %scan3A_81  : i32 {
      %run_scoped3A = arith.constant 1 : i32
      "tpu.region"() ({
        %run_scoped3A_219 = tpu.sem_alloc : memref<!tpu.dma_semaphore, #tpu.memory_space<semaphore_mem>>
        %dma_start3A_220 = arith.constant 0 : i32
        %dma_start3A_221 = arith.constant 0 : i32
        %dma_start3A_222 = arith.constant 0 : i32
        %dma_start3A_223 = tpu.memref_slice %arg3[%arg0, %run_scoped3A, %arg1, %scan3A_197, %dma_start3A_220, %dma_start3A_221, %dma_start3A_222] : memref<2x4x16x7x2x28x128xi32, #tpu.memory_space<hbm>> -> memref<1x1x1x1x2x28x128xi32, #tpu.memory_space<hbm>>
        %dma_start3A_224 = tpu.memref_squeeze %dma_start3A_223 : memref<1x1x1x1x2x28x128xi32, #tpu.memory_space<hbm>> -> memref<2x28x128xi32, #tpu.memory_space<hbm>>
        %dma_start3A_225 = arith.constant 0 : i32
        %dma_start3A_226 = arith.constant 0 : i32
        %dma_start3A_227 = arith.constant 0 : i32
        %dma_start3A_228 = tpu.memref_slice %arg3[%arg0, %run_scoped3A, %arg1, %scan3A_197, %dma_start3A_225, %dma_start3A_226, %dma_start3A_227] : memref<2x4x16x7x2x28x128xi32, #tpu.memory_space<hbm>> -> memref<1x1x1x1x2x28x128xi32, #tpu.memory_space<hbm>>
        %dma_start3A_229 = tpu.memref_squeeze %dma_start3A_228 : memref<1x1x1x1x2x28x128xi32, #tpu.memory_space<hbm>> -> memref<2x28x128xi32, #tpu.memory_space<hbm>>
        tpu.enqueue_dma source(%dma_start3A_229 : memref<2x28x128xi32, #tpu.memory_space<hbm>>) target(%arg8 : memref<2x28x128xi32, #tpu.memory_space<vmem>>) target_semaphore(%run_scoped3A_219 : memref<!tpu.dma_semaphore, #tpu.memory_space<semaphore_mem>>)
        %dma_wait3A = arith.constant 0 : i32
        %dma_wait3A_230 = arith.constant 0 : i32
        %dma_wait3A_231 = arith.constant 0 : i32
        %dma_wait3A_232 = tpu.memref_slice %arg3[%arg0, %run_scoped3A, %arg1, %scan3A_197, %dma_wait3A, %dma_wait3A_230, %dma_wait3A_231] : memref<2x4x16x7x2x28x128xi32, #tpu.memory_space<hbm>> -> memref<1x1x1x1x2x28x128xi32, #tpu.memory_space<hbm>>
        %dma_wait3A_233 = tpu.memref_squeeze %dma_wait3A_232 : memref<1x1x1x1x2x28x128xi32, #tpu.memory_space<hbm>> -> memref<2x28x128xi32, #tpu.memory_space<hbm>>
        %dma_wait3A_234 = arith.constant 0 : i32
        %dma_wait3A_235 = arith.constant 0 : i32
        %dma_wait3A_236 = arith.constant 0 : i32
        %dma_wait3A_237 = tpu.memref_slice %arg3[%arg0, %run_scoped3A, %arg1, %scan3A_197, %dma_wait3A_234, %dma_wait3A_235, %dma_wait3A_236] : memref<2x4x16x7x2x28x128xi32, #tpu.memory_space<hbm>> -> memref<1x1x1x1x2x28x128xi32, #tpu.memory_space<hbm>>
        %dma_wait3A_238 = tpu.memref_squeeze %dma_wait3A_237 : memref<1x1x1x1x2x28x128xi32, #tpu.memory_space<hbm>> -> memref<2x28x128xi32, #tpu.memory_space<hbm>>
        tpu.wait_dma2 semaphore(%run_scoped3A_219 : memref<!tpu.dma_semaphore, #tpu.memory_space<semaphore_mem>>) src(%dma_wait3A_238 : memref<2x28x128xi32, #tpu.memory_space<hbm>>) dst(%arg8 : memref<2x28x128xi32, #tpu.memory_space<vmem>>)
        tpu.yield
      }) : () -> ()
      %dma_start3A = arith.constant 0 : i32
      %dma_start3A_198 = arith.constant 0 : i32
      %dma_start3A_199 = arith.constant 0 : i32
      %dma_start3A_200 = tpu.memref_slice %arg8[%dma_start3A, %dma_start3A_198, %dma_start3A_199] : memref<2x28x128xi32, #tpu.memory_space<vmem>> -> memref<1x1x128xi32, #tpu.memory_space<vmem>>
      %dma_start3A_201 = tpu.memref_squeeze %dma_start3A_200 : memref<1x1x128xi32, #tpu.memory_space<vmem>> -> memref<128xi32, #tpu.memory_space<vmem>>
      %dma_start3A_202 = arith.constant 0 : i32
      %dma_start3A_203 = arith.constant 0 : i32
      %dma_start3A_204 = tpu.memref_slice %arg2[%dma_start3A_202, %dma_start3A_203] : memref<200000x32xf32, #tpu.memory_space<hbm>> -> memref<200000x32xf32, #tpu.memory_space<hbm>>
      tpu.enqueue_indirect_dma source(%dma_start3A_204 : memref<200000x32xf32, #tpu.memory_space<hbm>>) target(%arg9 : memref<128x32xf32, #tpu.memory_space<vmem>>) offsets(%dma_start3A_201 : memref<128xi32, #tpu.memory_space<vmem>>) semaphore(%arg12 : memref<!tpu.dma_semaphore, #tpu.memory_space<semaphore_mem>>)
      %dma_start3A_205 = arith.constant 0 : i32
      %dma_start3A_206 = arith.constant 1 : i32
      %dma_start3A_207 = arith.constant 0 : i32
      %dma_start3A_208 = tpu.memref_slice %arg8[%dma_start3A_205, %dma_start3A_206, %dma_start3A_207] : memref<2x28x128xi32, #tpu.memory_space<vmem>> -> memref<1x1x128xi32, #tpu.memory_space<vmem>>
      %dma_start3A_209 = tpu.memref_squeeze %dma_start3A_208 : memref<1x1x128xi32, #tpu.memory_space<vmem>> -> memref<128xi32, #tpu.memory_space<vmem>>
      %dma_start3A_210 = arith.constant 0 : i32
      %dma_start3A_211 = arith.constant 0 : i32
      %dma_start3A_212 = tpu.memref_slice %arg2[%dma_start3A_210, %dma_start3A_211] : memref<200000x32xf32, #tpu.memory_space<hbm>> -> memref<200000x32xf32, #tpu.memory_space<hbm>>
      tpu.enqueue_indirect_dma source(%dma_start3A_212 : memref<200000x32xf32, #tpu.memory_space<hbm>>) target(%arg10 : memref<128x32xf32, #tpu.memory_space<vmem>>) offsets(%dma_start3A_209 : memref<128xi32, #tpu.memory_space<vmem>>) semaphore(%arg13 : memref<!tpu.dma_semaphore, #tpu.memory_space<semaphore_mem>>)
      %scan3A_213 = arith.constant 0 : i32
      %scan3A_214 = arith.constant 0 : i32
      %scan3A_215 = arith.constant 14 : i32
      %scan3A_216 = arith.addi %scan3A_214, %scan3A_215 : i32
      %scan3A_217 = arith.constant 1 : i32
      scf.for %scan3A_219 = %scan3A_214 to %scan3A_216 step %scan3A_217  : i32 {
        %mul3A_220 = arith.constant 2 : i32
        %mul3A_221 = arith.muli %scan3A_219, %mul3A_220 : i32
        %add3A_222 = arith.constant 0 : i32
        %add3A_223 = arith.addi %mul3A_221, %add3A_222 : i32
        %dma_wait3A = arith.constant 0 : i32
        %dma_wait3A_224 = arith.constant 0 : i32
        %dma_wait3A_225 = arith.constant 0 : i32
        %dma_wait3A_226 = tpu.memref_slice %arg8[%dma_wait3A, %dma_wait3A_224, %dma_wait3A_225] : memref<2x28x128xi32, #tpu.memory_space<vmem>> -> memref<1x1x128xi32, #tpu.memory_space<vmem>>
        %dma_wait3A_227 = tpu.memref_squeeze %dma_wait3A_226 : memref<1x1x128xi32, #tpu.memory_space<vmem>> -> memref<128xi32, #tpu.memory_space<vmem>>
        %dma_wait3A_228 = arith.constant 0 : i32
        %dma_wait3A_229 = arith.constant 0 : i32
        %dma_wait3A_230 = tpu.memref_slice %arg2[%dma_wait3A_228, %dma_wait3A_229] : memref<200000x32xf32, #tpu.memory_space<hbm>> -> memref<200000x32xf32, #tpu.memory_space<hbm>>
        tpu.wait_indirect_dma semaphore(%arg12 : memref<!tpu.dma_semaphore, #tpu.memory_space<semaphore_mem>>) src(%dma_wait3A_230 : memref<200000x32xf32, #tpu.memory_space<hbm>>) dst(%arg9 : memref<128x32xf32, #tpu.memory_space<vmem>>)
        %run_scoped3A_231 = arith.constant 1 : i32
        "tpu.region"() ({
          %run_scoped3A_258 = tpu.sem_alloc : memref<!tpu.dma_semaphore, #tpu.memory_space<semaphore_mem>>
          %dma_start3A_259 = arith.constant 0 : i32
          %dma_start3A_260 = tpu.memref_slice %arg8[%run_scoped3A_231, %add3A_223, %dma_start3A_259] : memref<2x28x128xi32, #tpu.memory_space<vmem>> -> memref<1x1x128xi32, #tpu.memory_space<vmem>>
          %dma_start3A_261 = tpu.memref_squeeze %dma_start3A_260 : memref<1x1x128xi32, #tpu.memory_space<vmem>> -> memref<128xi32, #tpu.memory_space<vmem>>
          %dma_start3A_262 = arith.constant 0 : i32
          %dma_start3A_263 = arith.constant 0 : i32
          %dma_start3A_264 = tpu.memref_slice %arg7[%dma_start3A_262, %dma_start3A_263] : memref<50176x32xf32, #tpu.memory_space<vmem_shared>> -> memref<50176x32xf32, #tpu.memory_space<vmem_shared>>
          tpu.enqueue_indirect_dma source(%arg9 : memref<128x32xf32, #tpu.memory_space<vmem>>) target(%dma_start3A_264 : memref<50176x32xf32, #tpu.memory_space<vmem_shared>>) offsets(%dma_start3A_261 : memref<128xi32, #tpu.memory_space<vmem>>) semaphore(%run_scoped3A_258 : memref<!tpu.dma_semaphore, #tpu.memory_space<semaphore_mem>>) {add = true}
          %dma_wait3A_265 = arith.constant 0 : i32
          %dma_wait3A_266 = tpu.memref_slice %arg8[%run_scoped3A_231, %add3A_223, %dma_wait3A_265] : memref<2x28x128xi32, #tpu.memory_space<vmem>> -> memref<1x1x128xi32, #tpu.memory_space<vmem>>
          %dma_wait3A_267 = tpu.memref_squeeze %dma_wait3A_266 : memref<1x1x128xi32, #tpu.memory_space<vmem>> -> memref<128xi32, #tpu.memory_space<vmem>>
          %dma_wait3A_268 = arith.constant 0 : i32
          %dma_wait3A_269 = arith.constant 0 : i32
          %dma_wait3A_270 = tpu.memref_slice %arg7[%dma_wait3A_268, %dma_wait3A_269] : memref<50176x32xf32, #tpu.memory_space<vmem_shared>> -> memref<50176x32xf32, #tpu.memory_space<vmem_shared>>
          tpu.wait_indirect_dma semaphore(%run_scoped3A_258 : memref<!tpu.dma_semaphore, #tpu.memory_space<semaphore_mem>>) src(%arg9 : memref<128x32xf32, #tpu.memory_space<vmem>>) dst(%dma_wait3A_270 : memref<50176x32xf32, #tpu.memory_space<vmem_shared>>)
          tpu.yield
        }) : () -> ()
        %add3A_232 = arith.constant 2 : i32
        %add3A_233 = arith.addi %add3A_223, %add3A_232 : i32
        %lt3A = arith.constant 28 : i32
        %lt3A_234 = arith.cmpi slt, %add3A_233, %lt3A : i32
        %convert_element_type3A_235 = arith.extui %lt3A_234 : i1 to i32
        %cond3A_236 = arith.constant 0 : i32
        %cond3A_237 = arith.cmpi ne, %convert_element_type3A_235, %cond3A_236 : i32
        scf.if %cond3A_237 {
          %add3A_258 = arith.constant 2 : i32
          %add3A_259 = arith.addi %add3A_223, %add3A_258 : i32
          %dma_start3A_260 = arith.constant 0 : i32
          %dma_start3A_261 = arith.constant 0 : i32
          %dma_start3A_262 = tpu.memref_slice %arg8[%dma_start3A_260, %add3A_259, %dma_start3A_261] : memref<2x28x128xi32, #tpu.memory_space<vmem>> -> memref<1x1x128xi32, #tpu.memory_space<vmem>>
          %dma_start3A_263 = tpu.memref_squeeze %dma_start3A_262 : memref<1x1x128xi32, #tpu.memory_space<vmem>> -> memref<128xi32, #tpu.memory_space<vmem>>
          %dma_start3A_264 = arith.constant 0 : i32
          %dma_start3A_265 = arith.constant 0 : i32
          %dma_start3A_266 = tpu.memref_slice %arg2[%dma_start3A_264, %dma_start3A_265] : memref<200000x32xf32, #tpu.memory_space<hbm>> -> memref<200000x32xf32, #tpu.memory_space<hbm>>
          tpu.enqueue_indirect_dma source(%dma_start3A_266 : memref<200000x32xf32, #tpu.memory_space<hbm>>) target(%arg9 : memref<128x32xf32, #tpu.memory_space<vmem>>) offsets(%dma_start3A_263 : memref<128xi32, #tpu.memory_space<vmem>>) semaphore(%arg12 : memref<!tpu.dma_semaphore, #tpu.memory_space<semaphore_mem>>)
        } else {
        }
        %mul3A_238 = arith.constant 2 : i32
        %mul3A_239 = arith.muli %scan3A_219, %mul3A_238 : i32
        %add3A_240 = arith.constant 1 : i32
        %add3A_241 = arith.addi %mul3A_239, %add3A_240 : i32
        %dma_wait3A_242 = arith.constant 0 : i32
        %dma_wait3A_243 = arith.constant 0 : i32
        %dma_wait3A_244 = arith.constant 0 : i32
        %dma_wait3A_245 = tpu.memref_slice %arg8[%dma_wait3A_242, %dma_wait3A_243, %dma_wait3A_244] : memref<2x28x128xi32, #tpu.memory_space<vmem>> -> memref<1x1x128xi32, #tpu.memory_space<vmem>>
        %dma_wait3A_246 = tpu.memref_squeeze %dma_wait3A_245 : memref<1x1x128xi32, #tpu.memory_space<vmem>> -> memref<128xi32, #tpu.memory_space<vmem>>
        %dma_wait3A_247 = arith.constant 0 : i32
        %dma_wait3A_248 = arith.constant 0 : i32
        %dma_wait3A_249 = tpu.memref_slice %arg2[%dma_wait3A_247, %dma_wait3A_248] : memref<200000x32xf32, #tpu.memory_space<hbm>> -> memref<200000x32xf32, #tpu.memory_space<hbm>>
        tpu.wait_indirect_dma semaphore(%arg13 : memref<!tpu.dma_semaphore, #tpu.memory_space<semaphore_mem>>) src(%dma_wait3A_249 : memref<200000x32xf32, #tpu.memory_space<hbm>>) dst(%arg10 : memref<128x32xf32, #tpu.memory_space<vmem>>)
        %run_scoped3A_250 = arith.constant 1 : i32
        "tpu.region"() ({
          %run_scoped3A_258 = tpu.sem_alloc : memref<!tpu.dma_semaphore, #tpu.memory_space<semaphore_mem>>
          %dma_start3A_259 = arith.constant 0 : i32
          %dma_start3A_260 = tpu.memref_slice %arg8[%run_scoped3A_250, %add3A_241, %dma_start3A_259] : memref<2x28x128xi32, #tpu.memory_space<vmem>> -> memref<1x1x128xi32, #tpu.memory_space<vmem>>
          %dma_start3A_261 = tpu.memref_squeeze %dma_start3A_260 : memref<1x1x128xi32, #tpu.memory_space<vmem>> -> memref<128xi32, #tpu.memory_space<vmem>>
          %dma_start3A_262 = arith.constant 0 : i32
          %dma_start3A_263 = arith.constant 0 : i32
          %dma_start3A_264 = tpu.memref_slice %arg7[%dma_start3A_262, %dma_start3A_263] : memref<50176x32xf32, #tpu.memory_space<vmem_shared>> -> memref<50176x32xf32, #tpu.memory_space<vmem_shared>>
          tpu.enqueue_indirect_dma source(%arg10 : memref<128x32xf32, #tpu.memory_space<vmem>>) target(%dma_start3A_264 : memref<50176x32xf32, #tpu.memory_space<vmem_shared>>) offsets(%dma_start3A_261 : memref<128xi32, #tpu.memory_space<vmem>>) semaphore(%run_scoped3A_258 : memref<!tpu.dma_semaphore, #tpu.memory_space<semaphore_mem>>) {add = true}
          %dma_wait3A_265 = arith.constant 0 : i32
          %dma_wait3A_266 = tpu.memref_slice %arg8[%run_scoped3A_250, %add3A_241, %dma_wait3A_265] : memref<2x28x128xi32, #tpu.memory_space<vmem>> -> memref<1x1x128xi32, #tpu.memory_space<vmem>>
          %dma_wait3A_267 = tpu.memref_squeeze %dma_wait3A_266 : memref<1x1x128xi32, #tpu.memory_space<vmem>> -> memref<128xi32, #tpu.memory_space<vmem>>
          %dma_wait3A_268 = arith.constant 0 : i32
          %dma_wait3A_269 = arith.constant 0 : i32
          %dma_wait3A_270 = tpu.memref_slice %arg7[%dma_wait3A_268, %dma_wait3A_269] : memref<50176x32xf32, #tpu.memory_space<vmem_shared>> -> memref<50176x32xf32, #tpu.memory_space<vmem_shared>>
          tpu.wait_indirect_dma semaphore(%run_scoped3A_258 : memref<!tpu.dma_semaphore, #tpu.memory_space<semaphore_mem>>) src(%arg10 : memref<128x32xf32, #tpu.memory_space<vmem>>) dst(%dma_wait3A_270 : memref<50176x32xf32, #tpu.memory_space<vmem_shared>>)
          tpu.yield
        }) : () -> ()
        %add3A_251 = arith.constant 2 : i32
        %add3A_252 = arith.addi %add3A_241, %add3A_251 : i32
        %lt3A_253 = arith.constant 28 : i32
        %lt3A_254 = arith.cmpi slt, %add3A_252, %lt3A_253 : i32
        %convert_element_type3A_255 = arith.extui %lt3A_254 : i1 to i32
        %cond3A_256 = arith.constant 0 : i32
        %cond3A_257 = arith.cmpi ne, %convert_element_type3A_255, %cond3A_256 : i32
        scf.if %cond3A_257 {
          %add3A_258 = arith.constant 2 : i32
          %add3A_259 = arith.addi %add3A_241, %add3A_258 : i32
          %dma_start3A_260 = arith.constant 0 : i32
          %dma_start3A_261 = arith.constant 0 : i32
          %dma_start3A_262 = tpu.memref_slice %arg8[%dma_start3A_260, %add3A_259, %dma_start3A_261] : memref<2x28x128xi32, #tpu.memory_space<vmem>> -> memref<1x1x128xi32, #tpu.memory_space<vmem>>
          %dma_start3A_263 = tpu.memref_squeeze %dma_start3A_262 : memref<1x1x128xi32, #tpu.memory_space<vmem>> -> memref<128xi32, #tpu.memory_space<vmem>>
          %dma_start3A_264 = arith.constant 0 : i32
          %dma_start3A_265 = arith.constant 0 : i32
          %dma_start3A_266 = tpu.memref_slice %arg2[%dma_start3A_264, %dma_start3A_265] : memref<200000x32xf32, #tpu.memory_space<hbm>> -> memref<200000x32xf32, #tpu.memory_space<hbm>>
          tpu.enqueue_indirect_dma source(%dma_start3A_266 : memref<200000x32xf32, #tpu.memory_space<hbm>>) target(%arg10 : memref<128x32xf32, #tpu.memory_space<vmem>>) offsets(%dma_start3A_263 : memref<128xi32, #tpu.memory_space<vmem>>) semaphore(%arg13 : memref<!tpu.dma_semaphore, #tpu.memory_space<semaphore_mem>>)
        } else {
        }
      }
      %scan3A_218 = arith.constant 14 : i32
    }
    %scan3A_82 = arith.constant 7 : i32
    %barrier3A_83 = arith.constant 0 : index
    tpu.barrier barrier_id(%barrier3A_83)
    %eq3A_84 = arith.constant 0 : i32
    %eq3A_85 = arith.cmpi eq, %arg0, %eq3A_84 : i32
    %convert_element_type3A_86 = arith.extui %eq3A_85 : i1 to i32
    %cond3A_87 = arith.constant 0 : i32
    %cond3A_88 = arith.cmpi ne, %convert_element_type3A_86, %cond3A_87 : i32
    scf.if %cond3A_88 {
      %mul3A_197 = arith.constant 3136 : i32
      %mul3A_198 = arith.muli %arg1, %mul3A_197 : i32
      %mul3A_199 = arith.constant 3136 : i32
      %mul3A_200 = arith.muli %arg1, %mul3A_199 : i32
      %run_scoped3A = arith.constant 1 : i32
      "tpu.region"() ({
        %run_scoped3A_201 = tpu.sem_alloc : memref<!tpu.dma_semaphore, #tpu.memory_space<semaphore_mem>>
        %dma_start3A = arith.constant 0 : i32
        %dma_start3A_202 = tpu.memref_slice %arg5[%run_scoped3A, %mul3A_200, %dma_start3A] : memref<4x50176x32xf32, #tpu.memory_space<hbm>> -> memref<1x3136x32xf32, #tpu.memory_space<hbm>>
        %dma_start3A_203 = tpu.memref_squeeze %dma_start3A_202 : memref<1x3136x32xf32, #tpu.memory_space<hbm>> -> memref<3136x32xf32, #tpu.memory_space<hbm>>
        %dma_start3A_204 = arith.constant 0 : i32
        %dma_start3A_205 = tpu.memref_slice %arg7[%mul3A_198, %dma_start3A_204] : memref<50176x32xf32, #tpu.memory_space<vmem_shared>> -> memref<3136x32xf32, #tpu.memory_space<vmem_shared>>
        tpu.enqueue_dma source(%dma_start3A_205 : memref<3136x32xf32, #tpu.memory_space<vmem_shared>>) target(%dma_start3A_203 : memref<3136x32xf32, #tpu.memory_space<hbm>>) target_semaphore(%run_scoped3A_201 : memref<!tpu.dma_semaphore, #tpu.memory_space<semaphore_mem>>)
        %dma_wait3A = arith.constant 0 : i32
        %dma_wait3A_206 = tpu.memref_slice %arg5[%run_scoped3A, %mul3A_200, %dma_wait3A] : memref<4x50176x32xf32, #tpu.memory_space<hbm>> -> memref<1x3136x32xf32, #tpu.memory_space<hbm>>
        %dma_wait3A_207 = tpu.memref_squeeze %dma_wait3A_206 : memref<1x3136x32xf32, #tpu.memory_space<hbm>> -> memref<3136x32xf32, #tpu.memory_space<hbm>>
        %dma_wait3A_208 = arith.constant 0 : i32
        %dma_wait3A_209 = tpu.memref_slice %arg7[%mul3A_198, %dma_wait3A_208] : memref<50176x32xf32, #tpu.memory_space<vmem_shared>> -> memref<3136x32xf32, #tpu.memory_space<vmem_shared>>
        tpu.wait_dma2 semaphore(%run_scoped3A_201 : memref<!tpu.dma_semaphore, #tpu.memory_space<semaphore_mem>>) src(%dma_wait3A_209 : memref<3136x32xf32, #tpu.memory_space<vmem_shared>>) dst(%dma_wait3A_207 : memref<3136x32xf32, #tpu.memory_space<hbm>>)
        tpu.yield
      }) : () -> ()
    } else {
    }
    %eq3A_89 = arith.constant 1 : i32
    %eq3A_90 = arith.cmpi eq, %arg0, %eq3A_89 : i32
    %convert_element_type3A_91 = arith.extui %eq3A_90 : i1 to i32
    %cond3A_92 = arith.constant 0 : i32
    %cond3A_93 = arith.cmpi ne, %convert_element_type3A_91, %cond3A_92 : i32
    scf.if %cond3A_93 {
      %mul3A_197 = arith.constant 3136 : i32
      %mul3A_198 = arith.muli %arg1, %mul3A_197 : i32
      %mul3A_199 = arith.constant 3136 : i32
      %mul3A_200 = arith.muli %arg1, %mul3A_199 : i32
      %run_scoped3A = arith.constant 1 : i32
      "tpu.region"() ({
        %run_scoped3A_201 = tpu.sem_alloc : memref<!tpu.dma_semaphore, #tpu.memory_space<semaphore_mem>>
        %dma_start3A = arith.constant 0 : i32
        %dma_start3A_202 = tpu.memref_slice %arg6[%run_scoped3A, %mul3A_200, %dma_start3A] : memref<4x50176x32xf32, #tpu.memory_space<hbm>> -> memref<1x3136x32xf32, #tpu.memory_space<hbm>>
        %dma_start3A_203 = tpu.memref_squeeze %dma_start3A_202 : memref<1x3136x32xf32, #tpu.memory_space<hbm>> -> memref<3136x32xf32, #tpu.memory_space<hbm>>
        %dma_start3A_204 = arith.constant 0 : i32
        %dma_start3A_205 = tpu.memref_slice %arg7[%mul3A_198, %dma_start3A_204] : memref<50176x32xf32, #tpu.memory_space<vmem_shared>> -> memref<3136x32xf32, #tpu.memory_space<vmem_shared>>
        tpu.enqueue_dma source(%dma_start3A_205 : memref<3136x32xf32, #tpu.memory_space<vmem_shared>>) target(%dma_start3A_203 : memref<3136x32xf32, #tpu.memory_space<hbm>>) target_semaphore(%run_scoped3A_201 : memref<!tpu.dma_semaphore, #tpu.memory_space<semaphore_mem>>)
        %dma_wait3A = arith.constant 0 : i32
        %dma_wait3A_206 = tpu.memref_slice %arg6[%run_scoped3A, %mul3A_200, %dma_wait3A] : memref<4x50176x32xf32, #tpu.memory_space<hbm>> -> memref<1x3136x32xf32, #tpu.memory_space<hbm>>
        %dma_wait3A_207 = tpu.memref_squeeze %dma_wait3A_206 : memref<1x3136x32xf32, #tpu.memory_space<hbm>> -> memref<3136x32xf32, #tpu.memory_space<hbm>>
        %dma_wait3A_208 = arith.constant 0 : i32
        %dma_wait3A_209 = tpu.memref_slice %arg7[%mul3A_198, %dma_wait3A_208] : memref<50176x32xf32, #tpu.memory_space<vmem_shared>> -> memref<3136x32xf32, #tpu.memory_space<vmem_shared>>
        tpu.wait_dma2 semaphore(%run_scoped3A_201 : memref<!tpu.dma_semaphore, #tpu.memory_space<semaphore_mem>>) src(%dma_wait3A_209 : memref<3136x32xf32, #tpu.memory_space<vmem_shared>>) dst(%dma_wait3A_207 : memref<3136x32xf32, #tpu.memory_space<hbm>>)
        tpu.yield
      }) : () -> ()
    } else {
    }
    %barrier3A_94 = arith.constant 0 : index
    tpu.barrier barrier_id(%barrier3A_94)
    %mul3A_95 = arith.constant 3136 : i32
    %mul3A_96 = arith.muli %arg1, %mul3A_95 : i32
    %add3A_97 = arith.constant 0 : i32
    %add3A_98 = arith.addi %mul3A_96, %add3A_97 : i32
    "tpu.region"() ({
      %run_scoped3A = tpu.sem_alloc : memref<!tpu.dma_semaphore, #tpu.memory_space<semaphore_mem>>
      %dma_start3A = arith.constant 0 : i32
      %dma_start3A_197 = tpu.memref_slice %arg7[%add3A_98, %dma_start3A] : memref<50176x32xf32, #tpu.memory_space<vmem_shared>> -> memref<392x32xf32, #tpu.memory_space<vmem_shared>>
      %dma_start3A_198 = arith.constant 0 : i32
      %dma_start3A_199 = tpu.memref_slice %arg7[%add3A_98, %dma_start3A_198] : memref<50176x32xf32, #tpu.memory_space<vmem_shared>> -> memref<392x32xf32, #tpu.memory_space<vmem_shared>>
      tpu.enqueue_dma source(%arg11 : memref<392x32xf32, #tpu.memory_space<vmem>>) target(%dma_start3A_199 : memref<392x32xf32, #tpu.memory_space<vmem_shared>>) target_semaphore(%run_scoped3A : memref<!tpu.dma_semaphore, #tpu.memory_space<semaphore_mem>>)
      %dma_wait3A = arith.constant 0 : i32
      %dma_wait3A_200 = tpu.memref_slice %arg7[%add3A_98, %dma_wait3A] : memref<50176x32xf32, #tpu.memory_space<vmem_shared>> -> memref<392x32xf32, #tpu.memory_space<vmem_shared>>
      %dma_wait3A_201 = arith.constant 0 : i32
      %dma_wait3A_202 = tpu.memref_slice %arg7[%add3A_98, %dma_wait3A_201] : memref<50176x32xf32, #tpu.memory_space<vmem_shared>> -> memref<392x32xf32, #tpu.memory_space<vmem_shared>>
      tpu.wait_dma2 semaphore(%run_scoped3A : memref<!tpu.dma_semaphore, #tpu.memory_space<semaphore_mem>>) src(%arg11 : memref<392x32xf32, #tpu.memory_space<vmem>>) dst(%dma_wait3A_202 : memref<392x32xf32, #tpu.memory_space<vmem_shared>>)
      tpu.yield
    }) : () -> ()
    %mul3A_99 = arith.constant 3136 : i32
    %mul3A_100 = arith.muli %arg1, %mul3A_99 : i32
    %add3A_101 = arith.constant 392 : i32
    %add3A_102 = arith.addi %mul3A_100, %add3A_101 : i32
    "tpu.region"() ({
      %run_scoped3A = tpu.sem_alloc : memref<!tpu.dma_semaphore, #tpu.memory_space<semaphore_mem>>
      %dma_start3A = arith.constant 0 : i32
      %dma_start3A_197 = tpu.memref_slice %arg7[%add3A_102, %dma_start3A] : memref<50176x32xf32, #tpu.memory_space<vmem_shared>> -> memref<392x32xf32, #tpu.memory_space<vmem_shared>>
      %dma_start3A_198 = arith.constant 0 : i32
      %dma_start3A_199 = tpu.memref_slice %arg7[%add3A_102, %dma_start3A_198] : memref<50176x32xf32, #tpu.memory_space<vmem_shared>> -> memref<392x32xf32, #tpu.memory_space<vmem_shared>>
      tpu.enqueue_dma source(%arg11 : memref<392x32xf32, #tpu.memory_space<vmem>>) target(%dma_start3A_199 : memref<392x32xf32, #tpu.memory_space<vmem_shared>>) target_semaphore(%run_scoped3A : memref<!tpu.dma_semaphore, #tpu.memory_space<semaphore_mem>>)
      %dma_wait3A = arith.constant 0 : i32
      %dma_wait3A_200 = tpu.memref_slice %arg7[%add3A_102, %dma_wait3A] : memref<50176x32xf32, #tpu.memory_space<vmem_shared>> -> memref<392x32xf32, #tpu.memory_space<vmem_shared>>
      %dma_wait3A_201 = arith.constant 0 : i32
      %dma_wait3A_202 = tpu.memref_slice %arg7[%add3A_102, %dma_wait3A_201] : memref<50176x32xf32, #tpu.memory_space<vmem_shared>> -> memref<392x32xf32, #tpu.memory_space<vmem_shared>>
      tpu.wait_dma2 semaphore(%run_scoped3A : memref<!tpu.dma_semaphore, #tpu.memory_space<semaphore_mem>>) src(%arg11 : memref<392x32xf32, #tpu.memory_space<vmem>>) dst(%dma_wait3A_202 : memref<392x32xf32, #tpu.memory_space<vmem_shared>>)
      tpu.yield
    }) : () -> ()
    %mul3A_103 = arith.constant 3136 : i32
    %mul3A_104 = arith.muli %arg1, %mul3A_103 : i32
    %add3A_105 = arith.constant 784 : i32
    %add3A_106 = arith.addi %mul3A_104, %add3A_105 : i32
    "tpu.region"() ({
      %run_scoped3A = tpu.sem_alloc : memref<!tpu.dma_semaphore, #tpu.memory_space<semaphore_mem>>
      %dma_start3A = arith.constant 0 : i32
      %dma_start3A_197 = tpu.memref_slice %arg7[%add3A_106, %dma_start3A] : memref<50176x32xf32, #tpu.memory_space<vmem_shared>> -> memref<392x32xf32, #tpu.memory_space<vmem_shared>>
      %dma_start3A_198 = arith.constant 0 : i32
      %dma_start3A_199 = tpu.memref_slice %arg7[%add3A_106, %dma_start3A_198] : memref<50176x32xf32, #tpu.memory_space<vmem_shared>> -> memref<392x32xf32, #tpu.memory_space<vmem_shared>>
      tpu.enqueue_dma source(%arg11 : memref<392x32xf32, #tpu.memory_space<vmem>>) target(%dma_start3A_199 : memref<392x32xf32, #tpu.memory_space<vmem_shared>>) target_semaphore(%run_scoped3A : memref<!tpu.dma_semaphore, #tpu.memory_space<semaphore_mem>>)
      %dma_wait3A = arith.constant 0 : i32
      %dma_wait3A_200 = tpu.memref_slice %arg7[%add3A_106, %dma_wait3A] : memref<50176x32xf32, #tpu.memory_space<vmem_shared>> -> memref<392x32xf32, #tpu.memory_space<vmem_shared>>
      %dma_wait3A_201 = arith.constant 0 : i32
      %dma_wait3A_202 = tpu.memref_slice %arg7[%add3A_106, %dma_wait3A_201] : memref<50176x32xf32, #tpu.memory_space<vmem_shared>> -> memref<392x32xf32, #tpu.memory_space<vmem_shared>>
      tpu.wait_dma2 semaphore(%run_scoped3A : memref<!tpu.dma_semaphore, #tpu.memory_space<semaphore_mem>>) src(%arg11 : memref<392x32xf32, #tpu.memory_space<vmem>>) dst(%dma_wait3A_202 : memref<392x32xf32, #tpu.memory_space<vmem_shared>>)
      tpu.yield
    }) : () -> ()
    %mul3A_107 = arith.constant 3136 : i32
    %mul3A_108 = arith.muli %arg1, %mul3A_107 : i32
    %add3A_109 = arith.constant 1176 : i32
    %add3A_110 = arith.addi %mul3A_108, %add3A_109 : i32
    "tpu.region"() ({
      %run_scoped3A = tpu.sem_alloc : memref<!tpu.dma_semaphore, #tpu.memory_space<semaphore_mem>>
      %dma_start3A = arith.constant 0 : i32
      %dma_start3A_197 = tpu.memref_slice %arg7[%add3A_110, %dma_start3A] : memref<50176x32xf32, #tpu.memory_space<vmem_shared>> -> memref<392x32xf32, #tpu.memory_space<vmem_shared>>
      %dma_start3A_198 = arith.constant 0 : i32
      %dma_start3A_199 = tpu.memref_slice %arg7[%add3A_110, %dma_start3A_198] : memref<50176x32xf32, #tpu.memory_space<vmem_shared>> -> memref<392x32xf32, #tpu.memory_space<vmem_shared>>
      tpu.enqueue_dma source(%arg11 : memref<392x32xf32, #tpu.memory_space<vmem>>) target(%dma_start3A_199 : memref<392x32xf32, #tpu.memory_space<vmem_shared>>) target_semaphore(%run_scoped3A : memref<!tpu.dma_semaphore, #tpu.memory_space<semaphore_mem>>)
      %dma_wait3A = arith.constant 0 : i32
      %dma_wait3A_200 = tpu.memref_slice %arg7[%add3A_110, %dma_wait3A] : memref<50176x32xf32, #tpu.memory_space<vmem_shared>> -> memref<392x32xf32, #tpu.memory_space<vmem_shared>>
      %dma_wait3A_201 = arith.constant 0 : i32
      %dma_wait3A_202 = tpu.memref_slice %arg7[%add3A_110, %dma_wait3A_201] : memref<50176x32xf32, #tpu.memory_space<vmem_shared>> -> memref<392x32xf32, #tpu.memory_space<vmem_shared>>
      tpu.wait_dma2 semaphore(%run_scoped3A : memref<!tpu.dma_semaphore, #tpu.memory_space<semaphore_mem>>) src(%arg11 : memref<392x32xf32, #tpu.memory_space<vmem>>) dst(%dma_wait3A_202 : memref<392x32xf32, #tpu.memory_space<vmem_shared>>)
      tpu.yield
    }) : () -> ()
    %mul3A_111 = arith.constant 3136 : i32
    %mul3A_112 = arith.muli %arg1, %mul3A_111 : i32
    %add3A_113 = arith.constant 1568 : i32
    %add3A_114 = arith.addi %mul3A_112, %add3A_113 : i32
    "tpu.region"() ({
      %run_scoped3A = tpu.sem_alloc : memref<!tpu.dma_semaphore, #tpu.memory_space<semaphore_mem>>
      %dma_start3A = arith.constant 0 : i32
      %dma_start3A_197 = tpu.memref_slice %arg7[%add3A_114, %dma_start3A] : memref<50176x32xf32, #tpu.memory_space<vmem_shared>> -> memref<392x32xf32, #tpu.memory_space<vmem_shared>>
      %dma_start3A_198 = arith.constant 0 : i32
      %dma_start3A_199 = tpu.memref_slice %arg7[%add3A_114, %dma_start3A_198] : memref<50176x32xf32, #tpu.memory_space<vmem_shared>> -> memref<392x32xf32, #tpu.memory_space<vmem_shared>>
      tpu.enqueue_dma source(%arg11 : memref<392x32xf32, #tpu.memory_space<vmem>>) target(%dma_start3A_199 : memref<392x32xf32, #tpu.memory_space<vmem_shared>>) target_semaphore(%run_scoped3A : memref<!tpu.dma_semaphore, #tpu.memory_space<semaphore_mem>>)
      %dma_wait3A = arith.constant 0 : i32
      %dma_wait3A_200 = tpu.memref_slice %arg7[%add3A_114, %dma_wait3A] : memref<50176x32xf32, #tpu.memory_space<vmem_shared>> -> memref<392x32xf32, #tpu.memory_space<vmem_shared>>
      %dma_wait3A_201 = arith.constant 0 : i32
      %dma_wait3A_202 = tpu.memref_slice %arg7[%add3A_114, %dma_wait3A_201] : memref<50176x32xf32, #tpu.memory_space<vmem_shared>> -> memref<392x32xf32, #tpu.memory_space<vmem_shared>>
      tpu.wait_dma2 semaphore(%run_scoped3A : memref<!tpu.dma_semaphore, #tpu.memory_space<semaphore_mem>>) src(%arg11 : memref<392x32xf32, #tpu.memory_space<vmem>>) dst(%dma_wait3A_202 : memref<392x32xf32, #tpu.memory_space<vmem_shared>>)
      tpu.yield
    }) : () -> ()
    %mul3A_115 = arith.constant 3136 : i32
    %mul3A_116 = arith.muli %arg1, %mul3A_115 : i32
    %add3A_117 = arith.constant 1960 : i32
    %add3A_118 = arith.addi %mul3A_116, %add3A_117 : i32
    "tpu.region"() ({
      %run_scoped3A = tpu.sem_alloc : memref<!tpu.dma_semaphore, #tpu.memory_space<semaphore_mem>>
      %dma_start3A = arith.constant 0 : i32
      %dma_start3A_197 = tpu.memref_slice %arg7[%add3A_118, %dma_start3A] : memref<50176x32xf32, #tpu.memory_space<vmem_shared>> -> memref<392x32xf32, #tpu.memory_space<vmem_shared>>
      %dma_start3A_198 = arith.constant 0 : i32
      %dma_start3A_199 = tpu.memref_slice %arg7[%add3A_118, %dma_start3A_198] : memref<50176x32xf32, #tpu.memory_space<vmem_shared>> -> memref<392x32xf32, #tpu.memory_space<vmem_shared>>
      tpu.enqueue_dma source(%arg11 : memref<392x32xf32, #tpu.memory_space<vmem>>) target(%dma_start3A_199 : memref<392x32xf32, #tpu.memory_space<vmem_shared>>) target_semaphore(%run_scoped3A : memref<!tpu.dma_semaphore, #tpu.memory_space<semaphore_mem>>)
      %dma_wait3A = arith.constant 0 : i32
      %dma_wait3A_200 = tpu.memref_slice %arg7[%add3A_118, %dma_wait3A] : memref<50176x32xf32, #tpu.memory_space<vmem_shared>> -> memref<392x32xf32, #tpu.memory_space<vmem_shared>>
      %dma_wait3A_201 = arith.constant 0 : i32
      %dma_wait3A_202 = tpu.memref_slice %arg7[%add3A_118, %dma_wait3A_201] : memref<50176x32xf32, #tpu.memory_space<vmem_shared>> -> memref<392x32xf32, #tpu.memory_space<vmem_shared>>
      tpu.wait_dma2 semaphore(%run_scoped3A : memref<!tpu.dma_semaphore, #tpu.memory_space<semaphore_mem>>) src(%arg11 : memref<392x32xf32, #tpu.memory_space<vmem>>) dst(%dma_wait3A_202 : memref<392x32xf32, #tpu.memory_space<vmem_shared>>)
      tpu.yield
    }) : () -> ()
    %mul3A_119 = arith.constant 3136 : i32
    %mul3A_120 = arith.muli %arg1, %mul3A_119 : i32
    %add3A_121 = arith.constant 2352 : i32
    %add3A_122 = arith.addi %mul3A_120, %add3A_121 : i32
    "tpu.region"() ({
      %run_scoped3A = tpu.sem_alloc : memref<!tpu.dma_semaphore, #tpu.memory_space<semaphore_mem>>
      %dma_start3A = arith.constant 0 : i32
      %dma_start3A_197 = tpu.memref_slice %arg7[%add3A_122, %dma_start3A] : memref<50176x32xf32, #tpu.memory_space<vmem_shared>> -> memref<392x32xf32, #tpu.memory_space<vmem_shared>>
      %dma_start3A_198 = arith.constant 0 : i32
      %dma_start3A_199 = tpu.memref_slice %arg7[%add3A_122, %dma_start3A_198] : memref<50176x32xf32, #tpu.memory_space<vmem_shared>> -> memref<392x32xf32, #tpu.memory_space<vmem_shared>>
      tpu.enqueue_dma source(%arg11 : memref<392x32xf32, #tpu.memory_space<vmem>>) target(%dma_start3A_199 : memref<392x32xf32, #tpu.memory_space<vmem_shared>>) target_semaphore(%run_scoped3A : memref<!tpu.dma_semaphore, #tpu.memory_space<semaphore_mem>>)
      %dma_wait3A = arith.constant 0 : i32
      %dma_wait3A_200 = tpu.memref_slice %arg7[%add3A_122, %dma_wait3A] : memref<50176x32xf32, #tpu.memory_space<vmem_shared>> -> memref<392x32xf32, #tpu.memory_space<vmem_shared>>
      %dma_wait3A_201 = arith.constant 0 : i32
      %dma_wait3A_202 = tpu.memref_slice %arg7[%add3A_122, %dma_wait3A_201] : memref<50176x32xf32, #tpu.memory_space<vmem_shared>> -> memref<392x32xf32, #tpu.memory_space<vmem_shared>>
      tpu.wait_dma2 semaphore(%run_scoped3A : memref<!tpu.dma_semaphore, #tpu.memory_space<semaphore_mem>>) src(%arg11 : memref<392x32xf32, #tpu.memory_space<vmem>>) dst(%dma_wait3A_202 : memref<392x32xf32, #tpu.memory_space<vmem_shared>>)
      tpu.yield
    }) : () -> ()
    %mul3A_123 = arith.constant 3136 : i32
    %mul3A_124 = arith.muli %arg1, %mul3A_123 : i32
    %add3A_125 = arith.constant 2744 : i32
    %add3A_126 = arith.addi %mul3A_124, %add3A_125 : i32
    "tpu.region"() ({
      %run_scoped3A = tpu.sem_alloc : memref<!tpu.dma_semaphore, #tpu.memory_space<semaphore_mem>>
      %dma_start3A = arith.constant 0 : i32
      %dma_start3A_197 = tpu.memref_slice %arg7[%add3A_126, %dma_start3A] : memref<50176x32xf32, #tpu.memory_space<vmem_shared>> -> memref<392x32xf32, #tpu.memory_space<vmem_shared>>
      %dma_start3A_198 = arith.constant 0 : i32
      %dma_start3A_199 = tpu.memref_slice %arg7[%add3A_126, %dma_start3A_198] : memref<50176x32xf32, #tpu.memory_space<vmem_shared>> -> memref<392x32xf32, #tpu.memory_space<vmem_shared>>
      tpu.enqueue_dma source(%arg11 : memref<392x32xf32, #tpu.memory_space<vmem>>) target(%dma_start3A_199 : memref<392x32xf32, #tpu.memory_space<vmem_shared>>) target_semaphore(%run_scoped3A : memref<!tpu.dma_semaphore, #tpu.memory_space<semaphore_mem>>)
      %dma_wait3A = arith.constant 0 : i32
      %dma_wait3A_200 = tpu.memref_slice %arg7[%add3A_126, %dma_wait3A] : memref<50176x32xf32, #tpu.memory_space<vmem_shared>> -> memref<392x32xf32, #tpu.memory_space<vmem_shared>>
      %dma_wait3A_201 = arith.constant 0 : i32
      %dma_wait3A_202 = tpu.memref_slice %arg7[%add3A_126, %dma_wait3A_201] : memref<50176x32xf32, #tpu.memory_space<vmem_shared>> -> memref<392x32xf32, #tpu.memory_space<vmem_shared>>
      tpu.wait_dma2 semaphore(%run_scoped3A : memref<!tpu.dma_semaphore, #tpu.memory_space<semaphore_mem>>) src(%arg11 : memref<392x32xf32, #tpu.memory_space<vmem>>) dst(%dma_wait3A_202 : memref<392x32xf32, #tpu.memory_space<vmem_shared>>)
      tpu.yield
    }) : () -> ()
    %barrier3A_127 = arith.constant 0 : index
    tpu.barrier barrier_id(%barrier3A_127)
    %scan3A_128 = arith.constant 0 : i32
    %scan3A_129 = arith.constant 0 : i32
    %scan3A_130 = arith.constant 7 : i32
    %scan3A_131 = arith.addi %scan3A_129, %scan3A_130 : i32
    %scan3A_132 = arith.constant 1 : i32
    scf.for %scan3A_197 = %scan3A_129 to %scan3A_131 step %scan3A_132  : i32 {
      %run_scoped3A = arith.constant 2 : i32
      "tpu.region"() ({
        %run_scoped3A_219 = tpu.sem_alloc : memref<!tpu.dma_semaphore, #tpu.memory_space<semaphore_mem>>
        %dma_start3A_220 = arith.constant 0 : i32
        %dma_start3A_221 = arith.constant 0 : i32
        %dma_start3A_222 = arith.constant 0 : i32
        %dma_start3A_223 = tpu.memref_slice %arg3[%arg0, %run_scoped3A, %arg1, %scan3A_197, %dma_start3A_220, %dma_start3A_221, %dma_start3A_222] : memref<2x4x16x7x2x28x128xi32, #tpu.memory_space<hbm>> -> memref<1x1x1x1x2x28x128xi32, #tpu.memory_space<hbm>>
        %dma_start3A_224 = tpu.memref_squeeze %dma_start3A_223 : memref<1x1x1x1x2x28x128xi32, #tpu.memory_space<hbm>> -> memref<2x28x128xi32, #tpu.memory_space<hbm>>
        %dma_start3A_225 = arith.constant 0 : i32
        %dma_start3A_226 = arith.constant 0 : i32
        %dma_start3A_227 = arith.constant 0 : i32
        %dma_start3A_228 = tpu.memref_slice %arg3[%arg0, %run_scoped3A, %arg1, %scan3A_197, %dma_start3A_225, %dma_start3A_226, %dma_start3A_227] : memref<2x4x16x7x2x28x128xi32, #tpu.memory_space<hbm>> -> memref<1x1x1x1x2x28x128xi32, #tpu.memory_space<hbm>>
        %dma_start3A_229 = tpu.memref_squeeze %dma_start3A_228 : memref<1x1x1x1x2x28x128xi32, #tpu.memory_space<hbm>> -> memref<2x28x128xi32, #tpu.memory_space<hbm>>
        tpu.enqueue_dma source(%dma_start3A_229 : memref<2x28x128xi32, #tpu.memory_space<hbm>>) target(%arg8 : memref<2x28x128xi32, #tpu.memory_space<vmem>>) target_semaphore(%run_scoped3A_219 : memref<!tpu.dma_semaphore, #tpu.memory_space<semaphore_mem>>)
        %dma_wait3A = arith.constant 0 : i32
        %dma_wait3A_230 = arith.constant 0 : i32
        %dma_wait3A_231 = arith.constant 0 : i32
        %dma_wait3A_232 = tpu.memref_slice %arg3[%arg0, %run_scoped3A, %arg1, %scan3A_197, %dma_wait3A, %dma_wait3A_230, %dma_wait3A_231] : memref<2x4x16x7x2x28x128xi32, #tpu.memory_space<hbm>> -> memref<1x1x1x1x2x28x128xi32, #tpu.memory_space<hbm>>
        %dma_wait3A_233 = tpu.memref_squeeze %dma_wait3A_232 : memref<1x1x1x1x2x28x128xi32, #tpu.memory_space<hbm>> -> memref<2x28x128xi32, #tpu.memory_space<hbm>>
        %dma_wait3A_234 = arith.constant 0 : i32
        %dma_wait3A_235 = arith.constant 0 : i32
        %dma_wait3A_236 = arith.constant 0 : i32
        %dma_wait3A_237 = tpu.memref_slice %arg3[%arg0, %run_scoped3A, %arg1, %scan3A_197, %dma_wait3A_234, %dma_wait3A_235, %dma_wait3A_236] : memref<2x4x16x7x2x28x128xi32, #tpu.memory_space<hbm>> -> memref<1x1x1x1x2x28x128xi32, #tpu.memory_space<hbm>>
        %dma_wait3A_238 = tpu.memref_squeeze %dma_wait3A_237 : memref<1x1x1x1x2x28x128xi32, #tpu.memory_space<hbm>> -> memref<2x28x128xi32, #tpu.memory_space<hbm>>
        tpu.wait_dma2 semaphore(%run_scoped3A_219 : memref<!tpu.dma_semaphore, #tpu.memory_space<semaphore_mem>>) src(%dma_wait3A_238 : memref<2x28x128xi32, #tpu.memory_space<hbm>>) dst(%arg8 : memref<2x28x128xi32, #tpu.memory_space<vmem>>)
        tpu.yield
      }) : () -> ()
      %dma_start3A = arith.constant 0 : i32
      %dma_start3A_198 = arith.constant 0 : i32
      %dma_start3A_199 = arith.constant 0 : i32
      %dma_start3A_200 = tpu.memref_slice %arg8[%dma_start3A, %dma_start3A_198, %dma_start3A_199] : memref<2x28x128xi32, #tpu.memory_space<vmem>> -> memref<1x1x128xi32, #tpu.memory_space<vmem>>
      %dma_start3A_201 = tpu.memref_squeeze %dma_start3A_200 : memref<1x1x128xi32, #tpu.memory_space<vmem>> -> memref<128xi32, #tpu.memory_space<vmem>>
      %dma_start3A_202 = arith.constant 0 : i32
      %dma_start3A_203 = arith.constant 0 : i32
      %dma_start3A_204 = tpu.memref_slice %arg2[%dma_start3A_202, %dma_start3A_203] : memref<200000x32xf32, #tpu.memory_space<hbm>> -> memref<200000x32xf32, #tpu.memory_space<hbm>>
      tpu.enqueue_indirect_dma source(%dma_start3A_204 : memref<200000x32xf32, #tpu.memory_space<hbm>>) target(%arg9 : memref<128x32xf32, #tpu.memory_space<vmem>>) offsets(%dma_start3A_201 : memref<128xi32, #tpu.memory_space<vmem>>) semaphore(%arg12 : memref<!tpu.dma_semaphore, #tpu.memory_space<semaphore_mem>>)
      %dma_start3A_205 = arith.constant 0 : i32
      %dma_start3A_206 = arith.constant 1 : i32
      %dma_start3A_207 = arith.constant 0 : i32
      %dma_start3A_208 = tpu.memref_slice %arg8[%dma_start3A_205, %dma_start3A_206, %dma_start3A_207] : memref<2x28x128xi32, #tpu.memory_space<vmem>> -> memref<1x1x128xi32, #tpu.memory_space<vmem>>
      %dma_start3A_209 = tpu.memref_squeeze %dma_start3A_208 : memref<1x1x128xi32, #tpu.memory_space<vmem>> -> memref<128xi32, #tpu.memory_space<vmem>>
      %dma_start3A_210 = arith.constant 0 : i32
      %dma_start3A_211 = arith.constant 0 : i32
      %dma_start3A_212 = tpu.memref_slice %arg2[%dma_start3A_210, %dma_start3A_211] : memref<200000x32xf32, #tpu.memory_space<hbm>> -> memref<200000x32xf32, #tpu.memory_space<hbm>>
      tpu.enqueue_indirect_dma source(%dma_start3A_212 : memref<200000x32xf32, #tpu.memory_space<hbm>>) target(%arg10 : memref<128x32xf32, #tpu.memory_space<vmem>>) offsets(%dma_start3A_209 : memref<128xi32, #tpu.memory_space<vmem>>) semaphore(%arg13 : memref<!tpu.dma_semaphore, #tpu.memory_space<semaphore_mem>>)
      %scan3A_213 = arith.constant 0 : i32
      %scan3A_214 = arith.constant 0 : i32
      %scan3A_215 = arith.constant 14 : i32
      %scan3A_216 = arith.addi %scan3A_214, %scan3A_215 : i32
      %scan3A_217 = arith.constant 1 : i32
      scf.for %scan3A_219 = %scan3A_214 to %scan3A_216 step %scan3A_217  : i32 {
        %mul3A_220 = arith.constant 2 : i32
        %mul3A_221 = arith.muli %scan3A_219, %mul3A_220 : i32
        %add3A_222 = arith.constant 0 : i32
        %add3A_223 = arith.addi %mul3A_221, %add3A_222 : i32
        %dma_wait3A = arith.constant 0 : i32
        %dma_wait3A_224 = arith.constant 0 : i32
        %dma_wait3A_225 = arith.constant 0 : i32
        %dma_wait3A_226 = tpu.memref_slice %arg8[%dma_wait3A, %dma_wait3A_224, %dma_wait3A_225] : memref<2x28x128xi32, #tpu.memory_space<vmem>> -> memref<1x1x128xi32, #tpu.memory_space<vmem>>
        %dma_wait3A_227 = tpu.memref_squeeze %dma_wait3A_226 : memref<1x1x128xi32, #tpu.memory_space<vmem>> -> memref<128xi32, #tpu.memory_space<vmem>>
        %dma_wait3A_228 = arith.constant 0 : i32
        %dma_wait3A_229 = arith.constant 0 : i32
        %dma_wait3A_230 = tpu.memref_slice %arg2[%dma_wait3A_228, %dma_wait3A_229] : memref<200000x32xf32, #tpu.memory_space<hbm>> -> memref<200000x32xf32, #tpu.memory_space<hbm>>
        tpu.wait_indirect_dma semaphore(%arg12 : memref<!tpu.dma_semaphore, #tpu.memory_space<semaphore_mem>>) src(%dma_wait3A_230 : memref<200000x32xf32, #tpu.memory_space<hbm>>) dst(%arg9 : memref<128x32xf32, #tpu.memory_space<vmem>>)
        %run_scoped3A_231 = arith.constant 1 : i32
        "tpu.region"() ({
          %run_scoped3A_258 = tpu.sem_alloc : memref<!tpu.dma_semaphore, #tpu.memory_space<semaphore_mem>>
          %dma_start3A_259 = arith.constant 0 : i32
          %dma_start3A_260 = tpu.memref_slice %arg8[%run_scoped3A_231, %add3A_223, %dma_start3A_259] : memref<2x28x128xi32, #tpu.memory_space<vmem>> -> memref<1x1x128xi32, #tpu.memory_space<vmem>>
          %dma_start3A_261 = tpu.memref_squeeze %dma_start3A_260 : memref<1x1x128xi32, #tpu.memory_space<vmem>> -> memref<128xi32, #tpu.memory_space<vmem>>
          %dma_start3A_262 = arith.constant 0 : i32
          %dma_start3A_263 = arith.constant 0 : i32
          %dma_start3A_264 = tpu.memref_slice %arg7[%dma_start3A_262, %dma_start3A_263] : memref<50176x32xf32, #tpu.memory_space<vmem_shared>> -> memref<50176x32xf32, #tpu.memory_space<vmem_shared>>
          tpu.enqueue_indirect_dma source(%arg9 : memref<128x32xf32, #tpu.memory_space<vmem>>) target(%dma_start3A_264 : memref<50176x32xf32, #tpu.memory_space<vmem_shared>>) offsets(%dma_start3A_261 : memref<128xi32, #tpu.memory_space<vmem>>) semaphore(%run_scoped3A_258 : memref<!tpu.dma_semaphore, #tpu.memory_space<semaphore_mem>>) {add = true}
          %dma_wait3A_265 = arith.constant 0 : i32
          %dma_wait3A_266 = tpu.memref_slice %arg8[%run_scoped3A_231, %add3A_223, %dma_wait3A_265] : memref<2x28x128xi32, #tpu.memory_space<vmem>> -> memref<1x1x128xi32, #tpu.memory_space<vmem>>
          %dma_wait3A_267 = tpu.memref_squeeze %dma_wait3A_266 : memref<1x1x128xi32, #tpu.memory_space<vmem>> -> memref<128xi32, #tpu.memory_space<vmem>>
          %dma_wait3A_268 = arith.constant 0 : i32
          %dma_wait3A_269 = arith.constant 0 : i32
          %dma_wait3A_270 = tpu.memref_slice %arg7[%dma_wait3A_268, %dma_wait3A_269] : memref<50176x32xf32, #tpu.memory_space<vmem_shared>> -> memref<50176x32xf32, #tpu.memory_space<vmem_shared>>
          tpu.wait_indirect_dma semaphore(%run_scoped3A_258 : memref<!tpu.dma_semaphore, #tpu.memory_space<semaphore_mem>>) src(%arg9 : memref<128x32xf32, #tpu.memory_space<vmem>>) dst(%dma_wait3A_270 : memref<50176x32xf32, #tpu.memory_space<vmem_shared>>)
          tpu.yield
        }) : () -> ()
        %add3A_232 = arith.constant 2 : i32
        %add3A_233 = arith.addi %add3A_223, %add3A_232 : i32
        %lt3A = arith.constant 28 : i32
        %lt3A_234 = arith.cmpi slt, %add3A_233, %lt3A : i32
        %convert_element_type3A_235 = arith.extui %lt3A_234 : i1 to i32
        %cond3A_236 = arith.constant 0 : i32
        %cond3A_237 = arith.cmpi ne, %convert_element_type3A_235, %cond3A_236 : i32
        scf.if %cond3A_237 {
          %add3A_258 = arith.constant 2 : i32
          %add3A_259 = arith.addi %add3A_223, %add3A_258 : i32
          %dma_start3A_260 = arith.constant 0 : i32
          %dma_start3A_261 = arith.constant 0 : i32
          %dma_start3A_262 = tpu.memref_slice %arg8[%dma_start3A_260, %add3A_259, %dma_start3A_261] : memref<2x28x128xi32, #tpu.memory_space<vmem>> -> memref<1x1x128xi32, #tpu.memory_space<vmem>>
          %dma_start3A_263 = tpu.memref_squeeze %dma_start3A_262 : memref<1x1x128xi32, #tpu.memory_space<vmem>> -> memref<128xi32, #tpu.memory_space<vmem>>
          %dma_start3A_264 = arith.constant 0 : i32
          %dma_start3A_265 = arith.constant 0 : i32
          %dma_start3A_266 = tpu.memref_slice %arg2[%dma_start3A_264, %dma_start3A_265] : memref<200000x32xf32, #tpu.memory_space<hbm>> -> memref<200000x32xf32, #tpu.memory_space<hbm>>
          tpu.enqueue_indirect_dma source(%dma_start3A_266 : memref<200000x32xf32, #tpu.memory_space<hbm>>) target(%arg9 : memref<128x32xf32, #tpu.memory_space<vmem>>) offsets(%dma_start3A_263 : memref<128xi32, #tpu.memory_space<vmem>>) semaphore(%arg12 : memref<!tpu.dma_semaphore, #tpu.memory_space<semaphore_mem>>)
        } else {
        }
        %mul3A_238 = arith.constant 2 : i32
        %mul3A_239 = arith.muli %scan3A_219, %mul3A_238 : i32
        %add3A_240 = arith.constant 1 : i32
        %add3A_241 = arith.addi %mul3A_239, %add3A_240 : i32
        %dma_wait3A_242 = arith.constant 0 : i32
        %dma_wait3A_243 = arith.constant 0 : i32
        %dma_wait3A_244 = arith.constant 0 : i32
        %dma_wait3A_245 = tpu.memref_slice %arg8[%dma_wait3A_242, %dma_wait3A_243, %dma_wait3A_244] : memref<2x28x128xi32, #tpu.memory_space<vmem>> -> memref<1x1x128xi32, #tpu.memory_space<vmem>>
        %dma_wait3A_246 = tpu.memref_squeeze %dma_wait3A_245 : memref<1x1x128xi32, #tpu.memory_space<vmem>> -> memref<128xi32, #tpu.memory_space<vmem>>
        %dma_wait3A_247 = arith.constant 0 : i32
        %dma_wait3A_248 = arith.constant 0 : i32
        %dma_wait3A_249 = tpu.memref_slice %arg2[%dma_wait3A_247, %dma_wait3A_248] : memref<200000x32xf32, #tpu.memory_space<hbm>> -> memref<200000x32xf32, #tpu.memory_space<hbm>>
        tpu.wait_indirect_dma semaphore(%arg13 : memref<!tpu.dma_semaphore, #tpu.memory_space<semaphore_mem>>) src(%dma_wait3A_249 : memref<200000x32xf32, #tpu.memory_space<hbm>>) dst(%arg10 : memref<128x32xf32, #tpu.memory_space<vmem>>)
        %run_scoped3A_250 = arith.constant 1 : i32
        "tpu.region"() ({
          %run_scoped3A_258 = tpu.sem_alloc : memref<!tpu.dma_semaphore, #tpu.memory_space<semaphore_mem>>
          %dma_start3A_259 = arith.constant 0 : i32
          %dma_start3A_260 = tpu.memref_slice %arg8[%run_scoped3A_250, %add3A_241, %dma_start3A_259] : memref<2x28x128xi32, #tpu.memory_space<vmem>> -> memref<1x1x128xi32, #tpu.memory_space<vmem>>
          %dma_start3A_261 = tpu.memref_squeeze %dma_start3A_260 : memref<1x1x128xi32, #tpu.memory_space<vmem>> -> memref<128xi32, #tpu.memory_space<vmem>>
          %dma_start3A_262 = arith.constant 0 : i32
          %dma_start3A_263 = arith.constant 0 : i32
          %dma_start3A_264 = tpu.memref_slice %arg7[%dma_start3A_262, %dma_start3A_263] : memref<50176x32xf32, #tpu.memory_space<vmem_shared>> -> memref<50176x32xf32, #tpu.memory_space<vmem_shared>>
          tpu.enqueue_indirect_dma source(%arg10 : memref<128x32xf32, #tpu.memory_space<vmem>>) target(%dma_start3A_264 : memref<50176x32xf32, #tpu.memory_space<vmem_shared>>) offsets(%dma_start3A_261 : memref<128xi32, #tpu.memory_space<vmem>>) semaphore(%run_scoped3A_258 : memref<!tpu.dma_semaphore, #tpu.memory_space<semaphore_mem>>) {add = true}
          %dma_wait3A_265 = arith.constant 0 : i32
          %dma_wait3A_266 = tpu.memref_slice %arg8[%run_scoped3A_250, %add3A_241, %dma_wait3A_265] : memref<2x28x128xi32, #tpu.memory_space<vmem>> -> memref<1x1x128xi32, #tpu.memory_space<vmem>>
          %dma_wait3A_267 = tpu.memref_squeeze %dma_wait3A_266 : memref<1x1x128xi32, #tpu.memory_space<vmem>> -> memref<128xi32, #tpu.memory_space<vmem>>
          %dma_wait3A_268 = arith.constant 0 : i32
          %dma_wait3A_269 = arith.constant 0 : i32
          %dma_wait3A_270 = tpu.memref_slice %arg7[%dma_wait3A_268, %dma_wait3A_269] : memref<50176x32xf32, #tpu.memory_space<vmem_shared>> -> memref<50176x32xf32, #tpu.memory_space<vmem_shared>>
          tpu.wait_indirect_dma semaphore(%run_scoped3A_258 : memref<!tpu.dma_semaphore, #tpu.memory_space<semaphore_mem>>) src(%arg10 : memref<128x32xf32, #tpu.memory_space<vmem>>) dst(%dma_wait3A_270 : memref<50176x32xf32, #tpu.memory_space<vmem_shared>>)
          tpu.yield
        }) : () -> ()
        %add3A_251 = arith.constant 2 : i32
        %add3A_252 = arith.addi %add3A_241, %add3A_251 : i32
        %lt3A_253 = arith.constant 28 : i32
        %lt3A_254 = arith.cmpi slt, %add3A_252, %lt3A_253 : i32
        %convert_element_type3A_255 = arith.extui %lt3A_254 : i1 to i32
        %cond3A_256 = arith.constant 0 : i32
        %cond3A_257 = arith.cmpi ne, %convert_element_type3A_255, %cond3A_256 : i32
        scf.if %cond3A_257 {
          %add3A_258 = arith.constant 2 : i32
          %add3A_259 = arith.addi %add3A_241, %add3A_258 : i32
          %dma_start3A_260 = arith.constant 0 : i32
          %dma_start3A_261 = arith.constant 0 : i32
          %dma_start3A_262 = tpu.memref_slice %arg8[%dma_start3A_260, %add3A_259, %dma_start3A_261] : memref<2x28x128xi32, #tpu.memory_space<vmem>> -> memref<1x1x128xi32, #tpu.memory_space<vmem>>
          %dma_start3A_263 = tpu.memref_squeeze %dma_start3A_262 : memref<1x1x128xi32, #tpu.memory_space<vmem>> -> memref<128xi32, #tpu.memory_space<vmem>>
          %dma_start3A_264 = arith.constant 0 : i32
          %dma_start3A_265 = arith.constant 0 : i32
          %dma_start3A_266 = tpu.memref_slice %arg2[%dma_start3A_264, %dma_start3A_265] : memref<200000x32xf32, #tpu.memory_space<hbm>> -> memref<200000x32xf32, #tpu.memory_space<hbm>>
          tpu.enqueue_indirect_dma source(%dma_start3A_266 : memref<200000x32xf32, #tpu.memory_space<hbm>>) target(%arg10 : memref<128x32xf32, #tpu.memory_space<vmem>>) offsets(%dma_start3A_263 : memref<128xi32, #tpu.memory_space<vmem>>) semaphore(%arg13 : memref<!tpu.dma_semaphore, #tpu.memory_space<semaphore_mem>>)
        } else {
        }
      }
      %scan3A_218 = arith.constant 14 : i32
    }
    %scan3A_133 = arith.constant 7 : i32
    %barrier3A_134 = arith.constant 0 : index
    tpu.barrier barrier_id(%barrier3A_134)
    %eq3A_135 = arith.constant 0 : i32
    %eq3A_136 = arith.cmpi eq, %arg0, %eq3A_135 : i32
    %convert_element_type3A_137 = arith.extui %eq3A_136 : i1 to i32
    %cond3A_138 = arith.constant 0 : i32
    %cond3A_139 = arith.cmpi ne, %convert_element_type3A_137, %cond3A_138 : i32
    scf.if %cond3A_139 {
      %mul3A_197 = arith.constant 3136 : i32
      %mul3A_198 = arith.muli %arg1, %mul3A_197 : i32
      %mul3A_199 = arith.constant 3136 : i32
      %mul3A_200 = arith.muli %arg1, %mul3A_199 : i32
      %run_scoped3A = arith.constant 2 : i32
      "tpu.region"() ({
        %run_scoped3A_201 = tpu.sem_alloc : memref<!tpu.dma_semaphore, #tpu.memory_space<semaphore_mem>>
        %dma_start3A = arith.constant 0 : i32
        %dma_start3A_202 = tpu.memref_slice %arg5[%run_scoped3A, %mul3A_200, %dma_start3A] : memref<4x50176x32xf32, #tpu.memory_space<hbm>> -> memref<1x3136x32xf32, #tpu.memory_space<hbm>>
        %dma_start3A_203 = tpu.memref_squeeze %dma_start3A_202 : memref<1x3136x32xf32, #tpu.memory_space<hbm>> -> memref<3136x32xf32, #tpu.memory_space<hbm>>
        %dma_start3A_204 = arith.constant 0 : i32
        %dma_start3A_205 = tpu.memref_slice %arg7[%mul3A_198, %dma_start3A_204] : memref<50176x32xf32, #tpu.memory_space<vmem_shared>> -> memref<3136x32xf32, #tpu.memory_space<vmem_shared>>
        tpu.enqueue_dma source(%dma_start3A_205 : memref<3136x32xf32, #tpu.memory_space<vmem_shared>>) target(%dma_start3A_203 : memref<3136x32xf32, #tpu.memory_space<hbm>>) target_semaphore(%run_scoped3A_201 : memref<!tpu.dma_semaphore, #tpu.memory_space<semaphore_mem>>)
        %dma_wait3A = arith.constant 0 : i32
        %dma_wait3A_206 = tpu.memref_slice %arg5[%run_scoped3A, %mul3A_200, %dma_wait3A] : memref<4x50176x32xf32, #tpu.memory_space<hbm>> -> memref<1x3136x32xf32, #tpu.memory_space<hbm>>
        %dma_wait3A_207 = tpu.memref_squeeze %dma_wait3A_206 : memref<1x3136x32xf32, #tpu.memory_space<hbm>> -> memref<3136x32xf32, #tpu.memory_space<hbm>>
        %dma_wait3A_208 = arith.constant 0 : i32
        %dma_wait3A_209 = tpu.memref_slice %arg7[%mul3A_198, %dma_wait3A_208] : memref<50176x32xf32, #tpu.memory_space<vmem_shared>> -> memref<3136x32xf32, #tpu.memory_space<vmem_shared>>
        tpu.wait_dma2 semaphore(%run_scoped3A_201 : memref<!tpu.dma_semaphore, #tpu.memory_space<semaphore_mem>>) src(%dma_wait3A_209 : memref<3136x32xf32, #tpu.memory_space<vmem_shared>>) dst(%dma_wait3A_207 : memref<3136x32xf32, #tpu.memory_space<hbm>>)
        tpu.yield
      }) : () -> ()
    } else {
    }
    %eq3A_140 = arith.constant 1 : i32
    %eq3A_141 = arith.cmpi eq, %arg0, %eq3A_140 : i32
    %convert_element_type3A_142 = arith.extui %eq3A_141 : i1 to i32
    %cond3A_143 = arith.constant 0 : i32
    %cond3A_144 = arith.cmpi ne, %convert_element_type3A_142, %cond3A_143 : i32
    scf.if %cond3A_144 {
      %mul3A_197 = arith.constant 3136 : i32
      %mul3A_198 = arith.muli %arg1, %mul3A_197 : i32
      %mul3A_199 = arith.constant 3136 : i32
      %mul3A_200 = arith.muli %arg1, %mul3A_199 : i32
      %run_scoped3A = arith.constant 2 : i32
      "tpu.region"() ({
        %run_scoped3A_201 = tpu.sem_alloc : memref<!tpu.dma_semaphore, #tpu.memory_space<semaphore_mem>>
        %dma_start3A = arith.constant 0 : i32
        %dma_start3A_202 = tpu.memref_slice %arg6[%run_scoped3A, %mul3A_200, %dma_start3A] : memref<4x50176x32xf32, #tpu.memory_space<hbm>> -> memref<1x3136x32xf32, #tpu.memory_space<hbm>>
        %dma_start3A_203 = tpu.memref_squeeze %dma_start3A_202 : memref<1x3136x32xf32, #tpu.memory_space<hbm>> -> memref<3136x32xf32, #tpu.memory_space<hbm>>
        %dma_start3A_204 = arith.constant 0 : i32
        %dma_start3A_205 = tpu.memref_slice %arg7[%mul3A_198, %dma_start3A_204] : memref<50176x32xf32, #tpu.memory_space<vmem_shared>> -> memref<3136x32xf32, #tpu.memory_space<vmem_shared>>
        tpu.enqueue_dma source(%dma_start3A_205 : memref<3136x32xf32, #tpu.memory_space<vmem_shared>>) target(%dma_start3A_203 : memref<3136x32xf32, #tpu.memory_space<hbm>>) target_semaphore(%run_scoped3A_201 : memref<!tpu.dma_semaphore, #tpu.memory_space<semaphore_mem>>)
        %dma_wait3A = arith.constant 0 : i32
        %dma_wait3A_206 = tpu.memref_slice %arg6[%run_scoped3A, %mul3A_200, %dma_wait3A] : memref<4x50176x32xf32, #tpu.memory_space<hbm>> -> memref<1x3136x32xf32, #tpu.memory_space<hbm>>
        %dma_wait3A_207 = tpu.memref_squeeze %dma_wait3A_206 : memref<1x3136x32xf32, #tpu.memory_space<hbm>> -> memref<3136x32xf32, #tpu.memory_space<hbm>>
        %dma_wait3A_208 = arith.constant 0 : i32
        %dma_wait3A_209 = tpu.memref_slice %arg7[%mul3A_198, %dma_wait3A_208] : memref<50176x32xf32, #tpu.memory_space<vmem_shared>> -> memref<3136x32xf32, #tpu.memory_space<vmem_shared>>
        tpu.wait_dma2 semaphore(%run_scoped3A_201 : memref<!tpu.dma_semaphore, #tpu.memory_space<semaphore_mem>>) src(%dma_wait3A_209 : memref<3136x32xf32, #tpu.memory_space<vmem_shared>>) dst(%dma_wait3A_207 : memref<3136x32xf32, #tpu.memory_space<hbm>>)
        tpu.yield
      }) : () -> ()
    } else {
    }
    %barrier3A_145 = arith.constant 0 : index
    tpu.barrier barrier_id(%barrier3A_145)
    %mul3A_146 = arith.constant 3136 : i32
    %mul3A_147 = arith.muli %arg1, %mul3A_146 : i32
    %add3A_148 = arith.constant 0 : i32
    %add3A_149 = arith.addi %mul3A_147, %add3A_148 : i32
    "tpu.region"() ({
      %run_scoped3A = tpu.sem_alloc : memref<!tpu.dma_semaphore, #tpu.memory_space<semaphore_mem>>
      %dma_start3A = arith.constant 0 : i32
      %dma_start3A_197 = tpu.memref_slice %arg7[%add3A_149, %dma_start3A] : memref<50176x32xf32, #tpu.memory_space<vmem_shared>> -> memref<392x32xf32, #tpu.memory_space<vmem_shared>>
      %dma_start3A_198 = arith.constant 0 : i32
      %dma_start3A_199 = tpu.memref_slice %arg7[%add3A_149, %dma_start3A_198] : memref<50176x32xf32, #tpu.memory_space<vmem_shared>> -> memref<392x32xf32, #tpu.memory_space<vmem_shared>>
      tpu.enqueue_dma source(%arg11 : memref<392x32xf32, #tpu.memory_space<vmem>>) target(%dma_start3A_199 : memref<392x32xf32, #tpu.memory_space<vmem_shared>>) target_semaphore(%run_scoped3A : memref<!tpu.dma_semaphore, #tpu.memory_space<semaphore_mem>>)
      %dma_wait3A = arith.constant 0 : i32
      %dma_wait3A_200 = tpu.memref_slice %arg7[%add3A_149, %dma_wait3A] : memref<50176x32xf32, #tpu.memory_space<vmem_shared>> -> memref<392x32xf32, #tpu.memory_space<vmem_shared>>
      %dma_wait3A_201 = arith.constant 0 : i32
      %dma_wait3A_202 = tpu.memref_slice %arg7[%add3A_149, %dma_wait3A_201] : memref<50176x32xf32, #tpu.memory_space<vmem_shared>> -> memref<392x32xf32, #tpu.memory_space<vmem_shared>>
      tpu.wait_dma2 semaphore(%run_scoped3A : memref<!tpu.dma_semaphore, #tpu.memory_space<semaphore_mem>>) src(%arg11 : memref<392x32xf32, #tpu.memory_space<vmem>>) dst(%dma_wait3A_202 : memref<392x32xf32, #tpu.memory_space<vmem_shared>>)
      tpu.yield
    }) : () -> ()
    %mul3A_150 = arith.constant 3136 : i32
    %mul3A_151 = arith.muli %arg1, %mul3A_150 : i32
    %add3A_152 = arith.constant 392 : i32
    %add3A_153 = arith.addi %mul3A_151, %add3A_152 : i32
    "tpu.region"() ({
      %run_scoped3A = tpu.sem_alloc : memref<!tpu.dma_semaphore, #tpu.memory_space<semaphore_mem>>
      %dma_start3A = arith.constant 0 : i32
      %dma_start3A_197 = tpu.memref_slice %arg7[%add3A_153, %dma_start3A] : memref<50176x32xf32, #tpu.memory_space<vmem_shared>> -> memref<392x32xf32, #tpu.memory_space<vmem_shared>>
      %dma_start3A_198 = arith.constant 0 : i32
      %dma_start3A_199 = tpu.memref_slice %arg7[%add3A_153, %dma_start3A_198] : memref<50176x32xf32, #tpu.memory_space<vmem_shared>> -> memref<392x32xf32, #tpu.memory_space<vmem_shared>>
      tpu.enqueue_dma source(%arg11 : memref<392x32xf32, #tpu.memory_space<vmem>>) target(%dma_start3A_199 : memref<392x32xf32, #tpu.memory_space<vmem_shared>>) target_semaphore(%run_scoped3A : memref<!tpu.dma_semaphore, #tpu.memory_space<semaphore_mem>>)
      %dma_wait3A = arith.constant 0 : i32
      %dma_wait3A_200 = tpu.memref_slice %arg7[%add3A_153, %dma_wait3A] : memref<50176x32xf32, #tpu.memory_space<vmem_shared>> -> memref<392x32xf32, #tpu.memory_space<vmem_shared>>
      %dma_wait3A_201 = arith.constant 0 : i32
      %dma_wait3A_202 = tpu.memref_slice %arg7[%add3A_153, %dma_wait3A_201] : memref<50176x32xf32, #tpu.memory_space<vmem_shared>> -> memref<392x32xf32, #tpu.memory_space<vmem_shared>>
      tpu.wait_dma2 semaphore(%run_scoped3A : memref<!tpu.dma_semaphore, #tpu.memory_space<semaphore_mem>>) src(%arg11 : memref<392x32xf32, #tpu.memory_space<vmem>>) dst(%dma_wait3A_202 : memref<392x32xf32, #tpu.memory_space<vmem_shared>>)
      tpu.yield
    }) : () -> ()
    %mul3A_154 = arith.constant 3136 : i32
    %mul3A_155 = arith.muli %arg1, %mul3A_154 : i32
    %add3A_156 = arith.constant 784 : i32
    %add3A_157 = arith.addi %mul3A_155, %add3A_156 : i32
    "tpu.region"() ({
      %run_scoped3A = tpu.sem_alloc : memref<!tpu.dma_semaphore, #tpu.memory_space<semaphore_mem>>
      %dma_start3A = arith.constant 0 : i32
      %dma_start3A_197 = tpu.memref_slice %arg7[%add3A_157, %dma_start3A] : memref<50176x32xf32, #tpu.memory_space<vmem_shared>> -> memref<392x32xf32, #tpu.memory_space<vmem_shared>>
      %dma_start3A_198 = arith.constant 0 : i32
      %dma_start3A_199 = tpu.memref_slice %arg7[%add3A_157, %dma_start3A_198] : memref<50176x32xf32, #tpu.memory_space<vmem_shared>> -> memref<392x32xf32, #tpu.memory_space<vmem_shared>>
      tpu.enqueue_dma source(%arg11 : memref<392x32xf32, #tpu.memory_space<vmem>>) target(%dma_start3A_199 : memref<392x32xf32, #tpu.memory_space<vmem_shared>>) target_semaphore(%run_scoped3A : memref<!tpu.dma_semaphore, #tpu.memory_space<semaphore_mem>>)
      %dma_wait3A = arith.constant 0 : i32
      %dma_wait3A_200 = tpu.memref_slice %arg7[%add3A_157, %dma_wait3A] : memref<50176x32xf32, #tpu.memory_space<vmem_shared>> -> memref<392x32xf32, #tpu.memory_space<vmem_shared>>
      %dma_wait3A_201 = arith.constant 0 : i32
      %dma_wait3A_202 = tpu.memref_slice %arg7[%add3A_157, %dma_wait3A_201] : memref<50176x32xf32, #tpu.memory_space<vmem_shared>> -> memref<392x32xf32, #tpu.memory_space<vmem_shared>>
      tpu.wait_dma2 semaphore(%run_scoped3A : memref<!tpu.dma_semaphore, #tpu.memory_space<semaphore_mem>>) src(%arg11 : memref<392x32xf32, #tpu.memory_space<vmem>>) dst(%dma_wait3A_202 : memref<392x32xf32, #tpu.memory_space<vmem_shared>>)
      tpu.yield
    }) : () -> ()
    %mul3A_158 = arith.constant 3136 : i32
    %mul3A_159 = arith.muli %arg1, %mul3A_158 : i32
    %add3A_160 = arith.constant 1176 : i32
    %add3A_161 = arith.addi %mul3A_159, %add3A_160 : i32
    "tpu.region"() ({
      %run_scoped3A = tpu.sem_alloc : memref<!tpu.dma_semaphore, #tpu.memory_space<semaphore_mem>>
      %dma_start3A = arith.constant 0 : i32
      %dma_start3A_197 = tpu.memref_slice %arg7[%add3A_161, %dma_start3A] : memref<50176x32xf32, #tpu.memory_space<vmem_shared>> -> memref<392x32xf32, #tpu.memory_space<vmem_shared>>
      %dma_start3A_198 = arith.constant 0 : i32
      %dma_start3A_199 = tpu.memref_slice %arg7[%add3A_161, %dma_start3A_198] : memref<50176x32xf32, #tpu.memory_space<vmem_shared>> -> memref<392x32xf32, #tpu.memory_space<vmem_shared>>
      tpu.enqueue_dma source(%arg11 : memref<392x32xf32, #tpu.memory_space<vmem>>) target(%dma_start3A_199 : memref<392x32xf32, #tpu.memory_space<vmem_shared>>) target_semaphore(%run_scoped3A : memref<!tpu.dma_semaphore, #tpu.memory_space<semaphore_mem>>)
      %dma_wait3A = arith.constant 0 : i32
      %dma_wait3A_200 = tpu.memref_slice %arg7[%add3A_161, %dma_wait3A] : memref<50176x32xf32, #tpu.memory_space<vmem_shared>> -> memref<392x32xf32, #tpu.memory_space<vmem_shared>>
      %dma_wait3A_201 = arith.constant 0 : i32
      %dma_wait3A_202 = tpu.memref_slice %arg7[%add3A_161, %dma_wait3A_201] : memref<50176x32xf32, #tpu.memory_space<vmem_shared>> -> memref<392x32xf32, #tpu.memory_space<vmem_shared>>
      tpu.wait_dma2 semaphore(%run_scoped3A : memref<!tpu.dma_semaphore, #tpu.memory_space<semaphore_mem>>) src(%arg11 : memref<392x32xf32, #tpu.memory_space<vmem>>) dst(%dma_wait3A_202 : memref<392x32xf32, #tpu.memory_space<vmem_shared>>)
      tpu.yield
    }) : () -> ()
    %mul3A_162 = arith.constant 3136 : i32
    %mul3A_163 = arith.muli %arg1, %mul3A_162 : i32
    %add3A_164 = arith.constant 1568 : i32
    %add3A_165 = arith.addi %mul3A_163, %add3A_164 : i32
    "tpu.region"() ({
      %run_scoped3A = tpu.sem_alloc : memref<!tpu.dma_semaphore, #tpu.memory_space<semaphore_mem>>
      %dma_start3A = arith.constant 0 : i32
      %dma_start3A_197 = tpu.memref_slice %arg7[%add3A_165, %dma_start3A] : memref<50176x32xf32, #tpu.memory_space<vmem_shared>> -> memref<392x32xf32, #tpu.memory_space<vmem_shared>>
      %dma_start3A_198 = arith.constant 0 : i32
      %dma_start3A_199 = tpu.memref_slice %arg7[%add3A_165, %dma_start3A_198] : memref<50176x32xf32, #tpu.memory_space<vmem_shared>> -> memref<392x32xf32, #tpu.memory_space<vmem_shared>>
      tpu.enqueue_dma source(%arg11 : memref<392x32xf32, #tpu.memory_space<vmem>>) target(%dma_start3A_199 : memref<392x32xf32, #tpu.memory_space<vmem_shared>>) target_semaphore(%run_scoped3A : memref<!tpu.dma_semaphore, #tpu.memory_space<semaphore_mem>>)
      %dma_wait3A = arith.constant 0 : i32
      %dma_wait3A_200 = tpu.memref_slice %arg7[%add3A_165, %dma_wait3A] : memref<50176x32xf32, #tpu.memory_space<vmem_shared>> -> memref<392x32xf32, #tpu.memory_space<vmem_shared>>
      %dma_wait3A_201 = arith.constant 0 : i32
      %dma_wait3A_202 = tpu.memref_slice %arg7[%add3A_165, %dma_wait3A_201] : memref<50176x32xf32, #tpu.memory_space<vmem_shared>> -> memref<392x32xf32, #tpu.memory_space<vmem_shared>>
      tpu.wait_dma2 semaphore(%run_scoped3A : memref<!tpu.dma_semaphore, #tpu.memory_space<semaphore_mem>>) src(%arg11 : memref<392x32xf32, #tpu.memory_space<vmem>>) dst(%dma_wait3A_202 : memref<392x32xf32, #tpu.memory_space<vmem_shared>>)
      tpu.yield
    }) : () -> ()
    %mul3A_166 = arith.constant 3136 : i32
    %mul3A_167 = arith.muli %arg1, %mul3A_166 : i32
    %add3A_168 = arith.constant 1960 : i32
    %add3A_169 = arith.addi %mul3A_167, %add3A_168 : i32
    "tpu.region"() ({
      %run_scoped3A = tpu.sem_alloc : memref<!tpu.dma_semaphore, #tpu.memory_space<semaphore_mem>>
      %dma_start3A = arith.constant 0 : i32
      %dma_start3A_197 = tpu.memref_slice %arg7[%add3A_169, %dma_start3A] : memref<50176x32xf32, #tpu.memory_space<vmem_shared>> -> memref<392x32xf32, #tpu.memory_space<vmem_shared>>
      %dma_start3A_198 = arith.constant 0 : i32
      %dma_start3A_199 = tpu.memref_slice %arg7[%add3A_169, %dma_start3A_198] : memref<50176x32xf32, #tpu.memory_space<vmem_shared>> -> memref<392x32xf32, #tpu.memory_space<vmem_shared>>
      tpu.enqueue_dma source(%arg11 : memref<392x32xf32, #tpu.memory_space<vmem>>) target(%dma_start3A_199 : memref<392x32xf32, #tpu.memory_space<vmem_shared>>) target_semaphore(%run_scoped3A : memref<!tpu.dma_semaphore, #tpu.memory_space<semaphore_mem>>)
      %dma_wait3A = arith.constant 0 : i32
      %dma_wait3A_200 = tpu.memref_slice %arg7[%add3A_169, %dma_wait3A] : memref<50176x32xf32, #tpu.memory_space<vmem_shared>> -> memref<392x32xf32, #tpu.memory_space<vmem_shared>>
      %dma_wait3A_201 = arith.constant 0 : i32
      %dma_wait3A_202 = tpu.memref_slice %arg7[%add3A_169, %dma_wait3A_201] : memref<50176x32xf32, #tpu.memory_space<vmem_shared>> -> memref<392x32xf32, #tpu.memory_space<vmem_shared>>
      tpu.wait_dma2 semaphore(%run_scoped3A : memref<!tpu.dma_semaphore, #tpu.memory_space<semaphore_mem>>) src(%arg11 : memref<392x32xf32, #tpu.memory_space<vmem>>) dst(%dma_wait3A_202 : memref<392x32xf32, #tpu.memory_space<vmem_shared>>)
      tpu.yield
    }) : () -> ()
    %mul3A_170 = arith.constant 3136 : i32
    %mul3A_171 = arith.muli %arg1, %mul3A_170 : i32
    %add3A_172 = arith.constant 2352 : i32
    %add3A_173 = arith.addi %mul3A_171, %add3A_172 : i32
    "tpu.region"() ({
      %run_scoped3A = tpu.sem_alloc : memref<!tpu.dma_semaphore, #tpu.memory_space<semaphore_mem>>
      %dma_start3A = arith.constant 0 : i32
      %dma_start3A_197 = tpu.memref_slice %arg7[%add3A_173, %dma_start3A] : memref<50176x32xf32, #tpu.memory_space<vmem_shared>> -> memref<392x32xf32, #tpu.memory_space<vmem_shared>>
      %dma_start3A_198 = arith.constant 0 : i32
      %dma_start3A_199 = tpu.memref_slice %arg7[%add3A_173, %dma_start3A_198] : memref<50176x32xf32, #tpu.memory_space<vmem_shared>> -> memref<392x32xf32, #tpu.memory_space<vmem_shared>>
      tpu.enqueue_dma source(%arg11 : memref<392x32xf32, #tpu.memory_space<vmem>>) target(%dma_start3A_199 : memref<392x32xf32, #tpu.memory_space<vmem_shared>>) target_semaphore(%run_scoped3A : memref<!tpu.dma_semaphore, #tpu.memory_space<semaphore_mem>>)
      %dma_wait3A = arith.constant 0 : i32
      %dma_wait3A_200 = tpu.memref_slice %arg7[%add3A_173, %dma_wait3A] : memref<50176x32xf32, #tpu.memory_space<vmem_shared>> -> memref<392x32xf32, #tpu.memory_space<vmem_shared>>
      %dma_wait3A_201 = arith.constant 0 : i32
      %dma_wait3A_202 = tpu.memref_slice %arg7[%add3A_173, %dma_wait3A_201] : memref<50176x32xf32, #tpu.memory_space<vmem_shared>> -> memref<392x32xf32, #tpu.memory_space<vmem_shared>>
      tpu.wait_dma2 semaphore(%run_scoped3A : memref<!tpu.dma_semaphore, #tpu.memory_space<semaphore_mem>>) src(%arg11 : memref<392x32xf32, #tpu.memory_space<vmem>>) dst(%dma_wait3A_202 : memref<392x32xf32, #tpu.memory_space<vmem_shared>>)
      tpu.yield
    }) : () -> ()
    %mul3A_174 = arith.constant 3136 : i32
    %mul3A_175 = arith.muli %arg1, %mul3A_174 : i32
    %add3A_176 = arith.constant 2744 : i32
    %add3A_177 = arith.addi %mul3A_175, %add3A_176 : i32
    "tpu.region"() ({
      %run_scoped3A = tpu.sem_alloc : memref<!tpu.dma_semaphore, #tpu.memory_space<semaphore_mem>>
      %dma_start3A = arith.constant 0 : i32
      %dma_start3A_197 = tpu.memref_slice %arg7[%add3A_177, %dma_start3A] : memref<50176x32xf32, #tpu.memory_space<vmem_shared>> -> memref<392x32xf32, #tpu.memory_space<vmem_shared>>
      %dma_start3A_198 = arith.constant 0 : i32
      %dma_start3A_199 = tpu.memref_slice %arg7[%add3A_177, %dma_start3A_198] : memref<50176x32xf32, #tpu.memory_space<vmem_shared>> -> memref<392x32xf32, #tpu.memory_space<vmem_shared>>
      tpu.enqueue_dma source(%arg11 : memref<392x32xf32, #tpu.memory_space<vmem>>) target(%dma_start3A_199 : memref<392x32xf32, #tpu.memory_space<vmem_shared>>) target_semaphore(%run_scoped3A : memref<!tpu.dma_semaphore, #tpu.memory_space<semaphore_mem>>)
      %dma_wait3A = arith.constant 0 : i32
      %dma_wait3A_200 = tpu.memref_slice %arg7[%add3A_177, %dma_wait3A] : memref<50176x32xf32, #tpu.memory_space<vmem_shared>> -> memref<392x32xf32, #tpu.memory_space<vmem_shared>>
      %dma_wait3A_201 = arith.constant 0 : i32
      %dma_wait3A_202 = tpu.memref_slice %arg7[%add3A_177, %dma_wait3A_201] : memref<50176x32xf32, #tpu.memory_space<vmem_shared>> -> memref<392x32xf32, #tpu.memory_space<vmem_shared>>
      tpu.wait_dma2 semaphore(%run_scoped3A : memref<!tpu.dma_semaphore, #tpu.memory_space<semaphore_mem>>) src(%arg11 : memref<392x32xf32, #tpu.memory_space<vmem>>) dst(%dma_wait3A_202 : memref<392x32xf32, #tpu.memory_space<vmem_shared>>)
      tpu.yield
    }) : () -> ()
    %barrier3A_178 = arith.constant 0 : index
    tpu.barrier barrier_id(%barrier3A_178)
    %scan3A_179 = arith.constant 0 : i32
    %scan3A_180 = arith.constant 0 : i32
    %scan3A_181 = arith.constant 7 : i32
    %scan3A_182 = arith.addi %scan3A_180, %scan3A_181 : i32
    %scan3A_183 = arith.constant 1 : i32
    scf.for %scan3A_197 = %scan3A_180 to %scan3A_182 step %scan3A_183  : i32 {
      %run_scoped3A = arith.constant 3 : i32
      "tpu.region"() ({
        %run_scoped3A_219 = tpu.sem_alloc : memref<!tpu.dma_semaphore, #tpu.memory_space<semaphore_mem>>
        %dma_start3A_220 = arith.constant 0 : i32
        %dma_start3A_221 = arith.constant 0 : i32
        %dma_start3A_222 = arith.constant 0 : i32
        %dma_start3A_223 = tpu.memref_slice %arg3[%arg0, %run_scoped3A, %arg1, %scan3A_197, %dma_start3A_220, %dma_start3A_221, %dma_start3A_222] : memref<2x4x16x7x2x28x128xi32, #tpu.memory_space<hbm>> -> memref<1x1x1x1x2x28x128xi32, #tpu.memory_space<hbm>>
        %dma_start3A_224 = tpu.memref_squeeze %dma_start3A_223 : memref<1x1x1x1x2x28x128xi32, #tpu.memory_space<hbm>> -> memref<2x28x128xi32, #tpu.memory_space<hbm>>
        %dma_start3A_225 = arith.constant 0 : i32
        %dma_start3A_226 = arith.constant 0 : i32
        %dma_start3A_227 = arith.constant 0 : i32
        %dma_start3A_228 = tpu.memref_slice %arg3[%arg0, %run_scoped3A, %arg1, %scan3A_197, %dma_start3A_225, %dma_start3A_226, %dma_start3A_227] : memref<2x4x16x7x2x28x128xi32, #tpu.memory_space<hbm>> -> memref<1x1x1x1x2x28x128xi32, #tpu.memory_space<hbm>>
        %dma_start3A_229 = tpu.memref_squeeze %dma_start3A_228 : memref<1x1x1x1x2x28x128xi32, #tpu.memory_space<hbm>> -> memref<2x28x128xi32, #tpu.memory_space<hbm>>
        tpu.enqueue_dma source(%dma_start3A_229 : memref<2x28x128xi32, #tpu.memory_space<hbm>>) target(%arg8 : memref<2x28x128xi32, #tpu.memory_space<vmem>>) target_semaphore(%run_scoped3A_219 : memref<!tpu.dma_semaphore, #tpu.memory_space<semaphore_mem>>)
        %dma_wait3A = arith.constant 0 : i32
        %dma_wait3A_230 = arith.constant 0 : i32
        %dma_wait3A_231 = arith.constant 0 : i32
        %dma_wait3A_232 = tpu.memref_slice %arg3[%arg0, %run_scoped3A, %arg1, %scan3A_197, %dma_wait3A, %dma_wait3A_230, %dma_wait3A_231] : memref<2x4x16x7x2x28x128xi32, #tpu.memory_space<hbm>> -> memref<1x1x1x1x2x28x128xi32, #tpu.memory_space<hbm>>
        %dma_wait3A_233 = tpu.memref_squeeze %dma_wait3A_232 : memref<1x1x1x1x2x28x128xi32, #tpu.memory_space<hbm>> -> memref<2x28x128xi32, #tpu.memory_space<hbm>>
        %dma_wait3A_234 = arith.constant 0 : i32
        %dma_wait3A_235 = arith.constant 0 : i32
        %dma_wait3A_236 = arith.constant 0 : i32
        %dma_wait3A_237 = tpu.memref_slice %arg3[%arg0, %run_scoped3A, %arg1, %scan3A_197, %dma_wait3A_234, %dma_wait3A_235, %dma_wait3A_236] : memref<2x4x16x7x2x28x128xi32, #tpu.memory_space<hbm>> -> memref<1x1x1x1x2x28x128xi32, #tpu.memory_space<hbm>>
        %dma_wait3A_238 = tpu.memref_squeeze %dma_wait3A_237 : memref<1x1x1x1x2x28x128xi32, #tpu.memory_space<hbm>> -> memref<2x28x128xi32, #tpu.memory_space<hbm>>
        tpu.wait_dma2 semaphore(%run_scoped3A_219 : memref<!tpu.dma_semaphore, #tpu.memory_space<semaphore_mem>>) src(%dma_wait3A_238 : memref<2x28x128xi32, #tpu.memory_space<hbm>>) dst(%arg8 : memref<2x28x128xi32, #tpu.memory_space<vmem>>)
        tpu.yield
      }) : () -> ()
      %dma_start3A = arith.constant 0 : i32
      %dma_start3A_198 = arith.constant 0 : i32
      %dma_start3A_199 = arith.constant 0 : i32
      %dma_start3A_200 = tpu.memref_slice %arg8[%dma_start3A, %dma_start3A_198, %dma_start3A_199] : memref<2x28x128xi32, #tpu.memory_space<vmem>> -> memref<1x1x128xi32, #tpu.memory_space<vmem>>
      %dma_start3A_201 = tpu.memref_squeeze %dma_start3A_200 : memref<1x1x128xi32, #tpu.memory_space<vmem>> -> memref<128xi32, #tpu.memory_space<vmem>>
      %dma_start3A_202 = arith.constant 0 : i32
      %dma_start3A_203 = arith.constant 0 : i32
      %dma_start3A_204 = tpu.memref_slice %arg2[%dma_start3A_202, %dma_start3A_203] : memref<200000x32xf32, #tpu.memory_space<hbm>> -> memref<200000x32xf32, #tpu.memory_space<hbm>>
      tpu.enqueue_indirect_dma source(%dma_start3A_204 : memref<200000x32xf32, #tpu.memory_space<hbm>>) target(%arg9 : memref<128x32xf32, #tpu.memory_space<vmem>>) offsets(%dma_start3A_201 : memref<128xi32, #tpu.memory_space<vmem>>) semaphore(%arg12 : memref<!tpu.dma_semaphore, #tpu.memory_space<semaphore_mem>>)
      %dma_start3A_205 = arith.constant 0 : i32
      %dma_start3A_206 = arith.constant 1 : i32
      %dma_start3A_207 = arith.constant 0 : i32
      %dma_start3A_208 = tpu.memref_slice %arg8[%dma_start3A_205, %dma_start3A_206, %dma_start3A_207] : memref<2x28x128xi32, #tpu.memory_space<vmem>> -> memref<1x1x128xi32, #tpu.memory_space<vmem>>
      %dma_start3A_209 = tpu.memref_squeeze %dma_start3A_208 : memref<1x1x128xi32, #tpu.memory_space<vmem>> -> memref<128xi32, #tpu.memory_space<vmem>>
      %dma_start3A_210 = arith.constant 0 : i32
      %dma_start3A_211 = arith.constant 0 : i32
      %dma_start3A_212 = tpu.memref_slice %arg2[%dma_start3A_210, %dma_start3A_211] : memref<200000x32xf32, #tpu.memory_space<hbm>> -> memref<200000x32xf32, #tpu.memory_space<hbm>>
      tpu.enqueue_indirect_dma source(%dma_start3A_212 : memref<200000x32xf32, #tpu.memory_space<hbm>>) target(%arg10 : memref<128x32xf32, #tpu.memory_space<vmem>>) offsets(%dma_start3A_209 : memref<128xi32, #tpu.memory_space<vmem>>) semaphore(%arg13 : memref<!tpu.dma_semaphore, #tpu.memory_space<semaphore_mem>>)
      %scan3A_213 = arith.constant 0 : i32
      %scan3A_214 = arith.constant 0 : i32
      %scan3A_215 = arith.constant 14 : i32
      %scan3A_216 = arith.addi %scan3A_214, %scan3A_215 : i32
      %scan3A_217 = arith.constant 1 : i32
      scf.for %scan3A_219 = %scan3A_214 to %scan3A_216 step %scan3A_217  : i32 {
        %mul3A_220 = arith.constant 2 : i32
        %mul3A_221 = arith.muli %scan3A_219, %mul3A_220 : i32
        %add3A_222 = arith.constant 0 : i32
        %add3A_223 = arith.addi %mul3A_221, %add3A_222 : i32
        %dma_wait3A = arith.constant 0 : i32
        %dma_wait3A_224 = arith.constant 0 : i32
        %dma_wait3A_225 = arith.constant 0 : i32
        %dma_wait3A_226 = tpu.memref_slice %arg8[%dma_wait3A, %dma_wait3A_224, %dma_wait3A_225] : memref<2x28x128xi32, #tpu.memory_space<vmem>> -> memref<1x1x128xi32, #tpu.memory_space<vmem>>
        %dma_wait3A_227 = tpu.memref_squeeze %dma_wait3A_226 : memref<1x1x128xi32, #tpu.memory_space<vmem>> -> memref<128xi32, #tpu.memory_space<vmem>>
        %dma_wait3A_228 = arith.constant 0 : i32
        %dma_wait3A_229 = arith.constant 0 : i32
        %dma_wait3A_230 = tpu.memref_slice %arg2[%dma_wait3A_228, %dma_wait3A_229] : memref<200000x32xf32, #tpu.memory_space<hbm>> -> memref<200000x32xf32, #tpu.memory_space<hbm>>
        tpu.wait_indirect_dma semaphore(%arg12 : memref<!tpu.dma_semaphore, #tpu.memory_space<semaphore_mem>>) src(%dma_wait3A_230 : memref<200000x32xf32, #tpu.memory_space<hbm>>) dst(%arg9 : memref<128x32xf32, #tpu.memory_space<vmem>>)
        %run_scoped3A_231 = arith.constant 1 : i32
        "tpu.region"() ({
          %run_scoped3A_258 = tpu.sem_alloc : memref<!tpu.dma_semaphore, #tpu.memory_space<semaphore_mem>>
          %dma_start3A_259 = arith.constant 0 : i32
          %dma_start3A_260 = tpu.memref_slice %arg8[%run_scoped3A_231, %add3A_223, %dma_start3A_259] : memref<2x28x128xi32, #tpu.memory_space<vmem>> -> memref<1x1x128xi32, #tpu.memory_space<vmem>>
          %dma_start3A_261 = tpu.memref_squeeze %dma_start3A_260 : memref<1x1x128xi32, #tpu.memory_space<vmem>> -> memref<128xi32, #tpu.memory_space<vmem>>
          %dma_start3A_262 = arith.constant 0 : i32
          %dma_start3A_263 = arith.constant 0 : i32
          %dma_start3A_264 = tpu.memref_slice %arg7[%dma_start3A_262, %dma_start3A_263] : memref<50176x32xf32, #tpu.memory_space<vmem_shared>> -> memref<50176x32xf32, #tpu.memory_space<vmem_shared>>
          tpu.enqueue_indirect_dma source(%arg9 : memref<128x32xf32, #tpu.memory_space<vmem>>) target(%dma_start3A_264 : memref<50176x32xf32, #tpu.memory_space<vmem_shared>>) offsets(%dma_start3A_261 : memref<128xi32, #tpu.memory_space<vmem>>) semaphore(%run_scoped3A_258 : memref<!tpu.dma_semaphore, #tpu.memory_space<semaphore_mem>>) {add = true}
          %dma_wait3A_265 = arith.constant 0 : i32
          %dma_wait3A_266 = tpu.memref_slice %arg8[%run_scoped3A_231, %add3A_223, %dma_wait3A_265] : memref<2x28x128xi32, #tpu.memory_space<vmem>> -> memref<1x1x128xi32, #tpu.memory_space<vmem>>
          %dma_wait3A_267 = tpu.memref_squeeze %dma_wait3A_266 : memref<1x1x128xi32, #tpu.memory_space<vmem>> -> memref<128xi32, #tpu.memory_space<vmem>>
          %dma_wait3A_268 = arith.constant 0 : i32
          %dma_wait3A_269 = arith.constant 0 : i32
          %dma_wait3A_270 = tpu.memref_slice %arg7[%dma_wait3A_268, %dma_wait3A_269] : memref<50176x32xf32, #tpu.memory_space<vmem_shared>> -> memref<50176x32xf32, #tpu.memory_space<vmem_shared>>
          tpu.wait_indirect_dma semaphore(%run_scoped3A_258 : memref<!tpu.dma_semaphore, #tpu.memory_space<semaphore_mem>>) src(%arg9 : memref<128x32xf32, #tpu.memory_space<vmem>>) dst(%dma_wait3A_270 : memref<50176x32xf32, #tpu.memory_space<vmem_shared>>)
          tpu.yield
        }) : () -> ()
        %add3A_232 = arith.constant 2 : i32
        %add3A_233 = arith.addi %add3A_223, %add3A_232 : i32
        %lt3A = arith.constant 28 : i32
        %lt3A_234 = arith.cmpi slt, %add3A_233, %lt3A : i32
        %convert_element_type3A_235 = arith.extui %lt3A_234 : i1 to i32
        %cond3A_236 = arith.constant 0 : i32
        %cond3A_237 = arith.cmpi ne, %convert_element_type3A_235, %cond3A_236 : i32
        scf.if %cond3A_237 {
          %add3A_258 = arith.constant 2 : i32
          %add3A_259 = arith.addi %add3A_223, %add3A_258 : i32
          %dma_start3A_260 = arith.constant 0 : i32
          %dma_start3A_261 = arith.constant 0 : i32
          %dma_start3A_262 = tpu.memref_slice %arg8[%dma_start3A_260, %add3A_259, %dma_start3A_261] : memref<2x28x128xi32, #tpu.memory_space<vmem>> -> memref<1x1x128xi32, #tpu.memory_space<vmem>>
          %dma_start3A_263 = tpu.memref_squeeze %dma_start3A_262 : memref<1x1x128xi32, #tpu.memory_space<vmem>> -> memref<128xi32, #tpu.memory_space<vmem>>
          %dma_start3A_264 = arith.constant 0 : i32
          %dma_start3A_265 = arith.constant 0 : i32
          %dma_start3A_266 = tpu.memref_slice %arg2[%dma_start3A_264, %dma_start3A_265] : memref<200000x32xf32, #tpu.memory_space<hbm>> -> memref<200000x32xf32, #tpu.memory_space<hbm>>
          tpu.enqueue_indirect_dma source(%dma_start3A_266 : memref<200000x32xf32, #tpu.memory_space<hbm>>) target(%arg9 : memref<128x32xf32, #tpu.memory_space<vmem>>) offsets(%dma_start3A_263 : memref<128xi32, #tpu.memory_space<vmem>>) semaphore(%arg12 : memref<!tpu.dma_semaphore, #tpu.memory_space<semaphore_mem>>)
        } else {
        }
        %mul3A_238 = arith.constant 2 : i32
        %mul3A_239 = arith.muli %scan3A_219, %mul3A_238 : i32
        %add3A_240 = arith.constant 1 : i32
        %add3A_241 = arith.addi %mul3A_239, %add3A_240 : i32
        %dma_wait3A_242 = arith.constant 0 : i32
        %dma_wait3A_243 = arith.constant 0 : i32
        %dma_wait3A_244 = arith.constant 0 : i32
        %dma_wait3A_245 = tpu.memref_slice %arg8[%dma_wait3A_242, %dma_wait3A_243, %dma_wait3A_244] : memref<2x28x128xi32, #tpu.memory_space<vmem>> -> memref<1x1x128xi32, #tpu.memory_space<vmem>>
        %dma_wait3A_246 = tpu.memref_squeeze %dma_wait3A_245 : memref<1x1x128xi32, #tpu.memory_space<vmem>> -> memref<128xi32, #tpu.memory_space<vmem>>
        %dma_wait3A_247 = arith.constant 0 : i32
        %dma_wait3A_248 = arith.constant 0 : i32
        %dma_wait3A_249 = tpu.memref_slice %arg2[%dma_wait3A_247, %dma_wait3A_248] : memref<200000x32xf32, #tpu.memory_space<hbm>> -> memref<200000x32xf32, #tpu.memory_space<hbm>>
        tpu.wait_indirect_dma semaphore(%arg13 : memref<!tpu.dma_semaphore, #tpu.memory_space<semaphore_mem>>) src(%dma_wait3A_249 : memref<200000x32xf32, #tpu.memory_space<hbm>>) dst(%arg10 : memref<128x32xf32, #tpu.memory_space<vmem>>)
        %run_scoped3A_250 = arith.constant 1 : i32
        "tpu.region"() ({
          %run_scoped3A_258 = tpu.sem_alloc : memref<!tpu.dma_semaphore, #tpu.memory_space<semaphore_mem>>
          %dma_start3A_259 = arith.constant 0 : i32
          %dma_start3A_260 = tpu.memref_slice %arg8[%run_scoped3A_250, %add3A_241, %dma_start3A_259] : memref<2x28x128xi32, #tpu.memory_space<vmem>> -> memref<1x1x128xi32, #tpu.memory_space<vmem>>
          %dma_start3A_261 = tpu.memref_squeeze %dma_start3A_260 : memref<1x1x128xi32, #tpu.memory_space<vmem>> -> memref<128xi32, #tpu.memory_space<vmem>>
          %dma_start3A_262 = arith.constant 0 : i32
          %dma_start3A_263 = arith.constant 0 : i32
          %dma_start3A_264 = tpu.memref_slice %arg7[%dma_start3A_262, %dma_start3A_263] : memref<50176x32xf32, #tpu.memory_space<vmem_shared>> -> memref<50176x32xf32, #tpu.memory_space<vmem_shared>>
          tpu.enqueue_indirect_dma source(%arg10 : memref<128x32xf32, #tpu.memory_space<vmem>>) target(%dma_start3A_264 : memref<50176x32xf32, #tpu.memory_space<vmem_shared>>) offsets(%dma_start3A_261 : memref<128xi32, #tpu.memory_space<vmem>>) semaphore(%run_scoped3A_258 : memref<!tpu.dma_semaphore, #tpu.memory_space<semaphore_mem>>) {add = true}
          %dma_wait3A_265 = arith.constant 0 : i32
          %dma_wait3A_266 = tpu.memref_slice %arg8[%run_scoped3A_250, %add3A_241, %dma_wait3A_265] : memref<2x28x128xi32, #tpu.memory_space<vmem>> -> memref<1x1x128xi32, #tpu.memory_space<vmem>>
          %dma_wait3A_267 = tpu.memref_squeeze %dma_wait3A_266 : memref<1x1x128xi32, #tpu.memory_space<vmem>> -> memref<128xi32, #tpu.memory_space<vmem>>
          %dma_wait3A_268 = arith.constant 0 : i32
          %dma_wait3A_269 = arith.constant 0 : i32
          %dma_wait3A_270 = tpu.memref_slice %arg7[%dma_wait3A_268, %dma_wait3A_269] : memref<50176x32xf32, #tpu.memory_space<vmem_shared>> -> memref<50176x32xf32, #tpu.memory_space<vmem_shared>>
          tpu.wait_indirect_dma semaphore(%run_scoped3A_258 : memref<!tpu.dma_semaphore, #tpu.memory_space<semaphore_mem>>) src(%arg10 : memref<128x32xf32, #tpu.memory_space<vmem>>) dst(%dma_wait3A_270 : memref<50176x32xf32, #tpu.memory_space<vmem_shared>>)
          tpu.yield
        }) : () -> ()
        %add3A_251 = arith.constant 2 : i32
        %add3A_252 = arith.addi %add3A_241, %add3A_251 : i32
        %lt3A_253 = arith.constant 28 : i32
        %lt3A_254 = arith.cmpi slt, %add3A_252, %lt3A_253 : i32
        %convert_element_type3A_255 = arith.extui %lt3A_254 : i1 to i32
        %cond3A_256 = arith.constant 0 : i32
        %cond3A_257 = arith.cmpi ne, %convert_element_type3A_255, %cond3A_256 : i32
        scf.if %cond3A_257 {
          %add3A_258 = arith.constant 2 : i32
          %add3A_259 = arith.addi %add3A_241, %add3A_258 : i32
          %dma_start3A_260 = arith.constant 0 : i32
          %dma_start3A_261 = arith.constant 0 : i32
          %dma_start3A_262 = tpu.memref_slice %arg8[%dma_start3A_260, %add3A_259, %dma_start3A_261] : memref<2x28x128xi32, #tpu.memory_space<vmem>> -> memref<1x1x128xi32, #tpu.memory_space<vmem>>
          %dma_start3A_263 = tpu.memref_squeeze %dma_start3A_262 : memref<1x1x128xi32, #tpu.memory_space<vmem>> -> memref<128xi32, #tpu.memory_space<vmem>>
          %dma_start3A_264 = arith.constant 0 : i32
          %dma_start3A_265 = arith.constant 0 : i32
          %dma_start3A_266 = tpu.memref_slice %arg2[%dma_start3A_264, %dma_start3A_265] : memref<200000x32xf32, #tpu.memory_space<hbm>> -> memref<200000x32xf32, #tpu.memory_space<hbm>>
          tpu.enqueue_indirect_dma source(%dma_start3A_266 : memref<200000x32xf32, #tpu.memory_space<hbm>>) target(%arg10 : memref<128x32xf32, #tpu.memory_space<vmem>>) offsets(%dma_start3A_263 : memref<128xi32, #tpu.memory_space<vmem>>) semaphore(%arg13 : memref<!tpu.dma_semaphore, #tpu.memory_space<semaphore_mem>>)
        } else {
        }
      }
      %scan3A_218 = arith.constant 14 : i32
    }
    %scan3A_184 = arith.constant 7 : i32
    %barrier3A_185 = arith.constant 0 : index
    tpu.barrier barrier_id(%barrier3A_185)
    %eq3A_186 = arith.constant 0 : i32
    %eq3A_187 = arith.cmpi eq, %arg0, %eq3A_186 : i32
    %convert_element_type3A_188 = arith.extui %eq3A_187 : i1 to i32
    %cond3A_189 = arith.constant 0 : i32
    %cond3A_190 = arith.cmpi ne, %convert_element_type3A_188, %cond3A_189 : i32
    scf.if %cond3A_190 {
      %mul3A_197 = arith.constant 3136 : i32
      %mul3A_198 = arith.muli %arg1, %mul3A_197 : i32
      %mul3A_199 = arith.constant 3136 : i32
      %mul3A_200 = arith.muli %arg1, %mul3A_199 : i32
      %run_scoped3A = arith.constant 3 : i32
      "tpu.region"() ({
        %run_scoped3A_201 = tpu.sem_alloc : memref<!tpu.dma_semaphore, #tpu.memory_space<semaphore_mem>>
        %dma_start3A = arith.constant 0 : i32
        %dma_start3A_202 = tpu.memref_slice %arg5[%run_scoped3A, %mul3A_200, %dma_start3A] : memref<4x50176x32xf32, #tpu.memory_space<hbm>> -> memref<1x3136x32xf32, #tpu.memory_space<hbm>>
        %dma_start3A_203 = tpu.memref_squeeze %dma_start3A_202 : memref<1x3136x32xf32, #tpu.memory_space<hbm>> -> memref<3136x32xf32, #tpu.memory_space<hbm>>
        %dma_start3A_204 = arith.constant 0 : i32
        %dma_start3A_205 = tpu.memref_slice %arg7[%mul3A_198, %dma_start3A_204] : memref<50176x32xf32, #tpu.memory_space<vmem_shared>> -> memref<3136x32xf32, #tpu.memory_space<vmem_shared>>
        tpu.enqueue_dma source(%dma_start3A_205 : memref<3136x32xf32, #tpu.memory_space<vmem_shared>>) target(%dma_start3A_203 : memref<3136x32xf32, #tpu.memory_space<hbm>>) target_semaphore(%run_scoped3A_201 : memref<!tpu.dma_semaphore, #tpu.memory_space<semaphore_mem>>)
        %dma_wait3A = arith.constant 0 : i32
        %dma_wait3A_206 = tpu.memref_slice %arg5[%run_scoped3A, %mul3A_200, %dma_wait3A] : memref<4x50176x32xf32, #tpu.memory_space<hbm>> -> memref<1x3136x32xf32, #tpu.memory_space<hbm>>
        %dma_wait3A_207 = tpu.memref_squeeze %dma_wait3A_206 : memref<1x3136x32xf32, #tpu.memory_space<hbm>> -> memref<3136x32xf32, #tpu.memory_space<hbm>>
        %dma_wait3A_208 = arith.constant 0 : i32
        %dma_wait3A_209 = tpu.memref_slice %arg7[%mul3A_198, %dma_wait3A_208] : memref<50176x32xf32, #tpu.memory_space<vmem_shared>> -> memref<3136x32xf32, #tpu.memory_space<vmem_shared>>
        tpu.wait_dma2 semaphore(%run_scoped3A_201 : memref<!tpu.dma_semaphore, #tpu.memory_space<semaphore_mem>>) src(%dma_wait3A_209 : memref<3136x32xf32, #tpu.memory_space<vmem_shared>>) dst(%dma_wait3A_207 : memref<3136x32xf32, #tpu.memory_space<hbm>>)
        tpu.yield
      }) : () -> ()
    } else {
    }
    %eq3A_191 = arith.constant 1 : i32
    %eq3A_192 = arith.cmpi eq, %arg0, %eq3A_191 : i32
    %convert_element_type3A_193 = arith.extui %eq3A_192 : i1 to i32
    %cond3A_194 = arith.constant 0 : i32
    %cond3A_195 = arith.cmpi ne, %convert_element_type3A_193, %cond3A_194 : i32
    scf.if %cond3A_195 {
      %mul3A_197 = arith.constant 3136 : i32
      %mul3A_198 = arith.muli %arg1, %mul3A_197 : i32
      %mul3A_199 = arith.constant 3136 : i32
      %mul3A_200 = arith.muli %arg1, %mul3A_199 : i32
      %run_scoped3A = arith.constant 3 : i32
      "tpu.region"() ({
        %run_scoped3A_201 = tpu.sem_alloc : memref<!tpu.dma_semaphore, #tpu.memory_space<semaphore_mem>>
        %dma_start3A = arith.constant 0 : i32
        %dma_start3A_202 = tpu.memref_slice %arg6[%run_scoped3A, %mul3A_200, %dma_start3A] : memref<4x50176x32xf32, #tpu.memory_space<hbm>> -> memref<1x3136x32xf32, #tpu.memory_space<hbm>>
        %dma_start3A_203 = tpu.memref_squeeze %dma_start3A_202 : memref<1x3136x32xf32, #tpu.memory_space<hbm>> -> memref<3136x32xf32, #tpu.memory_space<hbm>>
        %dma_start3A_204 = arith.constant 0 : i32
        %dma_start3A_205 = tpu.memref_slice %arg7[%mul3A_198, %dma_start3A_204] : memref<50176x32xf32, #tpu.memory_space<vmem_shared>> -> memref<3136x32xf32, #tpu.memory_space<vmem_shared>>
        tpu.enqueue_dma source(%dma_start3A_205 : memref<3136x32xf32, #tpu.memory_space<vmem_shared>>) target(%dma_start3A_203 : memref<3136x32xf32, #tpu.memory_space<hbm>>) target_semaphore(%run_scoped3A_201 : memref<!tpu.dma_semaphore, #tpu.memory_space<semaphore_mem>>)
        %dma_wait3A = arith.constant 0 : i32
        %dma_wait3A_206 = tpu.memref_slice %arg6[%run_scoped3A, %mul3A_200, %dma_wait3A] : memref<4x50176x32xf32, #tpu.memory_space<hbm>> -> memref<1x3136x32xf32, #tpu.memory_space<hbm>>
        %dma_wait3A_207 = tpu.memref_squeeze %dma_wait3A_206 : memref<1x3136x32xf32, #tpu.memory_space<hbm>> -> memref<3136x32xf32, #tpu.memory_space<hbm>>
        %dma_wait3A_208 = arith.constant 0 : i32
        %dma_wait3A_209 = tpu.memref_slice %arg7[%mul3A_198, %dma_wait3A_208] : memref<50176x32xf32, #tpu.memory_space<vmem_shared>> -> memref<3136x32xf32, #tpu.memory_space<vmem_shared>>
        tpu.wait_dma2 semaphore(%run_scoped3A_201 : memref<!tpu.dma_semaphore, #tpu.memory_space<semaphore_mem>>) src(%dma_wait3A_209 : memref<3136x32xf32, #tpu.memory_space<vmem_shared>>) dst(%dma_wait3A_207 : memref<3136x32xf32, #tpu.memory_space<hbm>>)
        tpu.yield
      }) : () -> ()
    } else {
    }
    %barrier3A_196 = arith.constant 0 : index
    tpu.barrier barrier_id(%barrier3A_196)
    return
  }
}

#map = affine_map<(d0, d1) -> (0, 0, 0, 0)>
#map1 = affine_map<(d0, d1) -> (0, 0)>
module attributes {stable_mosaic.version = 14 : i64} {
  func.func @_count_body(%arg0: i32, %arg1: i32, %arg2: memref<2x16x196x128xi32, #tpu.memory_space<hbm>>, %arg3: memref<128x16xf32, #tpu.memory_space<hbm>>, %arg4: memref<3136x16xf32, #tpu.memory_space<hbm>>, %arg5: memref<50176x16xf32, #tpu.memory_space<hbm>>, %arg6: memref<50176x16xf32, #tpu.memory_space<hbm>>, %arg7: memref<50176x16xf32, #tpu.memory_space<vmem_shared>>, %arg8: memref<196x128xi32, #tpu.memory_space<vmem>>, %arg9: memref<128x16xf32, #tpu.memory_space<vmem>>) attributes {dimension_semantics = [#tpu.dimension_semantics<core_parallel>, #tpu.dimension_semantics<subcore_parallel>], iteration_bounds = array<i64: 2, 16>, scalar_prefetch = 0 : i64, scratch_operands = 3 : i64, tpu.core_type = #tpu.core_type<sc_vector_subcore>, window_params = [{transform_indices = #map}, {transform_indices = #map1}, {transform_indices = #map1}, {transform_indices = #map1}, {transform_indices = #map1}]} {
    "tpu.region"() ({
      %run_scoped3A = tpu.sem_alloc : memref<!tpu.dma_semaphore, #tpu.memory_space<semaphore_mem>>
      %dma_start3A = arith.constant 0 : i32
      %dma_start3A_14 = arith.constant 0 : i32
      %dma_start3A_15 = tpu.memref_slice %arg2[%arg0, %arg1, %dma_start3A, %dma_start3A_14] : memref<2x16x196x128xi32, #tpu.memory_space<hbm>> -> memref<1x1x196x128xi32, #tpu.memory_space<hbm>>
      %dma_start3A_16 = tpu.memref_squeeze %dma_start3A_15 : memref<1x1x196x128xi32, #tpu.memory_space<hbm>> -> memref<196x128xi32, #tpu.memory_space<hbm>>
      %dma_start3A_17 = arith.constant 0 : i32
      %dma_start3A_18 = arith.constant 0 : i32
      %dma_start3A_19 = tpu.memref_slice %arg2[%arg0, %arg1, %dma_start3A_17, %dma_start3A_18] : memref<2x16x196x128xi32, #tpu.memory_space<hbm>> -> memref<1x1x196x128xi32, #tpu.memory_space<hbm>>
      %dma_start3A_20 = tpu.memref_squeeze %dma_start3A_19 : memref<1x1x196x128xi32, #tpu.memory_space<hbm>> -> memref<196x128xi32, #tpu.memory_space<hbm>>
      tpu.enqueue_dma source(%dma_start3A_20 : memref<196x128xi32, #tpu.memory_space<hbm>>) target(%arg8 : memref<196x128xi32, #tpu.memory_space<vmem>>) target_semaphore(%run_scoped3A : memref<!tpu.dma_semaphore, #tpu.memory_space<semaphore_mem>>)
      %dma_wait3A = arith.constant 0 : i32
      %dma_wait3A_21 = arith.constant 0 : i32
      %dma_wait3A_22 = tpu.memref_slice %arg2[%arg0, %arg1, %dma_wait3A, %dma_wait3A_21] : memref<2x16x196x128xi32, #tpu.memory_space<hbm>> -> memref<1x1x196x128xi32, #tpu.memory_space<hbm>>
      %dma_wait3A_23 = tpu.memref_squeeze %dma_wait3A_22 : memref<1x1x196x128xi32, #tpu.memory_space<hbm>> -> memref<196x128xi32, #tpu.memory_space<hbm>>
      %dma_wait3A_24 = arith.constant 0 : i32
      %dma_wait3A_25 = arith.constant 0 : i32
      %dma_wait3A_26 = tpu.memref_slice %arg2[%arg0, %arg1, %dma_wait3A_24, %dma_wait3A_25] : memref<2x16x196x128xi32, #tpu.memory_space<hbm>> -> memref<1x1x196x128xi32, #tpu.memory_space<hbm>>
      %dma_wait3A_27 = tpu.memref_squeeze %dma_wait3A_26 : memref<1x1x196x128xi32, #tpu.memory_space<hbm>> -> memref<196x128xi32, #tpu.memory_space<hbm>>
      tpu.wait_dma2 semaphore(%run_scoped3A : memref<!tpu.dma_semaphore, #tpu.memory_space<semaphore_mem>>) src(%dma_wait3A_27 : memref<196x128xi32, #tpu.memory_space<hbm>>) dst(%arg8 : memref<196x128xi32, #tpu.memory_space<vmem>>)
      tpu.yield
    }) : () -> ()
    "tpu.region"() ({
      %run_scoped3A = tpu.sem_alloc : memref<!tpu.dma_semaphore, #tpu.memory_space<semaphore_mem>>
      tpu.enqueue_dma source(%arg3 : memref<128x16xf32, #tpu.memory_space<hbm>>) target(%arg9 : memref<128x16xf32, #tpu.memory_space<vmem>>) target_semaphore(%run_scoped3A : memref<!tpu.dma_semaphore, #tpu.memory_space<semaphore_mem>>)
      tpu.wait_dma2 semaphore(%run_scoped3A : memref<!tpu.dma_semaphore, #tpu.memory_space<semaphore_mem>>) src(%arg3 : memref<128x16xf32, #tpu.memory_space<hbm>>) dst(%arg9 : memref<128x16xf32, #tpu.memory_space<vmem>>)
      tpu.yield
    }) : () -> ()
    %mul3A = arith.constant 3136 : i32
    %mul3A_0 = arith.muli %arg1, %mul3A : i32
    "tpu.region"() ({
      %run_scoped3A = tpu.sem_alloc : memref<!tpu.dma_semaphore, #tpu.memory_space<semaphore_mem>>
      %dma_start3A = arith.constant 0 : i32
      %dma_start3A_14 = tpu.memref_slice %arg7[%mul3A_0, %dma_start3A] : memref<50176x16xf32, #tpu.memory_space<vmem_shared>> -> memref<3136x16xf32, #tpu.memory_space<vmem_shared>>
      tpu.enqueue_dma source(%arg4 : memref<3136x16xf32, #tpu.memory_space<hbm>>) target(%dma_start3A_14 : memref<3136x16xf32, #tpu.memory_space<vmem_shared>>) target_semaphore(%run_scoped3A : memref<!tpu.dma_semaphore, #tpu.memory_space<semaphore_mem>>)
      %dma_wait3A = arith.constant 0 : i32
      %dma_wait3A_15 = tpu.memref_slice %arg7[%mul3A_0, %dma_wait3A] : memref<50176x16xf32, #tpu.memory_space<vmem_shared>> -> memref<3136x16xf32, #tpu.memory_space<vmem_shared>>
      tpu.wait_dma2 semaphore(%run_scoped3A : memref<!tpu.dma_semaphore, #tpu.memory_space<semaphore_mem>>) src(%arg4 : memref<3136x16xf32, #tpu.memory_space<hbm>>) dst(%dma_wait3A_15 : memref<3136x16xf32, #tpu.memory_space<vmem_shared>>)
      tpu.yield
    }) : () -> ()
    %barrier3A = arith.constant 0 : index
    tpu.barrier barrier_id(%barrier3A)
    %scan3A = arith.constant 0 : i32
    %scan3A_1 = arith.constant 0 : i32
    %scan3A_2 = arith.constant 196 : i32
    %scan3A_3 = arith.addi %scan3A_1, %scan3A_2 : i32
    %scan3A_4 = arith.constant 1 : i32
    scf.for %scan3A_14 = %scan3A_1 to %scan3A_3 step %scan3A_4  : i32 {
      "tpu.region"() ({
        %run_scoped3A = tpu.sem_alloc : memref<!tpu.dma_semaphore, #tpu.memory_space<semaphore_mem>>
        %dma_start3A = arith.constant 0 : i32
        %dma_start3A_15 = tpu.memref_slice %arg8[%scan3A_14, %dma_start3A] : memref<196x128xi32, #tpu.memory_space<vmem>> -> memref<1x128xi32, #tpu.memory_space<vmem>>
        %dma_start3A_16 = tpu.memref_squeeze %dma_start3A_15 : memref<1x128xi32, #tpu.memory_space<vmem>> -> memref<128xi32, #tpu.memory_space<vmem>>
        %dma_start3A_17 = arith.constant 0 : i32
        %dma_start3A_18 = arith.constant 0 : i32
        %dma_start3A_19 = tpu.memref_slice %arg7[%dma_start3A_17, %dma_start3A_18] : memref<50176x16xf32, #tpu.memory_space<vmem_shared>> -> memref<50176x16xf32, #tpu.memory_space<vmem_shared>>
        tpu.enqueue_indirect_dma source(%arg9 : memref<128x16xf32, #tpu.memory_space<vmem>>) target(%dma_start3A_19 : memref<50176x16xf32, #tpu.memory_space<vmem_shared>>) offsets(%dma_start3A_16 : memref<128xi32, #tpu.memory_space<vmem>>) semaphore(%run_scoped3A : memref<!tpu.dma_semaphore, #tpu.memory_space<semaphore_mem>>) {add = true}
        %dma_wait3A = arith.constant 0 : i32
        %dma_wait3A_20 = tpu.memref_slice %arg8[%scan3A_14, %dma_wait3A] : memref<196x128xi32, #tpu.memory_space<vmem>> -> memref<1x128xi32, #tpu.memory_space<vmem>>
        %dma_wait3A_21 = tpu.memref_squeeze %dma_wait3A_20 : memref<1x128xi32, #tpu.memory_space<vmem>> -> memref<128xi32, #tpu.memory_space<vmem>>
        %dma_wait3A_22 = arith.constant 0 : i32
        %dma_wait3A_23 = arith.constant 0 : i32
        %dma_wait3A_24 = tpu.memref_slice %arg7[%dma_wait3A_22, %dma_wait3A_23] : memref<50176x16xf32, #tpu.memory_space<vmem_shared>> -> memref<50176x16xf32, #tpu.memory_space<vmem_shared>>
        tpu.wait_indirect_dma semaphore(%run_scoped3A : memref<!tpu.dma_semaphore, #tpu.memory_space<semaphore_mem>>) src(%arg9 : memref<128x16xf32, #tpu.memory_space<vmem>>) dst(%dma_wait3A_24 : memref<50176x16xf32, #tpu.memory_space<vmem_shared>>)
        tpu.yield
      }) : () -> ()
    }
    %scan3A_5 = arith.constant 196 : i32
    %barrier3A_6 = arith.constant 0 : index
    tpu.barrier barrier_id(%barrier3A_6)
    %eq3A = arith.constant 0 : i32
    %eq3A_7 = arith.cmpi eq, %arg0, %eq3A : i32
    %convert_element_type3A = arith.extui %eq3A_7 : i1 to i32
    %cond3A = arith.constant 0 : i32
    %cond3A_8 = arith.cmpi ne, %convert_element_type3A, %cond3A : i32
    scf.if %cond3A_8 {
      %mul3A_14 = arith.constant 3136 : i32
      %mul3A_15 = arith.muli %arg1, %mul3A_14 : i32
      %mul3A_16 = arith.constant 3136 : i32
      %mul3A_17 = arith.muli %arg1, %mul3A_16 : i32
      "tpu.region"() ({
        %run_scoped3A = tpu.sem_alloc : memref<!tpu.dma_semaphore, #tpu.memory_space<semaphore_mem>>
        %dma_start3A = arith.constant 0 : i32
        %dma_start3A_18 = tpu.memref_slice %arg5[%mul3A_17, %dma_start3A] : memref<50176x16xf32, #tpu.memory_space<hbm>> -> memref<3136x16xf32, #tpu.memory_space<hbm>>
        %dma_start3A_19 = arith.constant 0 : i32
        %dma_start3A_20 = tpu.memref_slice %arg7[%mul3A_15, %dma_start3A_19] : memref<50176x16xf32, #tpu.memory_space<vmem_shared>> -> memref<3136x16xf32, #tpu.memory_space<vmem_shared>>
        tpu.enqueue_dma source(%dma_start3A_20 : memref<3136x16xf32, #tpu.memory_space<vmem_shared>>) target(%dma_start3A_18 : memref<3136x16xf32, #tpu.memory_space<hbm>>) target_semaphore(%run_scoped3A : memref<!tpu.dma_semaphore, #tpu.memory_space<semaphore_mem>>)
        %dma_wait3A = arith.constant 0 : i32
        %dma_wait3A_21 = tpu.memref_slice %arg5[%mul3A_17, %dma_wait3A] : memref<50176x16xf32, #tpu.memory_space<hbm>> -> memref<3136x16xf32, #tpu.memory_space<hbm>>
        %dma_wait3A_22 = arith.constant 0 : i32
        %dma_wait3A_23 = tpu.memref_slice %arg7[%mul3A_15, %dma_wait3A_22] : memref<50176x16xf32, #tpu.memory_space<vmem_shared>> -> memref<3136x16xf32, #tpu.memory_space<vmem_shared>>
        tpu.wait_dma2 semaphore(%run_scoped3A : memref<!tpu.dma_semaphore, #tpu.memory_space<semaphore_mem>>) src(%dma_wait3A_23 : memref<3136x16xf32, #tpu.memory_space<vmem_shared>>) dst(%dma_wait3A_21 : memref<3136x16xf32, #tpu.memory_space<hbm>>)
        tpu.yield
      }) : () -> ()
    } else {
    }
    %eq3A_9 = arith.constant 1 : i32
    %eq3A_10 = arith.cmpi eq, %arg0, %eq3A_9 : i32
    %convert_element_type3A_11 = arith.extui %eq3A_10 : i1 to i32
    %cond3A_12 = arith.constant 0 : i32
    %cond3A_13 = arith.cmpi ne, %convert_element_type3A_11, %cond3A_12 : i32
    scf.if %cond3A_13 {
      %mul3A_14 = arith.constant 3136 : i32
      %mul3A_15 = arith.muli %arg1, %mul3A_14 : i32
      %mul3A_16 = arith.constant 3136 : i32
      %mul3A_17 = arith.muli %arg1, %mul3A_16 : i32
      "tpu.region"() ({
        %run_scoped3A = tpu.sem_alloc : memref<!tpu.dma_semaphore, #tpu.memory_space<semaphore_mem>>
        %dma_start3A = arith.constant 0 : i32
        %dma_start3A_18 = tpu.memref_slice %arg6[%mul3A_17, %dma_start3A] : memref<50176x16xf32, #tpu.memory_space<hbm>> -> memref<3136x16xf32, #tpu.memory_space<hbm>>
        %dma_start3A_19 = arith.constant 0 : i32
        %dma_start3A_20 = tpu.memref_slice %arg7[%mul3A_15, %dma_start3A_19] : memref<50176x16xf32, #tpu.memory_space<vmem_shared>> -> memref<3136x16xf32, #tpu.memory_space<vmem_shared>>
        tpu.enqueue_dma source(%dma_start3A_20 : memref<3136x16xf32, #tpu.memory_space<vmem_shared>>) target(%dma_start3A_18 : memref<3136x16xf32, #tpu.memory_space<hbm>>) target_semaphore(%run_scoped3A : memref<!tpu.dma_semaphore, #tpu.memory_space<semaphore_mem>>)
        %dma_wait3A = arith.constant 0 : i32
        %dma_wait3A_21 = tpu.memref_slice %arg6[%mul3A_17, %dma_wait3A] : memref<50176x16xf32, #tpu.memory_space<hbm>> -> memref<3136x16xf32, #tpu.memory_space<hbm>>
        %dma_wait3A_22 = arith.constant 0 : i32
        %dma_wait3A_23 = tpu.memref_slice %arg7[%mul3A_15, %dma_wait3A_22] : memref<50176x16xf32, #tpu.memory_space<vmem_shared>> -> memref<3136x16xf32, #tpu.memory_space<vmem_shared>>
        tpu.wait_dma2 semaphore(%run_scoped3A : memref<!tpu.dma_semaphore, #tpu.memory_space<semaphore_mem>>) src(%dma_wait3A_23 : memref<3136x16xf32, #tpu.memory_space<vmem_shared>>) dst(%dma_wait3A_21 : memref<3136x16xf32, #tpu.memory_space<hbm>>)
        tpu.yield
      }) : () -> ()
    } else {
    }
    return
  }
}

module attributes {stable_mosaic.version = 14 : i64} {
  func.func @_pre_user_body(%arg0: i32, %arg1: memref<2000x1544xf32, #tpu.memory_space<vmem>>, %arg2: memref<1544x128xf32, #tpu.memory_space<vmem>>, %arg3: memref<1x128xf32, #tpu.memory_space<vmem>>, %arg4: memref<128x128xf32, #tpu.memory_space<vmem>>, %arg5: memref<1x128xf32, #tpu.memory_space<vmem>>, %arg6: memref<2000x128xf32, #tpu.memory_space<vmem>>, %arg7: memref<2000x128xf32, #tpu.memory_space<vmem>>) attributes {dimension_semantics = [#tpu.dimension_semantics<arbitrary>], iteration_bounds = array<i64: 25>, scalar_prefetch = 0 : i64, scratch_operands = 0 : i64, tpu.core_type = #tpu.core_type<tc>, window_params = [{transform_indices = @transform_0, window_bounds = array<i64: 2000, 1544>}, {pipeline_mode = #tpu.pipeline_mode<synchronous>, transform_indices = @transform_1, window_bounds = array<i64: 1544, 128>}, {pipeline_mode = #tpu.pipeline_mode<synchronous>, transform_indices = @transform_2, window_bounds = array<i64: 1, 128>}, {pipeline_mode = #tpu.pipeline_mode<synchronous>, transform_indices = @transform_3, window_bounds = array<i64: 128, 128>}, {pipeline_mode = #tpu.pipeline_mode<synchronous>, transform_indices = @transform_4, window_bounds = array<i64: 1, 128>}, {transform_indices = @transform_5, window_bounds = array<i64: 2000, 128>}, {transform_indices = @transform_6, window_bounds = array<i64: 2000, 128>}]} {
    %get3A = arith.constant 0 : index
    %get3A_0 = arith.constant 0 : index
    %get3A_1 = vector.load %arg1[%get3A, %get3A_0] : memref<2000x1544xf32, #tpu.memory_space<vmem>>, vector<2000x1544xf32>
    %get3A_2 = arith.constant 0 : index
    %get3A_3 = arith.constant 0 : index
    %get3A_4 = vector.load %arg2[%get3A_2, %get3A_3] : memref<1544x128xf32, #tpu.memory_space<vmem>>, vector<1544x128xf32>
    %dot_general3A = arith.constant dense<0.000000e+00> : vector<2000x128xf32>
    %dot_general3A_5 = tpu.matmul %get3A_1, %get3A_4, %dot_general3A {dimension_numbers = #tpu.dot_dimension_numbers<[1], [0], [0], [1], [0, 0, 1, 1], [], []>, transpose_lhs_hint = false} : vector<2000x1544xf32>, vector<1544x128xf32>, vector<2000x128xf32> -> vector<2000x128xf32>
    %get3A_6 = arith.constant 0 : index
    %get3A_7 = arith.constant 0 : index
    %get3A_8 = vector.load %arg3[%get3A_6, %get3A_7] : memref<1x128xf32, #tpu.memory_space<vmem>>, vector<1x128xf32>
    %add3A = vector.broadcast %get3A_8 : vector<1x128xf32> to vector<2000x128xf32>
    %add3A_9 = arith.addf %dot_general3A_5, %add3A : vector<2000x128xf32>
    %ge3A = arith.constant 0.000000e+00 : f32
    %ge3A_10 = vector.broadcast %ge3A : f32 to vector<2000x128xf32>
    %ge3A_11 = arith.cmpf oge, %add3A_9, %ge3A_10 : vector<2000x128xf32>
    %mul3A = arith.constant 0.00999999977 : f32
    %mul3A_12 = vector.broadcast %mul3A : f32 to vector<2000x128xf32>
    %mul3A_13 = arith.mulf %mul3A_12, %add3A_9 : vector<2000x128xf32>
    %select_n3A = arith.select %ge3A_11, %add3A_9, %mul3A_13 : vector<2000x128xi1>, vector<2000x128xf32>
    %get3A_14 = arith.constant 0 : index
    %get3A_15 = arith.constant 0 : index
    %get3A_16 = vector.load %arg4[%get3A_14, %get3A_15] : memref<128x128xf32, #tpu.memory_space<vmem>>, vector<128x128xf32>
    %dot_general3A_17 = arith.constant dense<0.000000e+00> : vector<2000x128xf32>
    %dot_general3A_18 = tpu.matmul %select_n3A, %get3A_16, %dot_general3A_17 {dimension_numbers = #tpu.dot_dimension_numbers<[1], [0], [0], [1], [0, 0, 1, 1], [], []>, transpose_lhs_hint = false} : vector<2000x128xf32>, vector<128x128xf32>, vector<2000x128xf32> -> vector<2000x128xf32>
    %get3A_19 = arith.constant 0 : index
    %get3A_20 = arith.constant 0 : index
    %get3A_21 = vector.load %arg5[%get3A_19, %get3A_20] : memref<1x128xf32, #tpu.memory_space<vmem>>, vector<1x128xf32>
    %add3A_22 = vector.broadcast %get3A_21 : vector<1x128xf32> to vector<2000x128xf32>
    %add3A_23 = arith.addf %dot_general3A_18, %add3A_22 : vector<2000x128xf32>
    %ge3A_24 = arith.constant 0.000000e+00 : f32
    %ge3A_25 = vector.broadcast %ge3A_24 : f32 to vector<2000x128xf32>
    %ge3A_26 = arith.cmpf oge, %add3A_23, %ge3A_25 : vector<2000x128xf32>
    %mul3A_27 = arith.constant 0.00999999977 : f32
    %mul3A_28 = vector.broadcast %mul3A_27 : f32 to vector<2000x128xf32>
    %mul3A_29 = arith.mulf %mul3A_28, %add3A_23 : vector<2000x128xf32>
    %select_n3A_30 = arith.select %ge3A_26, %add3A_23, %mul3A_29 : vector<2000x128xi1>, vector<2000x128xf32>
    %swap3A = arith.constant 0 : index
    %swap3A_31 = arith.constant 0 : index
    %swap3A_32 = vector.load %arg6[%swap3A, %swap3A_31] : memref<2000x128xf32, #tpu.memory_space<vmem>>, vector<2000x128xf32>
    tpu.vector_store %arg6[%swap3A, %swap3A_31], %select_n3A {strides = array<i32>} : memref<2000x128xf32, #tpu.memory_space<vmem>>, vector<2000x128xf32>,
    %swap3A_33 = arith.constant 0 : index
    %swap3A_34 = arith.constant 0 : index
    %swap3A_35 = vector.load %arg7[%swap3A_33, %swap3A_34] : memref<2000x128xf32, #tpu.memory_space<vmem>>, vector<2000x128xf32>
    tpu.vector_store %arg7[%swap3A_33, %swap3A_34], %select_n3A_30 {strides = array<i32>} : memref<2000x128xf32, #tpu.memory_space<vmem>>, vector<2000x128xf32>,
    return
  }
  func.func @transform_0(%arg0: i32) -> (i32, i32) {
    %c0_i32 = arith.constant 0 : i32
    %c0_i32_0 = arith.constant 0 : i32
    return %arg0, %c0_i32 : i32, i32
  }
  func.func @transform_1(%arg0: i32) -> (i32, i32) {
    %c0_i32 = arith.constant 0 : i32
    %c0_i32_0 = arith.constant 0 : i32
    %c0_i32_1 = arith.constant 0 : i32
    return %c0_i32, %c0_i32_0 : i32, i32
  }
  func.func @transform_2(%arg0: i32) -> (i32, i32) {
    %c0_i32 = arith.constant 0 : i32
    %c0_i32_0 = arith.constant 0 : i32
    %c0_i32_1 = arith.constant 0 : i32
    return %c0_i32, %c0_i32_0 : i32, i32
  }
  func.func @transform_3(%arg0: i32) -> (i32, i32) {
    %c0_i32 = arith.constant 0 : i32
    %c0_i32_0 = arith.constant 0 : i32
    %c0_i32_1 = arith.constant 0 : i32
    return %c0_i32, %c0_i32_0 : i32, i32
  }
  func.func @transform_4(%arg0: i32) -> (i32, i32) {
    %c0_i32 = arith.constant 0 : i32
    %c0_i32_0 = arith.constant 0 : i32
    %c0_i32_1 = arith.constant 0 : i32
    return %c0_i32, %c0_i32_0 : i32, i32
  }
  func.func @transform_5(%arg0: i32) -> (i32, i32) {
    %c0_i32 = arith.constant 0 : i32
    %c0_i32_0 = arith.constant 0 : i32
    return %arg0, %c0_i32 : i32, i32
  }
  func.func @transform_6(%arg0: i32) -> (i32, i32) {
    %c0_i32 = arith.constant 0 : i32
    %c0_i32_0 = arith.constant 0 : i32
    return %arg0, %c0_i32 : i32, i32
  }
}

module attributes {stable_mosaic.version = 14 : i64} {
  func.func @_layer_body(%arg0: i32, %arg1: memref<2000x16xf32, #tpu.memory_space<vmem>>, %arg2: memref<4x2000x32xf32, #tpu.memory_space<vmem>>, %arg3: memref<2000x128xf32, #tpu.memory_space<vmem>>, %arg4: memref<128x128xf32, #tpu.memory_space<vmem>>, %arg5: memref<128x128xf32, #tpu.memory_space<vmem>>, %arg6: memref<1x128xf32, #tpu.memory_space<vmem>>, %arg7: memref<2000x128xf32, #tpu.memory_space<vmem>>, %arg8: memref<8x128xf32, #tpu.memory_space<vmem>>) attributes {dimension_semantics = [#tpu.dimension_semantics<arbitrary>], iteration_bounds = array<i64: 25>, scalar_prefetch = 0 : i64, scratch_operands = 0 : i64, tpu.core_type = #tpu.core_type<tc>, window_params = [{transform_indices = @transform_0, window_bounds = array<i64: 2000, 16>}, {transform_indices = @transform_1, window_bounds = array<i64: 4, 2000, 32>}, {transform_indices = @transform_2, window_bounds = array<i64: 2000, 128>}, {pipeline_mode = #tpu.pipeline_mode<synchronous>, transform_indices = @transform_3, window_bounds = array<i64: 128, 128>}, {pipeline_mode = #tpu.pipeline_mode<synchronous>, transform_indices = @transform_4, window_bounds = array<i64: 128, 128>}, {pipeline_mode = #tpu.pipeline_mode<synchronous>, transform_indices = @transform_5, window_bounds = array<i64: 1, 128>}, {transform_indices = @transform_6, window_bounds = array<i64: 2000, 128>}, {pipeline_mode = #tpu.pipeline_mode<synchronous>, transform_indices = @transform_7, window_bounds = array<i64: 8, 128>}]} {
    %get3A = arith.constant 0 : index
    %get3A_0 = arith.constant 0 : index
    %get3A_1 = vector.load %arg1[%get3A, %get3A_0] : memref<2000x16xf32, #tpu.memory_space<vmem>>, vector<2000x16xf32>
    %slice3A = vector.extract_strided_slice %get3A_1 {offsets = [0, 0], sizes = [2000, 1], strides = [1, 1]} : vector<2000x16xf32> to vector<2000x1xf32>
    %max3A = arith.constant 1.000000e+00 : f32
    %max3A_2 = vector.broadcast %max3A : f32 to vector<2000x1xf32>
    %max3A_3 = arith.maximumf %slice3A, %max3A_2 : vector<2000x1xf32>
    %div3A = arith.constant 1.000000e+00 : f32
    %div3A_4 = vector.broadcast %div3A : f32 to vector<2000x1xf32>
    %div3A_5 = arith.divf %div3A_4, %max3A_3 : vector<2000x1xf32>
    %get3A_6 = arith.constant 0 : index
    %get3A_7 = arith.constant 0 : index
    %get3A_8 = arith.constant 0 : index
    %get3A_9 = vector.load %arg2[%get3A_6, %get3A_7, %get3A_8] : memref<4x2000x32xf32, #tpu.memory_space<vmem>>, vector<1x2000x32xf32>
    %get3A_10 = vector.shape_cast %get3A_9 : vector<1x2000x32xf32> to vector<2000x32xf32>
    %get3A_11 = arith.constant 1 : index
    %get3A_12 = arith.constant 0 : index
    %get3A_13 = arith.constant 0 : index
    %get3A_14 = vector.load %arg2[%get3A_11, %get3A_12, %get3A_13] : memref<4x2000x32xf32, #tpu.memory_space<vmem>>, vector<1x2000x32xf32>
    %get3A_15 = vector.shape_cast %get3A_14 : vector<1x2000x32xf32> to vector<2000x32xf32>
    %get3A_16 = arith.constant 2 : index
    %get3A_17 = arith.constant 0 : index
    %get3A_18 = arith.constant 0 : index
    %get3A_19 = vector.load %arg2[%get3A_16, %get3A_17, %get3A_18] : memref<4x2000x32xf32, #tpu.memory_space<vmem>>, vector<1x2000x32xf32>
    %get3A_20 = vector.shape_cast %get3A_19 : vector<1x2000x32xf32> to vector<2000x32xf32>
    %get3A_21 = arith.constant 3 : index
    %get3A_22 = arith.constant 0 : index
    %get3A_23 = arith.constant 0 : index
    %get3A_24 = vector.load %arg2[%get3A_21, %get3A_22, %get3A_23] : memref<4x2000x32xf32, #tpu.memory_space<vmem>>, vector<1x2000x32xf32>
    %get3A_25 = vector.shape_cast %get3A_24 : vector<1x2000x32xf32> to vector<2000x32xf32>
    %concatenate3A = tpu.concatenate %get3A_10, %get3A_15, %get3A_20, %get3A_25 in 1 : vector<2000x32xf32>, vector<2000x32xf32>, vector<2000x32xf32>, vector<2000x32xf32> -> vector<2000x128xf32>
    %mul3A = vector.broadcast %div3A_5 : vector<2000x1xf32> to vector<2000x128xf32>
    %mul3A_26 = arith.mulf %concatenate3A, %mul3A : vector<2000x128xf32>
    %get3A_27 = arith.constant 0 : index
    %get3A_28 = arith.constant 0 : index
    %get3A_29 = vector.load %arg4[%get3A_27, %get3A_28] : memref<128x128xf32, #tpu.memory_space<vmem>>, vector<128x128xf32>
    %dot_general3A = arith.constant dense<0.000000e+00> : vector<2000x128xf32>
    %dot_general3A_30 = tpu.matmul %mul3A_26, %get3A_29, %dot_general3A {dimension_numbers = #tpu.dot_dimension_numbers<[1], [0], [0], [1], [0, 0, 1, 1], [], []>, transpose_lhs_hint = false} : vector<2000x128xf32>, vector<128x128xf32>, vector<2000x128xf32> -> vector<2000x128xf32>
    %get3A_31 = arith.constant 0 : index
    %get3A_32 = arith.constant 0 : index
    %get3A_33 = vector.load %arg3[%get3A_31, %get3A_32] : memref<2000x128xf32, #tpu.memory_space<vmem>>, vector<2000x128xf32>
    %get3A_34 = arith.constant 0 : index
    %get3A_35 = arith.constant 0 : index
    %get3A_36 = vector.load %arg5[%get3A_34, %get3A_35] : memref<128x128xf32, #tpu.memory_space<vmem>>, vector<128x128xf32>
    %dot_general3A_37 = arith.constant dense<0.000000e+00> : vector<2000x128xf32>
    %dot_general3A_38 = tpu.matmul %get3A_33, %get3A_36, %dot_general3A_37 {dimension_numbers = #tpu.dot_dimension_numbers<[1], [0], [0], [1], [0, 0, 1, 1], [], []>, transpose_lhs_hint = false} : vector<2000x128xf32>, vector<128x128xf32>, vector<2000x128xf32> -> vector<2000x128xf32>
    %add3A = arith.addf %dot_general3A_30, %dot_general3A_38 : vector<2000x128xf32>
    %get3A_39 = arith.constant 0 : index
    %get3A_40 = arith.constant 0 : index
    %get3A_41 = vector.load %arg6[%get3A_39, %get3A_40] : memref<1x128xf32, #tpu.memory_space<vmem>>, vector<1x128xf32>
    %add3A_42 = vector.broadcast %get3A_41 : vector<1x128xf32> to vector<2000x128xf32>
    %add3A_43 = arith.addf %add3A, %add3A_42 : vector<2000x128xf32>
    %swap3A = arith.constant 0 : index
    %swap3A_44 = arith.constant 0 : index
    %swap3A_45 = vector.load %arg7[%swap3A, %swap3A_44] : memref<2000x128xf32, #tpu.memory_space<vmem>>, vector<2000x128xf32>
    tpu.vector_store %arg7[%swap3A, %swap3A_44], %add3A_43 {strides = array<i32>} : memref<2000x128xf32, #tpu.memory_space<vmem>>, vector<2000x128xf32>,
    %eq3A = arith.constant 0 : i32
    %eq3A_46 = arith.cmpi eq, %arg0, %eq3A : i32
    %convert_element_type3A = arith.extui %eq3A_46 : i1 to i32
    %cond3A = arith.constant 0 : i32
    %cond3A_47 = arith.cmpi ne, %convert_element_type3A, %cond3A : i32
    scf.if %cond3A_47 {
      %broadcast_in_dim3A_67 = arith.constant 0.000000e+00 : f32
      %broadcast_in_dim3A_68 = vector.broadcast %broadcast_in_dim3A_67 : f32 to vector<8x128xf32>
      %swap3A_69 = arith.constant 0 : index
      %swap3A_70 = arith.constant 0 : index
      %swap3A_71 = vector.load %arg8[%swap3A_69, %swap3A_70] : memref<8x128xf32, #tpu.memory_space<vmem>>, vector<8x128xf32>
      tpu.vector_store %arg8[%swap3A_69, %swap3A_70], %broadcast_in_dim3A_68 {strides = array<i32>} : memref<8x128xf32, #tpu.memory_space<vmem>>, vector<8x128xf32>,
    } else {
    }
    %get3A_48 = arith.constant 0 : index
    %get3A_49 = arith.constant 0 : index
    %get3A_50 = vector.load %arg8[%get3A_48, %get3A_49] : memref<8x128xf32, #tpu.memory_space<vmem>>, vector<1x128xf32>
    %reduce_sum3A = arith.constant dense<0.000000e+00> : vector<128xf32>
    %reduce_sum3A_51 = vector.multi_reduction <add>, %add3A_43, %reduce_sum3A [0] : vector<2000x128xf32> to vector<128xf32>
    %broadcast_in_dim3A = vector.shape_cast %reduce_sum3A_51 : vector<128xf32> to vector<1x128xf32>
    %add3A_52 = arith.addf %get3A_50, %broadcast_in_dim3A : vector<1x128xf32>
    %swap3A_53 = arith.constant 0 : index
    %swap3A_54 = arith.constant 0 : index
    %swap3A_55 = vector.load %arg8[%swap3A_53, %swap3A_54] : memref<8x128xf32, #tpu.memory_space<vmem>>, vector<1x128xf32>
    tpu.vector_store %arg8[%swap3A_53, %swap3A_54], %add3A_52 {strides = array<i32>} : memref<8x128xf32, #tpu.memory_space<vmem>>, vector<1x128xf32>,
    %get3A_56 = arith.constant 1 : index
    %get3A_57 = arith.constant 0 : index
    %get3A_58 = vector.load %arg8[%get3A_56, %get3A_57] : memref<8x128xf32, #tpu.memory_space<vmem>>, vector<1x128xf32>
    %mul3A_59 = arith.mulf %add3A_43, %add3A_43 : vector<2000x128xf32>
    %reduce_sum3A_60 = arith.constant dense<0.000000e+00> : vector<128xf32>
    %reduce_sum3A_61 = vector.multi_reduction <add>, %mul3A_59, %reduce_sum3A_60 [0] : vector<2000x128xf32> to vector<128xf32>
    %broadcast_in_dim3A_62 = vector.shape_cast %reduce_sum3A_61 : vector<128xf32> to vector<1x128xf32>
    %add3A_63 = arith.addf %get3A_58, %broadcast_in_dim3A_62 : vector<1x128xf32>
    %swap3A_64 = arith.constant 1 : index
    %swap3A_65 = arith.constant 0 : index
    %swap3A_66 = vector.load %arg8[%swap3A_64, %swap3A_65] : memref<8x128xf32, #tpu.memory_space<vmem>>, vector<1x128xf32>
    tpu.vector_store %arg8[%swap3A_64, %swap3A_65], %add3A_63 {strides = array<i32>} : memref<8x128xf32, #tpu.memory_space<vmem>>, vector<1x128xf32>,
    return
  }
  func.func @transform_0(%arg0: i32) -> (i32, i32) {
    %c0_i32 = arith.constant 0 : i32
    %c0_i32_0 = arith.constant 0 : i32
    return %arg0, %c0_i32 : i32, i32
  }
  func.func @transform_1(%arg0: i32) -> (i32, i32, i32) {
    %c0_i32 = arith.constant 0 : i32
    %c0_i32_0 = arith.constant 0 : i32
    %c0_i32_1 = arith.constant 0 : i32
    return %c0_i32, %arg0, %c0_i32_0 : i32, i32, i32
  }
  func.func @transform_2(%arg0: i32) -> (i32, i32) {
    %c0_i32 = arith.constant 0 : i32
    %c0_i32_0 = arith.constant 0 : i32
    return %arg0, %c0_i32 : i32, i32
  }
  func.func @transform_3(%arg0: i32) -> (i32, i32) {
    %c0_i32 = arith.constant 0 : i32
    %c0_i32_0 = arith.constant 0 : i32
    %c0_i32_1 = arith.constant 0 : i32
    return %c0_i32, %c0_i32_0 : i32, i32
  }
  func.func @transform_4(%arg0: i32) -> (i32, i32) {
    %c0_i32 = arith.constant 0 : i32
    %c0_i32_0 = arith.constant 0 : i32
    %c0_i32_1 = arith.constant 0 : i32
    return %c0_i32, %c0_i32_0 : i32, i32
  }
  func.func @transform_5(%arg0: i32) -> (i32, i32) {
    %c0_i32 = arith.constant 0 : i32
    %c0_i32_0 = arith.constant 0 : i32
    %c0_i32_1 = arith.constant 0 : i32
    return %c0_i32, %c0_i32_0 : i32, i32
  }
  func.func @transform_6(%arg0: i32) -> (i32, i32) {
    %c0_i32 = arith.constant 0 : i32
    %c0_i32_0 = arith.constant 0 : i32
    return %arg0, %c0_i32 : i32, i32
  }
  func.func @transform_7(%arg0: i32) -> (i32, i32) {
    %c0_i32 = arith.constant 0 : i32
    %c0_i32_0 = arith.constant 0 : i32
    %c0_i32_1 = arith.constant 0 : i32
    return %c0_i32, %c0_i32_0 : i32, i32
  }
}

module attributes {stable_mosaic.version = 14 : i64} {
  func.func @_bn_body(%arg0: i32, %arg1: memref<2000x128xf32, #tpu.memory_space<vmem>>, %arg2: memref<8x128xf32, #tpu.memory_space<vmem>>, %arg3: memref<1x128xf32, #tpu.memory_space<vmem>>, %arg4: memref<1x128xf32, #tpu.memory_space<vmem>>, %arg5: memref<2000x128xf32, #tpu.memory_space<vmem>>) attributes {dimension_semantics = [#tpu.dimension_semantics<arbitrary>], iteration_bounds = array<i64: 25>, scalar_prefetch = 0 : i64, scratch_operands = 0 : i64, tpu.core_type = #tpu.core_type<tc>, window_params = [{transform_indices = @transform_0, window_bounds = array<i64: 2000, 128>}, {pipeline_mode = #tpu.pipeline_mode<synchronous>, transform_indices = @transform_1, window_bounds = array<i64: 8, 128>}, {pipeline_mode = #tpu.pipeline_mode<synchronous>, transform_indices = @transform_2, window_bounds = array<i64: 1, 128>}, {pipeline_mode = #tpu.pipeline_mode<synchronous>, transform_indices = @transform_3, window_bounds = array<i64: 1, 128>}, {transform_indices = @transform_4, window_bounds = array<i64: 2000, 128>}]} {
    %get3A = arith.constant 0 : index
    %get3A_0 = arith.constant 0 : index
    %get3A_1 = vector.load %arg2[%get3A, %get3A_0] : memref<8x128xf32, #tpu.memory_space<vmem>>, vector<1x128xf32>
    %get3A_2 = arith.constant 1 : index
    %get3A_3 = arith.constant 0 : index
    %get3A_4 = vector.load %arg2[%get3A_2, %get3A_3] : memref<8x128xf32, #tpu.memory_space<vmem>>, vector<1x128xf32>
    %div3A = arith.constant 5.000000e+04 : f32
    %div3A_5 = vector.broadcast %div3A : f32 to vector<1x128xf32>
    %div3A_6 = arith.divf %get3A_1, %div3A_5 : vector<1x128xf32>
    %div3A_7 = arith.constant 5.000000e+04 : f32
    %div3A_8 = vector.broadcast %div3A_7 : f32 to vector<1x128xf32>
    %div3A_9 = arith.divf %get3A_4, %div3A_8 : vector<1x128xf32>
    %mul3A = arith.mulf %div3A_6, %div3A_6 : vector<1x128xf32>
    %sub3A = arith.subf %div3A_9, %mul3A : vector<1x128xf32>
    %get3A_10 = arith.constant 0 : index
    %get3A_11 = arith.constant 0 : index
    %get3A_12 = vector.load %arg3[%get3A_10, %get3A_11] : memref<1x128xf32, #tpu.memory_space<vmem>>, vector<1x128xf32>
    %add3A = arith.constant 9.99999974E-6 : f32
    %add3A_13 = vector.broadcast %add3A : f32 to vector<1x128xf32>
    %add3A_14 = arith.addf %sub3A, %add3A_13 : vector<1x128xf32>
    %sqrt3A = math.sqrt %add3A_14 : vector<1x128xf32>
    %div3A_15 = arith.divf %get3A_12, %sqrt3A : vector<1x128xf32>
    %get3A_16 = arith.constant 0 : index
    %get3A_17 = arith.constant 0 : index
    %get3A_18 = vector.load %arg4[%get3A_16, %get3A_17] : memref<1x128xf32, #tpu.memory_space<vmem>>, vector<1x128xf32>
    %mul3A_19 = arith.mulf %div3A_6, %div3A_15 : vector<1x128xf32>
    %sub3A_20 = arith.subf %get3A_18, %mul3A_19 : vector<1x128xf32>
    %get3A_21 = arith.constant 0 : index
    %get3A_22 = arith.constant 0 : index
    %get3A_23 = vector.load %arg1[%get3A_21, %get3A_22] : memref<2000x128xf32, #tpu.memory_space<vmem>>, vector<2000x128xf32>
    %mul3A_24 = vector.broadcast %div3A_15 : vector<1x128xf32> to vector<2000x128xf32>
    %mul3A_25 = arith.mulf %get3A_23, %mul3A_24 : vector<2000x128xf32>
    %add3A_26 = vector.broadcast %sub3A_20 : vector<1x128xf32> to vector<2000x128xf32>
    %add3A_27 = arith.addf %mul3A_25, %add3A_26 : vector<2000x128xf32>
    %swap3A = arith.constant 0 : index
    %swap3A_28 = arith.constant 0 : index
    %swap3A_29 = vector.load %arg5[%swap3A, %swap3A_28] : memref<2000x128xf32, #tpu.memory_space<vmem>>, vector<2000x128xf32>
    tpu.vector_store %arg5[%swap3A, %swap3A_28], %add3A_27 {strides = array<i32>} : memref<2000x128xf32, #tpu.memory_space<vmem>>, vector<2000x128xf32>,
    return
  }
  func.func @transform_0(%arg0: i32) -> (i32, i32) {
    %c0_i32 = arith.constant 0 : i32
    %c0_i32_0 = arith.constant 0 : i32
    return %arg0, %c0_i32 : i32, i32
  }
  func.func @transform_1(%arg0: i32) -> (i32, i32) {
    %c0_i32 = arith.constant 0 : i32
    %c0_i32_0 = arith.constant 0 : i32
    %c0_i32_1 = arith.constant 0 : i32
    return %c0_i32, %c0_i32_0 : i32, i32
  }
  func.func @transform_2(%arg0: i32) -> (i32, i32) {
    %c0_i32 = arith.constant 0 : i32
    %c0_i32_0 = arith.constant 0 : i32
    %c0_i32_1 = arith.constant 0 : i32
    return %c0_i32, %c0_i32_0 : i32, i32
  }
  func.func @transform_3(%arg0: i32) -> (i32, i32) {
    %c0_i32 = arith.constant 0 : i32
    %c0_i32_0 = arith.constant 0 : i32
    %c0_i32_1 = arith.constant 0 : i32
    return %c0_i32, %c0_i32_0 : i32, i32
  }
  func.func @transform_4(%arg0: i32) -> (i32, i32) {
    %c0_i32 = arith.constant 0 : i32
    %c0_i32_0 = arith.constant 0 : i32
    return %arg0, %c0_i32 : i32, i32
  }
}

module attributes {stable_mosaic.version = 14 : i64} {
  func.func @_copy128_body(%arg0: i32, %arg1: i32, %arg2: memref<2000x128xf32, #tpu.memory_space<vmem>>, %arg3: memref<2000x128xf32, #tpu.memory_space<vmem>>) attributes {dimension_semantics = [#tpu.dimension_semantics<arbitrary>, #tpu.dimension_semantics<arbitrary>], iteration_bounds = array<i64: 25, 1>, scalar_prefetch = 0 : i64, scratch_operands = 0 : i64, tpu.core_type = #tpu.core_type<tc>, window_params = [{transform_indices = @transform_0, window_bounds = array<i64: 2000, 128>}, {transform_indices = @transform_1, window_bounds = array<i64: 2000, 128>}]} {
    %get3A = arith.constant 0 : index
    %get3A_0 = arith.constant 0 : index
    %get3A_1 = vector.load %arg2[%get3A, %get3A_0] : memref<2000x128xf32, #tpu.memory_space<vmem>>, vector<2000x128xf32>
    %swap3A = arith.constant 0 : index
    %swap3A_2 = arith.constant 0 : index
    %swap3A_3 = vector.load %arg3[%swap3A, %swap3A_2] : memref<2000x128xf32, #tpu.memory_space<vmem>>, vector<2000x128xf32>
    tpu.vector_store %arg3[%swap3A, %swap3A_2], %get3A_1 {strides = array<i32>} : memref<2000x128xf32, #tpu.memory_space<vmem>>, vector<2000x128xf32>,
    return
  }
  func.func @transform_0(%arg0: i32, %arg1: i32) -> (i32, i32) {
    %c0_i32 = arith.constant 0 : i32
    return %arg0, %arg1 : i32, i32
  }
  func.func @transform_1(%arg0: i32, %arg1: i32) -> (i32, i32) {
    %add3A = arith.constant 1 : i32
    %add3A_0 = arith.addi %arg1, %add3A : i32
    %c0_i32 = arith.constant 0 : i32
    return %arg0, %add3A_0 : i32, i32
  }
}

module attributes {stable_mosaic.version = 14 : i64} {
  func.func @_copy128_body(%arg0: i32, %arg1: i32, %arg2: memref<2000x128xf32, #tpu.memory_space<vmem>>, %arg3: memref<2000x128xf32, #tpu.memory_space<vmem>>) attributes {dimension_semantics = [#tpu.dimension_semantics<arbitrary>, #tpu.dimension_semantics<arbitrary>], iteration_bounds = array<i64: 25, 6>, scalar_prefetch = 0 : i64, scratch_operands = 0 : i64, tpu.core_type = #tpu.core_type<tc>, window_params = [{transform_indices = @transform_0, window_bounds = array<i64: 2000, 128>}, {transform_indices = @transform_1, window_bounds = array<i64: 2000, 128>}]} {
    %get3A = arith.constant 0 : index
    %get3A_0 = arith.constant 0 : index
    %get3A_1 = vector.load %arg2[%get3A, %get3A_0] : memref<2000x128xf32, #tpu.memory_space<vmem>>, vector<2000x128xf32>
    %swap3A = arith.constant 0 : index
    %swap3A_2 = arith.constant 0 : index
    %swap3A_3 = vector.load %arg3[%swap3A, %swap3A_2] : memref<2000x128xf32, #tpu.memory_space<vmem>>, vector<2000x128xf32>
    tpu.vector_store %arg3[%swap3A, %swap3A_2], %get3A_1 {strides = array<i32>} : memref<2000x128xf32, #tpu.memory_space<vmem>>, vector<2000x128xf32>,
    return
  }
  func.func @transform_0(%arg0: i32, %arg1: i32) -> (i32, i32) {
    %c0_i32 = arith.constant 0 : i32
    return %arg0, %arg1 : i32, i32
  }
  func.func @transform_1(%arg0: i32, %arg1: i32) -> (i32, i32) {
    %add3A = arith.constant 1 : i32
    %add3A_0 = arith.addi %arg1, %add3A : i32
    %c0_i32 = arith.constant 0 : i32
    return %arg0, %add3A_0 : i32, i32
  }
}

module attributes {stable_mosaic.version = 14 : i64} {
  func.func @_pre_tweet_body(%arg0: i32, %arg1: memref<2000x768xf32, #tpu.memory_space<vmem>>, %arg2: memref<768x128xf32, #tpu.memory_space<vmem>>, %arg3: memref<1x128xf32, #tpu.memory_space<vmem>>, %arg4: memref<2000x128xf32, #tpu.memory_space<vmem>>) attributes {dimension_semantics = [#tpu.dimension_semantics<arbitrary>], iteration_bounds = array<i64: 25>, scalar_prefetch = 0 : i64, scratch_operands = 0 : i64, tpu.core_type = #tpu.core_type<tc>, window_params = [{transform_indices = @transform_0, window_bounds = array<i64: 2000, 768>}, {pipeline_mode = #tpu.pipeline_mode<synchronous>, transform_indices = @transform_1, window_bounds = array<i64: 768, 128>}, {pipeline_mode = #tpu.pipeline_mode<synchronous>, transform_indices = @transform_2, window_bounds = array<i64: 1, 128>}, {transform_indices = @transform_3, window_bounds = array<i64: 2000, 128>}]} {
    %get3A = arith.constant 0 : index
    %get3A_0 = arith.constant 0 : index
    %get3A_1 = vector.load %arg1[%get3A, %get3A_0] : memref<2000x768xf32, #tpu.memory_space<vmem>>, vector<2000x768xf32>
    %get3A_2 = arith.constant 0 : index
    %get3A_3 = arith.constant 0 : index
    %get3A_4 = vector.load %arg2[%get3A_2, %get3A_3] : memref<768x128xf32, #tpu.memory_space<vmem>>, vector<768x128xf32>
    %dot_general3A = arith.constant dense<0.000000e+00> : vector<2000x128xf32>
    %dot_general3A_5 = tpu.matmul %get3A_1, %get3A_4, %dot_general3A {dimension_numbers = #tpu.dot_dimension_numbers<[1], [0], [0], [1], [0, 0, 1, 1], [], []>, transpose_lhs_hint = false} : vector<2000x768xf32>, vector<768x128xf32>, vector<2000x128xf32> -> vector<2000x128xf32>
    %get3A_6 = arith.constant 0 : index
    %get3A_7 = arith.constant 0 : index
    %get3A_8 = vector.load %arg3[%get3A_6, %get3A_7] : memref<1x128xf32, #tpu.memory_space<vmem>>, vector<1x128xf32>
    %add3A = vector.broadcast %get3A_8 : vector<1x128xf32> to vector<2000x128xf32>
    %add3A_9 = arith.addf %dot_general3A_5, %add3A : vector<2000x128xf32>
    %ge3A = arith.constant 0.000000e+00 : f32
    %ge3A_10 = vector.broadcast %ge3A : f32 to vector<2000x128xf32>
    %ge3A_11 = arith.cmpf oge, %add3A_9, %ge3A_10 : vector<2000x128xf32>
    %mul3A = arith.constant 0.00999999977 : f32
    %mul3A_12 = vector.broadcast %mul3A : f32 to vector<2000x128xf32>
    %mul3A_13 = arith.mulf %mul3A_12, %add3A_9 : vector<2000x128xf32>
    %select_n3A = arith.select %ge3A_11, %add3A_9, %mul3A_13 : vector<2000x128xi1>, vector<2000x128xf32>
    %swap3A = arith.constant 0 : index
    %swap3A_14 = arith.constant 0 : index
    %swap3A_15 = vector.load %arg4[%swap3A, %swap3A_14] : memref<2000x128xf32, #tpu.memory_space<vmem>>, vector<2000x128xf32>
    tpu.vector_store %arg4[%swap3A, %swap3A_14], %select_n3A {strides = array<i32>} : memref<2000x128xf32, #tpu.memory_space<vmem>>, vector<2000x128xf32>,
    return
  }
  func.func @transform_0(%arg0: i32) -> (i32, i32) {
    %c0_i32 = arith.constant 0 : i32
    %c0_i32_0 = arith.constant 0 : i32
    return %arg0, %c0_i32 : i32, i32
  }
  func.func @transform_1(%arg0: i32) -> (i32, i32) {
    %c0_i32 = arith.constant 0 : i32
    %c0_i32_0 = arith.constant 0 : i32
    %c0_i32_1 = arith.constant 0 : i32
    return %c0_i32, %c0_i32_0 : i32, i32
  }
  func.func @transform_2(%arg0: i32) -> (i32, i32) {
    %c0_i32 = arith.constant 0 : i32
    %c0_i32_0 = arith.constant 0 : i32
    %c0_i32_1 = arith.constant 0 : i32
    return %c0_i32, %c0_i32_0 : i32, i32
  }
  func.func @transform_3(%arg0: i32) -> (i32, i32) {
    %c0_i32 = arith.constant 0 : i32
    %c0_i32_0 = arith.constant 0 : i32
    return %arg0, %c0_i32 : i32, i32
  }
}

module attributes {stable_mosaic.version = 14 : i64} {
  func.func @_bn_into_body(%arg0: i32, %arg1: memref<2000x128xf32, #tpu.memory_space<vmem>>, %arg2: memref<8x128xf32, #tpu.memory_space<vmem>>, %arg3: memref<1x128xf32, #tpu.memory_space<vmem>>, %arg4: memref<1x128xf32, #tpu.memory_space<vmem>>, %arg5: memref<50000x256xf32, #tpu.memory_space<any>>, %arg6: memref<2000x128xf32, #tpu.memory_space<vmem>>) attributes {dimension_semantics = [#tpu.dimension_semantics<arbitrary>], iteration_bounds = array<i64: 25>, scalar_prefetch = 0 : i64, scratch_operands = 0 : i64, tpu.core_type = #tpu.core_type<tc>, window_params = [{transform_indices = @transform_0, window_bounds = array<i64: 2000, 128>}, {pipeline_mode = #tpu.pipeline_mode<synchronous>, transform_indices = @transform_1, window_bounds = array<i64: 8, 128>}, {pipeline_mode = #tpu.pipeline_mode<synchronous>, transform_indices = @transform_2, window_bounds = array<i64: 1, 128>}, {pipeline_mode = #tpu.pipeline_mode<synchronous>, transform_indices = @transform_3, window_bounds = array<i64: 1, 128>}, {}, {transform_indices = @transform_5, window_bounds = array<i64: 2000, 128>}]} {
    %get3A = arith.constant 0 : index
    %get3A_0 = arith.constant 0 : index
    %get3A_1 = vector.load %arg2[%get3A, %get3A_0] : memref<8x128xf32, #tpu.memory_space<vmem>>, vector<1x128xf32>
    %get3A_2 = arith.constant 1 : index
    %get3A_3 = arith.constant 0 : index
    %get3A_4 = vector.load %arg2[%get3A_2, %get3A_3] : memref<8x128xf32, #tpu.memory_space<vmem>>, vector<1x128xf32>
    %div3A = arith.constant 5.000000e+04 : f32
    %div3A_5 = vector.broadcast %div3A : f32 to vector<1x128xf32>
    %div3A_6 = arith.divf %get3A_1, %div3A_5 : vector<1x128xf32>
    %div3A_7 = arith.constant 5.000000e+04 : f32
    %div3A_8 = vector.broadcast %div3A_7 : f32 to vector<1x128xf32>
    %div3A_9 = arith.divf %get3A_4, %div3A_8 : vector<1x128xf32>
    %mul3A = arith.mulf %div3A_6, %div3A_6 : vector<1x128xf32>
    %sub3A = arith.subf %div3A_9, %mul3A : vector<1x128xf32>
    %get3A_10 = arith.constant 0 : index
    %get3A_11 = arith.constant 0 : index
    %get3A_12 = vector.load %arg3[%get3A_10, %get3A_11] : memref<1x128xf32, #tpu.memory_space<vmem>>, vector<1x128xf32>
    %add3A = arith.constant 9.99999974E-6 : f32
    %add3A_13 = vector.broadcast %add3A : f32 to vector<1x128xf32>
    %add3A_14 = arith.addf %sub3A, %add3A_13 : vector<1x128xf32>
    %sqrt3A = math.sqrt %add3A_14 : vector<1x128xf32>
    %div3A_15 = arith.divf %get3A_12, %sqrt3A : vector<1x128xf32>
    %get3A_16 = arith.constant 0 : index
    %get3A_17 = arith.constant 0 : index
    %get3A_18 = vector.load %arg4[%get3A_16, %get3A_17] : memref<1x128xf32, #tpu.memory_space<vmem>>, vector<1x128xf32>
    %mul3A_19 = arith.mulf %div3A_6, %div3A_15 : vector<1x128xf32>
    %sub3A_20 = arith.subf %get3A_18, %mul3A_19 : vector<1x128xf32>
    %get3A_21 = arith.constant 0 : index
    %get3A_22 = arith.constant 0 : index
    %get3A_23 = vector.load %arg1[%get3A_21, %get3A_22] : memref<2000x128xf32, #tpu.memory_space<vmem>>, vector<2000x128xf32>
    %mul3A_24 = vector.broadcast %div3A_15 : vector<1x128xf32> to vector<2000x128xf32>
    %mul3A_25 = arith.mulf %get3A_23, %mul3A_24 : vector<2000x128xf32>
    %add3A_26 = vector.broadcast %sub3A_20 : vector<1x128xf32> to vector<2000x128xf32>
    %add3A_27 = arith.addf %mul3A_25, %add3A_26 : vector<2000x128xf32>
    %swap3A = arith.constant 0 : index
    %swap3A_28 = arith.constant 0 : index
    %swap3A_29 = vector.load %arg6[%swap3A, %swap3A_28] : memref<2000x128xf32, #tpu.memory_space<vmem>>, vector<2000x128xf32>
    tpu.vector_store %arg6[%swap3A, %swap3A_28], %add3A_27 {strides = array<i32>} : memref<2000x128xf32, #tpu.memory_space<vmem>>, vector<2000x128xf32>,
    return
  }
  func.func @transform_0(%arg0: i32) -> (i32, i32) {
    %c0_i32 = arith.constant 0 : i32
    %c0_i32_0 = arith.constant 0 : i32
    return %arg0, %c0_i32 : i32, i32
  }
  func.func @transform_1(%arg0: i32) -> (i32, i32) {
    %c0_i32 = arith.constant 0 : i32
    %c0_i32_0 = arith.constant 0 : i32
    %c0_i32_1 = arith.constant 0 : i32
    return %c0_i32, %c0_i32_0 : i32, i32
  }
  func.func @transform_2(%arg0: i32) -> (i32, i32) {
    %c0_i32 = arith.constant 0 : i32
    %c0_i32_0 = arith.constant 0 : i32
    %c0_i32_1 = arith.constant 0 : i32
    return %c0_i32, %c0_i32_0 : i32, i32
  }
  func.func @transform_3(%arg0: i32) -> (i32, i32) {
    %c0_i32 = arith.constant 0 : i32
    %c0_i32_0 = arith.constant 0 : i32
    %c0_i32_1 = arith.constant 0 : i32
    return %c0_i32, %c0_i32_0 : i32, i32
  }
  func.func @transform_5(%arg0: i32) -> (i32, i32) {
    %c0_i32 = arith.constant 0 : i32
    %c0_i32_0 = arith.constant 0 : i32
    return %arg0, %c0_i32 : i32, i32
  }
}

module attributes {stable_mosaic.version = 14 : i64} {
  func.func @_bn_into_body(%arg0: i32, %arg1: memref<2000x128xf32, #tpu.memory_space<vmem>>, %arg2: memref<8x128xf32, #tpu.memory_space<vmem>>, %arg3: memref<1x128xf32, #tpu.memory_space<vmem>>, %arg4: memref<1x128xf32, #tpu.memory_space<vmem>>, %arg5: memref<50000x896xf32, #tpu.memory_space<any>>, %arg6: memref<2000x128xf32, #tpu.memory_space<vmem>>) attributes {dimension_semantics = [#tpu.dimension_semantics<arbitrary>], iteration_bounds = array<i64: 25>, scalar_prefetch = 0 : i64, scratch_operands = 0 : i64, tpu.core_type = #tpu.core_type<tc>, window_params = [{transform_indices = @transform_0, window_bounds = array<i64: 2000, 128>}, {pipeline_mode = #tpu.pipeline_mode<synchronous>, transform_indices = @transform_1, window_bounds = array<i64: 8, 128>}, {pipeline_mode = #tpu.pipeline_mode<synchronous>, transform_indices = @transform_2, window_bounds = array<i64: 1, 128>}, {pipeline_mode = #tpu.pipeline_mode<synchronous>, transform_indices = @transform_3, window_bounds = array<i64: 1, 128>}, {}, {transform_indices = @transform_5, window_bounds = array<i64: 2000, 128>}]} {
    %get3A = arith.constant 0 : index
    %get3A_0 = arith.constant 0 : index
    %get3A_1 = vector.load %arg2[%get3A, %get3A_0] : memref<8x128xf32, #tpu.memory_space<vmem>>, vector<1x128xf32>
    %get3A_2 = arith.constant 1 : index
    %get3A_3 = arith.constant 0 : index
    %get3A_4 = vector.load %arg2[%get3A_2, %get3A_3] : memref<8x128xf32, #tpu.memory_space<vmem>>, vector<1x128xf32>
    %div3A = arith.constant 5.000000e+04 : f32
    %div3A_5 = vector.broadcast %div3A : f32 to vector<1x128xf32>
    %div3A_6 = arith.divf %get3A_1, %div3A_5 : vector<1x128xf32>
    %div3A_7 = arith.constant 5.000000e+04 : f32
    %div3A_8 = vector.broadcast %div3A_7 : f32 to vector<1x128xf32>
    %div3A_9 = arith.divf %get3A_4, %div3A_8 : vector<1x128xf32>
    %mul3A = arith.mulf %div3A_6, %div3A_6 : vector<1x128xf32>
    %sub3A = arith.subf %div3A_9, %mul3A : vector<1x128xf32>
    %get3A_10 = arith.constant 0 : index
    %get3A_11 = arith.constant 0 : index
    %get3A_12 = vector.load %arg3[%get3A_10, %get3A_11] : memref<1x128xf32, #tpu.memory_space<vmem>>, vector<1x128xf32>
    %add3A = arith.constant 9.99999974E-6 : f32
    %add3A_13 = vector.broadcast %add3A : f32 to vector<1x128xf32>
    %add3A_14 = arith.addf %sub3A, %add3A_13 : vector<1x128xf32>
    %sqrt3A = math.sqrt %add3A_14 : vector<1x128xf32>
    %div3A_15 = arith.divf %get3A_12, %sqrt3A : vector<1x128xf32>
    %get3A_16 = arith.constant 0 : index
    %get3A_17 = arith.constant 0 : index
    %get3A_18 = vector.load %arg4[%get3A_16, %get3A_17] : memref<1x128xf32, #tpu.memory_space<vmem>>, vector<1x128xf32>
    %mul3A_19 = arith.mulf %div3A_6, %div3A_15 : vector<1x128xf32>
    %sub3A_20 = arith.subf %get3A_18, %mul3A_19 : vector<1x128xf32>
    %get3A_21 = arith.constant 0 : index
    %get3A_22 = arith.constant 0 : index
    %get3A_23 = vector.load %arg1[%get3A_21, %get3A_22] : memref<2000x128xf32, #tpu.memory_space<vmem>>, vector<2000x128xf32>
    %mul3A_24 = vector.broadcast %div3A_15 : vector<1x128xf32> to vector<2000x128xf32>
    %mul3A_25 = arith.mulf %get3A_23, %mul3A_24 : vector<2000x128xf32>
    %add3A_26 = vector.broadcast %sub3A_20 : vector<1x128xf32> to vector<2000x128xf32>
    %add3A_27 = arith.addf %mul3A_25, %add3A_26 : vector<2000x128xf32>
    %swap3A = arith.constant 0 : index
    %swap3A_28 = arith.constant 0 : index
    %swap3A_29 = vector.load %arg6[%swap3A, %swap3A_28] : memref<2000x128xf32, #tpu.memory_space<vmem>>, vector<2000x128xf32>
    tpu.vector_store %arg6[%swap3A, %swap3A_28], %add3A_27 {strides = array<i32>} : memref<2000x128xf32, #tpu.memory_space<vmem>>, vector<2000x128xf32>,
    return
  }
  func.func @transform_0(%arg0: i32) -> (i32, i32) {
    %c0_i32 = arith.constant 0 : i32
    %c0_i32_0 = arith.constant 0 : i32
    return %arg0, %c0_i32 : i32, i32
  }
  func.func @transform_1(%arg0: i32) -> (i32, i32) {
    %c0_i32 = arith.constant 0 : i32
    %c0_i32_0 = arith.constant 0 : i32
    %c0_i32_1 = arith.constant 0 : i32
    return %c0_i32, %c0_i32_0 : i32, i32
  }
  func.func @transform_2(%arg0: i32) -> (i32, i32) {
    %c0_i32 = arith.constant 0 : i32
    %c0_i32_0 = arith.constant 0 : i32
    %c0_i32_1 = arith.constant 0 : i32
    return %c0_i32, %c0_i32_0 : i32, i32
  }
  func.func @transform_3(%arg0: i32) -> (i32, i32) {
    %c0_i32 = arith.constant 0 : i32
    %c0_i32_0 = arith.constant 0 : i32
    %c0_i32_1 = arith.constant 0 : i32
    return %c0_i32, %c0_i32_0 : i32, i32
  }
  func.func @transform_5(%arg0: i32) -> (i32, i32) {
    %c0_i32 = arith.constant 0 : i32
    %c0_i32_0 = arith.constant 0 : i32
    return %arg0, %c0_i32 : i32, i32
  }
}

</mosaic_0001>

<sc_bundles>
// kernel: kernel.17.cloned.1.call-start
scs
__scs_entry_jumppad:
0x0: {  	(pc) =	sbr.rel $0x88, $3  }
0x1: {  	(tag) =	ssettag $0x0;
	lr =	simm.s32 $0x1  }
0x2: {  	[smem:$0x3F81] =	sst lr;
	_ =	strace $0xD0000000  }
0x3: {  	_ = 	snop  }
0x4: {  	_ = 	snop  }
0x5: {  	_ = 	snop  }
0x6: {  	_ = 	snop  }
0x7: {  	_ = 	snop  }
__scs_overlays_trampoline_lowered:
0x8: {  	[smem:$0x3F90] =	sst s0  }
0x9: {  	[smem:$0x3F91] =	sst s1  }
0xa: {  	[smem:$0x3F92] =	sst s2  }
0xb: {  	[smem:$0x3F93] =	sst s3  }
0xc: {  	[smem:$0x3F94] =	sst s4  }
0xd: {  	[smem:$0x3F95] =	sst s5  }
0xe: {  	[smem:$0x3F96] =	sst s6  }
0xf: {  	[smem:$0x3F97] =	sst s7  }
0x10: {  	[smem:$0x3F98] =	sst s8  }
0x11: {  	[smem:$0x3F99] =	sst s9;
	s0 =	simm.s32 @!p0 $0x0  }
0x12: {  	s1 =	sld [smem:$0x3F7F];
	s0 =	simm.s32 @p0 $0x1  }
0x13: {  	[smem:$0x3F9A] =	sst s0;
	s0 =	simm.s32 @!p1 $0x0  }
0x14: {  	s2 =	sld [smem:$0x3F7E];
	s0 =	simm.s32 @p1 $0x1  }
0x15: {  	[smem:$0x3F9B] =	sst s0;
	s0 =	simm.s32 @!p2 $0x0  }
0x16: {  	s3 =	sld [smem:$0x3FDB];
	s0 =	simm.s32 @p2 $0x1  }
0x17: {  	s4 =	simm.s32 $0x1BF5;
	[smem:$0x3F9D] =	sst s0  }
0x18: {  	s0 =	sld [smem:$0x3F80];
	_ =	swait.ge [sflag:s4], $0x0  }
0x19: {  	s7 =	sld [smem:$0x3F81]  }
0x1a: {  	s8 =	sadd.s32 $0xFFFFE003, lr  }
0x1b: {  	s9 =	sadd.s32 $0xFFFFFEF7, lr;
	s5 =	simm.s32 $0xFFFFFFFF;
	p2 =	slt.u32 s8, $0xFFFFF086  }
0x1c: {  	p1 =	slt.u32 s9, $0xF7A;
	s5 =	simm.s32 @!p2 $0x0  }
0x1d: {  	s5 =	simm.s32 @p1 $0x1;
	p0 =	seq.s32 s7, s2  }
0x1e: {  	s7 =	smul.u32 @!p0 $0xF7A, s2;
	p2 =	seq.s32 @!p0 s5, $0x0  }
0x1f: {  	s9 =	smul.u32 $0xF7A, s1;
	s8 =	simm.s32 @!p0 $0x1BF5;
	p2 =	por !p2, p0  }
0x20: {  	[sflag:s8] =	ssyncset.s32 @!p0 $0xFFFFF086;
	s6 =	sadd.s32 @!p0 s3, s7;
	s7 =	simm.s32 @!p0 $0x108  }
0x21: {  	s3 =	sadd.s32 s3, s9;
	s6 =	sadd.s32 @!p0 $0x88, s6;
	s7 =	simm.s32 @p2 $0x1082  }
0x22: {  	[simem:s7], [sflag:s8] =	dma.local @!p0 [hbm:s6], $0xF7A  }
0x23: {  	s9 =	sor.u32 $0xD0000000, s2;
	s6 =	simm.s32 $0x108;
	_ =	swait.ge @!p0 [sflag:s8], $0x0  }
0x24: {  	s3 =	sadd.s32 $0x88, s3;
	s6 =	simm.s32 @!p1 $0x1082;
	[sflag:s4] =	ssyncset.s32 $0xFFFFF086  }
0x25: {  	[simem:s6], [sflag:s4] =	dma.local [hbm:s3], $0xF7A  }
0x26: {  	[smem:$0x3F81] =	sst s1;
	(tag) =	ssettag s2;
	_ =	strace s9  }
0x27: {  	s1 =	sld [smem:$0x3F91]  }
0x28: {  	s2 =	sld [smem:$0x3F92]  }
0x29: {  	s4 =	sld [smem:$0x3F94]  }
0x2a: {  	p0 =	seq.s32 s5, $0x0;
	s5 =	sld [smem:$0x3F95]  }
0x2b: {  	s6 =	sld [smem:$0x3F96]  }
0x2c: {  	s7 =	sld [smem:$0x3F97]  }
0x2d: {  	s3 =	simm.s32 $0x108;
	s8 =	sld [smem:$0x3F98]  }
0x2e: {  	s3 =	simm.s32 @!p0 $0x1082;
	s9 =	sld [smem:$0x3F99]  }
0x2f: {  	lr =	sadd.s32 s0, s3;
	s0 =	sld [smem:$0x3F90]  }
0x30: {  	s3 =	sld [smem:$0x3F93]  }
0x31: {  	[smem:$0x3F9C] =	sst s10  }
0x32: {  	s10 =	sld [smem:$0x3F9A];
	_ =	sdelay $0x3  }
0x33: {  	p0 =	seq.s32 s10, $0x1;
	s10 =	sld [smem:$0x3F9C];
	_ =	sdelay $0x3  }
0x34: {  	[smem:$0x3F9C] =	sst s10  }
0x35: {  	s10 =	sld [smem:$0x3F9B];
	_ =	sdelay $0x3  }
0x36: {  	p1 =	seq.s32 s10, $0x1;
	s10 =	sld [smem:$0x3F9C];
	_ =	sdelay $0x3  }
0x37: {  	[smem:$0x3F9C] =	sst s10  }
0x38: {  	s10 =	sld [smem:$0x3F9D]  }
0x39: {  	_ = 	snop;
	(pc) =	sbr.ind lr, $3  }
0x3a: {  	_ = 	snop  }
0x3b: {  	_ = 	snop  }
0x3c: {  	p2 =	seq.s32 s10, $0x1;
	s10 =	sld [smem:$0x3F9C]  }
0x3d: {  	_ =	shalt  }
0x3e: {  	_ =	shalt  }
0x3f: {  	_ =	shalt  }
0x40: {  	_ =	shalt  }
0x41: {  	_ =	shalt  }
0x42: {  	_ =	shalt  }
0x43: {  	_ =	shalt  }
0x44: {  	_ =	shalt  }
0x45: {  	_ =	shalt  }
0x46: {  	_ =	shalt  }
0x47: {  	_ =	shalt  }
0x48: {  	_ =	shalt  }
0x49: {  	_ =	shalt  }
0x4a: {  	_ =	shalt  }
0x4b: {  	_ =	shalt  }
0x4c: {  	_ =	shalt  }
0x4d: {  	_ =	shalt  }
0x4e: {  	_ =	shalt  }
0x4f: {  	_ =	shalt  }
0x50: {  	_ =	shalt  }
0x51: {  	_ =	shalt  }
0x52: {  	_ =	shalt  }
0x53: {  	_ =	shalt  }
0x54: {  	_ =	shalt  }
0x55: {  	_ =	shalt  }
0x56: {  	_ =	shalt  }
0x57: {  	_ =	shalt  }
0x58: {  	_ =	shalt  }
0x59: {  	_ =	shalt  }
0x5a: {  	_ =	shalt  }
0x5b: {  	_ =	shalt  }
0x5c: {  	_ =	shalt  }
0x5d: {  	_ =	shalt  }
0x5e: {  	_ =	shalt  }
0x5f: {  	_ =	shalt  }
0x60: {  	_ =	shalt  }
0x61: {  	_ =	shalt  }
0x62: {  	_ =	shalt  }
0x63: {  	_ =	shalt  }
0x64: {  	_ =	shalt  }
0x65: {  	_ =	shalt  }
0x66: {  	_ =	shalt  }
0x67: {  	_ =	shalt  }
0x68: {  	_ =	shalt  }
0x69: {  	_ =	shalt  }
0x6a: {  	_ =	shalt  }
0x6b: {  	_ =	shalt  }
0x6c: {  	_ =	shalt  }
0x6d: {  	_ =	shalt  }
0x6e: {  	_ =	shalt  }
0x6f: {  	_ =	shalt  }
0x70: {  	_ =	shalt  }
0x71: {  	_ =	shalt  }
0x72: {  	_ =	shalt  }
0x73: {  	_ =	shalt  }
0x74: {  	_ =	shalt  }
0x75: {  	_ =	shalt  }
0x76: {  	_ =	shalt  }
0x77: {  	_ =	shalt  }
0x78: {  	_ =	shalt  }
0x79: {  	_ =	shalt  }
0x7a: {  	_ =	shalt  }
0x7b: {  	_ =	shalt  }
0x7c: {  	_ =	shalt  }
0x7d: {  	_ =	shalt  }
0x7e: {  	_ =	shalt  }
0x7f: {  	_ =	shalt  }
0x80: {  	_ =	shalt  }
0x81: {  	_ =	shalt  }
0x82: {  	_ =	shalt  }
0x83: {  	_ =	shalt  }
0x84: {  	_ =	shalt  }
0x85: {  	_ =	shalt  }
0x86: {  	_ =	shalt  }
0x87: {  	_ =	shalt  }
.Lfunc_end0:
.L_simem_size_0:
called_computation_lowered:
.L_overlay_start_0:
0x88: {  	s2 =	sld [smem:$0x3FD9]  }
0x89: {  	s3 =	sld [smem:$0x3FFE];
	_ =	sdelay $0x1  }
0x8a: {  	s1 =	srdreg.scid  }
0x8b: {  	s0 =	sand.u32 $0x1, s1  }
0x8c: {  	s16 =	sshll.u32 s0, $0xA;
	s2 =	sadd.s32 s3, s2  }
0x8d: {  	s2 =	sadd.s32 s2, s16  }
0x8e: {  	[smem:$0x3FA8] =	sst s2  }
0x8f: {  	_ = 	snop  }
0x90: {  	(tm) =	ssettm $0x1  }
0x91: {  	s17 =	sld [smem:$0x3FFB];
	_ =	sdelay $0x3  }
0x92: {  	_ =	strace s17  }
0x93: {  	s2 =	sld [smem:$0x3FFC];
	_ =	sdelay $0x3  }
0x94: {  	_ =	strace s2  }
0x95: {  	s2 =	sld [smem:$0x3FFD];
	_ =	sdelay $0x3  }
0x96: {  	_ =	strace s2  }
0x97: {  	_ =	strace $0x8FFFFFFF  }
0x98: {  	s18 =	sld [smem:$0x3FDB];
	_ =	sdelay $0x1  }
0x99: {  	s19 =	simm.s32 $_scs_section_size  }
0x9a: {  	s4 =	simm.s32 $_size__tile_overlayer_lowered;
	s5 =	simm.s32 $_tile_overlayer_lowered  }
0x9b: {  	s22 =	simm.s32 $0x1BFF;
	s21 =	sshll.u32 s5, $0x1;
	s2 =	sadd.s32 s19, s18  }
0x9c: {  	s6 =	simm.s32 $0x0;
	s20 =	sshll.u32 s4, $0x1;
	s4 =	sadd.s32 s21, s2  }
0x9d: {  	[timem:s6], [sflag:s22] =	dma.local [hbm:s4], s20  }
0x9e: {  	_ =	swait.ge [sflag:s22], s20  }
0x9f: {  	s3 =	ssub.s32 $0x0, s20;
	[sflag:s22] =	ssyncset.done $0x0  }
0xa0: {  	[sflag:s22] =	ssyncadd.s32 s3;
	_ =	sdelay $0x1  }
0xa1: {  	s23 =	simm.s32 $0x1B8B  }
0xa2: {  	_ =	swait.ge [sflag:s23], $0x1  }
0xa3: {  	[sflag:s23] =	ssyncset.done $0x0  }
0xa4: {  	s25 =	simm.s32 $0x1B8E;
	s24 =	sld [smem:$0x3FFE];
	[sflag:s23] =	ssyncadd.s32 $0xFFFFFFFF  }
0xa5: {  	s26 =	simm.s32 $execute0_lowered;
	[smem:$0x3FD2] =	sst s25  }
0xa6: {  	s4 =	sshll.u32 s26, $0x1;
	_ =	strace $0x80000046;
	[dreg:$0x1] =	wrdreg $0xFFFFFFFF  }
0xa7: {  	s28 =	simm.s32 $_size_execute0_lowered;
	s2 =	sadd.s32 s2, s4;
	[dreg:$0x0] =	wrdreg $0x0  }
0xa8: {  	s4 =	sshll.u32 s28, $0x1;
	[dreg:$0x2] =	wrdreg s2  }
0xa9: {  	[dreg:$0x3] =	wrdreg s4  }
0xaa: {  	[dreg:$0x4] =	wrdreg $0xC0  }
0xab: {  	_ =	task [dreg:s6], $0x5FFFF  }
0xac: {  	[dreg:$0x1] =	wrdreg $0xFFFFFFFF  }
0xad: {  	[dreg:$0x0] =	wrdreg $0x60  }
0xae: {  	[dreg:$0x2] =	wrdreg s24  }
0xaf: {  	[dreg:$0x3] =	wrdreg $0x0  }
0xb0: {  	[dreg:$0x4] =	wrdreg $0x9  }
0xb1: {  	_ =	task.clear_ibuf [dreg:s6], $0x5FFFF;
	_ =	strace $0x90000046  }
0xb2: {  	s29 =	simm.s32 $0x9;
	_ =	strace $0x80000048  }
0xb3: {  	_ =	swait.ge [sflag:s29], $0x1  }
0xb4: {  	[sflag:s29] =	ssyncadd.s32 $0xFFFFFFFF  }
0xb5: {  	_ =	strace $0x90000048  }
0xb6: {  	_ =	sfence  }
0xb7: {  	s30 =	sld [smem:$0x0];
	_ =	sdelay $0x2  }
0xb8: {  	s31 =	sshll.u32 s1, $0xD;
	s1 =	sshrl.u32 s1, $0x2  }
0xb9: {  	s3 =	sand.u32 $0x4000, s31;
	s1 =	sadd.s32 s1, s30  }
0xba: {  	s0 =	sor.u32 s3, s0;
	s1 =	sshll.u32 s1, $0x11  }
0xbb: {  	s0 =	sor.u32 s1, s0  }
0xbc: {  	s0 =	sadd.s32 $0x8F2B, s0  }
0xbd: {  	[sflag:s0] =	ssyncadd.remote.s32 $0x1  }
0xbe: {  	_ =	sfence.sel $0xFFFF  }
0xbf: {  	[dreg:$0x0] =	wrdreg $0xFFFFFFFF;
	(pc) =	sbr.abs _section_cstart, $3  }
0xc0: {  	[dreg:$0x1] =	wrdreg $0xFFFFFFFF  }
0xc1: {  	_ =	task.clear_ibuf [dreg:s6], $0x2FFFF;
	_ =	strace $0x9FFFFFFF  }
0xc2: {  	(tm) =	ssettm $0x7FFFFFFF  }
0xc3: {  	_ =	shalt  }
tec
execute0_lowered:
.L_overlay_start_1:
0x0: {  	(tag) =	ssettag $0x1  }
0x1: {  	s8 =	rddreg [dreg:$0x0]  }
0x2: {  	s2 =	rddreg [dreg:$0x1]  }
0x3: {  	s0 =	srdreg.scid;
	s1 =	rddreg [dreg:$0x2]  }
0x4: {  	s3 =	simm.s32 $0x0;
	s6 =	sand.u32 $0x1, s0;
	s0 =	stileid.u32  }
0x5: {  	s14 =	simm.s32 $0x80;
	[smem:$0x7FF] =	sst s3;
	s4 =	smul.u32 $0x62000, s6  }
0x6: {  	s15 =	simm.s32 $0x0;
	s5 =	smul.u32 $0x6200, s0;
	_ =	strace $0x80000047  }
0x7: {  	s9 =	ssub.s32 $0x2, s6;
	s11 =	smul.u32 $0xC400, s0;
	s12 =	sshll.u32 s0, $0x6  }
0x8: {  	p0 =	seq.s32 s6, $0x1;
	s10 =	sshrl.u32 s9, $0x1;
	s12 =	sor.u32 $0x1C01, s12  }
0x9: {  	s4 =	sadd.s32 s5, s4;
	s5 =	sadd.s32 $0x37000, s8;
	s9 =	ssub.s32 s9, s10  }
0xa: {  	s10 =	simm.s32 $0x51200;
	s13 =	sadd.s32 s11, s2;
	s11 =	sshrl.u32 s11, $0x3  }
0xb: {  	s4 =	sshrl.u32 s4, $0x3;
	s10 =	simm.s32 @!p0 $0x38A00;
	s13 =	sshrl.u32 s13, $0x3  }
0xc: {  	s7 =	sadd.s32 s4, s8;
	s4 =	sadd.s32 $0x36E00, s8;
	s8 =	sadd.s32 s10, s8  }
0xd: {  	s10 =	simm.s32 $0x1;
	s6 =	sadd.s32 $0x1E600, s7;
	s7 =	smax.u32 s9, $0x1  }
0xe: {  	s8 =	sadd.s32 s8, s11;
	s9 =	simm.s32 $0xC400;
	s11 =	simm.s32 $0x12600  }
.LBB2_1:
0xf: {  	[tilespmem:s9], [sflag:$0x1] =	stream.linear.gather [hbm4b:s6+s3], $0x6200, $0x38;
	[tilespmem:$0x12E00] =	vst v63  }
0x10: {  	_ =	swait.ge [sflag:s10], $0x6200  }
0x11: {  	[sflag:s10] =	ssyncset.done $0x0  }
0x12: {  	[sflag:s10] =	ssyncadd.s32 $0xFFFF9E00  }
0x13: {  	[tilespmem:s11], [sflag:$0x1] =	stream.linear.gather [hbm4b:s4+s3], $0x800, $0x38;
	[tilespmem:$0x12E00] =	vst v63  }
0x14: {  	_ =	swait.ge [sflag:s10], $0x800  }
0x15: {  	[sflag:s10] =	ssyncset.done $0x0  }
0x16: {  	[sflag:s10] =	ssyncadd.s32 $0xFFFFF800  }
0x17: {  	[spmem:s13], [sflag:s12] =	dma.local [hbm:s5], $0x1880  }
0x18: {  	_ =	swait.ge [sflag:s10], $0x1880  }
0x19: {  	[sflag:s10] =	ssyncset.done $0x0  }
0x1a: {  	[sflag:s10] =	ssyncadd.s32 $0xFFFFE780  }
0x1b: {  	s16 =	simm.s32 $0xC400;
	[bflag:$0x0] =	sbarrier.arrive $0xFFFF  }
0x1c: {  	[spmem:s2] =	stream.indirect.scatter.add.f32 [tilespmem:s11], [sflag:$0x1], $0x10, s16, s14, $0xb8;
	[tilespmem:$0x12E00] =	vst v63  }
0x1d: {  	s16 =	simm.s32 $0x200;
	_ =	swait.ge [sflag:s10], $0x800  }
.LBB2_2:
0x1e: {  	s17 =	sshra.s32 s16, $0x2;
	[sflag:s10] =	ssyncset.done $0x0;
	p0 =	sne.s32 s16, $0x18600  }
.Ltmp0:
0x1f: {  	s17 =	sadd.s32 $0xC400, s17;
	[sflag:s10] =	ssyncadd.s32 $0xFFFFF800;
	(pc) =	sbr.rel @p0 .LBB2_2-.Ltmp0, $3  }
0x20: {  	[spmem:s2] =	stream.indirect.scatter.add.f32 [tilespmem:s11], [sflag:$0x1], $0x10, s17, s14, $0xb8;
	[tilespmem:$0x12E00] =	vst v63  }
0x21: {  	s16 =	sadd.s32 $0x200, s16;
	_ =	sdelay $0x1  }
0x22: {  	_ =	swait.ge [sflag:s10], $0x800  }
0x23: {  	[sflag:s10] =	ssyncset.done $0x0;
	s15 =	sadd.s32 $0x1, s15  }
0x24: {  	[sflag:s10] =	ssyncadd.s32 $0xFFFFF800;
	p0 =	sne.s32 s15, s7  }
.Ltmp1:
0x25: {  	[bflag:$0x0] =	sbarrier.arrive $0xFFFF;
	(pc) =	sbr.rel @p0 .LBB2_1-.Ltmp1, $4  }
0x26: {  	[hbm:s8], [sflag:s12] =	dma.local [spmem:s13], $0x1880  }
0x27: {  	_ =	swait.ge [sflag:s10], $0x1880  }
0x28: {  	[sflag:s10] =	ssyncset.done $0x0  }
0x29: {  	[sflag:s10] =	ssyncadd.s32 $0xFFFFE780  }
0x2a: {  	_ =	sfence.sel $0x180000  }
0x2b: {  	[bflag:$0x0] =	sbarrier.arrive $0xFFFF  }
0x2c: {  	p0 =	sne.s32 s0, $0x0;
	_ =	strace $0x90000047  }
0x2d: {  	s0 =	sadd.s32 @!p0 $0x100000, s1;
	[bflag:$0x2] =	sbarrier.arrive $0xFFFF  }
0x2e: {  	[sflag:s0] =	ssyncadd.tile.s32 @!p0 $0x1;
	_ =	shalt  }
.Lfunc_end2:
_tile_overlayer_lowered:
.L_overlay_start_2:
0x2f: {  	(tag) =	ssettag $0x2  }
0x30: {  	s0 =	rddreg [dreg:$0x0];
	s2 =	stileid.u32  }
0x31: {  	s1 =	rddreg [dreg:$0x1];
	p0 =	sne.s32 s2, $0x0  }
0x32: {  	s3 =	rddreg [dreg:$0x2];
	[bflag:$0x3] =	sbarrier.arrive $0xFFFF;
	s2 =	simm.s32 @!p0 $0x1C01  }
0x33: {  	[timem:s3], [sflag:s2] =	dma.local @!p0 [hbm:s0], s1  }
0x34: {  	s0 =	simm.s32 @!p0 $0x1  }
0x35: {  	_ =	swait.ge @!p0 [sflag:s0], s1  }
0x36: {  	s1 =	ssub.s32 @!p0 $0x0, s1;
	[sflag:s0] =	ssyncset.done @!p0 $0x0  }
0x37: {  	[sflag:s0] =	ssyncadd.s32 @!p0 s1  }
0x38: {  	[bflag:$0x3] =	sbarrier.arrive $0xFFFF  }
0x39: {  	_ =	shalt  }

// kernel: kernel.20.cloned.1.call-start
scs
__scs_entry_jumppad:
0x0: {  	(pc) =	sbr.rel $0x88, $3  }
0x1: {  	(tag) =	ssettag $0x0;
	lr =	simm.s32 $0x1  }
0x2: {  	[smem:$0x3F81] =	sst lr;
	_ =	strace $0xD0000000  }
0x3: {  	_ = 	snop  }
0x4: {  	_ = 	snop  }
0x5: {  	_ = 	snop  }
0x6: {  	_ = 	snop  }
0x7: {  	_ = 	snop  }
__scs_overlays_trampoline_lowered:
0x8: {  	[smem:$0x3F90] =	sst s0  }
0x9: {  	[smem:$0x3F91] =	sst s1  }
0xa: {  	[smem:$0x3F92] =	sst s2  }
0xb: {  	[smem:$0x3F93] =	sst s3  }
0xc: {  	[smem:$0x3F94] =	sst s4  }
0xd: {  	[smem:$0x3F95] =	sst s5  }
0xe: {  	[smem:$0x3F96] =	sst s6  }
0xf: {  	[smem:$0x3F97] =	sst s7  }
0x10: {  	[smem:$0x3F98] =	sst s8  }
0x11: {  	[smem:$0x3F99] =	sst s9;
	s0 =	simm.s32 @!p0 $0x0  }
0x12: {  	s1 =	sld [smem:$0x3F7F];
	s0 =	simm.s32 @p0 $0x1  }
0x13: {  	[smem:$0x3F9A] =	sst s0;
	s0 =	simm.s32 @!p1 $0x0  }
0x14: {  	s2 =	sld [smem:$0x3F7E];
	s0 =	simm.s32 @p1 $0x1  }
0x15: {  	[smem:$0x3F9B] =	sst s0;
	s0 =	simm.s32 @!p2 $0x0  }
0x16: {  	s3 =	sld [smem:$0x3FDB];
	s0 =	simm.s32 @p2 $0x1  }
0x17: {  	s4 =	simm.s32 $0x1BF5;
	[smem:$0x3F9D] =	sst s0  }
0x18: {  	s0 =	sld [smem:$0x3F80];
	_ =	swait.ge [sflag:s4], $0x0  }
0x19: {  	s7 =	sld [smem:$0x3F81]  }
0x1a: {  	s8 =	sadd.s32 $0xFFFFE003, lr  }
0x1b: {  	s9 =	sadd.s32 $0xFFFFFEF7, lr;
	s5 =	simm.s32 $0xFFFFFFFF;
	p2 =	slt.u32 s8, $0xFFFFF086  }
0x1c: {  	p1 =	slt.u32 s9, $0xF7A;
	s5 =	simm.s32 @!p2 $0x0  }
0x1d: {  	s5 =	simm.s32 @p1 $0x1;
	p0 =	seq.s32 s7, s2  }
0x1e: {  	s7 =	smul.u32 @!p0 $0xF7A, s2;
	p2 =	seq.s32 @!p0 s5, $0x0  }
0x1f: {  	s9 =	smul.u32 $0xF7A, s1;
	s8 =	simm.s32 @!p0 $0x1BF5;
	p2 =	por !p2, p0  }
0x20: {  	[sflag:s8] =	ssyncset.s32 @!p0 $0xFFFFF086;
	s6 =	sadd.s32 @!p0 s3, s7;
	s7 =	simm.s32 @!p0 $0x108  }
0x21: {  	s3 =	sadd.s32 s3, s9;
	s6 =	sadd.s32 @!p0 $0x88, s6;
	s7 =	simm.s32 @p2 $0x1082  }
0x22: {  	[simem:s7], [sflag:s8] =	dma.local @!p0 [hbm:s6], $0xF7A  }
0x23: {  	s9 =	sor.u32 $0xD0000000, s2;
	s6 =	simm.s32 $0x108;
	_ =	swait.ge @!p0 [sflag:s8], $0x0  }
0x24: {  	s3 =	sadd.s32 $0x88, s3;
	s6 =	simm.s32 @!p1 $0x1082;
	[sflag:s4] =	ssyncset.s32 $0xFFFFF086  }
0x25: {  	[simem:s6], [sflag:s4] =	dma.local [hbm:s3], $0xF7A  }
0x26: {  	[smem:$0x3F81] =	sst s1;
	(tag) =	ssettag s2;
	_ =	strace s9  }
0x27: {  	s1 =	sld [smem:$0x3F91]  }
0x28: {  	s2 =	sld [smem:$0x3F92]  }
0x29: {  	s4 =	sld [smem:$0x3F94]  }
0x2a: {  	p0 =	seq.s32 s5, $0x0;
	s5 =	sld [smem:$0x3F95]  }
0x2b: {  	s6 =	sld [smem:$0x3F96]  }
0x2c: {  	s7 =	sld [smem:$0x3F97]  }
0x2d: {  	s3 =	simm.s32 $0x108;
	s8 =	sld [smem:$0x3F98]  }
0x2e: {  	s3 =	simm.s32 @!p0 $0x1082;
	s9 =	sld [smem:$0x3F99]  }
0x2f: {  	lr =	sadd.s32 s0, s3;
	s0 =	sld [smem:$0x3F90]  }
0x30: {  	s3 =	sld [smem:$0x3F93]  }
0x31: {  	[smem:$0x3F9C] =	sst s10  }
0x32: {  	s10 =	sld [smem:$0x3F9A];
	_ =	sdelay $0x3  }
0x33: {  	p0 =	seq.s32 s10, $0x1;
	s10 =	sld [smem:$0x3F9C];
	_ =	sdelay $0x3  }
0x34: {  	[smem:$0x3F9C] =	sst s10  }
0x35: {  	s10 =	sld [smem:$0x3F9B];
	_ =	sdelay $0x3  }
0x36: {  	p1 =	seq.s32 s10, $0x1;
	s10 =	sld [smem:$0x3F9C];
	_ =	sdelay $0x3  }
0x37: {  	[smem:$0x3F9C] =	sst s10  }
0x38: {  	s10 =	sld [smem:$0x3F9D]  }
0x39: {  	_ = 	snop;
	(pc) =	sbr.ind lr, $3  }
0x3a: {  	_ = 	snop  }
0x3b: {  	_ = 	snop  }
0x3c: {  	p2 =	seq.s32 s10, $0x1;
	s10 =	sld [smem:$0x3F9C]  }
0x3d: {  	_ =	shalt  }
0x3e: {  	_ =	shalt  }
0x3f: {  	_ =	shalt  }
0x40: {  	_ =	shalt  }
0x41: {  	_ =	shalt  }
0x42: {  	_ =	shalt  }
0x43: {  	_ =	shalt  }
0x44: {  	_ =	shalt  }
0x45: {  	_ =	shalt  }
0x46: {  	_ =	shalt  }
0x47: {  	_ =	shalt  }
0x48: {  	_ =	shalt  }
0x49: {  	_ =	shalt  }
0x4a: {  	_ =	shalt  }
0x4b: {  	_ =	shalt  }
0x4c: {  	_ =	shalt  }
0x4d: {  	_ =	shalt  }
0x4e: {  	_ =	shalt  }
0x4f: {  	_ =	shalt  }
0x50: {  	_ =	shalt  }
0x51: {  	_ =	shalt  }
0x52: {  	_ =	shalt  }
0x53: {  	_ =	shalt  }
0x54: {  	_ =	shalt  }
0x55: {  	_ =	shalt  }
0x56: {  	_ =	shalt  }
0x57: {  	_ =	shalt  }
0x58: {  	_ =	shalt  }
0x59: {  	_ =	shalt  }
0x5a: {  	_ =	shalt  }
0x5b: {  	_ =	shalt  }
0x5c: {  	_ =	shalt  }
0x5d: {  	_ =	shalt  }
0x5e: {  	_ =	shalt  }
0x5f: {  	_ =	shalt  }
0x60: {  	_ =	shalt  }
0x61: {  	_ =	shalt  }
0x62: {  	_ =	shalt  }
0x63: {  	_ =	shalt  }
0x64: {  	_ =	shalt  }
0x65: {  	_ =	shalt  }
0x66: {  	_ =	shalt  }
0x67: {  	_ =	shalt  }
0x68: {  	_ =	shalt  }
0x69: {  	_ =	shalt  }
0x6a: {  	_ =	shalt  }
0x6b: {  	_ =	shalt  }
0x6c: {  	_ =	shalt  }
0x6d: {  	_ =	shalt  }
0x6e: {  	_ =	shalt  }
0x6f: {  	_ =	shalt  }
0x70: {  	_ =	shalt  }
0x71: {  	_ =	shalt  }
0x72: {  	_ =	shalt  }
0x73: {  	_ =	shalt  }
0x74: {  	_ =	shalt  }
0x75: {  	_ =	shalt  }
0x76: {  	_ =	shalt  }
0x77: {  	_ =	shalt  }
0x78: {  	_ =	shalt  }
0x79: {  	_ =	shalt  }
0x7a: {  	_ =	shalt  }
0x7b: {  	_ =	shalt  }
0x7c: {  	_ =	shalt  }
0x7d: {  	_ =	shalt  }
0x7e: {  	_ =	shalt  }
0x7f: {  	_ =	shalt  }
0x80: {  	_ =	shalt  }
0x81: {  	_ =	shalt  }
0x82: {  	_ =	shalt  }
0x83: {  	_ =	shalt  }
0x84: {  	_ =	shalt  }
0x85: {  	_ =	shalt  }
0x86: {  	_ =	shalt  }
0x87: {  	_ =	shalt  }
.Lfunc_end0:
.L_simem_size_0:
called_computation.1_lowered:
.L_overlay_start_0:
0x88: {  	s2 =	sld [smem:$0x3FD9]  }
0x89: {  	s3 =	sld [smem:$0x3FFE];
	_ =	sdelay $0x1  }
0x8a: {  	s1 =	srdreg.scid  }
0x8b: {  	s0 =	sand.u32 $0x1, s1  }
0x8c: {  	s15 =	sshll.u32 s0, $0xA;
	s2 =	sadd.s32 s3, s2  }
0x8d: {  	s2 =	sadd.s32 s2, s15  }
0x8e: {  	[smem:$0x3FA8] =	sst s2  }
0x8f: {  	_ = 	snop  }
0x90: {  	s2 =	sld [smem:$0x3FD0];
	_ =	sdelay $0x2  }
0x91: {  	s16 =	simm.s32 $0xB;
	s4 =	simm.s32 $0x10  }
0x92: {  	[smem:s4], [sflag:s16] =	dma.local [hbm:s2], $0x1  }
0x93: {  	_ =	swait.eq [sflag:s16], $0x1  }
0x94: {  	[sflag:s16] =	ssyncset.done $0x0  }
0x95: {  	[sflag:s16] =	ssyncadd.s32 $0xFFFFFFFF  }
0x96: {  	s17 =	sld [smem:$0x10];
	(tm) =	ssettm $0x1  }
0x97: {  	s18 =	sld [smem:$0x3FFB];
	_ =	sdelay $0x3  }
0x98: {  	_ =	strace s18  }
0x99: {  	s2 =	sld [smem:$0x3FFC];
	_ =	sdelay $0x3  }
0x9a: {  	_ =	strace s2  }
0x9b: {  	s2 =	sld [smem:$0x3FFD];
	_ =	sdelay $0x3  }
0x9c: {  	_ =	strace s2  }
0x9d: {  	_ =	strace $0x8FFFFFFF  }
0x9e: {  	s19 =	sld [smem:$0x3FDB];
	_ =	sdelay $0x1  }
0x9f: {  	s20 =	simm.s32 $_scs_section_size  }
0xa0: {  	s5 =	simm.s32 $_size__tile_overlayer_lowered;
	s6 =	simm.s32 $_tile_overlayer_lowered  }
0xa1: {  	s7 =	simm.s32 $0x1BFF;
	s21 =	sshll.u32 s6, $0x1;
	s4 =	sadd.s32 s20, s19  }
0xa2: {  	s22 =	simm.s32 $0x0;
	s5 =	sshll.u32 s5, $0x1;
	s6 =	sadd.s32 s21, s4  }
0xa3: {  	[timem:s22], [sflag:s7] =	dma.local [hbm:s6], s5  }
0xa4: {  	_ =	swait.ge [sflag:s7], s5  }
0xa5: {  	s5 =	ssub.s32 $0x0, s5;
	[sflag:s7] =	ssyncset.done $0x0  }
0xa6: {  	[sflag:s7] =	ssyncadd.s32 s5;
	_ =	sdelay $0x1  }
0xa7: {  	s23 =	simm.s32 $0x1B8B  }
0xa8: {  	_ =	swait.ge [sflag:s23], $0x1  }
0xa9: {  	[sflag:s23] =	ssyncset.done $0x0  }
0xaa: {  	[sflag:s23] =	ssyncadd.s32 $0xFFFFFFFF  }
0xab: {  	s5 =	sld [smem:$0x0]  }
0xac: {  	s6 =	sand.u32 $0xFFFFFFFE, s1  }
0xad: {  	p0 =	sne.s32 s1, s6  }
0xae: {  	s6 =	sshll.u32 @p0 s6, $0xE  }
0xaf: {  	s6 =	sadd.s32 @p0 $0x11B8D, s6;
	s7 =	sshll.u32 @p0 s5, $0x11  }
0xb0: {  	s6 =	sor.u32 @p0 s7, s6  }
0xb1: {  	[sflag:s6] =	ssyncadd.remote.s32 @p0 $0x1;
	_ =	sdelay $0x1  }
0xb2: {  	s6 =	simm.s32 @p0 $0x1B8D  }
0xb3: {  	_ =	swait.eq @p0 [sflag:s6], $0x1  }
0xb4: {  	[sflag:s6] =	ssyncadd.s32 @p0 $0xFFFFFFFF  }
0xb5: {  	s7 =	sshll.u32 @!p0 s1, $0xE  }
0xb6: {  	s7 =	sor.u32 @!p0 $0x4000, s7;
	s6 =	simm.s32 @!p0 $0x1B8D  }
0xb7: {  	s5 =	sshll.u32 @!p0 s5, $0x11;
	s7 =	sadd.s32 @!p0 $0x11B8D, s7;
	_ =	swait.eq @!p0 [sflag:s6], $0x1  }
0xb8: {  	s5 =	sor.u32 @!p0 s5, s7;
	[sflag:s6] =	ssyncadd.s32 @!p0 $0xFFFFFFFF  }
0xb9: {  	s25 =	simm.s32 $0x1B8E;
	s24 =	sld [smem:$0x3FFE];
	[sflag:s5] =	ssyncadd.remote.s32 @!p0 $0x1  }
0xba: {  	s26 =	simm.s32 $execute0_lowered;
	[smem:$0x3FD2] =	sst s25  }
0xbb: {  	s6 =	sshll.u32 s26, $0x1;
	_ =	strace $0x80000049;
	[dreg:$0x1] =	wrdreg $0xFFFFFFFF  }
0xbc: {  	s28 =	simm.s32 $_size_execute0_lowered;
	s4 =	sadd.s32 s4, s6;
	[dreg:$0x0] =	wrdreg $0x0  }
0xbd: {  	s6 =	sshll.u32 s28, $0x1;
	[dreg:$0x2] =	wrdreg s4  }
0xbe: {  	[dreg:$0x3] =	wrdreg s6  }
0xbf: {  	[dreg:$0x4] =	wrdreg $0xC0  }
0xc0: {  	_ =	task [dreg:s22], $0x5FFFF  }
0xc1: {  	[dreg:$0x1] =	wrdreg $0xFFFFFFFF  }
0xc2: {  	[dreg:$0x0] =	wrdreg $0x60  }
0xc3: {  	[dreg:$0x2] =	wrdreg s24  }
0xc4: {  	[dreg:$0x3] =	wrdreg s17  }
0xc5: {  	[dreg:$0x4] =	wrdreg $0x0  }
0xc6: {  	[dreg:$0x5] =	wrdreg $0xA  }
0xc7: {  	_ =	task.clear_ibuf [dreg:s22], $0x6FFFF;
	_ =	strace $0x90000049  }
0xc8: {  	s29 =	simm.s32 $0xA;
	_ =	strace $0x8000004B  }
0xc9: {  	_ =	swait.ge [sflag:s29], $0x1  }
0xca: {  	[sflag:s29] =	ssyncadd.s32 $0xFFFFFFFF  }
0xcb: {  	_ =	strace $0x9000004B  }
0xcc: {  	_ =	sfence  }
0xcd: {  	s30 =	sld [smem:$0x0];
	_ =	sdelay $0x2  }
0xce: {  	s31 =	sshll.u32 s1, $0xD;
	s1 =	sshrl.u32 s1, $0x2  }
0xcf: {  	s4 =	sand.u32 $0x4000, s31;
	s1 =	sadd.s32 s1, s30  }
0xd0: {  	s0 =	sor.u32 s4, s0;
	s1 =	sshll.u32 s1, $0x11  }
0xd1: {  	s0 =	sor.u32 s1, s0  }
0xd2: {  	s0 =	sadd.s32 $0x8F2B, s0  }
0xd3: {  	[sflag:s0] =	ssyncadd.remote.s32 $0x1  }
0xd4: {  	_ =	sfence.sel $0xFFFF  }
0xd5: {  	[dreg:$0x0] =	wrdreg $0xFFFFFFFF;
	(pc) =	sbr.abs _section_cstart, $3  }
0xd6: {  	[dreg:$0x1] =	wrdreg $0xFFFFFFFF  }
0xd7: {  	_ =	task.clear_ibuf [dreg:s22], $0x2FFFF;
	_ =	strace $0x9FFFFFFF  }
0xd8: {  	(tm) =	ssettm $0x7FFFFFFF  }
0xd9: {  	_ =	shalt  }
tec
execute0_lowered:
.L_overlay_start_1:
0x0: {  	(tag) =	ssettag $0x1  }
0x1: {  	s0 =	rddreg [dreg:$0x0]  }
0x2: {  	s3 =	rddreg [dreg:$0x1]  }
0x3: {  	s1 =	rddreg [dreg:$0x2]  }
0x4: {  	s2 =	simm.s32 $0x0;
	s6 =	srdreg.scid;
	s12 =	stileid.u32  }
0x5: {  	s28 =	simm.s32 $0x80;
	s29 =	simm.s32 $0x1A400;
	s30 =	simm.s32 $0x18880  }
0x6: {  	s31 =	simm.s32 $0x1B400;
	[smem:$0x7FF] =	sst s2;
	s4 =	sadd.s32 $0xB18C00, s0  }
0x7: {  	s5 =	sadd.s32 $0xA54C00, s0;
	s6 =	sand.u32 $0x1, s6;
	s7 =	smul.u32 $0x62000, s12  }
0x8: {  	s8 =	sadd.s32 $0x5E00, s0;
	s9 =	smul.u32 $0x18800, s12;
	s0 =	sadd.s32 $0x69A00, s0  }
0x9: {  	s16 =	smul.u32 $0xC400, s12;
	_ =	strace $0x8000004A;
	[dreg:$0x4] =	wrdreg s8  }
0xa: {  	s19 =	ssub.s32 $0x2, s6;
	s15 =	smul.u32 $0x310000, s6;
	p0 =	seq.s32 s6, $0x0  }
0xb: {  	s6 =	simm.s32 $0x1A300;
	s10 =	sshrl.u32 s19, $0x1;
	s11 =	sshrl.u32 s7, $0x2  }
0xc: {  	s7 =	sadd.s32 s9, s1;
	s23 =	sshrl.u32 s9, $0x3;
	s0 =	smov.u32 @p0 s3  }
0xd: {  	s3 =	simm.s32 $0x2;
	s8 =	ssub.s32 s19, s10;
	s14 =	sadd.s32 s11, s1  }
0xe: {  	s15 =	sadd.s32 s16, s15;
	s0 =	sadd.s32 s0, s23;
	s19 =	simm.s32 $0x1A380  }
0xf: {  	s20 =	sadd.s32 $0x3100, s14;
	s21 =	sadd.s32 $0x6200, s14;
	[dreg:$0x9] =	wrdreg s0  }
0x10: {  	s22 =	sadd.s32 $0x9300, s14;
	s11 =	sadd.s32 $0xC400, s14;
	[dreg:$0x5] =	wrdreg s20  }
0x11: {  	s12 =	sadd.s32 $0xF500, s14;
	s13 =	sadd.s32 $0x12600, s14;
	[dreg:$0x6] =	wrdreg s21  }
0x12: {  	s14 =	sadd.s32 $0x15700, s14;
	s24 =	smax.u32 s8, $0x1;
	[dreg:$0x7] =	wrdreg s22  }
0x13: {  	s16 =	sadd.s32 $0xC4000, s15;
	s25 =	sadd.s32 $0x31000, s0;
	[dreg:$0x8] =	wrdreg s24  }
0x14: {  	s17 =	sadd.s32 $0x188000, s15;
	s26 =	sadd.s32 $0x62000, s0;
	[dreg:$0xa] =	wrdreg s25  }
0x15: {  	s18 =	sadd.s32 $0x24C000, s15;
	s0 =	sadd.s32 $0x93000, s0;
	[dreg:$0xb] =	wrdreg s26  }
0x16: {  	[dreg:$0xc] =	wrdreg s0;
	s24 =	simm.s32 $0x1C400;
	s25 =	simm.s32 $0x3  }
0x17: {  	s26 =	simm.s32 $0x18800;
	s0 =	simm.s32 $0x1;
	s21 =	simm.s32 $0x0  }
.LBB2_1:
0x18: {  	s8 =	rddreg [dreg:$0x4]  }
0x19: {  	[tilespmem:s24], [sflag:$0x3] =	stream.linear.gather [hbm4b:s8+s2], $0x3100, $0x38;
	[tilespmem:$0x1F500] =	vst v63  }
0x1a: {  	_ =	swait.ge [sflag:s25], $0x3100  }
0x1b: {  	[sflag:s25] =	ssyncset.done $0x0  }
0x1c: {  	[sflag:s25] =	ssyncadd.s32 $0xFFFFCF00  }
0x1d: {  	[spmem:s7] =	stream.linear.scatter [tilespmem:s24], [sflag:$0x3], $0x3100, $0x38;
	[tilespmem:$0x1F500] =	vst v63  }
0x1e: {  	_ =	swait.ge [sflag:s25], $0x3100  }
0x1f: {  	[sflag:s25] =	ssyncset.done $0x0  }
0x20: {  	s20 =	rddreg [dreg:$0x5];
	[sflag:s25] =	ssyncadd.s32 $0xFFFFCF00  }
0x21: {  	[spmem:s20] =	stream.linear.scatter [tilespmem:s24], [sflag:$0x3], $0x3100, $0x38;
	[tilespmem:$0x1F500] =	vst v63  }
0x22: {  	_ =	swait.ge [sflag:s25], $0x3100  }
0x23: {  	[sflag:s25] =	ssyncset.done $0x0  }
0x24: {  	s22 =	rddreg [dreg:$0x6];
	[sflag:s25] =	ssyncadd.s32 $0xFFFFCF00  }
0x25: {  	[spmem:s22] =	stream.linear.scatter [tilespmem:s24], [sflag:$0x3], $0x3100, $0x38;
	[tilespmem:$0x1F500] =	vst v63  }
0x26: {  	_ =	swait.ge [sflag:s25], $0x3100  }
0x27: {  	[sflag:s25] =	ssyncset.done $0x0  }
0x28: {  	s23 =	rddreg [dreg:$0x7];
	[sflag:s25] =	ssyncadd.s32 $0xFFFFCF00  }
0x29: {  	[spmem:s23] =	stream.linear.scatter [tilespmem:s24], [sflag:$0x3], $0x3100, $0x38;
	[tilespmem:$0x1F500] =	vst v63  }
0x2a: {  	_ =	swait.ge [sflag:s25], $0x3100  }
0x2b: {  	[sflag:s25] =	ssyncset.done $0x0  }
0x2c: {  	[sflag:s25] =	ssyncadd.s32 $0xFFFFCF00  }
0x2d: {  	[spmem:s11] =	stream.linear.scatter [tilespmem:s24], [sflag:$0x3], $0x3100, $0x38;
	[tilespmem:$0x1F500] =	vst v63  }
0x2e: {  	_ =	swait.ge [sflag:s25], $0x3100  }
0x2f: {  	[sflag:s25] =	ssyncset.done $0x0  }
0x30: {  	[sflag:s25] =	ssyncadd.s32 $0xFFFFCF00  }
0x31: {  	[spmem:s12] =	stream.linear.scatter [tilespmem:s24], [sflag:$0x3], $0x3100, $0x38;
	[tilespmem:$0x1F500] =	vst v63  }
0x32: {  	_ =	swait.ge [sflag:s25], $0x3100  }
0x33: {  	[sflag:s25] =	ssyncset.done $0x0  }
0x34: {  	[sflag:s25] =	ssyncadd.s32 $0xFFFFCF00  }
0x35: {  	[spmem:s13] =	stream.linear.scatter [tilespmem:s24], [sflag:$0x3], $0x3100, $0x38;
	[tilespmem:$0x1F500] =	vst v63  }
0x36: {  	_ =	swait.ge [sflag:s25], $0x3100  }
0x37: {  	[sflag:s25] =	ssyncset.done $0x0  }
0x38: {  	[sflag:s25] =	ssyncadd.s32 $0xFFFFCF00  }
0x39: {  	[spmem:s14] =	stream.linear.scatter [tilespmem:s24], [sflag:$0x3], $0x3100, $0x38;
	[tilespmem:$0x1F500] =	vst v63  }
0x3a: {  	_ =	swait.ge [sflag:s25], $0x3100  }
0x3b: {  	[sflag:s25] =	ssyncset.done $0x0  }
0x3c: {  	[sflag:s25] =	ssyncadd.s32 $0xFFFFCF00  }
0x3d: {  	s22 =	simm.s32 $0x0;
	[bflag:$0x0] =	sbarrier.arrive $0xFFFF  }
.LBB2_2:
0x3e: {  	s8 =	smul.u32 $0x1C00, s22;
	_ =	sdelay $0x1  }
0x3f: {  	s8 =	sadd.s32 s8, s15  }
0x40: {  	s8 =	sshrl.u32 s8, $0x3  }
0x41: {  	s8 =	sadd.s32 s5, s8  }
0x42: {  	[tilespmem:s26], [sflag:$0x3] =	stream.linear.gather [hbm4b:s8+s2], $0x1C00, $0x38;
	[tilespmem:$0x1F500] =	vst v63  }
0x43: {  	_ =	swait.ge [sflag:s25], $0x1C00  }
0x44: {  	[sflag:s25] =	ssyncset.done $0x0  }
0x45: {  	[sflag:s25] =	ssyncadd.s32 $0xFFFFE400  }
0x46: {  	[tilespmem:s29], [sflag:$0x1] =	stream.indirect.gather [hbm4b:s4+s28], $0x20, s26, s28, $0xb8;
	[tilespmem:$0x1F500] =	vst v63  }
0x47: {  	_ = 	snop  }
0x48: {  	[tilespmem:s31], [sflag:$0x2] =	stream.indirect.gather [hbm4b:s4+s28], $0x20, s30, s28, $0xb8;
	[tilespmem:$0x1F500] =	vst v63  }
0x49: {  	_ =	swait.ge [sflag:s0], $0x1000  }
0x4a: {  	[sflag:s0] =	ssyncset.done $0x0  }
0x4b: {  	s10 =	simm.s32 $0x19600;
	[sflag:s0] =	ssyncadd.s32 $0xFFFFF000  }
0x4c: {  	[spmem:s1] =	stream.indirect.scatter.add.f32 [tilespmem:s29], [sflag:$0x3], $0x20, s10, s28, $0xb8;
	[tilespmem:$0x1F500] =	vst v63  }
0x4d: {  	_ =	swait.ge [sflag:s25], $0x1000  }
0x4e: {  	[sflag:s25] =	ssyncset.done $0x0  }
0x4f: {  	s20 =	simm.s32 $0x18900;
	[sflag:s25] =	ssyncadd.s32 $0xFFFFF000  }
0x50: {  	[tilespmem:s29], [sflag:$0x1] =	stream.indirect.gather [hbm4b:s4+s28], $0x20, s20, s28, $0xb8;
	[tilespmem:$0x1F500] =	vst v63  }
0x51: {  	_ =	swait.ge [sflag:s3], $0x1000  }
0x52: {  	[sflag:s3] =	ssyncset.done $0x0  }
0x53: {  	s23 =	simm.s32 $0x19680;
	[sflag:s3] =	ssyncadd.s32 $0xFFFFF000  }
0x54: {  	[spmem:s1] =	stream.indirect.scatter.add.f32 [tilespmem:s31], [sflag:$0x3], $0x20, s23, s28, $0xb8;
	[tilespmem:$0x1F500] =	vst v63  }
0x55: {  	_ =	swait.ge [sflag:s25], $0x1000  }
0x56: {  	[sflag:s25] =	ssyncset.done $0x0  }
0x57: {  	s8 =	simm.s32 $0x18980;
	s20 =	simm.s32 $0x800;
	[sflag:s25] =	ssyncadd.s32 $0xFFFFF000  }
.LBB2_3:
0x58: {  	[tilespmem:s31], [sflag:$0x2] =	stream.indirect.gather [hbm4b:s4+s28], $0x20, s8, s28, $0xb8;
	[tilespmem:$0x1F500] =	vst v63  }
0x59: {  	s8 =	smov.u32 s20  }
0x5a: {  	p0 =	sne.s32 s20, $0x3400;
	s20 =	sadd.s32 $0x400, s20;
	_ =	swait.ge [sflag:s0], $0x1000  }
0x5b: {  	s8 =	sshra.s32 s8, $0x2;
	[sflag:s0] =	ssyncset.done $0x0  }
0x5c: {  	s9 =	sadd.s32 $0x19500, s8;
	[sflag:s0] =	ssyncadd.s32 $0xFFFFF000  }
0x5d: {  	[spmem:s1] =	stream.indirect.scatter.add.f32 [tilespmem:s29], [sflag:$0x3], $0x20, s9, s28, $0xb8;
	[tilespmem:$0x1F500] =	vst v63  }
0x5e: {  	_ =	swait.ge [sflag:s25], $0x1000  }
0x5f: {  	[sflag:s25] =	ssyncset.done $0x0  }
0x60: {  	s9 =	sadd.s32 $0x18800, s8;
	[sflag:s25] =	ssyncadd.s32 $0xFFFFF000  }
0x61: {  	[tilespmem:s29], [sflag:$0x1] =	stream.indirect.gather [hbm4b:s4+s28], $0x20, s9, s28, $0xb8;
	[tilespmem:$0x1F500] =	vst v63  }
0x62: {  	_ =	swait.ge [sflag:s3], $0x1000  }
0x63: {  	[sflag:s3] =	ssyncset.done $0x0  }
.Ltmp0:
0x64: {  	s9 =	sadd.s32 $0x19580, s8;
	[sflag:s3] =	ssyncadd.s32 $0xFFFFF000;
	(pc) =	sbr.rel @p0 .LBB2_3-.Ltmp0, $4  }
0x65: {  	[spmem:s1] =	stream.indirect.scatter.add.f32 [tilespmem:s31], [sflag:$0x3], $0x20, s9, s28, $0xb8;
	[tilespmem:$0x1F500] =	vst v63  }
0x66: {  	_ =	swait.ge [sflag:s25], $0x1000  }
0x67: {  	[sflag:s25] =	ssyncset.done $0x0  }
0x68: {  	s8 =	sadd.s32 $0x18880, s8;
	[sflag:s25] =	ssyncadd.s32 $0xFFFFF000  }
0x69: {  	[tilespmem:s31], [sflag:$0x2] =	stream.indirect.gather [hbm4b:s4+s28], $0x20, s8, s28, $0xb8;
	[tilespmem:$0x1F500] =	vst v63  }
0x6a: {  	_ =	swait.ge [sflag:s0], $0x1000  }
0x6b: {  	[sflag:s0] =	ssyncset.done $0x0  }
0x6c: {  	[sflag:s0] =	ssyncadd.s32 $0xFFFFF000  }
0x6d: {  	[spmem:s1] =	stream.indirect.scatter.add.f32 [tilespmem:s29], [sflag:$0x3], $0x20, s6, s28, $0xb8;
	[tilespmem:$0x1F500] =	vst v63  }
0x6e: {  	_ =	swait.ge [sflag:s25], $0x1000  }
0x6f: {  	[sflag:s25] =	ssyncset.done $0x0  }
0x70: {  	[sflag:s25] =	ssyncadd.s32 $0xFFFFF000  }
0x71: {  	s22 =	sadd.s32 $0x1, s22;
	_ =	swait.ge [sflag:s3], $0x1000  }
0x72: {  	p0 =	sne.s32 s22, $0x7;
	[sflag:s3] =	ssyncset.done $0x0  }
.Ltmp1:
0x73: {  	[sflag:s3] =	ssyncadd.s32 $0xFFFFF000;
	(pc) =	sbr.rel @p0 .LBB2_2-.Ltmp1, $4  }
0x74: {  	[spmem:s1] =	stream.indirect.scatter.add.f32 [tilespmem:s31], [sflag:$0x3], $0x20, s19, s28, $0xb8;
	[tilespmem:$0x1F500] =	vst v63  }
0x75: {  	_ =	swait.ge [sflag:s25], $0x1000  }
0x76: {  	[sflag:s25] =	ssyncset.done $0x0  }
0x77: {  	[sflag:s25] =	ssyncadd.s32 $0xFFFFF000  }
0x78: {  	s8 =	stileid.u32  }
0x79: {  	[bflag:$0x0] =	sbarrier.arrive $0xFFFF;
	s8 =	sshll.u32 s8, $0x6  }
0x7a: {  	s23 =	sshrl.u32 s7, $0x3;
	s20 =	rddreg [dreg:$0x9];
	s22 =	sor.u32 $0x1C03, s8  }
0x7b: {  	[hbm:s20], [sflag:s22] =	dma.local [spmem:s23], $0x3100  }
0x7c: {  	_ =	swait.ge [sflag:s25], $0x3100  }
0x7d: {  	[sflag:s25] =	ssyncset.done $0x0  }
0x7e: {  	[sflag:s25] =	ssyncadd.s32 $0xFFFFCF00  }
0x7f: {  	[bflag:$0x0] =	sbarrier.arrive $0xFFFF  }
0x80: {  	[spmem:s7] =	stream.linear.scatter [tilespmem:s24], [sflag:$0x3], $0x3100, $0x38;
	[tilespmem:$0x1F500] =	vst v63  }
0x81: {  	_ =	swait.ge [sflag:s25], $0x3100  }
0x82: {  	[sflag:s25] =	ssyncset.done $0x0  }
0x83: {  	s9 =	rddreg [dreg:$0x5];
	[sflag:s25] =	ssyncadd.s32 $0xFFFFCF00  }
0x84: {  	[spmem:s9] =	stream.linear.scatter [tilespmem:s24], [sflag:$0x3], $0x3100, $0x38;
	[tilespmem:$0x1F500] =	vst v63  }
0x85: {  	_ =	swait.ge [sflag:s25], $0x3100  }
0x86: {  	[sflag:s25] =	ssyncset.done $0x0  }
0x87: {  	s10 =	rddreg [dreg:$0x6];
	[sflag:s25] =	ssyncadd.s32 $0xFFFFCF00  }
0x88: {  	[spmem:s10] =	stream.linear.scatter [tilespmem:s24], [sflag:$0x3], $0x3100, $0x38;
	[tilespmem:$0x1F500] =	vst v63  }
0x89: {  	_ =	swait.ge [sflag:s25], $0x3100  }
0x8a: {  	[sflag:s25] =	ssyncset.done $0x0  }
0x8b: {  	s20 =	rddreg [dreg:$0x7];
	[sflag:s25] =	ssyncadd.s32 $0xFFFFCF00  }
0x8c: {  	[spmem:s20] =	stream.linear.scatter [tilespmem:s24], [sflag:$0x3], $0x3100, $0x38;
	[tilespmem:$0x1F500] =	vst v63  }
0x8d: {  	_ =	swait.ge [sflag:s25], $0x3100  }
0x8e: {  	[sflag:s25] =	ssyncset.done $0x0  }
0x8f: {  	[sflag:s25] =	ssyncadd.s32 $0xFFFFCF00  }
0x90: {  	[spmem:s11] =	stream.linear.scatter [tilespmem:s24], [sflag:$0x3], $0x3100, $0x38;
	[tilespmem:$0x1F500] =	vst v63  }
0x91: {  	_ =	swait.ge [sflag:s25], $0x3100  }
0x92: {  	[sflag:s25] =	ssyncset.done $0x0  }
0x93: {  	[sflag:s25] =	ssyncadd.s32 $0xFFFFCF00  }
0x94: {  	[spmem:s12] =	stream.linear.scatter [tilespmem:s24], [sflag:$0x3], $0x3100, $0x38;
	[tilespmem:$0x1F500] =	vst v63  }
0x95: {  	_ =	swait.ge [sflag:s25], $0x3100  }
0x96: {  	[sflag:s25] =	ssyncset.done $0x0  }
0x97: {  	[sflag:s25] =	ssyncadd.s32 $0xFFFFCF00  }
0x98: {  	[spmem:s13] =	stream.linear.scatter [tilespmem:s24], [sflag:$0x3], $0x3100, $0x38;
	[tilespmem:$0x1F500] =	vst v63  }
0x99: {  	_ =	swait.ge [sflag:s25], $0x3100  }
0x9a: {  	[sflag:s25] =	ssyncset.done $0x0  }
0x9b: {  	[sflag:s25] =	ssyncadd.s32 $0xFFFFCF00  }
0x9c: {  	[spmem:s14] =	stream.linear.scatter [tilespmem:s24], [sflag:$0x3], $0x3100, $0x38;
	[tilespmem:$0x1F500] =	vst v63  }
0x9d: {  	_ =	swait.ge [sflag:s25], $0x3100  }
0x9e: {  	[sflag:s25] =	ssyncset.done $0x0  }
0x9f: {  	[sflag:s25] =	ssyncadd.s32 $0xFFFFCF00  }
0xa0: {  	s20 =	simm.s32 $0x0;
	[bflag:$0x0] =	sbarrier.arrive $0xFFFF  }
.LBB2_6:
0xa1: {  	s8 =	smul.u32 $0x1C00, s20;
	_ =	sdelay $0x1  }
0xa2: {  	s8 =	sadd.s32 s8, s16  }
0xa3: {  	s8 =	sshrl.u32 s8, $0x3  }
0xa4: {  	s8 =	sadd.s32 s5, s8  }
0xa5: {  	[tilespmem:s26], [sflag:$0x3] =	stream.linear.gather [hbm4b:s8+s2], $0x1C00, $0x38;
	[tilespmem:$0x1F500] =	vst v63  }
0xa6: {  	_ =	swait.ge [sflag:s25], $0x1C00  }
0xa7: {  	[sflag:s25] =	ssyncset.done $0x0  }
0xa8: {  	[sflag:s25] =	ssyncadd.s32 $0xFFFFE400  }
0xa9: {  	[tilespmem:s29], [sflag:$0x1] =	stream.indirect.gather [hbm4b:s4+s28], $0x20, s26, s28, $0xb8;
	[tilespmem:$0x1F500] =	vst v63  }
0xaa: {  	_ = 	snop  }
0xab: {  	[tilespmem:s31], [sflag:$0x2] =	stream.indirect.gather [hbm4b:s4+s28], $0x20, s30, s28, $0xb8;
	[tilespmem:$0x1F500] =	vst v63  }
0xac: {  	_ =	swait.ge [sflag:s0], $0x1000  }
0xad: {  	[sflag:s0] =	ssyncset.done $0x0  }
0xae: {  	s10 =	simm.s32 $0x19600;
	[sflag:s0] =	ssyncadd.s32 $0xFFFFF000  }
0xaf: {  	[spmem:s1] =	stream.indirect.scatter.add.f32 [tilespmem:s29], [sflag:$0x3], $0x20, s10, s28, $0xb8;
	[tilespmem:$0x1F500] =	vst v63  }
0xb0: {  	_ =	swait.ge [sflag:s25], $0x1000  }
0xb1: {  	[sflag:s25] =	ssyncset.done $0x0  }
0xb2: {  	s9 =	simm.s32 $0x18900;
	[sflag:s25] =	ssyncadd.s32 $0xFFFFF000  }
0xb3: {  	[tilespmem:s29], [sflag:$0x1] =	stream.indirect.gather [hbm4b:s4+s28], $0x20, s9, s28, $0xb8;
	[tilespmem:$0x1F500] =	vst v63  }
0xb4: {  	_ =	swait.ge [sflag:s3], $0x1000  }
0xb5: {  	[sflag:s3] =	ssyncset.done $0x0  }
0xb6: {  	s10 =	simm.s32 $0x19680;
	[sflag:s3] =	ssyncadd.s32 $0xFFFFF000  }
0xb7: {  	[spmem:s1] =	stream.indirect.scatter.add.f32 [tilespmem:s31], [sflag:$0x3], $0x20, s10, s28, $0xb8;
	[tilespmem:$0x1F500] =	vst v63  }
0xb8: {  	_ =	swait.ge [sflag:s25], $0x1000  }
0xb9: {  	[sflag:s25] =	ssyncset.done $0x0  }
0xba: {  	s8 =	simm.s32 $0x800;
	s9 =	simm.s32 $0x18980;
	[sflag:s25] =	ssyncadd.s32 $0xFFFFF000  }
.LBB2_7:
0xbb: {  	[tilespmem:s31], [sflag:$0x2] =	stream.indirect.gather [hbm4b:s4+s28], $0x20, s9, s28, $0xb8;
	[tilespmem:$0x1F500] =	vst v63  }
0xbc: {  	s9 =	smov.u32 s8  }
0xbd: {  	p0 =	sne.s32 s8, $0x3400;
	s8 =	sadd.s32 $0x400, s8;
	_ =	swait.ge [sflag:s0], $0x1000  }
0xbe: {  	s9 =	sshra.s32 s9, $0x2;
	[sflag:s0] =	ssyncset.done $0x0  }
0xbf: {  	s10 =	sadd.s32 $0x19500, s9;
	[sflag:s0] =	ssyncadd.s32 $0xFFFFF000  }
0xc0: {  	[spmem:s1] =	stream.indirect.scatter.add.f32 [tilespmem:s29], [sflag:$0x3], $0x20, s10, s28, $0xb8;
	[tilespmem:$0x1F500] =	vst v63  }
0xc1: {  	_ =	swait.ge [sflag:s25], $0x1000  }
0xc2: {  	[sflag:s25] =	ssyncset.done $0x0  }
0xc3: {  	s10 =	sadd.s32 $0x18800, s9;
	[sflag:s25] =	ssyncadd.s32 $0xFFFFF000  }
0xc4: {  	[tilespmem:s29], [sflag:$0x1] =	stream.indirect.gather [hbm4b:s4+s28], $0x20, s10, s28, $0xb8;
	[tilespmem:$0x1F500] =	vst v63  }
0xc5: {  	_ =	swait.ge [sflag:s3], $0x1000  }
0xc6: {  	[sflag:s3] =	ssyncset.done $0x0  }
.Ltmp2:
0xc7: {  	s10 =	sadd.s32 $0x19580, s9;
	[sflag:s3] =	ssyncadd.s32 $0xFFFFF000;
	(pc) =	sbr.rel @p0 .LBB2_7-.Ltmp2, $4  }
0xc8: {  	[spmem:s1] =	stream.indirect.scatter.add.f32 [tilespmem:s31], [sflag:$0x3], $0x20, s10, s28, $0xb8;
	[tilespmem:$0x1F500] =	vst v63  }
0xc9: {  	_ =	swait.ge [sflag:s25], $0x1000  }
0xca: {  	[sflag:s25] =	ssyncset.done $0x0  }
0xcb: {  	s9 =	sadd.s32 $0x18880, s9;
	[sflag:s25] =	ssyncadd.s32 $0xFFFFF000  }
0xcc: {  	[tilespmem:s31], [sflag:$0x2] =	stream.indirect.gather [hbm4b:s4+s28], $0x20, s9, s28, $0xb8;
	[tilespmem:$0x1F500] =	vst v63  }
0xcd: {  	_ =	swait.ge [sflag:s0], $0x1000  }
0xce: {  	[sflag:s0] =	ssyncset.done $0x0  }
0xcf: {  	[sflag:s0] =	ssyncadd.s32 $0xFFFFF000  }
0xd0: {  	[spmem:s1] =	stream.indirect.scatter.add.f32 [tilespmem:s29], [sflag:$0x3], $0x20, s6, s28, $0xb8;
	[tilespmem:$0x1F500] =	vst v63  }
0xd1: {  	_ =	swait.ge [sflag:s25], $0x1000  }
0xd2: {  	[sflag:s25] =	ssyncset.done $0x0  }
0xd3: {  	[sflag:s25] =	ssyncadd.s32 $0xFFFFF000  }
0xd4: {  	s20 =	sadd.s32 $0x1, s20;
	_ =	swait.ge [sflag:s3], $0x1000  }
0xd5: {  	p0 =	sne.s32 s20, $0x7;
	[sflag:s3] =	ssyncset.done $0x0  }
.Ltmp3:
0xd6: {  	[sflag:s3] =	ssyncadd.s32 $0xFFFFF000;
	(pc) =	sbr.rel @p0 .LBB2_6-.Ltmp3, $4  }
0xd7: {  	[spmem:s1] =	stream.indirect.scatter.add.f32 [tilespmem:s31], [sflag:$0x3], $0x20, s19, s28, $0xb8;
	[tilespmem:$0x1F500] =	vst v63  }
0xd8: {  	_ =	swait.ge [sflag:s25], $0x1000  }
0xd9: {  	[sflag:s25] =	ssyncset.done $0x0  }
0xda: {  	[sflag:s25] =	ssyncadd.s32 $0xFFFFF000  }
0xdb: {  	[bflag:$0x0] =	sbarrier.arrive $0xFFFF  }
0xdc: {  	s8 =	rddreg [dreg:$0xa]  }
0xdd: {  	[hbm:s8], [sflag:s22] =	dma.local [spmem:s23], $0x3100  }
0xde: {  	_ =	swait.ge [sflag:s25], $0x3100  }
0xdf: {  	[sflag:s25] =	ssyncset.done $0x0  }
0xe0: {  	[sflag:s25] =	ssyncadd.s32 $0xFFFFCF00  }
0xe1: {  	[bflag:$0x0] =	sbarrier.arrive $0xFFFF  }
0xe2: {  	[spmem:s7] =	stream.linear.scatter [tilespmem:s24], [sflag:$0x3], $0x3100, $0x38;
	[tilespmem:$0x1F500] =	vst v63  }
0xe3: {  	_ =	swait.ge [sflag:s25], $0x3100  }
0xe4: {  	[sflag:s25] =	ssyncset.done $0x0  }
0xe5: {  	s9 =	rddreg [dreg:$0x5];
	[sflag:s25] =	ssyncadd.s32 $0xFFFFCF00  }
0xe6: {  	[spmem:s9] =	stream.linear.scatter [tilespmem:s24], [sflag:$0x3], $0x3100, $0x38;
	[tilespmem:$0x1F500] =	vst v63  }
0xe7: {  	_ =	swait.ge [sflag:s25], $0x3100  }
0xe8: {  	[sflag:s25] =	ssyncset.done $0x0  }
0xe9: {  	s10 =	rddreg [dreg:$0x6];
	[sflag:s25] =	ssyncadd.s32 $0xFFFFCF00  }
0xea: {  	[spmem:s10] =	stream.linear.scatter [tilespmem:s24], [sflag:$0x3], $0x3100, $0x38;
	[tilespmem:$0x1F500] =	vst v63  }
0xeb: {  	_ =	swait.ge [sflag:s25], $0x3100  }
0xec: {  	[sflag:s25] =	ssyncset.done $0x0  }
0xed: {  	s20 =	rddreg [dreg:$0x7];
	[sflag:s25] =	ssyncadd.s32 $0xFFFFCF00  }
0xee: {  	[spmem:s20] =	stream.linear.scatter [tilespmem:s24], [sflag:$0x3], $0x3100, $0x38;
	[tilespmem:$0x1F500] =	vst v63  }
0xef: {  	_ =	swait.ge [sflag:s25], $0x3100  }
0xf0: {  	[sflag:s25] =	ssyncset.done $0x0  }
0xf1: {  	[sflag:s25] =	ssyncadd.s32 $0xFFFFCF00  }
0xf2: {  	[spmem:s11] =	stream.linear.scatter [tilespmem:s24], [sflag:$0x3], $0x3100, $0x38;
	[tilespmem:$0x1F500] =	vst v63  }
0xf3: {  	_ =	swait.ge [sflag:s25], $0x3100  }
0xf4: {  	[sflag:s25] =	ssyncset.done $0x0  }
0xf5: {  	[sflag:s25] =	ssyncadd.s32 $0xFFFFCF00  }
0xf6: {  	[spmem:s12] =	stream.linear.scatter [tilespmem:s24], [sflag:$0x3], $0x3100, $0x38;
	[tilespmem:$0x1F500] =	vst v63  }
0xf7: {  	_ =	swait.ge [sflag:s25], $0x3100  }
0xf8: {  	[sflag:s25] =	ssyncset.done $0x0  }
0xf9: {  	[sflag:s25] =	ssyncadd.s32 $0xFFFFCF00  }
0xfa: {  	[spmem:s13] =	stream.linear.scatter [tilespmem:s24], [sflag:$0x3], $0x3100, $0x38;
	[tilespmem:$0x1F500] =	vst v63  }
0xfb: {  	_ =	swait.ge [sflag:s25], $0x3100  }
0xfc: {  	[sflag:s25] =	ssyncset.done $0x0  }
0xfd: {  	[sflag:s25] =	ssyncadd.s32 $0xFFFFCF00  }
0xfe: {  	[spmem:s14] =	stream.linear.scatter [tilespmem:s24], [sflag:$0x3], $0x3100, $0x38;
	[tilespmem:$0x1F500] =	vst v63  }
0xff: {  	_ =	swait.ge [sflag:s25], $0x3100  }
0x100: {  	[sflag:s25] =	ssyncset.done $0x0  }
0x101: {  	[sflag:s25] =	ssyncadd.s32 $0xFFFFCF00  }
0x102: {  	s20 =	simm.s32 $0x0;
	[bflag:$0x0] =	sbarrier.arrive $0xFFFF  }
.LBB2_10:
0x103: {  	s8 =	smul.u32 $0x1C00, s20;
	_ =	sdelay $0x1  }
0x104: {  	s8 =	sadd.s32 s8, s17  }
0x105: {  	s8 =	sshrl.u32 s8, $0x3  }
0x106: {  	s8 =	sadd.s32 s5, s8  }
0x107: {  	[tilespmem:s26], [sflag:$0x3] =	stream.linear.gather [hbm4b:s8+s2], $0x1C00, $0x38;
	[tilespmem:$0x1F500] =	vst v63  }
0x108: {  	_ =	swait.ge [sflag:s25], $0x1C00  }
0x109: {  	[sflag:s25] =	ssyncset.done $0x0  }
0x10a: {  	[sflag:s25] =	ssyncadd.s32 $0xFFFFE400  }
0x10b: {  	[tilespmem:s29], [sflag:$0x1] =	stream.indirect.gather [hbm4b:s4+s28], $0x20, s26, s28, $0xb8;
	[tilespmem:$0x1F500] =	vst v63  }
0x10c: {  	_ = 	snop  }
0x10d: {  	[tilespmem:s31], [sflag:$0x2] =	stream.indirect.gather [hbm4b:s4+s28], $0x20, s30, s28, $0xb8;
	[tilespmem:$0x1F500] =	vst v63  }
0x10e: {  	_ =	swait.ge [sflag:s0], $0x1000  }
0x10f: {  	[sflag:s0] =	ssyncset.done $0x0  }
0x110: {  	s10 =	simm.s32 $0x19600;
	[sflag:s0] =	ssyncadd.s32 $0xFFFFF000  }
0x111: {  	[spmem:s1] =	stream.indirect.scatter.add.f32 [tilespmem:s29], [sflag:$0x3], $0x20, s10, s28, $0xb8;
	[tilespmem:$0x1F500] =	vst v63  }
0x112: {  	_ =	swait.ge [sflag:s25], $0x1000  }
0x113: {  	[sflag:s25] =	ssyncset.done $0x0  }
0x114: {  	s9 =	simm.s32 $0x18900;
	[sflag:s25] =	ssyncadd.s32 $0xFFFFF000  }
0x115: {  	[tilespmem:s29], [sflag:$0x1] =	stream.indirect.gather [hbm4b:s4+s28], $0x20, s9, s28, $0xb8;
	[tilespmem:$0x1F500] =	vst v63  }
0x116: {  	_ =	swait.ge [sflag:s3], $0x1000  }
0x117: {  	[sflag:s3] =	ssyncset.done $0x0  }
0x118: {  	s10 =	simm.s32 $0x19680;
	[sflag:s3] =	ssyncadd.s32 $0xFFFFF000  }
0x119: {  	[spmem:s1] =	stream.indirect.scatter.add.f32 [tilespmem:s31], [sflag:$0x3], $0x20, s10, s28, $0xb8;
	[tilespmem:$0x1F500] =	vst v63  }
0x11a: {  	_ =	swait.ge [sflag:s25], $0x1000  }
0x11b: {  	[sflag:s25] =	ssyncset.done $0x0  }
0x11c: {  	s8 =	simm.s32 $0x800;
	s9 =	simm.s32 $0x18980;
	[sflag:s25] =	ssyncadd.s32 $0xFFFFF000  }
.LBB2_11:
0x11d: {  	[tilespmem:s31], [sflag:$0x2] =	stream.indirect.gather [hbm4b:s4+s28], $0x20, s9, s28, $0xb8;
	[tilespmem:$0x1F500] =	vst v63  }
0x11e: {  	s9 =	smov.u32 s8  }
0x11f: {  	p0 =	sne.s32 s8, $0x3400;
	s8 =	sadd.s32 $0x400, s8;
	_ =	swait.ge [sflag:s0], $0x1000  }
0x120: {  	s9 =	sshra.s32 s9, $0x2;
	[sflag:s0] =	ssyncset.done $0x0  }
0x121: {  	s10 =	sadd.s32 $0x19500, s9;
	[sflag:s0] =	ssyncadd.s32 $0xFFFFF000  }
0x122: {  	[spmem:s1] =	stream.indirect.scatter.add.f32 [tilespmem:s29], [sflag:$0x3], $0x20, s10, s28, $0xb8;
	[tilespmem:$0x1F500] =	vst v63  }
0x123: {  	_ =	swait.ge [sflag:s25], $0x1000  }
0x124: {  	[sflag:s25] =	ssyncset.done $0x0  }
0x125: {  	s10 =	sadd.s32 $0x18800, s9;
	[sflag:s25] =	ssyncadd.s32 $0xFFFFF000  }
0x126: {  	[tilespmem:s29], [sflag:$0x1] =	stream.indirect.gather [hbm4b:s4+s28], $0x20, s10, s28, $0xb8;
	[tilespmem:$0x1F500] =	vst v63  }
0x127: {  	_ =	swait.ge [sflag:s3], $0x1000  }
0x128: {  	[sflag:s3] =	ssyncset.done $0x0  }
.Ltmp4:
0x129: {  	s10 =	sadd.s32 $0x19580, s9;
	[sflag:s3] =	ssyncadd.s32 $0xFFFFF000;
	(pc) =	sbr.rel @p0 .LBB2_11-.Ltmp4, $4  }
0x12a: {  	[spmem:s1] =	stream.indirect.scatter.add.f32 [tilespmem:s31], [sflag:$0x3], $0x20, s10, s28, $0xb8;
	[tilespmem:$0x1F500] =	vst v63  }
0x12b: {  	_ =	swait.ge [sflag:s25], $0x1000  }
0x12c: {  	[sflag:s25] =	ssyncset.done $0x0  }
0x12d: {  	s9 =	sadd.s32 $0x18880, s9;
	[sflag:s25] =	ssyncadd.s32 $0xFFFFF000  }
0x12e: {  	[tilespmem:s31], [sflag:$0x2] =	stream.indirect.gather [hbm4b:s4+s28], $0x20, s9, s28, $0xb8;
	[tilespmem:$0x1F500] =	vst v63  }
0x12f: {  	_ =	swait.ge [sflag:s0], $0x1000  }
0x130: {  	[sflag:s0] =	ssyncset.done $0x0  }
0x131: {  	[sflag:s0] =	ssyncadd.s32 $0xFFFFF000  }
0x132: {  	[spmem:s1] =	stream.indirect.scatter.add.f32 [tilespmem:s29], [sflag:$0x3], $0x20, s6, s28, $0xb8;
	[tilespmem:$0x1F500] =	vst v63  }
0x133: {  	_ =	swait.ge [sflag:s25], $0x1000  }
0x134: {  	[sflag:s25] =	ssyncset.done $0x0  }
0x135: {  	[sflag:s25] =	ssyncadd.s32 $0xFFFFF000  }
0x136: {  	s20 =	sadd.s32 $0x1, s20;
	_ =	swait.ge [sflag:s3], $0x1000  }
0x137: {  	p0 =	sne.s32 s20, $0x7;
	[sflag:s3] =	ssyncset.done $0x0  }
.Ltmp5:
0x138: {  	[sflag:s3] =	ssyncadd.s32 $0xFFFFF000;
	(pc) =	sbr.rel @p0 .LBB2_10-.Ltmp5, $4  }
0x139: {  	[spmem:s1] =	stream.indirect.scatter.add.f32 [tilespmem:s31], [sflag:$0x3], $0x20, s19, s28, $0xb8;
	[tilespmem:$0x1F500] =	vst v63  }
0x13a: {  	_ =	swait.ge [sflag:s25], $0x1000  }
0x13b: {  	[sflag:s25] =	ssyncset.done $0x0  }
0x13c: {  	[sflag:s25] =	ssyncadd.s32 $0xFFFFF000  }
0x13d: {  	[bflag:$0x0] =	sbarrier.arrive $0xFFFF  }
0x13e: {  	s8 =	rddreg [dreg:$0xb]  }
0x13f: {  	[hbm:s8], [sflag:s22] =	dma.local [spmem:s23], $0x3100  }
0x140: {  	_ =	swait.ge [sflag:s25], $0x3100  }
0x141: {  	[sflag:s25] =	ssyncset.done $0x0  }
0x142: {  	[sflag:s25] =	ssyncadd.s32 $0xFFFFCF00  }
0x143: {  	[bflag:$0x0] =	sbarrier.arrive $0xFFFF  }
0x144: {  	[spmem:s7] =	stream.linear.scatter [tilespmem:s24], [sflag:$0x3], $0x3100, $0x38;
	[tilespmem:$0x1F500] =	vst v63  }
0x145: {  	_ =	swait.ge [sflag:s25], $0x3100  }
0x146: {  	[sflag:s25] =	ssyncset.done $0x0  }
0x147: {  	s9 =	rddreg [dreg:$0x5];
	[sflag:s25] =	ssyncadd.s32 $0xFFFFCF00  }
0x148: {  	[spmem:s9] =	stream.linear.scatter [tilespmem:s24], [sflag:$0x3], $0x3100, $0x38;
	[tilespmem:$0x1F500] =	vst v63  }
0x149: {  	_ =	swait.ge [sflag:s25], $0x3100  }
0x14a: {  	[sflag:s25] =	ssyncset.done $0x0  }
0x14b: {  	s10 =	rddreg [dreg:$0x6];
	[sflag:s25] =	ssyncadd.s32 $0xFFFFCF00  }
0x14c: {  	[spmem:s10] =	stream.linear.scatter [tilespmem:s24], [sflag:$0x3], $0x3100, $0x38;
	[tilespmem:$0x1F500] =	vst v63  }
0x14d: {  	_ =	swait.ge [sflag:s25], $0x3100  }
0x14e: {  	[sflag:s25] =	ssyncset.done $0x0  }
0x14f: {  	s20 =	rddreg [dreg:$0x7];
	[sflag:s25] =	ssyncadd.s32 $0xFFFFCF00  }
0x150: {  	[spmem:s20] =	stream.linear.scatter [tilespmem:s24], [sflag:$0x3], $0x3100, $0x38;
	[tilespmem:$0x1F500] =	vst v63  }
0x151: {  	_ =	swait.ge [sflag:s25], $0x3100  }
0x152: {  	[sflag:s25] =	ssyncset.done $0x0  }
0x153: {  	[sflag:s25] =	ssyncadd.s32 $0xFFFFCF00  }
0x154: {  	[spmem:s11] =	stream.linear.scatter [tilespmem:s24], [sflag:$0x3], $0x3100, $0x38;
	[tilespmem:$0x1F500] =	vst v63  }
0x155: {  	_ =	swait.ge [sflag:s25], $0x3100  }
0x156: {  	[sflag:s25] =	ssyncset.done $0x0  }
0x157: {  	[sflag:s25] =	ssyncadd.s32 $0xFFFFCF00  }
0x158: {  	[spmem:s12] =	stream.linear.scatter [tilespmem:s24], [sflag:$0x3], $0x3100, $0x38;
	[tilespmem:$0x1F500] =	vst v63  }
0x159: {  	_ =	swait.ge [sflag:s25], $0x3100  }
0x15a: {  	[sflag:s25] =	ssyncset.done $0x0  }
0x15b: {  	[sflag:s25] =	ssyncadd.s32 $0xFFFFCF00  }
0x15c: {  	[spmem:s13] =	stream.linear.scatter [tilespmem:s24], [sflag:$0x3], $0x3100, $0x38;
	[tilespmem:$0x1F500] =	vst v63  }
0x15d: {  	_ =	swait.ge [sflag:s25], $0x3100  }
0x15e: {  	[sflag:s25] =	ssyncset.done $0x0  }
0x15f: {  	[sflag:s25] =	ssyncadd.s32 $0xFFFFCF00  }
0x160: {  	[spmem:s14] =	stream.linear.scatter [tilespmem:s24], [sflag:$0x3], $0x3100, $0x38;
	[tilespmem:$0x1F500] =	vst v63  }
0x161: {  	_ =	swait.ge [sflag:s25], $0x3100  }
0x162: {  	[sflag:s25] =	ssyncset.done $0x0  }
0x163: {  	[sflag:s25] =	ssyncadd.s32 $0xFFFFCF00  }
0x164: {  	s20 =	simm.s32 $0x0;
	[bflag:$0x0] =	sbarrier.arrive $0xFFFF  }
.LBB2_14:
0x165: {  	s8 =	smul.u32 $0x1C00, s20;
	_ =	sdelay $0x1  }
0x166: {  	s8 =	sadd.s32 s8, s18  }
0x167: {  	s8 =	sshrl.u32 s8, $0x3  }
0x168: {  	s8 =	sadd.s32 s5, s8  }
0x169: {  	[tilespmem:s26], [sflag:$0x3] =	stream.linear.gather [hbm4b:s8+s2], $0x1C00, $0x38;
	[tilespmem:$0x1F500] =	vst v63  }
0x16a: {  	_ =	swait.ge [sflag:s25], $0x1C00  }
0x16b: {  	[sflag:s25] =	ssyncset.done $0x0  }
0x16c: {  	[sflag:s25] =	ssyncadd.s32 $0xFFFFE400  }
0x16d: {  	[tilespmem:s29], [sflag:$0x1] =	stream.indirect.gather [hbm4b:s4+s28], $0x20, s26, s28, $0xb8;
	[tilespmem:$0x1F500] =	vst v63  }
0x16e: {  	_ = 	snop  }
0x16f: {  	[tilespmem:s31], [sflag:$0x2] =	stream.indirect.gather [hbm4b:s4+s28], $0x20, s30, s28, $0xb8;
	[tilespmem:$0x1F500] =	vst v63  }
0x170: {  	_ =	swait.ge [sflag:s0], $0x1000  }
0x171: {  	[sflag:s0] =	ssyncset.done $0x0  }
0x172: {  	s10 =	simm.s32 $0x19600;
	[sflag:s0] =	ssyncadd.s32 $0xFFFFF000  }
0x173: {  	[spmem:s1] =	stream.indirect.scatter.add.f32 [tilespmem:s29], [sflag:$0x3], $0x20, s10, s28, $0xb8;
	[tilespmem:$0x1F500] =	vst v63  }
0x174: {  	_ =	swait.ge [sflag:s25], $0x1000  }
0x175: {  	[sflag:s25] =	ssyncset.done $0x0  }
0x176: {  	s9 =	simm.s32 $0x18900;
	[sflag:s25] =	ssyncadd.s32 $0xFFFFF000  }
0x177: {  	[tilespmem:s29], [sflag:$0x1] =	stream.indirect.gather [hbm4b:s4+s28], $0x20, s9, s28, $0xb8;
	[tilespmem:$0x1F500] =	vst v63  }
0x178: {  	_ =	swait.ge [sflag:s3], $0x1000  }
0x179: {  	[sflag:s3] =	ssyncset.done $0x0  }
0x17a: {  	s10 =	simm.s32 $0x19680;
	[sflag:s3] =	ssyncadd.s32 $0xFFFFF000  }
0x17b: {  	[spmem:s1] =	stream.indirect.scatter.add.f32 [tilespmem:s31], [sflag:$0x3], $0x20, s10, s28, $0xb8;
	[tilespmem:$0x1F500] =	vst v63  }
0x17c: {  	_ =	swait.ge [sflag:s25], $0x1000  }
0x17d: {  	[sflag:s25] =	ssyncset.done $0x0  }
0x17e: {  	s8 =	simm.s32 $0x800;
	s9 =	simm.s32 $0x18980;
	[sflag:s25] =	ssyncadd.s32 $0xFFFFF000  }
.LBB2_15:
0x17f: {  	[tilespmem:s31], [sflag:$0x2] =	stream.indirect.gather [hbm4b:s4+s28], $0x20, s9, s28, $0xb8;
	[tilespmem:$0x1F500] =	vst v63  }
0x180: {  	s9 =	smov.u32 s8  }
0x181: {  	p0 =	sne.s32 s8, $0x3400;
	s8 =	sadd.s32 $0x400, s8;
	_ =	swait.ge [sflag:s0], $0x1000  }
0x182: {  	s9 =	sshra.s32 s9, $0x2;
	[sflag:s0] =	ssyncset.done $0x0  }
0x183: {  	s10 =	sadd.s32 $0x19500, s9;
	[sflag:s0] =	ssyncadd.s32 $0xFFFFF000  }
0x184: {  	[spmem:s1] =	stream.indirect.scatter.add.f32 [tilespmem:s29], [sflag:$0x3], $0x20, s10, s28, $0xb8;
	[tilespmem:$0x1F500] =	vst v63  }
0x185: {  	_ =	swait.ge [sflag:s25], $0x1000  }
0x186: {  	[sflag:s25] =	ssyncset.done $0x0  }
0x187: {  	s10 =	sadd.s32 $0x18800, s9;
	[sflag:s25] =	ssyncadd.s32 $0xFFFFF000  }
0x188: {  	[tilespmem:s29], [sflag:$0x1] =	stream.indirect.gather [hbm4b:s4+s28], $0x20, s10, s28, $0xb8;
	[tilespmem:$0x1F500] =	vst v63  }
0x189: {  	_ =	swait.ge [sflag:s3], $0x1000  }
0x18a: {  	[sflag:s3] =	ssyncset.done $0x0  }
.Ltmp6:
0x18b: {  	s10 =	sadd.s32 $0x19580, s9;
	[sflag:s3] =	ssyncadd.s32 $0xFFFFF000;
	(pc) =	sbr.rel @p0 .LBB2_15-.Ltmp6, $4  }
0x18c: {  	[spmem:s1] =	stream.indirect.scatter.add.f32 [tilespmem:s31], [sflag:$0x3], $0x20, s10, s28, $0xb8;
	[tilespmem:$0x1F500] =	vst v63  }
0x18d: {  	_ =	swait.ge [sflag:s25], $0x1000  }
0x18e: {  	[sflag:s25] =	ssyncset.done $0x0  }
0x18f: {  	s9 =	sadd.s32 $0x18880, s9;
	[sflag:s25] =	ssyncadd.s32 $0xFFFFF000  }
0x190: {  	[tilespmem:s31], [sflag:$0x2] =	stream.indirect.gather [hbm4b:s4+s28], $0x20, s9, s28, $0xb8;
	[tilespmem:$0x1F500] =	vst v63  }
0x191: {  	_ =	swait.ge [sflag:s0], $0x1000  }
0x192: {  	[sflag:s0] =	ssyncset.done $0x0  }
0x193: {  	[sflag:s0] =	ssyncadd.s32 $0xFFFFF000  }
0x194: {  	[spmem:s1] =	stream.indirect.scatter.add.f32 [tilespmem:s29], [sflag:$0x3], $0x20, s6, s28, $0xb8;
	[tilespmem:$0x1F500] =	vst v63  }
0x195: {  	_ =	swait.ge [sflag:s25], $0x1000  }
0x196: {  	[sflag:s25] =	ssyncset.done $0x0  }
0x197: {  	[sflag:s25] =	ssyncadd.s32 $0xFFFFF000  }
0x198: {  	s20 =	sadd.s32 $0x1, s20;
	_ =	swait.ge [sflag:s3], $0x1000  }
0x199: {  	p0 =	sne.s32 s20, $0x7;
	[sflag:s3] =	ssyncset.done $0x0  }
.Ltmp7:
0x19a: {  	[sflag:s3] =	ssyncadd.s32 $0xFFFFF000;
	(pc) =	sbr.rel @p0 .LBB2_14-.Ltmp7, $4  }
0x19b: {  	[spmem:s1] =	stream.indirect.scatter.add.f32 [tilespmem:s31], [sflag:$0x3], $0x20, s19, s28, $0xb8;
	[tilespmem:$0x1F500] =	vst v63  }
0x19c: {  	_ =	swait.ge [sflag:s25], $0x1000  }
0x19d: {  	[sflag:s25] =	ssyncset.done $0x0  }
0x19e: {  	[sflag:s25] =	ssyncadd.s32 $0xFFFFF000  }
0x19f: {  	[bflag:$0x0] =	sbarrier.arrive $0xFFFF  }
0x1a0: {  	s8 =	rddreg [dreg:$0xc]  }
0x1a1: {  	[hbm:s8], [sflag:s22] =	dma.local [spmem:s23], $0x3100  }
0x1a2: {  	_ =	swait.ge [sflag:s25], $0x3100  }
0x1a3: {  	s21 =	sadd.s32 $0x1, s21;
	s23 =	rddreg [dreg:$0x8]  }
0x1a4: {  	p0 =	sne.s32 s21, s23  }
.Ltmp8:
0x1a5: {  	_ = 	snop;
	(pc) =	sbr.rel @p0 .LBB2_1-.Ltmp8, $3  }
0x1a6: {  	[sflag:s25] =	ssyncset.done $0x0  }
0x1a7: {  	[sflag:s25] =	ssyncadd.s32 $0xFFFFCF00  }
0x1a8: {  	[bflag:$0x0] =	sbarrier.arrive $0xFFFF;
	_ =	sdelay $0x1  }
0x1a9: {  	_ =	sfence.sel $0x180000  }
0x1aa: {  	[bflag:$0x0] =	sbarrier.arrive $0xFFFF  }
0x1ab: {  	_ =	strace $0x9000004A  }
0x1ac: {  	s0 =	stileid.u32;
	[bflag:$0x2] =	sbarrier.arrive $0xFFFF  }
0x1ad: {  	p0 =	sne.s32 s0, $0x0;
	s0 =	rddreg [dreg:$0x3]  }
0x1ae: {  	s0 =	sadd.s32 @!p0 $0x100000, s0  }
0x1af: {  	[sflag:s0] =	ssyncadd.tile.s32 @!p0 $0x1;
	_ =	shalt  }
.Lfunc_end2:
_tile_overlayer_lowered:
.L_overlay_start_2:
0x1b0: {  	(tag) =	ssettag $0x2  }
0x1b1: {  	s0 =	rddreg [dreg:$0x0];
	s2 =	stileid.u32  }
0x1b2: {  	s1 =	rddreg [dreg:$0x1];
	p0 =	sne.s32 s2, $0x0  }
0x1b3: {  	s3 =	rddreg [dreg:$0x2];
	[bflag:$0x3] =	sbarrier.arrive $0xFFFF;
	s2 =	simm.s32 @!p0 $0x1C03  }
0x1b4: {  	[timem:s3], [sflag:s2] =	dma.local @!p0 [hbm:s0], s1  }
0x1b5: {  	s0 =	simm.s32 @!p0 $0x3  }
0x1b6: {  	_ =	swait.ge @!p0 [sflag:s0], s1  }
0x1b7: {  	s1 =	ssub.s32 @!p0 $0x0, s1;
	[sflag:s0] =	ssyncset.done @!p0 $0x0  }
0x1b8: {  	[sflag:s0] =	ssyncadd.s32 @!p0 s1  }
0x1b9: {  	[bflag:$0x3] =	sbarrier.arrive $0xFFFF  }
0x1ba: {  	_ =	shalt  }

// kernel: kernel.23.cloned.1.call-start
scs
__scs_entry_jumppad:
0x0: {  	(pc) =	sbr.rel $0x88, $3  }
0x1: {  	(tag) =	ssettag $0x0;
	lr =	simm.s32 $0x1  }
0x2: {  	[smem:$0x3F81] =	sst lr;
	_ =	strace $0xD0000000  }
0x3: {  	_ = 	snop  }
0x4: {  	_ = 	snop  }
0x5: {  	_ = 	snop  }
0x6: {  	_ = 	snop  }
0x7: {  	_ = 	snop  }
__scs_overlays_trampoline_lowered:
0x8: {  	[smem:$0x3F90] =	sst s0  }
0x9: {  	[smem:$0x3F91] =	sst s1  }
0xa: {  	[smem:$0x3F92] =	sst s2  }
0xb: {  	[smem:$0x3F93] =	sst s3  }
0xc: {  	[smem:$0x3F94] =	sst s4  }
0xd: {  	[smem:$0x3F95] =	sst s5  }
0xe: {  	[smem:$0x3F96] =	sst s6  }
0xf: {  	[smem:$0x3F97] =	sst s7  }
0x10: {  	[smem:$0x3F98] =	sst s8  }
0x11: {  	[smem:$0x3F99] =	sst s9;
	s0 =	simm.s32 @!p0 $0x0  }
0x12: {  	s1 =	sld [smem:$0x3F7F];
	s0 =	simm.s32 @p0 $0x1  }
0x13: {  	[smem:$0x3F9A] =	sst s0;
	s0 =	simm.s32 @!p1 $0x0  }
0x14: {  	s2 =	sld [smem:$0x3F7E];
	s0 =	simm.s32 @p1 $0x1  }
0x15: {  	[smem:$0x3F9B] =	sst s0;
	s0 =	simm.s32 @!p2 $0x0  }
0x16: {  	s3 =	sld [smem:$0x3FDB];
	s0 =	simm.s32 @p2 $0x1  }
0x17: {  	s4 =	simm.s32 $0x1BF5;
	[smem:$0x3F9D] =	sst s0  }
0x18: {  	s0 =	sld [smem:$0x3F80];
	_ =	swait.ge [sflag:s4], $0x0  }
0x19: {  	s7 =	sld [smem:$0x3F81]  }
0x1a: {  	s8 =	sadd.s32 $0xFFFFE003, lr  }
0x1b: {  	s9 =	sadd.s32 $0xFFFFFEF7, lr;
	s5 =	simm.s32 $0xFFFFFFFF;
	p2 =	slt.u32 s8, $0xFFFFF086  }
0x1c: {  	p1 =	slt.u32 s9, $0xF7A;
	s5 =	simm.s32 @!p2 $0x0  }
0x1d: {  	s5 =	simm.s32 @p1 $0x1;
	p0 =	seq.s32 s7, s2  }
0x1e: {  	s7 =	smul.u32 @!p0 $0xF7A, s2;
	p2 =	seq.s32 @!p0 s5, $0x0  }
0x1f: {  	s9 =	smul.u32 $0xF7A, s1;
	s8 =	simm.s32 @!p0 $0x1BF5;
	p2 =	por !p2, p0  }
0x20: {  	[sflag:s8] =	ssyncset.s32 @!p0 $0xFFFFF086;
	s6 =	sadd.s32 @!p0 s3, s7;
	s7 =	simm.s32 @!p0 $0x108  }
0x21: {  	s3 =	sadd.s32 s3, s9;
	s6 =	sadd.s32 @!p0 $0x88, s6;
	s7 =	simm.s32 @p2 $0x1082  }
0x22: {  	[simem:s7], [sflag:s8] =	dma.local @!p0 [hbm:s6], $0xF7A  }
0x23: {  	s9 =	sor.u32 $0xD0000000, s2;
	s6 =	simm.s32 $0x108;
	_ =	swait.ge @!p0 [sflag:s8], $0x0  }
0x24: {  	s3 =	sadd.s32 $0x88, s3;
	s6 =	simm.s32 @!p1 $0x1082;
	[sflag:s4] =	ssyncset.s32 $0xFFFFF086  }
0x25: {  	[simem:s6], [sflag:s4] =	dma.local [hbm:s3], $0xF7A  }
0x26: {  	[smem:$0x3F81] =	sst s1;
	(tag) =	ssettag s2;
	_ =	strace s9  }
0x27: {  	s1 =	sld [smem:$0x3F91]  }
0x28: {  	s2 =	sld [smem:$0x3F92]  }
0x29: {  	s4 =	sld [smem:$0x3F94]  }
0x2a: {  	p0 =	seq.s32 s5, $0x0;
	s5 =	sld [smem:$0x3F95]  }
0x2b: {  	s6 =	sld [smem:$0x3F96]  }
0x2c: {  	s7 =	sld [smem:$0x3F97]  }
0x2d: {  	s3 =	simm.s32 $0x108;
	s8 =	sld [smem:$0x3F98]  }
0x2e: {  	s3 =	simm.s32 @!p0 $0x1082;
	s9 =	sld [smem:$0x3F99]  }
0x2f: {  	lr =	sadd.s32 s0, s3;
	s0 =	sld [smem:$0x3F90]  }
0x30: {  	s3 =	sld [smem:$0x3F93]  }
0x31: {  	[smem:$0x3F9C] =	sst s10  }
0x32: {  	s10 =	sld [smem:$0x3F9A];
	_ =	sdelay $0x3  }
0x33: {  	p0 =	seq.s32 s10, $0x1;
	s10 =	sld [smem:$0x3F9C];
	_ =	sdelay $0x3  }
0x34: {  	[smem:$0x3F9C] =	sst s10  }
0x35: {  	s10 =	sld [smem:$0x3F9B];
	_ =	sdelay $0x3  }
0x36: {  	p1 =	seq.s32 s10, $0x1;
	s10 =	sld [smem:$0x3F9C];
	_ =	sdelay $0x3  }
0x37: {  	[smem:$0x3F9C] =	sst s10  }
0x38: {  	s10 =	sld [smem:$0x3F9D]  }
0x39: {  	_ = 	snop;
	(pc) =	sbr.ind lr, $3  }
0x3a: {  	_ = 	snop  }
0x3b: {  	_ = 	snop  }
0x3c: {  	p2 =	seq.s32 s10, $0x1;
	s10 =	sld [smem:$0x3F9C]  }
0x3d: {  	_ =	shalt  }
0x3e: {  	_ =	shalt  }
0x3f: {  	_ =	shalt  }
0x40: {  	_ =	shalt  }
0x41: {  	_ =	shalt  }
0x42: {  	_ =	shalt  }
0x43: {  	_ =	shalt  }
0x44: {  	_ =	shalt  }
0x45: {  	_ =	shalt  }
0x46: {  	_ =	shalt  }
0x47: {  	_ =	shalt  }
0x48: {  	_ =	shalt  }
0x49: {  	_ =	shalt  }
0x4a: {  	_ =	shalt  }
0x4b: {  	_ =	shalt  }
0x4c: {  	_ =	shalt  }
0x4d: {  	_ =	shalt  }
0x4e: {  	_ =	shalt  }
0x4f: {  	_ =	shalt  }
0x50: {  	_ =	shalt  }
0x51: {  	_ =	shalt  }
0x52: {  	_ =	shalt  }
0x53: {  	_ =	shalt  }
0x54: {  	_ =	shalt  }
0x55: {  	_ =	shalt  }
0x56: {  	_ =	shalt  }
0x57: {  	_ =	shalt  }
0x58: {  	_ =	shalt  }
0x59: {  	_ =	shalt  }
0x5a: {  	_ =	shalt  }
0x5b: {  	_ =	shalt  }
0x5c: {  	_ =	shalt  }
0x5d: {  	_ =	shalt  }
0x5e: {  	_ =	shalt  }
0x5f: {  	_ =	shalt  }
0x60: {  	_ =	shalt  }
0x61: {  	_ =	shalt  }
0x62: {  	_ =	shalt  }
0x63: {  	_ =	shalt  }
0x64: {  	_ =	shalt  }
0x65: {  	_ =	shalt  }
0x66: {  	_ =	shalt  }
0x67: {  	_ =	shalt  }
0x68: {  	_ =	shalt  }
0x69: {  	_ =	shalt  }
0x6a: {  	_ =	shalt  }
0x6b: {  	_ =	shalt  }
0x6c: {  	_ =	shalt  }
0x6d: {  	_ =	shalt  }
0x6e: {  	_ =	shalt  }
0x6f: {  	_ =	shalt  }
0x70: {  	_ =	shalt  }
0x71: {  	_ =	shalt  }
0x72: {  	_ =	shalt  }
0x73: {  	_ =	shalt  }
0x74: {  	_ =	shalt  }
0x75: {  	_ =	shalt  }
0x76: {  	_ =	shalt  }
0x77: {  	_ =	shalt  }
0x78: {  	_ =	shalt  }
0x79: {  	_ =	shalt  }
0x7a: {  	_ =	shalt  }
0x7b: {  	_ =	shalt  }
0x7c: {  	_ =	shalt  }
0x7d: {  	_ =	shalt  }
0x7e: {  	_ =	shalt  }
0x7f: {  	_ =	shalt  }
0x80: {  	_ =	shalt  }
0x81: {  	_ =	shalt  }
0x82: {  	_ =	shalt  }
0x83: {  	_ =	shalt  }
0x84: {  	_ =	shalt  }
0x85: {  	_ =	shalt  }
0x86: {  	_ =	shalt  }
0x87: {  	_ =	shalt  }
.Lfunc_end0:
.L_simem_size_0:
called_computation.2_lowered:
.L_overlay_start_0:
0x88: {  	s2 =	sld [smem:$0x3FD9]  }
0x89: {  	s3 =	sld [smem:$0x3FFE];
	_ =	sdelay $0x1  }
0x8a: {  	s1 =	srdreg.scid  }
0x8b: {  	s0 =	sand.u32 $0x1, s1  }
0x8c: {  	s16 =	sshll.u32 s0, $0xA;
	s2 =	sadd.s32 s3, s2  }
0x8d: {  	s2 =	sadd.s32 s2, s16  }
0x8e: {  	[smem:$0x3FA8] =	sst s2  }
0x8f: {  	_ = 	snop  }
0x90: {  	(tm) =	ssettm $0x1  }
0x91: {  	s17 =	sld [smem:$0x3FFB];
	_ =	sdelay $0x3  }
0x92: {  	_ =	strace s17  }
0x93: {  	s2 =	sld [smem:$0x3FFC];
	_ =	sdelay $0x3  }
0x94: {  	_ =	strace s2  }
0x95: {  	s2 =	sld [smem:$0x3FFD];
	_ =	sdelay $0x3  }
0x96: {  	_ =	strace s2  }
0x97: {  	_ =	strace $0x8FFFFFFF  }
0x98: {  	s18 =	sld [smem:$0x3FDB];
	_ =	sdelay $0x1  }
0x99: {  	s19 =	simm.s32 $_scs_section_size  }
0x9a: {  	s4 =	simm.s32 $_size__tile_overlayer_lowered;
	s5 =	simm.s32 $_tile_overlayer_lowered  }
0x9b: {  	s22 =	simm.s32 $0x1BFF;
	s21 =	sshll.u32 s5, $0x1;
	s2 =	sadd.s32 s19, s18  }
0x9c: {  	s6 =	simm.s32 $0x0;
	s20 =	sshll.u32 s4, $0x1;
	s4 =	sadd.s32 s21, s2  }
0x9d: {  	[timem:s6], [sflag:s22] =	dma.local [hbm:s4], s20  }
0x9e: {  	_ =	swait.ge [sflag:s22], s20  }
0x9f: {  	s3 =	ssub.s32 $0x0, s20;
	[sflag:s22] =	ssyncset.done $0x0  }
0xa0: {  	[sflag:s22] =	ssyncadd.s32 s3;
	_ =	sdelay $0x1  }
0xa1: {  	s23 =	simm.s32 $0x1B8B  }
0xa2: {  	_ =	swait.ge [sflag:s23], $0x1  }
0xa3: {  	[sflag:s23] =	ssyncset.done $0x0  }
0xa4: {  	s25 =	simm.s32 $0x1B8E;
	s24 =	sld [smem:$0x3FFE];
	[sflag:s23] =	ssyncadd.s32 $0xFFFFFFFF  }
0xa5: {  	s26 =	simm.s32 $execute0_lowered;
	[smem:$0x3FD2] =	sst s25  }
0xa6: {  	s4 =	sshll.u32 s26, $0x1;
	_ =	strace $0x8000004C;
	[dreg:$0x1] =	wrdreg $0xFFFFFFFF  }
0xa7: {  	s28 =	simm.s32 $_size_execute0_lowered;
	s2 =	sadd.s32 s2, s4;
	[dreg:$0x0] =	wrdreg $0x0  }
0xa8: {  	s4 =	sshll.u32 s28, $0x1;
	[dreg:$0x2] =	wrdreg s2  }
0xa9: {  	[dreg:$0x3] =	wrdreg s4  }
0xaa: {  	[dreg:$0x4] =	wrdreg $0xC0  }
0xab: {  	_ =	task [dreg:s6], $0x5FFFF  }
0xac: {  	[dreg:$0x1] =	wrdreg $0xFFFFFFFF  }
0xad: {  	[dreg:$0x0] =	wrdreg $0x60  }
0xae: {  	[dreg:$0x2] =	wrdreg s24  }
0xaf: {  	[dreg:$0x3] =	wrdreg $0x0  }
0xb0: {  	[dreg:$0x4] =	wrdreg $0x9  }
0xb1: {  	_ =	task.clear_ibuf [dreg:s6], $0x5FFFF;
	_ =	strace $0x9000004C  }
0xb2: {  	s29 =	simm.s32 $0x9;
	_ =	strace $0x8000004E  }
0xb3: {  	_ =	swait.ge [sflag:s29], $0x1  }
0xb4: {  	[sflag:s29] =	ssyncadd.s32 $0xFFFFFFFF  }
0xb5: {  	_ =	strace $0x9000004E  }
0xb6: {  	_ =	sfence  }
0xb7: {  	s30 =	sld [smem:$0x0];
	_ =	sdelay $0x2  }
0xb8: {  	s31 =	sshll.u32 s1, $0xD;
	s1 =	sshrl.u32 s1, $0x2  }
0xb9: {  	s3 =	sand.u32 $0x4000, s31;
	s1 =	sadd.s32 s1, s30  }
0xba: {  	s0 =	sor.u32 s3, s0;
	s1 =	sshll.u32 s1, $0x11  }
0xbb: {  	s0 =	sor.u32 s1, s0  }
0xbc: {  	s0 =	sadd.s32 $0x8F2B, s0  }
0xbd: {  	[sflag:s0] =	ssyncadd.remote.s32 $0x1  }
0xbe: {  	_ =	sfence.sel $0xFFFF  }
0xbf: {  	[dreg:$0x0] =	wrdreg $0xFFFFFFFF;
	(pc) =	sbr.abs _section_cstart, $3  }
0xc0: {  	[dreg:$0x1] =	wrdreg $0xFFFFFFFF  }
0xc1: {  	_ =	task.clear_ibuf [dreg:s6], $0x2FFFF;
	_ =	strace $0x9FFFFFFF  }
0xc2: {  	(tm) =	ssettm $0x7FFFFFFF  }
0xc3: {  	_ =	shalt  }
tec
execute0_lowered:
.L_overlay_start_1:
0x0: {  	(tag) =	ssettag $0x1  }
0x1: {  	s0 =	rddreg [dreg:$0x0]  }
0x2: {  	s1 =	rddreg [dreg:$0x1];
	s3 =	simm.s32 $0x0  }
0x3: {  	s2 =	srdreg.scid;
	s10 =	stileid.u32;
	s28 =	simm.s32 $0x80  }
0x4: {  	s29 =	simm.s32 $0x1A400;
	s30 =	simm.s32 $0x18880;
	s31 =	simm.s32 $0x1B400  }
0x5: {  	s19 =	simm.s32 $0x1A380;
	[smem:$0x7FF] =	sst s3;
	s6 =	smul.u32 $0x62000, s10  }
0x6: {  	s2 =	sand.u32 $0x1, s2;
	s4 =	sadd.s32 $0xB18C00, s0;
	s9 =	smul.u32 $0x18800, s10  }
0x7: {  	s5 =	sadd.s32 $0xA54C00, s0;
	s11 =	sadd.s32 $0x5E00, s0;
	s16 =	smul.u32 $0xC400, s10  }
0x8: {  	_ =	strace $0x8000004D;
	s7 =	ssub.s32 $0x2, s2;
	[dreg:$0x3] =	wrdreg s11  }
0x9: {  	s15 =	smul.u32 $0x310000, s2;
	p0 =	seq.s32 s2, $0x0;
	s2 =	simm.s32 $0x1F1A00  }
0xa: {  	s8 =	sshrl.u32 s7, $0x1;
	s6 =	sshrl.u32 s6, $0x2;
	s23 =	sshrl.u32 s9, $0x3  }
0xb: {  	s2 =	simm.s32 @!p0 $0x2B5A00;
	s8 =	ssub.s32 s7, s8;
	s6 =	sadd.s32 s6, s1  }
0xc: {  	s7 =	sadd.s32 s9, s1;
	s15 =	sadd.s32 s16, s15;
	s0 =	sadd.s32 s2, s0  }
0xd: {  	s2 =	simm.s32 $0x2;
	s20 =	sadd.s32 $0x3100, s6;
	s21 =	sadd.s32 $0x6200, s6  }
0xe: {  	s22 =	sadd.s32 $0x9300, s6;
	s11 =	sadd.s32 $0xC400, s6;
	[dreg:$0x4] =	wrdreg s20  }
0xf: {  	s12 =	sadd.s32 $0xF500, s6;
	s13 =	sadd.s32 $0x12600, s6;
	[dreg:$0x5] =	wrdreg s21  }
0x10: {  	s14 =	sadd.s32 $0x15700, s6;
	s24 =	smax.u32 s8, $0x1;
	[dreg:$0x6] =	wrdreg s22  }
0x11: {  	s16 =	sadd.s32 $0xC4000, s15;
	s0 =	sadd.s32 s0, s23;
	[dreg:$0x7] =	wrdreg s24  }
0x12: {  	s17 =	sadd.s32 $0x188000, s15;
	s25 =	sadd.s32 $0x31000, s0;
	[dreg:$0x8] =	wrdreg s0  }
0x13: {  	s18 =	sadd.s32 $0x24C000, s15;
	s26 =	sadd.s32 $0x62000, s0;
	[dreg:$0x9] =	wrdreg s25  }
0x14: {  	s6 =	simm.s32 $0x1A300;
	s0 =	sadd.s32 $0x93000, s0;
	[dreg:$0xa] =	wrdreg s26  }
0x15: {  	s24 =	simm.s32 $0x1C400;
	s21 =	simm.s32 $0x0;
	[dreg:$0xb] =	wrdreg s0  }
0x16: {  	s25 =	simm.s32 $0x3;
	s26 =	simm.s32 $0x18800;
	s0 =	simm.s32 $0x1  }
.LBB2_1:
0x17: {  	s8 =	rddreg [dreg:$0x3]  }
0x18: {  	[tilespmem:s24], [sflag:$0x3] =	stream.linear.gather [hbm4b:s8+s3], $0x3100, $0x38;
	[tilespmem:$0x1F500] =	vst v63  }
0x19: {  	_ =	swait.ge [sflag:s25], $0x3100  }
0x1a: {  	[sflag:s25] =	ssyncset.done $0x0  }
0x1b: {  	[sflag:s25] =	ssyncadd.s32 $0xFFFFCF00  }
0x1c: {  	[spmem:s7] =	stream.linear.scatter [tilespmem:s24], [sflag:$0x3], $0x3100, $0x38;
	[tilespmem:$0x1F500] =	vst v63  }
0x1d: {  	_ =	swait.ge [sflag:s25], $0x3100  }
0x1e: {  	[sflag:s25] =	ssyncset.done $0x0  }
0x1f: {  	s20 =	rddreg [dreg:$0x4];
	[sflag:s25] =	ssyncadd.s32 $0xFFFFCF00  }
0x20: {  	[spmem:s20] =	stream.linear.scatter [tilespmem:s24], [sflag:$0x3], $0x3100, $0x38;
	[tilespmem:$0x1F500] =	vst v63  }
0x21: {  	_ =	swait.ge [sflag:s25], $0x3100  }
0x22: {  	[sflag:s25] =	ssyncset.done $0x0  }
0x23: {  	s22 =	rddreg [dreg:$0x5];
	[sflag:s25] =	ssyncadd.s32 $0xFFFFCF00  }
0x24: {  	[spmem:s22] =	stream.linear.scatter [tilespmem:s24], [sflag:$0x3], $0x3100, $0x38;
	[tilespmem:$0x1F500] =	vst v63  }
0x25: {  	_ =	swait.ge [sflag:s25], $0x3100  }
0x26: {  	[sflag:s25] =	ssyncset.done $0x0  }
0x27: {  	s23 =	rddreg [dreg:$0x6];
	[sflag:s25] =	ssyncadd.s32 $0xFFFFCF00  }
0x28: {  	[spmem:s23] =	stream.linear.scatter [tilespmem:s24], [sflag:$0x3], $0x3100, $0x38;
	[tilespmem:$0x1F500] =	vst v63  }
0x29: {  	_ =	swait.ge [sflag:s25], $0x3100  }
0x2a: {  	[sflag:s25] =	ssyncset.done $0x0  }
0x2b: {  	[sflag:s25] =	ssyncadd.s32 $0xFFFFCF00  }
0x2c: {  	[spmem:s11] =	stream.linear.scatter [tilespmem:s24], [sflag:$0x3], $0x3100, $0x38;
	[tilespmem:$0x1F500] =	vst v63  }
0x2d: {  	_ =	swait.ge [sflag:s25], $0x3100  }
0x2e: {  	[sflag:s25] =	ssyncset.done $0x0  }
0x2f: {  	[sflag:s25] =	ssyncadd.s32 $0xFFFFCF00  }
0x30: {  	[spmem:s12] =	stream.linear.scatter [tilespmem:s24], [sflag:$0x3], $0x3100, $0x38;
	[tilespmem:$0x1F500] =	vst v63  }
0x31: {  	_ =	swait.ge [sflag:s25], $0x3100  }
0x32: {  	[sflag:s25] =	ssyncset.done $0x0  }
0x33: {  	[sflag:s25] =	ssyncadd.s32 $0xFFFFCF00  }
0x34: {  	[spmem:s13] =	stream.linear.scatter [tilespmem:s24], [sflag:$0x3], $0x3100, $0x38;
	[tilespmem:$0x1F500] =	vst v63  }
0x35: {  	_ =	swait.ge [sflag:s25], $0x3100  }
0x36: {  	[sflag:s25] =	ssyncset.done $0x0  }
0x37: {  	[sflag:s25] =	ssyncadd.s32 $0xFFFFCF00  }
0x38: {  	[spmem:s14] =	stream.linear.scatter [tilespmem:s24], [sflag:$0x3], $0x3100, $0x38;
	[tilespmem:$0x1F500] =	vst v63  }
0x39: {  	_ =	swait.ge [sflag:s25], $0x3100  }
0x3a: {  	[sflag:s25] =	ssyncset.done $0x0  }
0x3b: {  	[sflag:s25] =	ssyncadd.s32 $0xFFFFCF00  }
0x3c: {  	s22 =	simm.s32 $0x0;
	[bflag:$0x0] =	sbarrier.arrive $0xFFFF  }
.LBB2_2:
0x3d: {  	s8 =	smul.u32 $0x1C00, s22;
	_ =	sdelay $0x1  }
0x3e: {  	s8 =	sadd.s32 s8, s15  }
0x3f: {  	s8 =	sshrl.u32 s8, $0x3  }
0x40: {  	s8 =	sadd.s32 s5, s8  }
0x41: {  	[tilespmem:s26], [sflag:$0x3] =	stream.linear.gather [hbm4b:s8+s3], $0x1C00, $0x38;
	[tilespmem:$0x1F500] =	vst v63  }
0x42: {  	_ =	swait.ge [sflag:s25], $0x1C00  }
0x43: {  	[sflag:s25] =	ssyncset.done $0x0  }
0x44: {  	[sflag:s25] =	ssyncadd.s32 $0xFFFFE400  }
0x45: {  	[tilespmem:s29], [sflag:$0x1] =	stream.indirect.gather [hbm4b:s4+s28], $0x20, s26, s28, $0xb8;
	[tilespmem:$0x1F500] =	vst v63  }
0x46: {  	_ = 	snop  }
0x47: {  	[tilespmem:s31], [sflag:$0x2] =	stream.indirect.gather [hbm4b:s4+s28], $0x20, s30, s28, $0xb8;
	[tilespmem:$0x1F500] =	vst v63  }
0x48: {  	_ =	swait.ge [sflag:s0], $0x1000  }
0x49: {  	[sflag:s0] =	ssyncset.done $0x0  }
0x4a: {  	s10 =	simm.s32 $0x19600;
	[sflag:s0] =	ssyncadd.s32 $0xFFFFF000  }
0x4b: {  	[spmem:s1] =	stream.indirect.scatter.add.f32 [tilespmem:s29], [sflag:$0x3], $0x20, s10, s28, $0xb8;
	[tilespmem:$0x1F500] =	vst v63  }
0x4c: {  	_ =	swait.ge [sflag:s25], $0x1000  }
0x4d: {  	[sflag:s25] =	ssyncset.done $0x0  }
0x4e: {  	s20 =	simm.s32 $0x18900;
	[sflag:s25] =	ssyncadd.s32 $0xFFFFF000  }
0x4f: {  	[tilespmem:s29], [sflag:$0x1] =	stream.indirect.gather [hbm4b:s4+s28], $0x20, s20, s28, $0xb8;
	[tilespmem:$0x1F500] =	vst v63  }
0x50: {  	_ =	swait.ge [sflag:s2], $0x1000  }
0x51: {  	[sflag:s2] =	ssyncset.done $0x0  }
0x52: {  	s23 =	simm.s32 $0x19680;
	[sflag:s2] =	ssyncadd.s32 $0xFFFFF000  }
0x53: {  	[spmem:s1] =	stream.indirect.scatter.add.f32 [tilespmem:s31], [sflag:$0x3], $0x20, s23, s28, $0xb8;
	[tilespmem:$0x1F500] =	vst v63  }
0x54: {  	_ =	swait.ge [sflag:s25], $0x1000  }
0x55: {  	[sflag:s25] =	ssyncset.done $0x0  }
0x56: {  	s8 =	simm.s32 $0x18980;
	s20 =	simm.s32 $0x800;
	[sflag:s25] =	ssyncadd.s32 $0xFFFFF000  }
.LBB2_3:
0x57: {  	[tilespmem:s31], [sflag:$0x2] =	stream.indirect.gather [hbm4b:s4+s28], $0x20, s8, s28, $0xb8;
	[tilespmem:$0x1F500] =	vst v63  }
0x58: {  	s8 =	smov.u32 s20  }
0x59: {  	p0 =	sne.s32 s20, $0x3400;
	s20 =	sadd.s32 $0x400, s20;
	_ =	swait.ge [sflag:s0], $0x1000  }
0x5a: {  	s8 =	sshra.s32 s8, $0x2;
	[sflag:s0] =	ssyncset.done $0x0  }
0x5b: {  	s9 =	sadd.s32 $0x19500, s8;
	[sflag:s0] =	ssyncadd.s32 $0xFFFFF000  }
0x5c: {  	[spmem:s1] =	stream.indirect.scatter.add.f32 [tilespmem:s29], [sflag:$0x3], $0x20, s9, s28, $0xb8;
	[tilespmem:$0x1F500] =	vst v63  }
0x5d: {  	_ =	swait.ge [sflag:s25], $0x1000  }
0x5e: {  	[sflag:s25] =	ssyncset.done $0x0  }
0x5f: {  	s9 =	sadd.s32 $0x18800, s8;
	[sflag:s25] =	ssyncadd.s32 $0xFFFFF000  }
0x60: {  	[tilespmem:s29], [sflag:$0x1] =	stream.indirect.gather [hbm4b:s4+s28], $0x20, s9, s28, $0xb8;
	[tilespmem:$0x1F500] =	vst v63  }
0x61: {  	_ =	swait.ge [sflag:s2], $0x1000  }
0x62: {  	[sflag:s2] =	ssyncset.done $0x0  }
.Ltmp0:
0x63: {  	s9 =	sadd.s32 $0x19580, s8;
	[sflag:s2] =	ssyncadd.s32 $0xFFFFF000;
	(pc) =	sbr.rel @p0 .LBB2_3-.Ltmp0, $4  }
0x64: {  	[spmem:s1] =	stream.indirect.scatter.add.f32 [tilespmem:s31], [sflag:$0x3], $0x20, s9, s28, $0xb8;
	[tilespmem:$0x1F500] =	vst v63  }
0x65: {  	_ =	swait.ge [sflag:s25], $0x1000  }
0x66: {  	[sflag:s25] =	ssyncset.done $0x0  }
0x67: {  	s8 =	sadd.s32 $0x18880, s8;
	[sflag:s25] =	ssyncadd.s32 $0xFFFFF000  }
0x68: {  	[tilespmem:s31], [sflag:$0x2] =	stream.indirect.gather [hbm4b:s4+s28], $0x20, s8, s28, $0xb8;
	[tilespmem:$0x1F500] =	vst v63  }
0x69: {  	_ =	swait.ge [sflag:s0], $0x1000  }
0x6a: {  	[sflag:s0] =	ssyncset.done $0x0  }
0x6b: {  	[sflag:s0] =	ssyncadd.s32 $0xFFFFF000  }
0x6c: {  	[spmem:s1] =	stream.indirect.scatter.add.f32 [tilespmem:s29], [sflag:$0x3], $0x20, s6, s28, $0xb8;
	[tilespmem:$0x1F500] =	vst v63  }
0x6d: {  	_ =	swait.ge [sflag:s25], $0x1000  }
0x6e: {  	[sflag:s25] =	ssyncset.done $0x0  }
0x6f: {  	[sflag:s25] =	ssyncadd.s32 $0xFFFFF000  }
0x70: {  	s22 =	sadd.s32 $0x1, s22;
	_ =	swait.ge [sflag:s2], $0x1000  }
0x71: {  	p0 =	sne.s32 s22, $0x7;
	[sflag:s2] =	ssyncset.done $0x0  }
.Ltmp1:
0x72: {  	[sflag:s2] =	ssyncadd.s32 $0xFFFFF000;
	(pc) =	sbr.rel @p0 .LBB2_2-.Ltmp1, $4  }
0x73: {  	[spmem:s1] =	stream.indirect.scatter.add.f32 [tilespmem:s31], [sflag:$0x3], $0x20, s19, s28, $0xb8;
	[tilespmem:$0x1F500] =	vst v63  }
0x74: {  	_ =	swait.ge [sflag:s25], $0x1000  }
0x75: {  	[sflag:s25] =	ssyncset.done $0x0  }
0x76: {  	[sflag:s25] =	ssyncadd.s32 $0xFFFFF000  }
0x77: {  	s8 =	stileid.u32  }
0x78: {  	[bflag:$0x0] =	sbarrier.arrive $0xFFFF;
	s8 =	sshll.u32 s8, $0x6  }
0x79: {  	s23 =	sshrl.u32 s7, $0x3;
	s20 =	rddreg [dreg:$0x8];
	s22 =	sor.u32 $0x1C03, s8  }
0x7a: {  	[hbm:s20], [sflag:s22] =	dma.local [spmem:s23], $0x3100  }
0x7b: {  	_ =	swait.ge [sflag:s25], $0x3100  }
0x7c: {  	[sflag:s25] =	ssyncset.done $0x0  }
0x7d: {  	[sflag:s25] =	ssyncadd.s32 $0xFFFFCF00  }
0x7e: {  	[bflag:$0x0] =	sbarrier.arrive $0xFFFF  }
0x7f: {  	[spmem:s7] =	stream.linear.scatter [tilespmem:s24], [sflag:$0x3], $0x3100, $0x38;
	[tilespmem:$0x1F500] =	vst v63  }
0x80: {  	_ =	swait.ge [sflag:s25], $0x3100  }
0x81: {  	[sflag:s25] =	ssyncset.done $0x0  }
0x82: {  	s9 =	rddreg [dreg:$0x4];
	[sflag:s25] =	ssyncadd.s32 $0xFFFFCF00  }
0x83: {  	[spmem:s9] =	stream.linear.scatter [tilespmem:s24], [sflag:$0x3], $0x3100, $0x38;
	[tilespmem:$0x1F500] =	vst v63  }
0x84: {  	_ =	swait.ge [sflag:s25], $0x3100  }
0x85: {  	[sflag:s25] =	ssyncset.done $0x0  }
0x86: {  	s10 =	rddreg [dreg:$0x5];
	[sflag:s25] =	ssyncadd.s32 $0xFFFFCF00  }
0x87: {  	[spmem:s10] =	stream.linear.scatter [tilespmem:s24], [sflag:$0x3], $0x3100, $0x38;
	[tilespmem:$0x1F500] =	vst v63  }
0x88: {  	_ =	swait.ge [sflag:s25], $0x3100  }
0x89: {  	[sflag:s25] =	ssyncset.done $0x0  }
0x8a: {  	s20 =	rddreg [dreg:$0x6];
	[sflag:s25] =	ssyncadd.s32 $0xFFFFCF00  }
0x8b: {  	[spmem:s20] =	stream.linear.scatter [tilespmem:s24], [sflag:$0x3], $0x3100, $0x38;
	[tilespmem:$0x1F500] =	vst v63  }
0x8c: {  	_ =	swait.ge [sflag:s25], $0x3100  }
0x8d: {  	[sflag:s25] =	ssyncset.done $0x0  }
0x8e: {  	[sflag:s25] =	ssyncadd.s32 $0xFFFFCF00  }
0x8f: {  	[spmem:s11] =	stream.linear.scatter [tilespmem:s24], [sflag:$0x3], $0x3100, $0x38;
	[tilespmem:$0x1F500] =	vst v63  }
0x90: {  	_ =	swait.ge [sflag:s25], $0x3100  }
0x91: {  	[sflag:s25] =	ssyncset.done $0x0  }
0x92: {  	[sflag:s25] =	ssyncadd.s32 $0xFFFFCF00  }
0x93: {  	[spmem:s12] =	stream.linear.scatter [tilespmem:s24], [sflag:$0x3], $0x3100, $0x38;
	[tilespmem:$0x1F500] =	vst v63  }
0x94: {  	_ =	swait.ge [sflag:s25], $0x3100  }
0x95: {  	[sflag:s25] =	ssyncset.done $0x0  }
0x96: {  	[sflag:s25] =	ssyncadd.s32 $0xFFFFCF00  }
0x97: {  	[spmem:s13] =	stream.linear.scatter [tilespmem:s24], [sflag:$0x3], $0x3100, $0x38;
	[tilespmem:$0x1F500] =	vst v63  }
0x98: {  	_ =	swait.ge [sflag:s25], $0x3100  }
0x99: {  	[sflag:s25] =	ssyncset.done $0x0  }
0x9a: {  	[sflag:s25] =	ssyncadd.s32 $0xFFFFCF00  }
0x9b: {  	[spmem:s14] =	stream.linear.scatter [tilespmem:s24], [sflag:$0x3], $0x3100, $0x38;
	[tilespmem:$0x1F500] =	vst v63  }
0x9c: {  	_ =	swait.ge [sflag:s25], $0x3100  }
0x9d: {  	[sflag:s25] =	ssyncset.done $0x0  }
0x9e: {  	[sflag:s25] =	ssyncadd.s32 $0xFFFFCF00  }
0x9f: {  	s20 =	simm.s32 $0x0;
	[bflag:$0x0] =	sbarrier.arrive $0xFFFF  }
.LBB2_6:
0xa0: {  	s8 =	smul.u32 $0x1C00, s20;
	_ =	sdelay $0x1  }
0xa1: {  	s8 =	sadd.s32 s8, s16  }
0xa2: {  	s8 =	sshrl.u32 s8, $0x3  }
0xa3: {  	s8 =	sadd.s32 s5, s8  }
0xa4: {  	[tilespmem:s26], [sflag:$0x3] =	stream.linear.gather [hbm4b:s8+s3], $0x1C00, $0x38;
	[tilespmem:$0x1F500] =	vst v63  }
0xa5: {  	_ =	swait.ge [sflag:s25], $0x1C00  }
0xa6: {  	[sflag:s25] =	ssyncset.done $0x0  }
0xa7: {  	[sflag:s25] =	ssyncadd.s32 $0xFFFFE400  }
0xa8: {  	[tilespmem:s29], [sflag:$0x1] =	stream.indirect.gather [hbm4b:s4+s28], $0x20, s26, s28, $0xb8;
	[tilespmem:$0x1F500] =	vst v63  }
0xa9: {  	_ = 	snop  }
0xaa: {  	[tilespmem:s31], [sflag:$0x2] =	stream.indirect.gather [hbm4b:s4+s28], $0x20, s30, s28, $0xb8;
	[tilespmem:$0x1F500] =	vst v63  }
0xab: {  	_ =	swait.ge [sflag:s0], $0x1000  }
0xac: {  	[sflag:s0] =	ssyncset.done $0x0  }
0xad: {  	s10 =	simm.s32 $0x19600;
	[sflag:s0] =	ssyncadd.s32 $0xFFFFF000  }
0xae: {  	[spmem:s1] =	stream.indirect.scatter.add.f32 [tilespmem:s29], [sflag:$0x3], $0x20, s10, s28, $0xb8;
	[tilespmem:$0x1F500] =	vst v63  }
0xaf: {  	_ =	swait.ge [sflag:s25], $0x1000  }
0xb0: {  	[sflag:s25] =	ssyncset.done $0x0  }
0xb1: {  	s9 =	simm.s32 $0x18900;
	[sflag:s25] =	ssyncadd.s32 $0xFFFFF000  }
0xb2: {  	[tilespmem:s29], [sflag:$0x1] =	stream.indirect.gather [hbm4b:s4+s28], $0x20, s9, s28, $0xb8;
	[tilespmem:$0x1F500] =	vst v63  }
0xb3: {  	_ =	swait.ge [sflag:s2], $0x1000  }
0xb4: {  	[sflag:s2] =	ssyncset.done $0x0  }
0xb5: {  	s10 =	simm.s32 $0x19680;
	[sflag:s2] =	ssyncadd.s32 $0xFFFFF000  }
0xb6: {  	[spmem:s1] =	stream.indirect.scatter.add.f32 [tilespmem:s31], [sflag:$0x3], $0x20, s10, s28, $0xb8;
	[tilespmem:$0x1F500] =	vst v63  }
0xb7: {  	_ =	swait.ge [sflag:s25], $0x1000  }
0xb8: {  	[sflag:s25] =	ssyncset.done $0x0  }
0xb9: {  	s8 =	simm.s32 $0x800;
	s9 =	simm.s32 $0x18980;
	[sflag:s25] =	ssyncadd.s32 $0xFFFFF000  }
.LBB2_7:
0xba: {  	[tilespmem:s31], [sflag:$0x2] =	stream.indirect.gather [hbm4b:s4+s28], $0x20, s9, s28, $0xb8;
	[tilespmem:$0x1F500] =	vst v63  }
0xbb: {  	s9 =	smov.u32 s8  }
0xbc: {  	p0 =	sne.s32 s8, $0x3400;
	s8 =	sadd.s32 $0x400, s8;
	_ =	swait.ge [sflag:s0], $0x1000  }
0xbd: {  	s9 =	sshra.s32 s9, $0x2;
	[sflag:s0] =	ssyncset.done $0x0  }
0xbe: {  	s10 =	sadd.s32 $0x19500, s9;
	[sflag:s0] =	ssyncadd.s32 $0xFFFFF000  }
0xbf: {  	[spmem:s1] =	stream.indirect.scatter.add.f32 [tilespmem:s29], [sflag:$0x3], $0x20, s10, s28, $0xb8;
	[tilespmem:$0x1F500] =	vst v63  }
0xc0: {  	_ =	swait.ge [sflag:s25], $0x1000  }
0xc1: {  	[sflag:s25] =	ssyncset.done $0x0  }
0xc2: {  	s10 =	sadd.s32 $0x18800, s9;
	[sflag:s25] =	ssyncadd.s32 $0xFFFFF000  }
0xc3: {  	[tilespmem:s29], [sflag:$0x1] =	stream.indirect.gather [hbm4b:s4+s28], $0x20, s10, s28, $0xb8;
	[tilespmem:$0x1F500] =	vst v63  }
0xc4: {  	_ =	swait.ge [sflag:s2], $0x1000  }
0xc5: {  	[sflag:s2] =	ssyncset.done $0x0  }
.Ltmp2:
0xc6: {  	s10 =	sadd.s32 $0x19580, s9;
	[sflag:s2] =	ssyncadd.s32 $0xFFFFF000;
	(pc) =	sbr.rel @p0 .LBB2_7-.Ltmp2, $4  }
0xc7: {  	[spmem:s1] =	stream.indirect.scatter.add.f32 [tilespmem:s31], [sflag:$0x3], $0x20, s10, s28, $0xb8;
	[tilespmem:$0x1F500] =	vst v63  }
0xc8: {  	_ =	swait.ge [sflag:s25], $0x1000  }
0xc9: {  	[sflag:s25] =	ssyncset.done $0x0  }
0xca: {  	s9 =	sadd.s32 $0x18880, s9;
	[sflag:s25] =	ssyncadd.s32 $0xFFFFF000  }
0xcb: {  	[tilespmem:s31], [sflag:$0x2] =	stream.indirect.gather [hbm4b:s4+s28], $0x20, s9, s28, $0xb8;
	[tilespmem:$0x1F500] =	vst v63  }
0xcc: {  	_ =	swait.ge [sflag:s0], $0x1000  }
0xcd: {  	[sflag:s0] =	ssyncset.done $0x0  }
0xce: {  	[sflag:s0] =	ssyncadd.s32 $0xFFFFF000  }
0xcf: {  	[spmem:s1] =	stream.indirect.scatter.add.f32 [tilespmem:s29], [sflag:$0x3], $0x20, s6, s28, $0xb8;
	[tilespmem:$0x1F500] =	vst v63  }
0xd0: {  	_ =	swait.ge [sflag:s25], $0x1000  }
0xd1: {  	[sflag:s25] =	ssyncset.done $0x0  }
0xd2: {  	[sflag:s25] =	ssyncadd.s32 $0xFFFFF000  }
0xd3: {  	s20 =	sadd.s32 $0x1, s20;
	_ =	swait.ge [sflag:s2], $0x1000  }
0xd4: {  	p0 =	sne.s32 s20, $0x7;
	[sflag:s2] =	ssyncset.done $0x0  }
.Ltmp3:
0xd5: {  	[sflag:s2] =	ssyncadd.s32 $0xFFFFF000;
	(pc) =	sbr.rel @p0 .LBB2_6-.Ltmp3, $4  }
0xd6: {  	[spmem:s1] =	stream.indirect.scatter.add.f32 [tilespmem:s31], [sflag:$0x3], $0x20, s19, s28, $0xb8;
	[tilespmem:$0x1F500] =	vst v63  }
0xd7: {  	_ =	swait.ge [sflag:s25], $0x1000  }
0xd8: {  	[sflag:s25] =	ssyncset.done $0x0  }
0xd9: {  	[sflag:s25] =	ssyncadd.s32 $0xFFFFF000  }
0xda: {  	[bflag:$0x0] =	sbarrier.arrive $0xFFFF  }
0xdb: {  	s8 =	rddreg [dreg:$0x9]  }
0xdc: {  	[hbm:s8], [sflag:s22] =	dma.local [spmem:s23], $0x3100  }
0xdd: {  	_ =	swait.ge [sflag:s25], $0x3100  }
0xde: {  	[sflag:s25] =	ssyncset.done $0x0  }
0xdf: {  	[sflag:s25] =	ssyncadd.s32 $0xFFFFCF00  }
0xe0: {  	[bflag:$0x0] =	sbarrier.arrive $0xFFFF  }
0xe1: {  	[spmem:s7] =	stream.linear.scatter [tilespmem:s24], [sflag:$0x3], $0x3100, $0x38;
	[tilespmem:$0x1F500] =	vst v63  }
0xe2: {  	_ =	swait.ge [sflag:s25], $0x3100  }
0xe3: {  	[sflag:s25] =	ssyncset.done $0x0  }
0xe4: {  	s9 =	rddreg [dreg:$0x4];
	[sflag:s25] =	ssyncadd.s32 $0xFFFFCF00  }
0xe5: {  	[spmem:s9] =	stream.linear.scatter [tilespmem:s24], [sflag:$0x3], $0x3100, $0x38;
	[tilespmem:$0x1F500] =	vst v63  }
0xe6: {  	_ =	swait.ge [sflag:s25], $0x3100  }
0xe7: {  	[sflag:s25] =	ssyncset.done $0x0  }
0xe8: {  	s10 =	rddreg [dreg:$0x5];
	[sflag:s25] =	ssyncadd.s32 $0xFFFFCF00  }
0xe9: {  	[spmem:s10] =	stream.linear.scatter [tilespmem:s24], [sflag:$0x3], $0x3100, $0x38;
	[tilespmem:$0x1F500] =	vst v63  }
0xea: {  	_ =	swait.ge [sflag:s25], $0x3100  }
0xeb: {  	[sflag:s25] =	ssyncset.done $0x0  }
0xec: {  	s20 =	rddreg [dreg:$0x6];
	[sflag:s25] =	ssyncadd.s32 $0xFFFFCF00  }
0xed: {  	[spmem:s20] =	stream.linear.scatter [tilespmem:s24], [sflag:$0x3], $0x3100, $0x38;
	[tilespmem:$0x1F500] =	vst v63  }
0xee: {  	_ =	swait.ge [sflag:s25], $0x3100  }
0xef: {  	[sflag:s25] =	ssyncset.done $0x0  }
0xf0: {  	[sflag:s25] =	ssyncadd.s32 $0xFFFFCF00  }
0xf1: {  	[spmem:s11] =	stream.linear.scatter [tilespmem:s24], [sflag:$0x3], $0x3100, $0x38;
	[tilespmem:$0x1F500] =	vst v63  }
0xf2: {  	_ =	swait.ge [sflag:s25], $0x3100  }
0xf3: {  	[sflag:s25] =	ssyncset.done $0x0  }
0xf4: {  	[sflag:s25] =	ssyncadd.s32 $0xFFFFCF00  }
0xf5: {  	[spmem:s12] =	stream.linear.scatter [tilespmem:s24], [sflag:$0x3], $0x3100, $0x38;
	[tilespmem:$0x1F500] =	vst v63  }
0xf6: {  	_ =	swait.ge [sflag:s25], $0x3100  }
0xf7: {  	[sflag:s25] =	ssyncset.done $0x0  }
0xf8: {  	[sflag:s25] =	ssyncadd.s32 $0xFFFFCF00  }
0xf9: {  	[spmem:s13] =	stream.linear.scatter [tilespmem:s24], [sflag:$0x3], $0x3100, $0x38;
	[tilespmem:$0x1F500] =	vst v63  }
0xfa: {  	_ =	swait.ge [sflag:s25], $0x3100  }
0xfb: {  	[sflag:s25] =	ssyncset.done $0x0  }
0xfc: {  	[sflag:s25] =	ssyncadd.s32 $0xFFFFCF00  }
0xfd: {  	[spmem:s14] =	stream.linear.scatter [tilespmem:s24], [sflag:$0x3], $0x3100, $0x38;
	[tilespmem:$0x1F500] =	vst v63  }
0xfe: {  	_ =	swait.ge [sflag:s25], $0x3100  }
0xff: {  	[sflag:s25] =	ssyncset.done $0x0  }
0x100: {  	[sflag:s25] =	ssyncadd.s32 $0xFFFFCF00  }
0x101: {  	s20 =	simm.s32 $0x0;
	[bflag:$0x0] =	sbarrier.arrive $0xFFFF  }
.LBB2_10:
0x102: {  	s8 =	smul.u32 $0x1C00, s20;
	_ =	sdelay $0x1  }
0x103: {  	s8 =	sadd.s32 s8, s17  }
0x104: {  	s8 =	sshrl.u32 s8, $0x3  }
0x105: {  	s8 =	sadd.s32 s5, s8  }
0x106: {  	[tilespmem:s26], [sflag:$0x3] =	stream.linear.gather [hbm4b:s8+s3], $0x1C00, $0x38;
	[tilespmem:$0x1F500] =	vst v63  }
0x107: {  	_ =	swait.ge [sflag:s25], $0x1C00  }
0x108: {  	[sflag:s25] =	ssyncset.done $0x0  }
0x109: {  	[sflag:s25] =	ssyncadd.s32 $0xFFFFE400  }
0x10a: {  	[tilespmem:s29], [sflag:$0x1] =	stream.indirect.gather [hbm4b:s4+s28], $0x20, s26, s28, $0xb8;
	[tilespmem:$0x1F500] =	vst v63  }
0x10b: {  	_ = 	snop  }
0x10c: {  	[tilespmem:s31], [sflag:$0x2] =	stream.indirect.gather [hbm4b:s4+s28], $0x20, s30, s28, $0xb8;
	[tilespmem:$0x1F500] =	vst v63  }
0x10d: {  	_ =	swait.ge [sflag:s0], $0x1000  }
0x10e: {  	[sflag:s0] =	ssyncset.done $0x0  }
0x10f: {  	s10 =	simm.s32 $0x19600;
	[sflag:s0] =	ssyncadd.s32 $0xFFFFF000  }
0x110: {  	[spmem:s1] =	stream.indirect.scatter.add.f32 [tilespmem:s29], [sflag:$0x3], $0x20, s10, s28, $0xb8;
	[tilespmem:$0x1F500] =	vst v63  }
0x111: {  	_ =	swait.ge [sflag:s25], $0x1000  }
0x112: {  	[sflag:s25] =	ssyncset.done $0x0  }
0x113: {  	s9 =	simm.s32 $0x18900;
	[sflag:s25] =	ssyncadd.s32 $0xFFFFF000  }
0x114: {  	[tilespmem:s29], [sflag:$0x1] =	stream.indirect.gather [hbm4b:s4+s28], $0x20, s9, s28, $0xb8;
	[tilespmem:$0x1F500] =	vst v63  }
0x115: {  	_ =	swait.ge [sflag:s2], $0x1000  }
0x116: {  	[sflag:s2] =	ssyncset.done $0x0  }
0x117: {  	s10 =	simm.s32 $0x19680;
	[sflag:s2] =	ssyncadd.s32 $0xFFFFF000  }
0x118: {  	[spmem:s1] =	stream.indirect.scatter.add.f32 [tilespmem:s31], [sflag:$0x3], $0x20, s10, s28, $0xb8;
	[tilespmem:$0x1F500] =	vst v63  }
0x119: {  	_ =	swait.ge [sflag:s25], $0x1000  }
0x11a: {  	[sflag:s25] =	ssyncset.done $0x0  }
0x11b: {  	s8 =	simm.s32 $0x800;
	s9 =	simm.s32 $0x18980;
	[sflag:s25] =	ssyncadd.s32 $0xFFFFF000  }
.LBB2_11:
0x11c: {  	[tilespmem:s31], [sflag:$0x2] =	stream.indirect.gather [hbm4b:s4+s28], $0x20, s9, s28, $0xb8;
	[tilespmem:$0x1F500] =	vst v63  }
0x11d: {  	s9 =	smov.u32 s8  }
0x11e: {  	p0 =	sne.s32 s8, $0x3400;
	s8 =	sadd.s32 $0x400, s8;
	_ =	swait.ge [sflag:s0], $0x1000  }
0x11f: {  	s9 =	sshra.s32 s9, $0x2;
	[sflag:s0] =	ssyncset.done $0x0  }
0x120: {  	s10 =	sadd.s32 $0x19500, s9;
	[sflag:s0] =	ssyncadd.s32 $0xFFFFF000  }
0x121: {  	[spmem:s1] =	stream.indirect.scatter.add.f32 [tilespmem:s29], [sflag:$0x3], $0x20, s10, s28, $0xb8;
	[tilespmem:$0x1F500] =	vst v63  }
0x122: {  	_ =	swait.ge [sflag:s25], $0x1000  }
0x123: {  	[sflag:s25] =	ssyncset.done $0x0  }
0x124: {  	s10 =	sadd.s32 $0x18800, s9;
	[sflag:s25] =	ssyncadd.s32 $0xFFFFF000  }
0x125: {  	[tilespmem:s29], [sflag:$0x1] =	stream.indirect.gather [hbm4b:s4+s28], $0x20, s10, s28, $0xb8;
	[tilespmem:$0x1F500] =	vst v63  }
0x126: {  	_ =	swait.ge [sflag:s2], $0x1000  }
0x127: {  	[sflag:s2] =	ssyncset.done $0x0  }
.Ltmp4:
0x128: {  	s10 =	sadd.s32 $0x19580, s9;
	[sflag:s2] =	ssyncadd.s32 $0xFFFFF000;
	(pc) =	sbr.rel @p0 .LBB2_11-.Ltmp4, $4  }
0x129: {  	[spmem:s1] =	stream.indirect.scatter.add.f32 [tilespmem:s31], [sflag:$0x3], $0x20, s10, s28, $0xb8;
	[tilespmem:$0x1F500] =	vst v63  }
0x12a: {  	_ =	swait.ge [sflag:s25], $0x1000  }
0x12b: {  	[sflag:s25] =	ssyncset.done $0x0  }
0x12c: {  	s9 =	sadd.s32 $0x18880, s9;
	[sflag:s25] =	ssyncadd.s32 $0xFFFFF000  }
0x12d: {  	[tilespmem:s31], [sflag:$0x2] =	stream.indirect.gather [hbm4b:s4+s28], $0x20, s9, s28, $0xb8;
	[tilespmem:$0x1F500] =	vst v63  }
0x12e: {  	_ =	swait.ge [sflag:s0], $0x1000  }
0x12f: {  	[sflag:s0] =	ssyncset.done $0x0  }
0x130: {  	[sflag:s0] =	ssyncadd.s32 $0xFFFFF000  }
0x131: {  	[spmem:s1] =	stream.indirect.scatter.add.f32 [tilespmem:s29], [sflag:$0x3], $0x20, s6, s28, $0xb8;
	[tilespmem:$0x1F500] =	vst v63  }
0x132: {  	_ =	swait.ge [sflag:s25], $0x1000  }
0x133: {  	[sflag:s25] =	ssyncset.done $0x0  }
0x134: {  	[sflag:s25] =	ssyncadd.s32 $0xFFFFF000  }
0x135: {  	s20 =	sadd.s32 $0x1, s20;
	_ =	swait.ge [sflag:s2], $0x1000  }
0x136: {  	p0 =	sne.s32 s20, $0x7;
	[sflag:s2] =	ssyncset.done $0x0  }
.Ltmp5:
0x137: {  	[sflag:s2] =	ssyncadd.s32 $0xFFFFF000;
	(pc) =	sbr.rel @p0 .LBB2_10-.Ltmp5, $4  }
0x138: {  	[spmem:s1] =	stream.indirect.scatter.add.f32 [tilespmem:s31], [sflag:$0x3], $0x20, s19, s28, $0xb8;
	[tilespmem:$0x1F500] =	vst v63  }
0x139: {  	_ =	swait.ge [sflag:s25], $0x1000  }
0x13a: {  	[sflag:s25] =	ssyncset.done $0x0  }
0x13b: {  	[sflag:s25] =	ssyncadd.s32 $0xFFFFF000  }
0x13c: {  	[bflag:$0x0] =	sbarrier.arrive $0xFFFF  }
0x13d: {  	s8 =	rddreg [dreg:$0xa]  }
0x13e: {  	[hbm:s8], [sflag:s22] =	dma.local [spmem:s23], $0x3100  }
0x13f: {  	_ =	swait.ge [sflag:s25], $0x3100  }
0x140: {  	[sflag:s25] =	ssyncset.done $0x0  }
0x141: {  	[sflag:s25] =	ssyncadd.s32 $0xFFFFCF00  }
0x142: {  	[bflag:$0x0] =	sbarrier.arrive $0xFFFF  }
0x143: {  	[spmem:s7] =	stream.linear.scatter [tilespmem:s24], [sflag:$0x3], $0x3100, $0x38;
	[tilespmem:$0x1F500] =	vst v63  }
0x144: {  	_ =	swait.ge [sflag:s25], $0x3100  }
0x145: {  	[sflag:s25] =	ssyncset.done $0x0  }
0x146: {  	s9 =	rddreg [dreg:$0x4];
	[sflag:s25] =	ssyncadd.s32 $0xFFFFCF00  }
0x147: {  	[spmem:s9] =	stream.linear.scatter [tilespmem:s24], [sflag:$0x3], $0x3100, $0x38;
	[tilespmem:$0x1F500] =	vst v63  }
0x148: {  	_ =	swait.ge [sflag:s25], $0x3100  }
0x149: {  	[sflag:s25] =	ssyncset.done $0x0  }
0x14a: {  	s10 =	rddreg [dreg:$0x5];
	[sflag:s25] =	ssyncadd.s32 $0xFFFFCF00  }
0x14b: {  	[spmem:s10] =	stream.linear.scatter [tilespmem:s24], [sflag:$0x3], $0x3100, $0x38;
	[tilespmem:$0x1F500] =	vst v63  }
0x14c: {  	_ =	swait.ge [sflag:s25], $0x3100  }
0x14d: {  	[sflag:s25] =	ssyncset.done $0x0  }
0x14e: {  	s20 =	rddreg [dreg:$0x6];
	[sflag:s25] =	ssyncadd.s32 $0xFFFFCF00  }
0x14f: {  	[spmem:s20] =	stream.linear.scatter [tilespmem:s24], [sflag:$0x3], $0x3100, $0x38;
	[tilespmem:$0x1F500] =	vst v63  }
0x150: {  	_ =	swait.ge [sflag:s25], $0x3100  }
0x151: {  	[sflag:s25] =	ssyncset.done $0x0  }
0x152: {  	[sflag:s25] =	ssyncadd.s32 $0xFFFFCF00  }
0x153: {  	[spmem:s11] =	stream.linear.scatter [tilespmem:s24], [sflag:$0x3], $0x3100, $0x38;
	[tilespmem:$0x1F500] =	vst v63  }
0x154: {  	_ =	swait.ge [sflag:s25], $0x3100  }
0x155: {  	[sflag:s25] =	ssyncset.done $0x0  }
0x156: {  	[sflag:s25] =	ssyncadd.s32 $0xFFFFCF00  }
0x157: {  	[spmem:s12] =	stream.linear.scatter [tilespmem:s24], [sflag:$0x3], $0x3100, $0x38;
	[tilespmem:$0x1F500] =	vst v63  }
0x158: {  	_ =	swait.ge [sflag:s25], $0x3100  }
0x159: {  	[sflag:s25] =	ssyncset.done $0x0  }
0x15a: {  	[sflag:s25] =	ssyncadd.s32 $0xFFFFCF00  }
0x15b: {  	[spmem:s13] =	stream.linear.scatter [tilespmem:s24], [sflag:$0x3], $0x3100, $0x38;
	[tilespmem:$0x1F500] =	vst v63  }
0x15c: {  	_ =	swait.ge [sflag:s25], $0x3100  }
0x15d: {  	[sflag:s25] =	ssyncset.done $0x0  }
0x15e: {  	[sflag:s25] =	ssyncadd.s32 $0xFFFFCF00  }
0x15f: {  	[spmem:s14] =	stream.linear.scatter [tilespmem:s24], [sflag:$0x3], $0x3100, $0x38;
	[tilespmem:$0x1F500] =	vst v63  }
0x160: {  	_ =	swait.ge [sflag:s25], $0x3100  }
0x161: {  	[sflag:s25] =	ssyncset.done $0x0  }
0x162: {  	[sflag:s25] =	ssyncadd.s32 $0xFFFFCF00  }
0x163: {  	s20 =	simm.s32 $0x0;
	[bflag:$0x0] =	sbarrier.arrive $0xFFFF  }
.LBB2_14:
0x164: {  	s8 =	smul.u32 $0x1C00, s20;
	_ =	sdelay $0x1  }
0x165: {  	s8 =	sadd.s32 s8, s18  }
0x166: {  	s8 =	sshrl.u32 s8, $0x3  }
0x167: {  	s8 =	sadd.s32 s5, s8  }
0x168: {  	[tilespmem:s26], [sflag:$0x3] =	stream.linear.gather [hbm4b:s8+s3], $0x1C00, $0x38;
	[tilespmem:$0x1F500] =	vst v63  }
0x169: {  	_ =	swait.ge [sflag:s25], $0x1C00  }
0x16a: {  	[sflag:s25] =	ssyncset.done $0x0  }
0x16b: {  	[sflag:s25] =	ssyncadd.s32 $0xFFFFE400  }
0x16c: {  	[tilespmem:s29], [sflag:$0x1] =	stream.indirect.gather [hbm4b:s4+s28], $0x20, s26, s28, $0xb8;
	[tilespmem:$0x1F500] =	vst v63  }
0x16d: {  	_ = 	snop  }
0x16e: {  	[tilespmem:s31], [sflag:$0x2] =	stream.indirect.gather [hbm4b:s4+s28], $0x20, s30, s28, $0xb8;
	[tilespmem:$0x1F500] =	vst v63  }
0x16f: {  	_ =	swait.ge [sflag:s0], $0x1000  }
0x170: {  	[sflag:s0] =	ssyncset.done $0x0  }
0x171: {  	s10 =	simm.s32 $0x19600;
	[sflag:s0] =	ssyncadd.s32 $0xFFFFF000  }
0x172: {  	[spmem:s1] =	stream.indirect.scatter.add.f32 [tilespmem:s29], [sflag:$0x3], $0x20, s10, s28, $0xb8;
	[tilespmem:$0x1F500] =	vst v63  }
0x173: {  	_ =	swait.ge [sflag:s25], $0x1000  }
0x174: {  	[sflag:s25] =	ssyncset.done $0x0  }
0x175: {  	s9 =	simm.s32 $0x18900;
	[sflag:s25] =	ssyncadd.s32 $0xFFFFF000  }
0x176: {  	[tilespmem:s29], [sflag:$0x1] =	stream.indirect.gather [hbm4b:s4+s28], $0x20, s9, s28, $0xb8;
	[tilespmem:$0x1F500] =	vst v63  }
0x177: {  	_ =	swait.ge [sflag:s2], $0x1000  }
0x178: {  	[sflag:s2] =	ssyncset.done $0x0  }
0x179: {  	s10 =	simm.s32 $0x19680;
	[sflag:s2] =	ssyncadd.s32 $0xFFFFF000  }
0x17a: {  	[spmem:s1] =	stream.indirect.scatter.add.f32 [tilespmem:s31], [sflag:$0x3], $0x20, s10, s28, $0xb8;
	[tilespmem:$0x1F500] =	vst v63  }
0x17b: {  	_ =	swait.ge [sflag:s25], $0x1000  }
0x17c: {  	[sflag:s25] =	ssyncset.done $0x0  }
0x17d: {  	s8 =	simm.s32 $0x800;
	s9 =	simm.s32 $0x18980;
	[sflag:s25] =	ssyncadd.s32 $0xFFFFF000  }
.LBB2_15:
0x17e: {  	[tilespmem:s31], [sflag:$0x2] =	stream.indirect.gather [hbm4b:s4+s28], $0x20, s9, s28, $0xb8;
	[tilespmem:$0x1F500] =	vst v63  }
0x17f: {  	s9 =	smov.u32 s8  }
0x180: {  	p0 =	sne.s32 s8, $0x3400;
	s8 =	sadd.s32 $0x400, s8;
	_ =	swait.ge [sflag:s0], $0x1000  }
0x181: {  	s9 =	sshra.s32 s9, $0x2;
	[sflag:s0] =	ssyncset.done $0x0  }
0x182: {  	s10 =	sadd.s32 $0x19500, s9;
	[sflag:s0] =	ssyncadd.s32 $0xFFFFF000  }
0x183: {  	[spmem:s1] =	stream.indirect.scatter.add.f32 [tilespmem:s29], [sflag:$0x3], $0x20, s10, s28, $0xb8;
	[tilespmem:$0x1F500] =	vst v63  }
0x184: {  	_ =	swait.ge [sflag:s25], $0x1000  }
0x185: {  	[sflag:s25] =	ssyncset.done $0x0  }
0x186: {  	s10 =	sadd.s32 $0x18800, s9;
	[sflag:s25] =	ssyncadd.s32 $0xFFFFF000  }
0x187: {  	[tilespmem:s29], [sflag:$0x1] =	stream.indirect.gather [hbm4b:s4+s28], $0x20, s10, s28, $0xb8;
	[tilespmem:$0x1F500] =	vst v63  }
0x188: {  	_ =	swait.ge [sflag:s2], $0x1000  }
0x189: {  	[sflag:s2] =	ssyncset.done $0x0  }
.Ltmp6:
0x18a: {  	s10 =	sadd.s32 $0x19580, s9;
	[sflag:s2] =	ssyncadd.s32 $0xFFFFF000;
	(pc) =	sbr.rel @p0 .LBB2_15-.Ltmp6, $4  }
0x18b: {  	[spmem:s1] =	stream.indirect.scatter.add.f32 [tilespmem:s31], [sflag:$0x3], $0x20, s10, s28, $0xb8;
	[tilespmem:$0x1F500] =	vst v63  }
0x18c: {  	_ =	swait.ge [sflag:s25], $0x1000  }
0x18d: {  	[sflag:s25] =	ssyncset.done $0x0  }
0x18e: {  	s9 =	sadd.s32 $0x18880, s9;
	[sflag:s25] =	ssyncadd.s32 $0xFFFFF000  }
0x18f: {  	[tilespmem:s31], [sflag:$0x2] =	stream.indirect.gather [hbm4b:s4+s28], $0x20, s9, s28, $0xb8;
	[tilespmem:$0x1F500] =	vst v63  }
0x190: {  	_ =	swait.ge [sflag:s0], $0x1000  }
0x191: {  	[sflag:s0] =	ssyncset.done $0x0  }
0x192: {  	[sflag:s0] =	ssyncadd.s32 $0xFFFFF000  }
0x193: {  	[spmem:s1] =	stream.indirect.scatter.add.f32 [tilespmem:s29], [sflag:$0x3], $0x20, s6, s28, $0xb8;
	[tilespmem:$0x1F500] =	vst v63  }
0x194: {  	_ =	swait.ge [sflag:s25], $0x1000  }
0x195: {  	[sflag:s25] =	ssyncset.done $0x0  }
0x196: {  	[sflag:s25] =	ssyncadd.s32 $0xFFFFF000  }
0x197: {  	s20 =	sadd.s32 $0x1, s20;
	_ =	swait.ge [sflag:s2], $0x1000  }
0x198: {  	p0 =	sne.s32 s20, $0x7;
	[sflag:s2] =	ssyncset.done $0x0  }
.Ltmp7:
0x199: {  	[sflag:s2] =	ssyncadd.s32 $0xFFFFF000;
	(pc) =	sbr.rel @p0 .LBB2_14-.Ltmp7, $4  }
0x19a: {  	[spmem:s1] =	stream.indirect.scatter.add.f32 [tilespmem:s31], [sflag:$0x3], $0x20, s19, s28, $0xb8;
	[tilespmem:$0x1F500] =	vst v63  }
0x19b: {  	_ =	swait.ge [sflag:s25], $0x1000  }
0x19c: {  	[sflag:s25] =	ssyncset.done $0x0  }
0x19d: {  	[sflag:s25] =	ssyncadd.s32 $0xFFFFF000  }
0x19e: {  	[bflag:$0x0] =	sbarrier.arrive $0xFFFF  }
0x19f: {  	s8 =	rddreg [dreg:$0xb]  }
0x1a0: {  	[hbm:s8], [sflag:s22] =	dma.local [spmem:s23], $0x3100  }
0x1a1: {  	_ =	swait.ge [sflag:s25], $0x3100  }
0x1a2: {  	s21 =	sadd.s32 $0x1, s21;
	s23 =	rddreg [dreg:$0x7]  }
0x1a3: {  	p0 =	sne.s32 s21, s23  }
.Ltmp8:
0x1a4: {  	_ = 	snop;
	(pc) =	sbr.rel @p0 .LBB2_1-.Ltmp8, $3  }
0x1a5: {  	[sflag:s25] =	ssyncset.done $0x0  }
0x1a6: {  	[sflag:s25] =	ssyncadd.s32 $0xFFFFCF00  }
0x1a7: {  	[bflag:$0x0] =	sbarrier.arrive $0xFFFF;
	_ =	sdelay $0x1  }
0x1a8: {  	_ =	sfence.sel $0x180000  }
0x1a9: {  	[bflag:$0x0] =	sbarrier.arrive $0xFFFF  }
0x1aa: {  	_ =	strace $0x9000004D  }
0x1ab: {  	s0 =	stileid.u32;
	[bflag:$0x2] =	sbarrier.arrive $0xFFFF  }
0x1ac: {  	p0 =	sne.s32 s0, $0x0;
	s0 =	rddreg [dreg:$0x2]  }
0x1ad: {  	s0 =	sadd.s32 @!p0 $0x100000, s0  }
0x1ae: {  	[sflag:s0] =	ssyncadd.tile.s32 @!p0 $0x1;
	_ =	shalt  }
.Lfunc_end2:
_tile_overlayer_lowered:
.L_overlay_start_2:
0x1af: {  	(tag) =	ssettag $0x2  }
0x1b0: {  	s0 =	rddreg [dreg:$0x0];
	s2 =	stileid.u32  }
0x1b1: {  	s1 =	rddreg [dreg:$0x1];
	p0 =	sne.s32 s2, $0x0  }
0x1b2: {  	s3 =	rddreg [dreg:$0x2];
	[bflag:$0x3] =	sbarrier.arrive $0xFFFF;
	s2 =	simm.s32 @!p0 $0x1C03  }
0x1b3: {  	[timem:s3], [sflag:s2] =	dma.local @!p0 [hbm:s0], s1  }
0x1b4: {  	s0 =	simm.s32 @!p0 $0x3  }
0x1b5: {  	_ =	swait.ge @!p0 [sflag:s0], s1  }
0x1b6: {  	s1 =	ssub.s32 @!p0 $0x0, s1;
	[sflag:s0] =	ssyncset.done @!p0 $0x0  }
0x1b7: {  	[sflag:s0] =	ssyncadd.s32 @!p0 s1  }
0x1b8: {  	[bflag:$0x3] =	sbarrier.arrive $0xFFFF  }
0x1b9: {  	_ =	shalt  }

</sc_bundles>
